<compile_context>
chip_gen: v7x
topology: tpu7x:2x2x1
jax: 0.10.2.dev20260603
libtpu: 0.0.44.dev20260713+nightly
codegen_flags: <defaults>
</compile_context>

<pallas_src>
import functools

import jax
import jax.numpy as jnp
from jax import lax
from jax.experimental import pallas as pl
from jax.experimental.pallas import tpu as pltpu
from jax.experimental.pallas import tpu_sc as plsc

E = 160000
T = 480000
H = 128
INT = 64

BE = 2000
BT = 8000

NC = 2
NS = 16
TPS = T // NS
EB = 20000
NB = E // EB
C = 2000
NSCAN = TPS // C
GS = 16
WROWS = EB // NS
ZROWS = 125


def _sc_sparse_body(idx_ji_hbm, idx_kj_hbm, xk_hbm, sbfp_hbm, out_hbm,
                    acc_sh, jich, kjch, tbuf, kjbuf, dbuf,
                    rows_a, srows_a, rows_b, srows_b, zb,
                    sem_a1, sem_a2, sem_b1, sem_b2):
    cid = lax.axis_index("c")
    sid = lax.axis_index("s")
    tbase = sid * TPS

    zero16 = jnp.zeros((16,), jnp.float32)

    def zinit(r, c):
        for j in range(INT // 16):
            zb[r, pl.ds(j * 16, 16)] = zero16
        return c
    lax.fori_loop(0, ZROWS, zinit, 0)

    iota16 = lax.iota(jnp.int32, 16)
    pad_d = EB + (iota16 & 7)
    pad_z = jnp.zeros((16,), jnp.int32)

    def block_loop(bi, carry):
        b = bi * NC + cid
        lo = b * EB

        zcps = [pltpu.async_copy(zb,
                                 acc_sh.at[pl.ds(sid * WROWS + i * ZROWS,
                                                 ZROWS)], sem_a1)
                for i in range(WROWS // ZROWS)]
        for cp in zcps:
            cp.wait()
        plsc.subcore_barrier()

        def scan_chunk(ci, c2):
            off = tbase + ci * C
            with jax.named_scope("idxload"):
                pltpu.sync_copy(idx_ji_hbm.at[pl.ds(off, C)], jich)
                pltpu.sync_copy(idx_kj_hbm.at[pl.ds(off, C)], kjch)

            def comp(v, nv):
                ji = jich[pl.ds(v * 16, 16)]
                kj = kjch[pl.ds(v * 16, 16)]
                d = ji - lo
                m = (d >= 0) & (d < EB)
                tv = off + v * 16 + iota16
                mi = m.astype(jnp.int32)
                pos = nv + plsc.cumsum(mi) - 1
                plsc.store_scatter(dbuf, [pos], d, mask=m)
                plsc.store_scatter(kjbuf, [pos], kj, mask=m)
                plsc.store_scatter(tbuf, [pos], tv, mask=m)
                return nv + plsc.all_reduce_population_count(m)
            nv = lax.fori_loop(0, C // 16, comp,
                               jnp.zeros((16,), jnp.int32))
            n = jnp.max(nv)

            for i in range(GS // 16 + 1):
                idxs = nv + i * 16 + iota16
                plsc.store_scatter(dbuf, [idxs], pad_d)
                plsc.store_scatter(kjbuf, [idxs], pad_z)
                plsc.store_scatter(tbuf, [idxs], pad_z)

            nch = (n + GS - 1) // GS

            def issue(qoff, rbuf, sbuf, s1, s2):
                cp1 = pltpu.async_copy(
                    xk_hbm.at[kjbuf.at[pl.ds(qoff, GS)]], rbuf, s1)
                cp2 = pltpu.async_copy(
                    sbfp_hbm.at[tbuf.at[pl.ds(qoff, GS)]], sbuf, s2)
                return cp1, cp2

            def mul_scat(qoff, rbuf, sbuf):
                def mul_body(r, c4):
                    for rr in range(8):
                        for j in range(INT // 16):
                            s = pl.ds(j * 16, 16)
                            rbuf[r * 8 + rr, s] = (rbuf[r * 8 + rr, s]
                                                   * sbuf[r * 8 + rr, s])
                    return c4
                lax.fori_loop(0, GS // 8, mul_body, 0)
                pltpu.sync_copy(rbuf, acc_sh.at[dbuf.at[pl.ds(qoff, GS)]],
                                add=True)

            def sub2(p, c3):
                q0 = p * 2 * GS
                q1 = q0 + GS

                cpa1, cpa2 = issue(q0, rows_a, srows_a, sem_a1, sem_a2)

                @pl.when(q1 < n)
                def _():
                    cpb1, cpb2 = issue(q1, rows_b, srows_b, sem_b1, sem_b2)
                    cpa1.wait()
                    cpa2.wait()
                    mul_scat(q0, rows_a, srows_a)
                    cpb1.wait()
                    cpb2.wait()
                    mul_scat(q1, rows_b, srows_b)

                @pl.when(q1 >= n)
                def _():
                    cpa1.wait()
                    cpa2.wait()
                    mul_scat(q0, rows_a, srows_a)
                return c3
            lax.fori_loop(0, (nch + 1) // 2, sub2, 0)
            return c2
        lax.fori_loop(0, NSCAN, scan_chunk, 0)
        plsc.subcore_barrier()

        pltpu.sync_copy(acc_sh.at[pl.ds(sid * WROWS, WROWS)],
                        out_hbm.at[pl.ds(lo + sid * WROWS, WROWS)])
        plsc.subcore_barrier()
        return carry

    lax.fori_loop(0, NB // NC, block_loop, 0)


def _sc_sparse_stage(xk, sbf_p, idx_kj, idx_ji):
    mesh = plsc.VectorSubcoreMesh(core_axis_name="c", subcore_axis_name="s")
    f = pl.kernel(
        _sc_sparse_body,
        mesh=mesh,
        compiler_params=pltpu.CompilerParams(use_tc_tiling_on_sc=False,
                                             needs_layout_passes=False),
        out_type=jax.ShapeDtypeStruct((E, INT), jnp.float32),
        scratch_types=[
            pltpu.VMEM_SHARED((EB + 8, INT), jnp.float32),
            pltpu.VMEM((C,), jnp.int32),
            pltpu.VMEM((C,), jnp.int32),
            pltpu.VMEM((C + GS + 16, ), jnp.int32),
            pltpu.VMEM((C + GS + 16, ), jnp.int32),
            pltpu.VMEM((C + GS + 16, ), jnp.int32),
            pltpu.VMEM((GS, INT), jnp.float32),
            pltpu.VMEM((GS, INT), jnp.float32),
            pltpu.VMEM((GS, INT), jnp.float32),
            pltpu.VMEM((GS, INT), jnp.float32),
            pltpu.VMEM((ZROWS, INT), jnp.float32),
            pltpu.SemaphoreType.DMA,
            pltpu.SemaphoreType.DMA,
            pltpu.SemaphoreType.DMA,
            pltpu.SemaphoreType.DMA,
        ],
    )
    return f(idx_ji, idx_kj, xk, sbf_p)


def _silu(x):
    return x * jax.nn.sigmoid(x)


def _stage_a_body(x1_ref, rbf0_ref, wji_ref, bji_ref, wkj_ref, bkj_ref,
                  wr1_ref, wr2_ref, wdown_ref, xji_ref, xk_ref):
    x1 = x1_ref[...]
    x_ji = _silu(jnp.dot(x1, wji_ref[...], preferred_element_type=jnp.float32)
                 + bji_ref[...])
    x_kj = _silu(jnp.dot(x1, wkj_ref[...], preferred_element_type=jnp.float32)
                 + bkj_ref[...])
    rbf = jnp.dot(jnp.dot(rbf0_ref[...], wr1_ref[...],
                          preferred_element_type=jnp.float32), wr2_ref[...],
                  preferred_element_type=jnp.float32)
    xji_ref[...] = x_ji
    xk_ref[...] = _silu(jnp.dot(x_kj * rbf, wdown_ref[...],
                                preferred_element_type=jnp.float32))


def _stage_b_body(sbf_ref, ws1_ref, ws2_ref, out_ref):
    out_ref[...] = jnp.dot(jnp.dot(sbf_ref[...], ws1_ref[...],
                                   preferred_element_type=jnp.float32),
                           ws2_ref[...], preferred_element_type=jnp.float32)


def _stage_d_body(seg_ref, xji_ref, x1_ref, rbf0_ref, wup_ref,
                  wb0a_ref, bb0a_ref, wb0b_ref, bb0b_ref,
                  wlin_ref, blin_ref,
                  wa0a_ref, ba0a_ref, wa0b_ref, ba0b_ref,
                  wa1a_ref, ba1a_ref, wa1b_ref, ba1b_ref,
                  wrbf_ref, e1_ref, e2_ref):
    x_kj = _silu(jnp.dot(seg_ref[...], wup_ref[...],
                         preferred_element_type=jnp.float32))
    e1 = xji_ref[...] + x_kj
    h = _silu(jnp.dot(e1, wb0a_ref[...], preferred_element_type=jnp.float32)
              + bb0a_ref[...])
    e1 = e1 + _silu(jnp.dot(h, wb0b_ref[...],
                            preferred_element_type=jnp.float32) + bb0b_ref[...])
    e1 = _silu(jnp.dot(e1, wlin_ref[...], preferred_element_type=jnp.float32)
               + blin_ref[...]) + x1_ref[...]
    h = _silu(jnp.dot(e1, wa0a_ref[...], preferred_element_type=jnp.float32)
              + ba0a_ref[...])
    e1 = e1 + _silu(jnp.dot(h, wa0b_ref[...],
                            preferred_element_type=jnp.float32) + ba0b_ref[...])
    h = _silu(jnp.dot(e1, wa1a_ref[...], preferred_element_type=jnp.float32)
              + ba1a_ref[...])
    e1 = e1 + _silu(jnp.dot(h, wa1b_ref[...],
                            preferred_element_type=jnp.float32) + ba1b_ref[...])
    e1_ref[...] = e1
    e2_ref[...] = jnp.dot(rbf0_ref[...], wrbf_ref[...],
                          preferred_element_type=jnp.float32) * e1


def _full(shape):
    return pl.BlockSpec(shape, lambda i: tuple(0 for _ in shape))


def kernel(x1, x2, rbf0, sbf, t, idx_kj, idx_ji, W_rbf1, W_rbf2, W_sbf1,
           W_sbf2, W_rbf, W_kj, b_kj, W_ji, b_ji, W_down, W_up, Wb0a, bb0a,
           Wb0b, bb0b, W_lin, b_lin, Wa0a, ba0a, Wa0b, ba0b, Wa1a, ba1a,
           Wa1b, ba1b):
    idx_kj = idx_kj.astype(jnp.int32)
    idx_ji = idx_ji.astype(jnp.int32)
    b_kj2 = b_kj.reshape(1, H)
    b_ji2 = b_ji.reshape(1, H)

    x_ji, xk = pl.pallas_call(
        _stage_a_body,
        grid=(E // BE,),
        in_specs=[
            pl.BlockSpec((BE, H), lambda i: (i, 0)),
            pl.BlockSpec((BE, 6), lambda i: (i, 0)),
            _full((H, H)), _full((1, H)), _full((H, H)), _full((1, H)),
            _full((6, 8)), _full((8, H)), _full((H, INT)),
        ],
        out_specs=[
            pl.BlockSpec((BE, H), lambda i: (i, 0)),
            pl.BlockSpec((BE, INT), lambda i: (i, 0)),
        ],
        out_shape=[
            jax.ShapeDtypeStruct((E, H), jnp.float32),
            jax.ShapeDtypeStruct((E, INT), jnp.float32),
        ],
    )(x1, rbf0, W_ji, b_ji2, W_kj, b_kj2, W_rbf1, W_rbf2, W_down)

    sbf_p = pl.pallas_call(
        _stage_b_body,
        grid=(T // BT,),
        in_specs=[
            pl.BlockSpec((BT, 42), lambda i: (i, 0)),
            _full((42, 8)), _full((8, INT)),
        ],
        out_specs=pl.BlockSpec((BT, INT), lambda i: (i, 0)),
        out_shape=jax.ShapeDtypeStruct((T, INT), jnp.float32),
    )(sbf, W_sbf1, W_sbf2)

    seg = _sc_sparse_stage(xk, sbf_p, idx_kj, idx_ji)

    e1, e2 = pl.pallas_call(
        _stage_d_body,
        grid=(E // BE,),
        in_specs=[
            pl.BlockSpec((BE, INT), lambda i: (i, 0)),
            pl.BlockSpec((BE, H), lambda i: (i, 0)),
            pl.BlockSpec((BE, H), lambda i: (i, 0)),
            pl.BlockSpec((BE, 6), lambda i: (i, 0)),
            _full((INT, H)),
            _full((H, H)), _full((1, H)), _full((H, H)), _full((1, H)),
            _full((H, H)), _full((1, H)),
            _full((H, H)), _full((1, H)), _full((H, H)), _full((1, H)),
            _full((H, H)), _full((1, H)), _full((H, H)), _full((1, H)),
            _full((6, H)),
        ],
        out_specs=[
            pl.BlockSpec((BE, H), lambda i: (i, 0)),
            pl.BlockSpec((BE, H), lambda i: (i, 0)),
        ],
        out_shape=[
            jax.ShapeDtypeStruct((E, H), jnp.float32),
            jax.ShapeDtypeStruct((E, H), jnp.float32),
        ],
    )(seg, x_ji, x1, rbf0, W_up,
      Wb0a, bb0a.reshape(1, H), Wb0b, bb0b.reshape(1, H),
      W_lin, b_lin.reshape(1, H),
      Wa0a, ba0a.reshape(1, H), Wa0b, ba0b.reshape(1, H),
      Wa1a, ba1a.reshape(1, H), Wa1b, ba1b.reshape(1, H),
      W_rbf)
    return (e1, e2)

# --- scband reference (transcript-rebuilt; emitter-appended) ---
"""Pipeline reference for scband-update-e-4879082848303 (READ-ONLY COPY).

The authoritative reference and input builder live on the scoring server;
editing this copy changes nothing except your own understanding.
"""

import jax, jax.numpy as jnp
import numpy as np

E = 160000
T = 480000
H = 128
INT = 64
BAS = 8
NR = 6
NS = 7


def setup_inputs(seed: int = 0) -> dict:
    key = jax.random.key(seed)
    ks = jax.random.split(key, 40)

    def w(k, i, o):
        return jax.random.normal(k, (i, o), dtype=jnp.float32) * (1.0 / np.sqrt(i))

    inp = {}
    inp["x1"] = jax.random.normal(ks[0], (E, H), dtype=jnp.float32)
    inp["x2"] = jax.random.normal(ks[1], (E, H), dtype=jnp.float32)
    inp["rbf0"] = jax.random.normal(ks[2], (E, NR), dtype=jnp.float32)
    inp["sbf"] = jax.random.normal(ks[3], (T, NS * NR), dtype=jnp.float32)
    inp["t"] = jnp.zeros((1, 1), dtype=jnp.float32)
    inp["idx_kj"] = jax.random.randint(ks[4], (T,), 0, E)
    inp["idx_ji"] = jax.random.randint(ks[5], (T,), 0, E)
    inp["W_rbf1"] = w(ks[6], NR, BAS)
    inp["W_rbf2"] = w(ks[7], BAS, H)
    inp["W_sbf1"] = w(ks[8], NS * NR, BAS)
    inp["W_sbf2"] = w(ks[9], BAS, INT)
    inp["W_rbf"] = w(ks[10], NR, H)
    inp["W_kj"] = w(ks[11], H, H)
    inp["b_kj"] = jnp.zeros((H,), dtype=jnp.float32)
    inp["W_ji"] = w(ks[12], H, H)
    inp["b_ji"] = jnp.zeros((H,), dtype=jnp.float32)
    inp["W_down"] = w(ks[13], H, INT)
    inp["W_up"] = w(ks[14], INT, H)
    inp["Wb0a"] = w(ks[15], H, H)
    inp["bb0a"] = jnp.zeros((H,), dtype=jnp.float32)
    inp["Wb0b"] = w(ks[16], H, H)
    inp["bb0b"] = jnp.zeros((H,), dtype=jnp.float32)
    inp["W_lin"] = w(ks[17], H, H)
    inp["b_lin"] = jnp.zeros((H,), dtype=jnp.float32)
    inp["Wa0a"] = w(ks[18], H, H)
    inp["ba0a"] = jnp.zeros((H,), dtype=jnp.float32)
    inp["Wa0b"] = w(ks[19], H, H)
    inp["ba0b"] = jnp.zeros((H,), dtype=jnp.float32)
    inp["Wa1a"] = w(ks[20], H, H)
    inp["ba1a"] = jnp.zeros((H,), dtype=jnp.float32)
    inp["Wa1b"] = w(ks[21], H, H)
    inp["ba1b"] = jnp.zeros((H,), dtype=jnp.float32)
    return inp


def reference(x1, x2, rbf0, sbf, t, idx_kj, idx_ji, W_rbf1, W_rbf2, W_sbf1, W_sbf2,
              W_rbf, W_kj, b_kj, W_ji, b_ji, W_down, W_up, Wb0a, bb0a, Wb0b, bb0b,
              W_lin, b_lin, Wa0a, ba0a, Wa0b, ba0b, Wa1a, ba1a, Wa1b, ba1b):
    act = jax.nn.silu  # swish
    x_ji = act(x1 @ W_ji + b_ji)
    x_kj = act(x1 @ W_kj + b_kj)
    rbf = (rbf0 @ W_rbf1) @ W_rbf2
    x_kj = x_kj * rbf
    x_kj = act(x_kj @ W_down)
    sbf_p = (sbf @ W_sbf1) @ W_sbf2
    x_kj = jnp.take(x_kj, idx_kj, axis=0) * sbf_p  # gather over triplets
    x_kj = jax.ops.segment_sum(x_kj, idx_ji, num_segments=x1.shape[0])  # scatter-add
    x_kj = act(x_kj @ W_up)
    e1 = x_ji + x_kj
    # layers_before_skip (1 residual layer)
    e1 = e1 + act(act(e1 @ Wb0a + bb0a) @ Wb0b + bb0b)
    e1 = act(e1 @ W_lin + b_lin) + x1
    # layers_after_skip (2 residual layers)
    e1 = e1 + act(act(e1 @ Wa0a + ba0a) @ Wa0b + ba0b)
    e1 = e1 + act(act(e1 @ Wa1a + ba1a) @ Wa1b + ba1b)
    e2 = (rbf0 @ W_rbf) * e1
    return (e1, e2)

if __name__ == "__main__":
    import jax
    _d = setup_inputs()
    print(jax.jit(kernel)(*tuple(_d.values())))

</pallas_src>

<mosaic_0001>
#map = affine_map<(d0, d1) -> (0)>
#map1 = affine_map<(d0, d1) -> (0, 0)>
module attributes {stable_mosaic.version = 14 : i64} {
  func.func @_sc_sparse_body(%arg0: i32, %arg1: i32, %arg2: memref<480000xi32, #tpu.memory_space<hbm>>, %arg3: memref<480000xi32, #tpu.memory_space<hbm>>, %arg4: memref<160000x64xf32, #tpu.memory_space<hbm>>, %arg5: memref<480000x64xf32, #tpu.memory_space<hbm>>, %arg6: memref<160000x64xf32, #tpu.memory_space<hbm>>, %arg7: memref<20008x64xf32, #tpu.memory_space<vmem_shared>>, %arg8: memref<2000xi32, #tpu.memory_space<vmem>>, %arg9: memref<2000xi32, #tpu.memory_space<vmem>>, %arg10: memref<2032xi32, #tpu.memory_space<vmem>>, %arg11: memref<2032xi32, #tpu.memory_space<vmem>>, %arg12: memref<2032xi32, #tpu.memory_space<vmem>>, %arg13: memref<16x64xf32, #tpu.memory_space<vmem>>, %arg14: memref<16x64xf32, #tpu.memory_space<vmem>>, %arg15: memref<16x64xf32, #tpu.memory_space<vmem>>, %arg16: memref<16x64xf32, #tpu.memory_space<vmem>>, %arg17: memref<125x64xf32, #tpu.memory_space<vmem>>, %arg18: memref<!tpu.dma_semaphore, #tpu.memory_space<semaphore_mem>>, %arg19: memref<!tpu.dma_semaphore, #tpu.memory_space<semaphore_mem>>, %arg20: memref<!tpu.dma_semaphore, #tpu.memory_space<semaphore_mem>>, %arg21: memref<!tpu.dma_semaphore, #tpu.memory_space<semaphore_mem>>) attributes {dimension_semantics = [#tpu.dimension_semantics<core_parallel>, #tpu.dimension_semantics<subcore_parallel>], iteration_bounds = array<i64: 2, 16>, scalar_prefetch = 0 : i64, scratch_operands = 15 : i64, tpu.core_type = #tpu.core_type<sc_vector_subcore>, window_params = [{transform_indices = #map}, {transform_indices = #map}, {transform_indices = #map1}, {transform_indices = #map1}, {transform_indices = #map1}]} {
    %mul3A = arith.constant 30000 : i32
    %mul3A_0 = arith.muli %arg1, %mul3A : i32
    %broadcast_in_dim3A = arith.constant 0.000000e+00 : f32
    %broadcast_in_dim3A_1 = vector.broadcast %broadcast_in_dim3A : f32 to vector<16xf32>
    %scan3A = arith.constant 0 : i32
    %scan3A_2 = arith.constant 0 : i32
    %scan3A_3 = arith.constant 125 : i32
    %scan3A_4 = arith.addi %scan3A_2, %scan3A_3 : i32
    %scan3A_5 = arith.constant 1 : i32
    scf.for %scan3A_19 = %scan3A_2 to %scan3A_4 step %scan3A_5  : i32 {
      %swap3A = arith.index_cast %scan3A_19 : i32 to index
      %swap3A_20 = arith.constant 0 : index
      %swap3A_21 = tpu.vector_load %arg17[%swap3A, %swap3A_20] {strides = array<i32>} : memref<125x64xf32, #tpu.memory_space<vmem>>, vector<16xf32>,
      tpu.vector_store %arg17[%swap3A, %swap3A_20], %broadcast_in_dim3A_1 {strides = array<i32>} : memref<125x64xf32, #tpu.memory_space<vmem>>, vector<16xf32>,
      %swap3A_22 = arith.index_cast %scan3A_19 : i32 to index
      %swap3A_23 = arith.constant 16 : index
      %swap3A_24 = tpu.vector_load %arg17[%swap3A_22, %swap3A_23] {strides = array<i32>} : memref<125x64xf32, #tpu.memory_space<vmem>>, vector<16xf32>,
      tpu.vector_store %arg17[%swap3A_22, %swap3A_23], %broadcast_in_dim3A_1 {strides = array<i32>} : memref<125x64xf32, #tpu.memory_space<vmem>>, vector<16xf32>,
      %swap3A_25 = arith.index_cast %scan3A_19 : i32 to index
      %swap3A_26 = arith.constant 32 : index
      %swap3A_27 = tpu.vector_load %arg17[%swap3A_25, %swap3A_26] {strides = array<i32>} : memref<125x64xf32, #tpu.memory_space<vmem>>, vector<16xf32>,
      tpu.vector_store %arg17[%swap3A_25, %swap3A_26], %broadcast_in_dim3A_1 {strides = array<i32>} : memref<125x64xf32, #tpu.memory_space<vmem>>, vector<16xf32>,
      %swap3A_28 = arith.index_cast %scan3A_19 : i32 to index
      %swap3A_29 = arith.constant 48 : index
      %swap3A_30 = tpu.vector_load %arg17[%swap3A_28, %swap3A_29] {strides = array<i32>} : memref<125x64xf32, #tpu.memory_space<vmem>>, vector<16xf32>,
      tpu.vector_store %arg17[%swap3A_28, %swap3A_29], %broadcast_in_dim3A_1 {strides = array<i32>} : memref<125x64xf32, #tpu.memory_space<vmem>>, vector<16xf32>,
    }
    %scan3A_6 = arith.constant 125 : i32
    %iota3A = tpu.iota {dimensions = array<i32: 0>} : vector<16xi32>
    %and3A = arith.constant 7 : i32
    %and3A_7 = vector.broadcast %and3A : i32 to vector<16xi32>
    %and3A_8 = arith.andi %iota3A, %and3A_7 : vector<16xi32>
    %add3A = arith.constant 20000 : i32
    %add3A_9 = vector.broadcast %add3A : i32 to vector<16xi32>
    %add3A_10 = arith.addi %add3A_9, %and3A_8 : vector<16xi32>
    %broadcast_in_dim3A_11 = arith.constant 0 : i32
    %broadcast_in_dim3A_12 = vector.broadcast %broadcast_in_dim3A_11 : i32 to vector<16xi32>
    %scan3A_13 = arith.constant 0 : i32
    %scan3A_14 = arith.constant 0 : i32
    %scan3A_15 = arith.constant 4 : i32
    %scan3A_16 = arith.addi %scan3A_14, %scan3A_15 : i32
    %scan3A_17 = arith.constant 1 : i32
    scf.for %scan3A_19 = %scan3A_14 to %scan3A_16 step %scan3A_17  : i32 {
      %mul3A_20 = arith.constant 2 : i32
      %mul3A_21 = arith.muli %scan3A_19, %mul3A_20 : i32
      %add3A_22 = arith.addi %mul3A_21, %arg0 : i32
      %mul3A_23 = arith.constant 20000 : i32
      %mul3A_24 = arith.muli %add3A_22, %mul3A_23 : i32
      %mul3A_25 = arith.constant 1250 : i32
      %mul3A_26 = arith.muli %arg1, %mul3A_25 : i32
      %add3A_27 = arith.constant 0 : i32
      %add3A_28 = arith.addi %mul3A_26, %add3A_27 : i32
      %dma_start3A = arith.constant 0 : i32
      %dma_start3A_29 = tpu.memref_slice %arg7[%add3A_28, %dma_start3A] : memref<20008x64xf32, #tpu.memory_space<vmem_shared>> -> memref<125x64xf32, #tpu.memory_space<vmem_shared>>
      %dma_start3A_30 = arith.constant 0 : i32
      %dma_start3A_31 = tpu.memref_slice %arg7[%add3A_28, %dma_start3A_30] : memref<20008x64xf32, #tpu.memory_space<vmem_shared>> -> memref<125x64xf32, #tpu.memory_space<vmem_shared>>
      tpu.enqueue_dma source(%arg17 : memref<125x64xf32, #tpu.memory_space<vmem>>) target(%dma_start3A_31 : memref<125x64xf32, #tpu.memory_space<vmem_shared>>) target_semaphore(%arg18 : memref<!tpu.dma_semaphore, #tpu.memory_space<semaphore_mem>>)
      %mul3A_32 = arith.constant 1250 : i32
      %mul3A_33 = arith.muli %arg1, %mul3A_32 : i32
      %add3A_34 = arith.constant 125 : i32
      %add3A_35 = arith.addi %mul3A_33, %add3A_34 : i32
      %dma_start3A_36 = arith.constant 0 : i32
      %dma_start3A_37 = tpu.memref_slice %arg7[%add3A_35, %dma_start3A_36] : memref<20008x64xf32, #tpu.memory_space<vmem_shared>> -> memref<125x64xf32, #tpu.memory_space<vmem_shared>>
      %dma_start3A_38 = arith.constant 0 : i32
      %dma_start3A_39 = tpu.memref_slice %arg7[%add3A_35, %dma_start3A_38] : memref<20008x64xf32, #tpu.memory_space<vmem_shared>> -> memref<125x64xf32, #tpu.memory_space<vmem_shared>>
      tpu.enqueue_dma source(%arg17 : memref<125x64xf32, #tpu.memory_space<vmem>>) target(%dma_start3A_39 : memref<125x64xf32, #tpu.memory_space<vmem_shared>>) target_semaphore(%arg18 : memref<!tpu.dma_semaphore, #tpu.memory_space<semaphore_mem>>)
      %mul3A_40 = arith.constant 1250 : i32
      %mul3A_41 = arith.muli %arg1, %mul3A_40 : i32
      %add3A_42 = arith.constant 250 : i32
      %add3A_43 = arith.addi %mul3A_41, %add3A_42 : i32
      %dma_start3A_44 = arith.constant 0 : i32
      %dma_start3A_45 = tpu.memref_slice %arg7[%add3A_43, %dma_start3A_44] : memref<20008x64xf32, #tpu.memory_space<vmem_shared>> -> memref<125x64xf32, #tpu.memory_space<vmem_shared>>
      %dma_start3A_46 = arith.constant 0 : i32
      %dma_start3A_47 = tpu.memref_slice %arg7[%add3A_43, %dma_start3A_46] : memref<20008x64xf32, #tpu.memory_space<vmem_shared>> -> memref<125x64xf32, #tpu.memory_space<vmem_shared>>
      tpu.enqueue_dma source(%arg17 : memref<125x64xf32, #tpu.memory_space<vmem>>) target(%dma_start3A_47 : memref<125x64xf32, #tpu.memory_space<vmem_shared>>) target_semaphore(%arg18 : memref<!tpu.dma_semaphore, #tpu.memory_space<semaphore_mem>>)
      %mul3A_48 = arith.constant 1250 : i32
      %mul3A_49 = arith.muli %arg1, %mul3A_48 : i32
      %add3A_50 = arith.constant 375 : i32
      %add3A_51 = arith.addi %mul3A_49, %add3A_50 : i32
      %dma_start3A_52 = arith.constant 0 : i32
      %dma_start3A_53 = tpu.memref_slice %arg7[%add3A_51, %dma_start3A_52] : memref<20008x64xf32, #tpu.memory_space<vmem_shared>> -> memref<125x64xf32, #tpu.memory_space<vmem_shared>>
      %dma_start3A_54 = arith.constant 0 : i32
      %dma_start3A_55 = tpu.memref_slice %arg7[%add3A_51, %dma_start3A_54] : memref<20008x64xf32, #tpu.memory_space<vmem_shared>> -> memref<125x64xf32, #tpu.memory_space<vmem_shared>>
      tpu.enqueue_dma source(%arg17 : memref<125x64xf32, #tpu.memory_space<vmem>>) target(%dma_start3A_55 : memref<125x64xf32, #tpu.memory_space<vmem_shared>>) target_semaphore(%arg18 : memref<!tpu.dma_semaphore, #tpu.memory_space<semaphore_mem>>)
      %mul3A_56 = arith.constant 1250 : i32
      %mul3A_57 = arith.muli %arg1, %mul3A_56 : i32
      %add3A_58 = arith.constant 500 : i32
      %add3A_59 = arith.addi %mul3A_57, %add3A_58 : i32
      %dma_start3A_60 = arith.constant 0 : i32
      %dma_start3A_61 = tpu.memref_slice %arg7[%add3A_59, %dma_start3A_60] : memref<20008x64xf32, #tpu.memory_space<vmem_shared>> -> memref<125x64xf32, #tpu.memory_space<vmem_shared>>
      %dma_start3A_62 = arith.constant 0 : i32
      %dma_start3A_63 = tpu.memref_slice %arg7[%add3A_59, %dma_start3A_62] : memref<20008x64xf32, #tpu.memory_space<vmem_shared>> -> memref<125x64xf32, #tpu.memory_space<vmem_shared>>
      tpu.enqueue_dma source(%arg17 : memref<125x64xf32, #tpu.memory_space<vmem>>) target(%dma_start3A_63 : memref<125x64xf32, #tpu.memory_space<vmem_shared>>) target_semaphore(%arg18 : memref<!tpu.dma_semaphore, #tpu.memory_space<semaphore_mem>>)
      %mul3A_64 = arith.constant 1250 : i32
      %mul3A_65 = arith.muli %arg1, %mul3A_64 : i32
      %add3A_66 = arith.constant 625 : i32
      %add3A_67 = arith.addi %mul3A_65, %add3A_66 : i32
      %dma_start3A_68 = arith.constant 0 : i32
      %dma_start3A_69 = tpu.memref_slice %arg7[%add3A_67, %dma_start3A_68] : memref<20008x64xf32, #tpu.memory_space<vmem_shared>> -> memref<125x64xf32, #tpu.memory_space<vmem_shared>>
      %dma_start3A_70 = arith.constant 0 : i32
      %dma_start3A_71 = tpu.memref_slice %arg7[%add3A_67, %dma_start3A_70] : memref<20008x64xf32, #tpu.memory_space<vmem_shared>> -> memref<125x64xf32, #tpu.memory_space<vmem_shared>>
      tpu.enqueue_dma source(%arg17 : memref<125x64xf32, #tpu.memory_space<vmem>>) target(%dma_start3A_71 : memref<125x64xf32, #tpu.memory_space<vmem_shared>>) target_semaphore(%arg18 : memref<!tpu.dma_semaphore, #tpu.memory_space<semaphore_mem>>)
      %mul3A_72 = arith.constant 1250 : i32
      %mul3A_73 = arith.muli %arg1, %mul3A_72 : i32
      %add3A_74 = arith.constant 750 : i32
      %add3A_75 = arith.addi %mul3A_73, %add3A_74 : i32
      %dma_start3A_76 = arith.constant 0 : i32
      %dma_start3A_77 = tpu.memref_slice %arg7[%add3A_75, %dma_start3A_76] : memref<20008x64xf32, #tpu.memory_space<vmem_shared>> -> memref<125x64xf32, #tpu.memory_space<vmem_shared>>
      %dma_start3A_78 = arith.constant 0 : i32
      %dma_start3A_79 = tpu.memref_slice %arg7[%add3A_75, %dma_start3A_78] : memref<20008x64xf32, #tpu.memory_space<vmem_shared>> -> memref<125x64xf32, #tpu.memory_space<vmem_shared>>
      tpu.enqueue_dma source(%arg17 : memref<125x64xf32, #tpu.memory_space<vmem>>) target(%dma_start3A_79 : memref<125x64xf32, #tpu.memory_space<vmem_shared>>) target_semaphore(%arg18 : memref<!tpu.dma_semaphore, #tpu.memory_space<semaphore_mem>>)
      %mul3A_80 = arith.constant 1250 : i32
      %mul3A_81 = arith.muli %arg1, %mul3A_80 : i32
      %add3A_82 = arith.constant 875 : i32
      %add3A_83 = arith.addi %mul3A_81, %add3A_82 : i32
      %dma_start3A_84 = arith.constant 0 : i32
      %dma_start3A_85 = tpu.memref_slice %arg7[%add3A_83, %dma_start3A_84] : memref<20008x64xf32, #tpu.memory_space<vmem_shared>> -> memref<125x64xf32, #tpu.memory_space<vmem_shared>>
      %dma_start3A_86 = arith.constant 0 : i32
      %dma_start3A_87 = tpu.memref_slice %arg7[%add3A_83, %dma_start3A_86] : memref<20008x64xf32, #tpu.memory_space<vmem_shared>> -> memref<125x64xf32, #tpu.memory_space<vmem_shared>>
      tpu.enqueue_dma source(%arg17 : memref<125x64xf32, #tpu.memory_space<vmem>>) target(%dma_start3A_87 : memref<125x64xf32, #tpu.memory_space<vmem_shared>>) target_semaphore(%arg18 : memref<!tpu.dma_semaphore, #tpu.memory_space<semaphore_mem>>)
      %mul3A_88 = arith.constant 1250 : i32
      %mul3A_89 = arith.muli %arg1, %mul3A_88 : i32
      %add3A_90 = arith.constant 1000 : i32
      %add3A_91 = arith.addi %mul3A_89, %add3A_90 : i32
      %dma_start3A_92 = arith.constant 0 : i32
      %dma_start3A_93 = tpu.memref_slice %arg7[%add3A_91, %dma_start3A_92] : memref<20008x64xf32, #tpu.memory_space<vmem_shared>> -> memref<125x64xf32, #tpu.memory_space<vmem_shared>>
      %dma_start3A_94 = arith.constant 0 : i32
      %dma_start3A_95 = tpu.memref_slice %arg7[%add3A_91, %dma_start3A_94] : memref<20008x64xf32, #tpu.memory_space<vmem_shared>> -> memref<125x64xf32, #tpu.memory_space<vmem_shared>>
      tpu.enqueue_dma source(%arg17 : memref<125x64xf32, #tpu.memory_space<vmem>>) target(%dma_start3A_95 : memref<125x64xf32, #tpu.memory_space<vmem_shared>>) target_semaphore(%arg18 : memref<!tpu.dma_semaphore, #tpu.memory_space<semaphore_mem>>)
      %mul3A_96 = arith.constant 1250 : i32
      %mul3A_97 = arith.muli %arg1, %mul3A_96 : i32
      %add3A_98 = arith.constant 1125 : i32
      %add3A_99 = arith.addi %mul3A_97, %add3A_98 : i32
      %dma_start3A_100 = arith.constant 0 : i32
      %dma_start3A_101 = tpu.memref_slice %arg7[%add3A_99, %dma_start3A_100] : memref<20008x64xf32, #tpu.memory_space<vmem_shared>> -> memref<125x64xf32, #tpu.memory_space<vmem_shared>>
      %dma_start3A_102 = arith.constant 0 : i32
      %dma_start3A_103 = tpu.memref_slice %arg7[%add3A_99, %dma_start3A_102] : memref<20008x64xf32, #tpu.memory_space<vmem_shared>> -> memref<125x64xf32, #tpu.memory_space<vmem_shared>>
      tpu.enqueue_dma source(%arg17 : memref<125x64xf32, #tpu.memory_space<vmem>>) target(%dma_start3A_103 : memref<125x64xf32, #tpu.memory_space<vmem_shared>>) target_semaphore(%arg18 : memref<!tpu.dma_semaphore, #tpu.memory_space<semaphore_mem>>)
      %dma_wait3A = arith.constant 0 : i32
      %dma_wait3A_104 = tpu.memref_slice %arg7[%add3A_28, %dma_wait3A] : memref<20008x64xf32, #tpu.memory_space<vmem_shared>> -> memref<125x64xf32, #tpu.memory_space<vmem_shared>>
      %dma_wait3A_105 = arith.constant 0 : i32
      %dma_wait3A_106 = tpu.memref_slice %arg7[%add3A_28, %dma_wait3A_105] : memref<20008x64xf32, #tpu.memory_space<vmem_shared>> -> memref<125x64xf32, #tpu.memory_space<vmem_shared>>
      tpu.wait_dma2 semaphore(%arg18 : memref<!tpu.dma_semaphore, #tpu.memory_space<semaphore_mem>>) src(%arg17 : memref<125x64xf32, #tpu.memory_space<vmem>>) dst(%dma_wait3A_106 : memref<125x64xf32, #tpu.memory_space<vmem_shared>>)
      %dma_wait3A_107 = arith.constant 0 : i32
      %dma_wait3A_108 = tpu.memref_slice %arg7[%add3A_35, %dma_wait3A_107] : memref<20008x64xf32, #tpu.memory_space<vmem_shared>> -> memref<125x64xf32, #tpu.memory_space<vmem_shared>>
      %dma_wait3A_109 = arith.constant 0 : i32
      %dma_wait3A_110 = tpu.memref_slice %arg7[%add3A_35, %dma_wait3A_109] : memref<20008x64xf32, #tpu.memory_space<vmem_shared>> -> memref<125x64xf32, #tpu.memory_space<vmem_shared>>
      tpu.wait_dma2 semaphore(%arg18 : memref<!tpu.dma_semaphore, #tpu.memory_space<semaphore_mem>>) src(%arg17 : memref<125x64xf32, #tpu.memory_space<vmem>>) dst(%dma_wait3A_110 : memref<125x64xf32, #tpu.memory_space<vmem_shared>>)
      %dma_wait3A_111 = arith.constant 0 : i32
      %dma_wait3A_112 = tpu.memref_slice %arg7[%add3A_43, %dma_wait3A_111] : memref<20008x64xf32, #tpu.memory_space<vmem_shared>> -> memref<125x64xf32, #tpu.memory_space<vmem_shared>>
      %dma_wait3A_113 = arith.constant 0 : i32
      %dma_wait3A_114 = tpu.memref_slice %arg7[%add3A_43, %dma_wait3A_113] : memref<20008x64xf32, #tpu.memory_space<vmem_shared>> -> memref<125x64xf32, #tpu.memory_space<vmem_shared>>
      tpu.wait_dma2 semaphore(%arg18 : memref<!tpu.dma_semaphore, #tpu.memory_space<semaphore_mem>>) src(%arg17 : memref<125x64xf32, #tpu.memory_space<vmem>>) dst(%dma_wait3A_114 : memref<125x64xf32, #tpu.memory_space<vmem_shared>>)
      %dma_wait3A_115 = arith.constant 0 : i32
      %dma_wait3A_116 = tpu.memref_slice %arg7[%add3A_51, %dma_wait3A_115] : memref<20008x64xf32, #tpu.memory_space<vmem_shared>> -> memref<125x64xf32, #tpu.memory_space<vmem_shared>>
      %dma_wait3A_117 = arith.constant 0 : i32
      %dma_wait3A_118 = tpu.memref_slice %arg7[%add3A_51, %dma_wait3A_117] : memref<20008x64xf32, #tpu.memory_space<vmem_shared>> -> memref<125x64xf32, #tpu.memory_space<vmem_shared>>
      tpu.wait_dma2 semaphore(%arg18 : memref<!tpu.dma_semaphore, #tpu.memory_space<semaphore_mem>>) src(%arg17 : memref<125x64xf32, #tpu.memory_space<vmem>>) dst(%dma_wait3A_118 : memref<125x64xf32, #tpu.memory_space<vmem_shared>>)
      %dma_wait3A_119 = arith.constant 0 : i32
      %dma_wait3A_120 = tpu.memref_slice %arg7[%add3A_59, %dma_wait3A_119] : memref<20008x64xf32, #tpu.memory_space<vmem_shared>> -> memref<125x64xf32, #tpu.memory_space<vmem_shared>>
      %dma_wait3A_121 = arith.constant 0 : i32
      %dma_wait3A_122 = tpu.memref_slice %arg7[%add3A_59, %dma_wait3A_121] : memref<20008x64xf32, #tpu.memory_space<vmem_shared>> -> memref<125x64xf32, #tpu.memory_space<vmem_shared>>
      tpu.wait_dma2 semaphore(%arg18 : memref<!tpu.dma_semaphore, #tpu.memory_space<semaphore_mem>>) src(%arg17 : memref<125x64xf32, #tpu.memory_space<vmem>>) dst(%dma_wait3A_122 : memref<125x64xf32, #tpu.memory_space<vmem_shared>>)
      %dma_wait3A_123 = arith.constant 0 : i32
      %dma_wait3A_124 = tpu.memref_slice %arg7[%add3A_67, %dma_wait3A_123] : memref<20008x64xf32, #tpu.memory_space<vmem_shared>> -> memref<125x64xf32, #tpu.memory_space<vmem_shared>>
      %dma_wait3A_125 = arith.constant 0 : i32
      %dma_wait3A_126 = tpu.memref_slice %arg7[%add3A_67, %dma_wait3A_125] : memref<20008x64xf32, #tpu.memory_space<vmem_shared>> -> memref<125x64xf32, #tpu.memory_space<vmem_shared>>
      tpu.wait_dma2 semaphore(%arg18 : memref<!tpu.dma_semaphore, #tpu.memory_space<semaphore_mem>>) src(%arg17 : memref<125x64xf32, #tpu.memory_space<vmem>>) dst(%dma_wait3A_126 : memref<125x64xf32, #tpu.memory_space<vmem_shared>>)
      %dma_wait3A_127 = arith.constant 0 : i32
      %dma_wait3A_128 = tpu.memref_slice %arg7[%add3A_75, %dma_wait3A_127] : memref<20008x64xf32, #tpu.memory_space<vmem_shared>> -> memref<125x64xf32, #tpu.memory_space<vmem_shared>>
      %dma_wait3A_129 = arith.constant 0 : i32
      %dma_wait3A_130 = tpu.memref_slice %arg7[%add3A_75, %dma_wait3A_129] : memref<20008x64xf32, #tpu.memory_space<vmem_shared>> -> memref<125x64xf32, #tpu.memory_space<vmem_shared>>
      tpu.wait_dma2 semaphore(%arg18 : memref<!tpu.dma_semaphore, #tpu.memory_space<semaphore_mem>>) src(%arg17 : memref<125x64xf32, #tpu.memory_space<vmem>>) dst(%dma_wait3A_130 : memref<125x64xf32, #tpu.memory_space<vmem_shared>>)
      %dma_wait3A_131 = arith.constant 0 : i32
      %dma_wait3A_132 = tpu.memref_slice %arg7[%add3A_83, %dma_wait3A_131] : memref<20008x64xf32, #tpu.memory_space<vmem_shared>> -> memref<125x64xf32, #tpu.memory_space<vmem_shared>>
      %dma_wait3A_133 = arith.constant 0 : i32
      %dma_wait3A_134 = tpu.memref_slice %arg7[%add3A_83, %dma_wait3A_133] : memref<20008x64xf32, #tpu.memory_space<vmem_shared>> -> memref<125x64xf32, #tpu.memory_space<vmem_shared>>
      tpu.wait_dma2 semaphore(%arg18 : memref<!tpu.dma_semaphore, #tpu.memory_space<semaphore_mem>>) src(%arg17 : memref<125x64xf32, #tpu.memory_space<vmem>>) dst(%dma_wait3A_134 : memref<125x64xf32, #tpu.memory_space<vmem_shared>>)
      %dma_wait3A_135 = arith.constant 0 : i32
      %dma_wait3A_136 = tpu.memref_slice %arg7[%add3A_91, %dma_wait3A_135] : memref<20008x64xf32, #tpu.memory_space<vmem_shared>> -> memref<125x64xf32, #tpu.memory_space<vmem_shared>>
      %dma_wait3A_137 = arith.constant 0 : i32
      %dma_wait3A_138 = tpu.memref_slice %arg7[%add3A_91, %dma_wait3A_137] : memref<20008x64xf32, #tpu.memory_space<vmem_shared>> -> memref<125x64xf32, #tpu.memory_space<vmem_shared>>
      tpu.wait_dma2 semaphore(%arg18 : memref<!tpu.dma_semaphore, #tpu.memory_space<semaphore_mem>>) src(%arg17 : memref<125x64xf32, #tpu.memory_space<vmem>>) dst(%dma_wait3A_138 : memref<125x64xf32, #tpu.memory_space<vmem_shared>>)
      %dma_wait3A_139 = arith.constant 0 : i32
      %dma_wait3A_140 = tpu.memref_slice %arg7[%add3A_99, %dma_wait3A_139] : memref<20008x64xf32, #tpu.memory_space<vmem_shared>> -> memref<125x64xf32, #tpu.memory_space<vmem_shared>>
      %dma_wait3A_141 = arith.constant 0 : i32
      %dma_wait3A_142 = tpu.memref_slice %arg7[%add3A_99, %dma_wait3A_141] : memref<20008x64xf32, #tpu.memory_space<vmem_shared>> -> memref<125x64xf32, #tpu.memory_space<vmem_shared>>
      tpu.wait_dma2 semaphore(%arg18 : memref<!tpu.dma_semaphore, #tpu.memory_space<semaphore_mem>>) src(%arg17 : memref<125x64xf32, #tpu.memory_space<vmem>>) dst(%dma_wait3A_142 : memref<125x64xf32, #tpu.memory_space<vmem_shared>>)
      %barrier3A = arith.constant 0 : index
      tpu.barrier barrier_id(%barrier3A)
      %scan3A_143 = arith.constant 0 : i32
      %scan3A_144 = arith.constant 0 : i32
      %scan3A_145 = arith.constant 15 : i32
      %scan3A_146 = arith.addi %scan3A_144, %scan3A_145 : i32
      %scan3A_147 = arith.constant 1 : i32
      scf.for %scan3A_156 = %scan3A_144 to %scan3A_146 step %scan3A_147  : i32 {
        %mul3A_157 = arith.constant 2000 : i32
        %mul3A_158 = arith.muli %scan3A_156, %mul3A_157 : i32
        %add3A_159 = arith.addi %mul3A_0, %mul3A_158 : i32
        "tpu.trace_start"() <{level = 10 : i32, message = "idxload"}> : () -> ()
        "tpu.region"() ({
          %run_scoped3A = tpu.sem_alloc : memref<!tpu.dma_semaphore, #tpu.memory_space<semaphore_mem>>
          %dma_start3A_239 = tpu.memref_slice %arg2[%add3A_159] : memref<480000xi32, #tpu.memory_space<hbm>> -> memref<2000xi32, #tpu.memory_space<hbm>>
          %dma_start3A_240 = tpu.memref_slice %arg2[%add3A_159] : memref<480000xi32, #tpu.memory_space<hbm>> -> memref<2000xi32, #tpu.memory_space<hbm>>
          tpu.enqueue_dma source(%dma_start3A_240 : memref<2000xi32, #tpu.memory_space<hbm>>) target(%arg8 : memref<2000xi32, #tpu.memory_space<vmem>>) target_semaphore(%run_scoped3A : memref<!tpu.dma_semaphore, #tpu.memory_space<semaphore_mem>>)
          %dma_wait3A_241 = tpu.memref_slice %arg2[%add3A_159] : memref<480000xi32, #tpu.memory_space<hbm>> -> memref<2000xi32, #tpu.memory_space<hbm>>
          %dma_wait3A_242 = tpu.memref_slice %arg2[%add3A_159] : memref<480000xi32, #tpu.memory_space<hbm>> -> memref<2000xi32, #tpu.memory_space<hbm>>
          tpu.wait_dma2 semaphore(%run_scoped3A : memref<!tpu.dma_semaphore, #tpu.memory_space<semaphore_mem>>) src(%dma_wait3A_242 : memref<2000xi32, #tpu.memory_space<hbm>>) dst(%arg8 : memref<2000xi32, #tpu.memory_space<vmem>>)
          tpu.yield
        }) : () -> ()
        "tpu.region"() ({
          %run_scoped3A = tpu.sem_alloc : memref<!tpu.dma_semaphore, #tpu.memory_space<semaphore_mem>>
          %dma_start3A_239 = tpu.memref_slice %arg3[%add3A_159] : memref<480000xi32, #tpu.memory_space<hbm>> -> memref<2000xi32, #tpu.memory_space<hbm>>
          %dma_start3A_240 = tpu.memref_slice %arg3[%add3A_159] : memref<480000xi32, #tpu.memory_space<hbm>> -> memref<2000xi32, #tpu.memory_space<hbm>>
          tpu.enqueue_dma source(%dma_start3A_240 : memref<2000xi32, #tpu.memory_space<hbm>>) target(%arg9 : memref<2000xi32, #tpu.memory_space<vmem>>) target_semaphore(%run_scoped3A : memref<!tpu.dma_semaphore, #tpu.memory_space<semaphore_mem>>)
          %dma_wait3A_241 = tpu.memref_slice %arg3[%add3A_159] : memref<480000xi32, #tpu.memory_space<hbm>> -> memref<2000xi32, #tpu.memory_space<hbm>>
          %dma_wait3A_242 = tpu.memref_slice %arg3[%add3A_159] : memref<480000xi32, #tpu.memory_space<hbm>> -> memref<2000xi32, #tpu.memory_space<hbm>>
          tpu.wait_dma2 semaphore(%run_scoped3A : memref<!tpu.dma_semaphore, #tpu.memory_space<semaphore_mem>>) src(%dma_wait3A_242 : memref<2000xi32, #tpu.memory_space<hbm>>) dst(%arg9 : memref<2000xi32, #tpu.memory_space<vmem>>)
          tpu.yield
        }) : () -> ()
        %broadcast_in_dim3A_160 = arith.constant 0 : i32
        "tpu.trace_stop"() : () -> ()
        %broadcast_in_dim3A_161 = vector.broadcast %broadcast_in_dim3A_160 : i32 to vector<16xi32>
        %scan3A_162 = arith.constant 0 : i32
        %scan3A_163 = arith.constant 125 : i32
        %scan3A_164 = arith.addi %scan3A_162, %scan3A_163 : i32
        %scan3A_165 = arith.constant 1 : i32
        %scan3A_166 = scf.for %scan3A_239 = %scan3A_162 to %scan3A_164 step %scan3A_165 iter_args(%scan3A_240 = %broadcast_in_dim3A_161) -> (vector<16xi32>)  : i32 {
          %mul3A_241 = arith.constant 16 : i32
          %mul3A_242 = arith.muli %scan3A_239, %mul3A_241 : i32
          %get3A = arith.index_cast %mul3A_242 : i32 to index
          %get3A_243 = tpu.vector_load %arg8[%get3A] {strides = array<i32>} : memref<2000xi32, #tpu.memory_space<vmem>>, vector<16xi32>,
          %mul3A_244 = arith.constant 16 : i32
          %mul3A_245 = arith.muli %scan3A_239, %mul3A_244 : i32
          %get3A_246 = arith.index_cast %mul3A_245 : i32 to index
          %get3A_247 = tpu.vector_load %arg9[%get3A_246] {strides = array<i32>} : memref<2000xi32, #tpu.memory_space<vmem>>, vector<16xi32>,
          %sub3A_248 = vector.broadcast %mul3A_24 : i32 to vector<16xi32>
          %sub3A_249 = arith.subi %get3A_243, %sub3A_248 : vector<16xi32>
          %ge3A = arith.constant 0 : i32
          %ge3A_250 = vector.broadcast %ge3A : i32 to vector<16xi32>
          %ge3A_251 = arith.cmpi sge, %sub3A_249, %ge3A_250 : vector<16xi32>
          %lt3A = arith.constant 20000 : i32
          %lt3A_252 = vector.broadcast %lt3A : i32 to vector<16xi32>
          %lt3A_253 = arith.cmpi slt, %sub3A_249, %lt3A_252 : vector<16xi32>
          %and3A_254 = arith.andi %ge3A_251, %lt3A_253 : vector<16xi1>
          %mul3A_255 = arith.constant 16 : i32
          %mul3A_256 = arith.muli %scan3A_239, %mul3A_255 : i32
          %add3A_257 = arith.addi %add3A_159, %mul3A_256 : i32
          %add3A_258 = vector.broadcast %add3A_257 : i32 to vector<16xi32>
          %add3A_259 = arith.addi %add3A_258, %iota3A : vector<16xi32>
          %convert_element_type3A = arith.extui %and3A_254 : vector<16xi1> to vector<16xi32>
          %broadcast_in_dim3A_260 = arith.constant true
          %broadcast_in_dim3A_261 = vector.broadcast %broadcast_in_dim3A_260 : i1 to vector<16xi1>
          %masked_cumsum3A = tpu.scan <sum>, %convert_element_type3A masked %broadcast_in_dim3A_261 : vector<16xi32>, vector<16xi1> -> vector<16xi32>
          %add3A_262 = arith.addi %scan3A_240, %masked_cumsum3A : vector<16xi32>
          %sub3A_263 = arith.constant 1 : i32
          %sub3A_264 = vector.broadcast %sub3A_263 : i32 to vector<16xi32>
          %sub3A_265 = arith.subi %add3A_262, %sub3A_264 : vector<16xi32>
          tpu.vector_store_idx %arg12[%sub3A_265], %sub3A_249 masked %and3A_254 : memref<2032xi32, #tpu.memory_space<vmem>>[vector<16xi32>], vector<16xi32>, vector<16xi1>
          tpu.vector_store_idx %arg11[%sub3A_265], %get3A_247 masked %and3A_254 : memref<2032xi32, #tpu.memory_space<vmem>>[vector<16xi32>], vector<16xi32>, vector<16xi1>
          tpu.vector_store_idx %arg10[%sub3A_265], %add3A_259 masked %and3A_254 : memref<2032xi32, #tpu.memory_space<vmem>>[vector<16xi32>], vector<16xi32>, vector<16xi1>
          %all_reduce_population_count3A = tpu.all_reduce %and3A_254 {dim = 0 : i64, kind = #tpu.reduction_kind<sum>} : vector<16xi1> -> vector<16xi32>
          %add3A_266 = arith.addi %scan3A_240, %all_reduce_population_count3A : vector<16xi32>
          scf.yield %add3A_266 : vector<16xi32>
        }
        %scan3A_167 = arith.constant 125 : i32
        %reduce_max3A = arith.constant true
        %reduce_max3A_168 = vector.broadcast %reduce_max3A : i1 to vector<16xi1>
        %reduce_max3A_169 = arith.constant -2147483648 : i32
        %reduce_max3A_170 = vector.broadcast %reduce_max3A_169 : i32 to vector<16xi32>
        %reduce_max3A_171 = arith.xori %scan3A_166, %reduce_max3A_170 : vector<16xi32>
        %reduce_max3A_172 = tpu.scan <max>, %reduce_max3A_171 masked %reduce_max3A_168 : vector<16xi32>, vector<16xi1> -> vector<16xi32>
        %reduce_max3A_173 = arith.xori %reduce_max3A_172, %reduce_max3A_170 : vector<16xi32>
        %reduce_max3A_174 = vector.extract %reduce_max3A_173[15] : i32 from vector<16xi32>
        %add3A_175 = arith.constant 0 : i32
        %add3A_176 = vector.broadcast %add3A_175 : i32 to vector<16xi32>
        %add3A_177 = arith.addi %scan3A_166, %add3A_176 : vector<16xi32>
        %add3A_178 = arith.addi %add3A_177, %iota3A : vector<16xi32>
        tpu.vector_store_idx %arg12[%add3A_178], %add3A_10 : memref<2032xi32, #tpu.memory_space<vmem>>[vector<16xi32>], vector<16xi32>,
        tpu.vector_store_idx %arg11[%add3A_178], %broadcast_in_dim3A_12 : memref<2032xi32, #tpu.memory_space<vmem>>[vector<16xi32>], vector<16xi32>,
        tpu.vector_store_idx %arg10[%add3A_178], %broadcast_in_dim3A_12 : memref<2032xi32, #tpu.memory_space<vmem>>[vector<16xi32>], vector<16xi32>,
        %add3A_179 = arith.constant 16 : i32
        %add3A_180 = vector.broadcast %add3A_179 : i32 to vector<16xi32>
        %add3A_181 = arith.addi %scan3A_166, %add3A_180 : vector<16xi32>
        %add3A_182 = arith.addi %add3A_181, %iota3A : vector<16xi32>
        tpu.vector_store_idx %arg12[%add3A_182], %add3A_10 : memref<2032xi32, #tpu.memory_space<vmem>>[vector<16xi32>], vector<16xi32>,
        tpu.vector_store_idx %arg11[%add3A_182], %broadcast_in_dim3A_12 : memref<2032xi32, #tpu.memory_space<vmem>>[vector<16xi32>], vector<16xi32>,
        tpu.vector_store_idx %arg10[%add3A_182], %broadcast_in_dim3A_12 : memref<2032xi32, #tpu.memory_space<vmem>>[vector<16xi32>], vector<16xi32>,
        %add3A_183 = arith.constant 16 : i32
        %add3A_184 = arith.addi %reduce_max3A_174, %add3A_183 : i32
        %sub3A = arith.constant 1 : i32
        %sub3A_185 = arith.subi %add3A_184, %sub3A : i32
        %jit3A = arith.constant 16 : i32
        %div3A = arith.divsi %sub3A_185, %jit3A : i32
        %sign3A = arith.constant 0 : i32
        %sign3A_186 = arith.cmpi sgt, %sub3A_185, %sign3A : i32
        %sign3A_187 = arith.extui %sign3A_186 : i1 to i32
        %sign3A_188 = arith.constant 0 : i32
        %sign3A_189 = arith.cmpi slt, %sub3A_185, %sign3A_188 : i32
        %sign3A_190 = arith.extui %sign3A_189 : i1 to i32
        %sign3A_191 = arith.subi %sign3A_187, %sign3A_190 : i32
        %sign3A_192 = arith.constant 0 : i32
        %sign3A_193 = arith.cmpi sgt, %jit3A, %sign3A_192 : i32
        %sign3A_194 = arith.extui %sign3A_193 : i1 to i32
        %sign3A_195 = arith.constant 0 : i32
        %sign3A_196 = arith.cmpi slt, %jit3A, %sign3A_195 : i32
        %sign3A_197 = arith.extui %sign3A_196 : i1 to i32
        %sign3A_198 = arith.subi %sign3A_194, %sign3A_197 : i32
        %ne3A = arith.cmpi ne, %sign3A_191, %sign3A_198 : i32
        %rem3A = arith.remsi %sub3A_185, %jit3A : i32
        %ne3A_199 = arith.constant 0 : i32
        %ne3A_200 = arith.cmpi ne, %rem3A, %ne3A_199 : i32
        %and3A_201 = arith.andi %ne3A, %ne3A_200 : i1
        %sub3A_202 = arith.constant 1 : i32
        %sub3A_203 = arith.subi %div3A, %sub3A_202 : i32
        %select_n3A = arith.select %and3A_201, %sub3A_203, %div3A : i32
        %add3A_204 = arith.constant 1 : i32
        %add3A_205 = arith.addi %select_n3A, %add3A_204 : i32
        %jit3A_206 = arith.constant 2 : i32
        %div3A_207 = arith.divsi %add3A_205, %jit3A_206 : i32
        %sign3A_208 = arith.constant 0 : i32
        %sign3A_209 = arith.cmpi sgt, %add3A_205, %sign3A_208 : i32
        %sign3A_210 = arith.extui %sign3A_209 : i1 to i32
        %sign3A_211 = arith.constant 0 : i32
        %sign3A_212 = arith.cmpi slt, %add3A_205, %sign3A_211 : i32
        %sign3A_213 = arith.extui %sign3A_212 : i1 to i32
        %sign3A_214 = arith.subi %sign3A_210, %sign3A_213 : i32
        %sign3A_215 = arith.constant 0 : i32
        %sign3A_216 = arith.cmpi sgt, %jit3A_206, %sign3A_215 : i32
        %sign3A_217 = arith.extui %sign3A_216 : i1 to i32
        %sign3A_218 = arith.constant 0 : i32
        %sign3A_219 = arith.cmpi slt, %jit3A_206, %sign3A_218 : i32
        %sign3A_220 = arith.extui %sign3A_219 : i1 to i32
        %sign3A_221 = arith.subi %sign3A_217, %sign3A_220 : i32
        %ne3A_222 = arith.cmpi ne, %sign3A_214, %sign3A_221 : i32
        %rem3A_223 = arith.remsi %add3A_205, %jit3A_206 : i32
        %ne3A_224 = arith.constant 0 : i32
        %ne3A_225 = arith.cmpi ne, %rem3A_223, %ne3A_224 : i32
        %and3A_226 = arith.andi %ne3A_222, %ne3A_225 : i1
        %sub3A_227 = arith.constant 1 : i32
        %sub3A_228 = arith.subi %div3A_207, %sub3A_227 : i32
        %select_n3A_229 = arith.select %and3A_226, %sub3A_228, %div3A_207 : i32
        %while3A = arith.constant 0 : i32
        %while3A_230 = arith.constant 0 : i32
        %while3A_231 = arith.subi %select_n3A_229, %while3A_230 : i32
        %while3A_232 = arith.addi %while3A_230, %while3A_231 : i32
        %while3A_233 = arith.constant 1 : i32
        %while3A_234 = arith.divsi %while3A_231, %while3A_233 : i32
        %while3A_235 = arith.muli %while3A_234, %while3A_233 : i32
        %while3A_236 = arith.addi %while3A_230, %while3A_235 : i32
        %while3A_237 = arith.constant 1 : i32
        scf.for %while3A_239 = %while3A_230 to %while3A_236 step %while3A_237  : i32 {
          %mul3A_240 = arith.constant 2 : i32
          %mul3A_241 = arith.muli %while3A_239, %mul3A_240 : i32
          %mul3A_242 = arith.constant 16 : i32
          %mul3A_243 = arith.muli %mul3A_241, %mul3A_242 : i32
          %add3A_244 = arith.constant 16 : i32
          %add3A_245 = arith.addi %mul3A_243, %add3A_244 : i32
          %dma_start3A_246 = tpu.memref_slice %arg11[%mul3A_243] : memref<2032xi32, #tpu.memory_space<vmem>> -> memref<16xi32, #tpu.memory_space<vmem>>
          %dma_start3A_247 = arith.constant 0 : i32
          %dma_start3A_248 = arith.constant 0 : i32
          %dma_start3A_249 = tpu.memref_slice %arg4[%dma_start3A_247, %dma_start3A_248] : memref<160000x64xf32, #tpu.memory_space<hbm>> -> memref<160000x64xf32, #tpu.memory_space<hbm>>
          tpu.enqueue_indirect_dma source(%dma_start3A_249 : memref<160000x64xf32, #tpu.memory_space<hbm>>) target(%arg13 : memref<16x64xf32, #tpu.memory_space<vmem>>) offsets(%dma_start3A_246 : memref<16xi32, #tpu.memory_space<vmem>>) semaphore(%arg18 : memref<!tpu.dma_semaphore, #tpu.memory_space<semaphore_mem>>)
          %dma_start3A_250 = tpu.memref_slice %arg10[%mul3A_243] : memref<2032xi32, #tpu.memory_space<vmem>> -> memref<16xi32, #tpu.memory_space<vmem>>
          %dma_start3A_251 = arith.constant 0 : i32
          %dma_start3A_252 = arith.constant 0 : i32
          %dma_start3A_253 = tpu.memref_slice %arg5[%dma_start3A_251, %dma_start3A_252] : memref<480000x64xf32, #tpu.memory_space<hbm>> -> memref<480000x64xf32, #tpu.memory_space<hbm>>
          tpu.enqueue_indirect_dma source(%dma_start3A_253 : memref<480000x64xf32, #tpu.memory_space<hbm>>) target(%arg14 : memref<16x64xf32, #tpu.memory_space<vmem>>) offsets(%dma_start3A_250 : memref<16xi32, #tpu.memory_space<vmem>>) semaphore(%arg19 : memref<!tpu.dma_semaphore, #tpu.memory_space<semaphore_mem>>)
          %lt3A = arith.cmpi slt, %add3A_245, %reduce_max3A_174 : i32
          %convert_element_type3A = arith.extui %lt3A : i1 to i32
          %cond3A = arith.constant 0 : i32
          %cond3A_254 = arith.cmpi ne, %convert_element_type3A, %cond3A : i32
          scf.if %cond3A_254 {
            %dma_start3A_258 = tpu.memref_slice %arg11[%add3A_245] : memref<2032xi32, #tpu.memory_space<vmem>> -> memref<16xi32, #tpu.memory_space<vmem>>
            %dma_start3A_259 = arith.constant 0 : i32
            %dma_start3A_260 = arith.constant 0 : i32
            %dma_start3A_261 = tpu.memref_slice %arg4[%dma_start3A_259, %dma_start3A_260] : memref<160000x64xf32, #tpu.memory_space<hbm>> -> memref<160000x64xf32, #tpu.memory_space<hbm>>
            tpu.enqueue_indirect_dma source(%dma_start3A_261 : memref<160000x64xf32, #tpu.memory_space<hbm>>) target(%arg15 : memref<16x64xf32, #tpu.memory_space<vmem>>) offsets(%dma_start3A_258 : memref<16xi32, #tpu.memory_space<vmem>>) semaphore(%arg20 : memref<!tpu.dma_semaphore, #tpu.memory_space<semaphore_mem>>)
            %dma_start3A_262 = tpu.memref_slice %arg10[%add3A_245] : memref<2032xi32, #tpu.memory_space<vmem>> -> memref<16xi32, #tpu.memory_space<vmem>>
            %dma_start3A_263 = arith.constant 0 : i32
            %dma_start3A_264 = arith.constant 0 : i32
            %dma_start3A_265 = tpu.memref_slice %arg5[%dma_start3A_263, %dma_start3A_264] : memref<480000x64xf32, #tpu.memory_space<hbm>> -> memref<480000x64xf32, #tpu.memory_space<hbm>>
            tpu.enqueue_indirect_dma source(%dma_start3A_265 : memref<480000x64xf32, #tpu.memory_space<hbm>>) target(%arg16 : memref<16x64xf32, #tpu.memory_space<vmem>>) offsets(%dma_start3A_262 : memref<16xi32, #tpu.memory_space<vmem>>) semaphore(%arg21 : memref<!tpu.dma_semaphore, #tpu.memory_space<semaphore_mem>>)
            %dma_wait3A_266 = tpu.memref_slice %arg11[%mul3A_243] : memref<2032xi32, #tpu.memory_space<vmem>> -> memref<16xi32, #tpu.memory_space<vmem>>
            %dma_wait3A_267 = arith.constant 0 : i32
            %dma_wait3A_268 = arith.constant 0 : i32
            %dma_wait3A_269 = tpu.memref_slice %arg4[%dma_wait3A_267, %dma_wait3A_268] : memref<160000x64xf32, #tpu.memory_space<hbm>> -> memref<160000x64xf32, #tpu.memory_space<hbm>>
            tpu.wait_indirect_dma semaphore(%arg18 : memref<!tpu.dma_semaphore, #tpu.memory_space<semaphore_mem>>) src(%dma_wait3A_269 : memref<160000x64xf32, #tpu.memory_space<hbm>>) dst(%arg13 : memref<16x64xf32, #tpu.memory_space<vmem>>)
            %dma_wait3A_270 = tpu.memref_slice %arg10[%mul3A_243] : memref<2032xi32, #tpu.memory_space<vmem>> -> memref<16xi32, #tpu.memory_space<vmem>>
            %dma_wait3A_271 = arith.constant 0 : i32
            %dma_wait3A_272 = arith.constant 0 : i32
            %dma_wait3A_273 = tpu.memref_slice %arg5[%dma_wait3A_271, %dma_wait3A_272] : memref<480000x64xf32, #tpu.memory_space<hbm>> -> memref<480000x64xf32, #tpu.memory_space<hbm>>
            tpu.wait_indirect_dma semaphore(%arg19 : memref<!tpu.dma_semaphore, #tpu.memory_space<semaphore_mem>>) src(%dma_wait3A_273 : memref<480000x64xf32, #tpu.memory_space<hbm>>) dst(%arg14 : memref<16x64xf32, #tpu.memory_space<vmem>>)
            %scan3A_274 = arith.constant 0 : i32
            %scan3A_275 = arith.constant 0 : i32
            %scan3A_276 = arith.constant 2 : i32
            %scan3A_277 = arith.addi %scan3A_275, %scan3A_276 : i32
            %scan3A_278 = arith.constant 1 : i32
            scf.for %scan3A_294 = %scan3A_275 to %scan3A_277 step %scan3A_278  : i32 {
              %mul3A_295 = arith.constant 8 : i32
              %mul3A_296 = arith.muli %scan3A_294, %mul3A_295 : i32
              %add3A_297 = arith.constant 0 : i32
              %add3A_298 = arith.addi %mul3A_296, %add3A_297 : i32
              %get3A = arith.index_cast %add3A_298 : i32 to index
              %get3A_299 = arith.constant 0 : index
              %get3A_300 = tpu.vector_load %arg13[%get3A, %get3A_299] {strides = array<i32>} : memref<16x64xf32, #tpu.memory_space<vmem>>, vector<16xf32>,
              %mul3A_301 = arith.constant 8 : i32
              %mul3A_302 = arith.muli %scan3A_294, %mul3A_301 : i32
              %add3A_303 = arith.constant 0 : i32
              %add3A_304 = arith.addi %mul3A_302, %add3A_303 : i32
              %get3A_305 = arith.index_cast %add3A_304 : i32 to index
              %get3A_306 = arith.constant 0 : index
              %get3A_307 = tpu.vector_load %arg14[%get3A_305, %get3A_306] {strides = array<i32>} : memref<16x64xf32, #tpu.memory_space<vmem>>, vector<16xf32>,
              %mul3A_308 = arith.mulf %get3A_300, %get3A_307 : vector<16xf32>
              %mul3A_309 = arith.constant 8 : i32
              %mul3A_310 = arith.muli %scan3A_294, %mul3A_309 : i32
              %add3A_311 = arith.constant 0 : i32
              %add3A_312 = arith.addi %mul3A_310, %add3A_311 : i32
              %swap3A = arith.index_cast %add3A_312 : i32 to index
              %swap3A_313 = arith.constant 0 : index
              %swap3A_314 = tpu.vector_load %arg13[%swap3A, %swap3A_313] {strides = array<i32>} : memref<16x64xf32, #tpu.memory_space<vmem>>, vector<16xf32>,
              tpu.vector_store %arg13[%swap3A, %swap3A_313], %mul3A_308 {strides = array<i32>} : memref<16x64xf32, #tpu.memory_space<vmem>>, vector<16xf32>,
              %mul3A_315 = arith.constant 8 : i32
              %mul3A_316 = arith.muli %scan3A_294, %mul3A_315 : i32
              %add3A_317 = arith.constant 0 : i32
              %add3A_318 = arith.addi %mul3A_316, %add3A_317 : i32
              %get3A_319 = arith.index_cast %add3A_318 : i32 to index
              %get3A_320 = arith.constant 16 : index
              %get3A_321 = tpu.vector_load %arg13[%get3A_319, %get3A_320] {strides = array<i32>} : memref<16x64xf32, #tpu.memory_space<vmem>>, vector<16xf32>,
              %mul3A_322 = arith.constant 8 : i32
              %mul3A_323 = arith.muli %scan3A_294, %mul3A_322 : i32
              %add3A_324 = arith.constant 0 : i32
              %add3A_325 = arith.addi %mul3A_323, %add3A_324 : i32
              %get3A_326 = arith.index_cast %add3A_325 : i32 to index
              %get3A_327 = arith.constant 16 : index
              %get3A_328 = tpu.vector_load %arg14[%get3A_326, %get3A_327] {strides = array<i32>} : memref<16x64xf32, #tpu.memory_space<vmem>>, vector<16xf32>,
              %mul3A_329 = arith.mulf %get3A_321, %get3A_328 : vector<16xf32>
              %mul3A_330 = arith.constant 8 : i32
              %mul3A_331 = arith.muli %scan3A_294, %mul3A_330 : i32
              %add3A_332 = arith.constant 0 : i32
              %add3A_333 = arith.addi %mul3A_331, %add3A_332 : i32
              %swap3A_334 = arith.index_cast %add3A_333 : i32 to index
              %swap3A_335 = arith.constant 16 : index
              %swap3A_336 = tpu.vector_load %arg13[%swap3A_334, %swap3A_335] {strides = array<i32>} : memref<16x64xf32, #tpu.memory_space<vmem>>, vector<16xf32>,
              tpu.vector_store %arg13[%swap3A_334, %swap3A_335], %mul3A_329 {strides = array<i32>} : memref<16x64xf32, #tpu.memory_space<vmem>>, vector<16xf32>,
              %mul3A_337 = arith.constant 8 : i32
              %mul3A_338 = arith.muli %scan3A_294, %mul3A_337 : i32
              %add3A_339 = arith.constant 0 : i32
              %add3A_340 = arith.addi %mul3A_338, %add3A_339 : i32
              %get3A_341 = arith.index_cast %add3A_340 : i32 to index
              %get3A_342 = arith.constant 32 : index
              %get3A_343 = tpu.vector_load %arg13[%get3A_341, %get3A_342] {strides = array<i32>} : memref<16x64xf32, #tpu.memory_space<vmem>>, vector<16xf32>,
              %mul3A_344 = arith.constant 8 : i32
              %mul3A_345 = arith.muli %scan3A_294, %mul3A_344 : i32
              %add3A_346 = arith.constant 0 : i32
              %add3A_347 = arith.addi %mul3A_345, %add3A_346 : i32
              %get3A_348 = arith.index_cast %add3A_347 : i32 to index
              %get3A_349 = arith.constant 32 : index
              %get3A_350 = tpu.vector_load %arg14[%get3A_348, %get3A_349] {strides = array<i32>} : memref<16x64xf32, #tpu.memory_space<vmem>>, vector<16xf32>,
              %mul3A_351 = arith.mulf %get3A_343, %get3A_350 : vector<16xf32>
              %mul3A_352 = arith.constant 8 : i32
              %mul3A_353 = arith.muli %scan3A_294, %mul3A_352 : i32
              %add3A_354 = arith.constant 0 : i32
              %add3A_355 = arith.addi %mul3A_353, %add3A_354 : i32
              %swap3A_356 = arith.index_cast %add3A_355 : i32 to index
              %swap3A_357 = arith.constant 32 : index
              %swap3A_358 = tpu.vector_load %arg13[%swap3A_356, %swap3A_357] {strides = array<i32>} : memref<16x64xf32, #tpu.memory_space<vmem>>, vector<16xf32>,
              tpu.vector_store %arg13[%swap3A_356, %swap3A_357], %mul3A_351 {strides = array<i32>} : memref<16x64xf32, #tpu.memory_space<vmem>>, vector<16xf32>,
              %mul3A_359 = arith.constant 8 : i32
              %mul3A_360 = arith.muli %scan3A_294, %mul3A_359 : i32
              %add3A_361 = arith.constant 0 : i32
              %add3A_362 = arith.addi %mul3A_360, %add3A_361 : i32
              %get3A_363 = arith.index_cast %add3A_362 : i32 to index
              %get3A_364 = arith.constant 48 : index
              %get3A_365 = tpu.vector_load %arg13[%get3A_363, %get3A_364] {strides = array<i32>} : memref<16x64xf32, #tpu.memory_space<vmem>>, vector<16xf32>,
              %mul3A_366 = arith.constant 8 : i32
              %mul3A_367 = arith.muli %scan3A_294, %mul3A_366 : i32
              %add3A_368 = arith.constant 0 : i32
              %add3A_369 = arith.addi %mul3A_367, %add3A_368 : i32
              %get3A_370 = arith.index_cast %add3A_369 : i32 to index
              %get3A_371 = arith.constant 48 : index
              %get3A_372 = tpu.vector_load %arg14[%get3A_370, %get3A_371] {strides = array<i32>} : memref<16x64xf32, #tpu.memory_space<vmem>>, vector<16xf32>,
              %mul3A_373 = arith.mulf %get3A_365, %get3A_372 : vector<16xf32>
              %mul3A_374 = arith.constant 8 : i32
              %mul3A_375 = arith.muli %scan3A_294, %mul3A_374 : i32
              %add3A_376 = arith.constant 0 : i32
              %add3A_377 = arith.addi %mul3A_375, %add3A_376 : i32
              %swap3A_378 = arith.index_cast %add3A_377 : i32 to index
              %swap3A_379 = arith.constant 48 : index
              %swap3A_380 = tpu.vector_load %arg13[%swap3A_378, %swap3A_379] {strides = array<i32>} : memref<16x64xf32, #tpu.memory_space<vmem>>, vector<16xf32>,
              tpu.vector_store %arg13[%swap3A_378, %swap3A_379], %mul3A_373 {strides = array<i32>} : memref<16x64xf32, #tpu.memory_space<vmem>>, vector<16xf32>,
              %mul3A_381 = arith.constant 8 : i32
              %mul3A_382 = arith.muli %scan3A_294, %mul3A_381 : i32
              %add3A_383 = arith.constant 1 : i32
              %add3A_384 = arith.addi %mul3A_382, %add3A_383 : i32
              %get3A_385 = arith.index_cast %add3A_384 : i32 to index
              %get3A_386 = arith.constant 0 : index
              %get3A_387 = tpu.vector_load %arg13[%get3A_385, %get3A_386] {strides = array<i32>} : memref<16x64xf32, #tpu.memory_space<vmem>>, vector<16xf32>,
              %mul3A_388 = arith.constant 8 : i32
              %mul3A_389 = arith.muli %scan3A_294, %mul3A_388 : i32
              %add3A_390 = arith.constant 1 : i32
              %add3A_391 = arith.addi %mul3A_389, %add3A_390 : i32
              %get3A_392 = arith.index_cast %add3A_391 : i32 to index
              %get3A_393 = arith.constant 0 : index
              %get3A_394 = tpu.vector_load %arg14[%get3A_392, %get3A_393] {strides = array<i32>} : memref<16x64xf32, #tpu.memory_space<vmem>>, vector<16xf32>,
              %mul3A_395 = arith.mulf %get3A_387, %get3A_394 : vector<16xf32>
              %mul3A_396 = arith.constant 8 : i32
              %mul3A_397 = arith.muli %scan3A_294, %mul3A_396 : i32
              %add3A_398 = arith.constant 1 : i32
              %add3A_399 = arith.addi %mul3A_397, %add3A_398 : i32
              %swap3A_400 = arith.index_cast %add3A_399 : i32 to index
              %swap3A_401 = arith.constant 0 : index
              %swap3A_402 = tpu.vector_load %arg13[%swap3A_400, %swap3A_401] {strides = array<i32>} : memref<16x64xf32, #tpu.memory_space<vmem>>, vector<16xf32>,
              tpu.vector_store %arg13[%swap3A_400, %swap3A_401], %mul3A_395 {strides = array<i32>} : memref<16x64xf32, #tpu.memory_space<vmem>>, vector<16xf32>,
              %mul3A_403 = arith.constant 8 : i32
              %mul3A_404 = arith.muli %scan3A_294, %mul3A_403 : i32
              %add3A_405 = arith.constant 1 : i32
              %add3A_406 = arith.addi %mul3A_404, %add3A_405 : i32
              %get3A_407 = arith.index_cast %add3A_406 : i32 to index
              %get3A_408 = arith.constant 16 : index
              %get3A_409 = tpu.vector_load %arg13[%get3A_407, %get3A_408] {strides = array<i32>} : memref<16x64xf32, #tpu.memory_space<vmem>>, vector<16xf32>,
              %mul3A_410 = arith.constant 8 : i32
              %mul3A_411 = arith.muli %scan3A_294, %mul3A_410 : i32
              %add3A_412 = arith.constant 1 : i32
              %add3A_413 = arith.addi %mul3A_411, %add3A_412 : i32
              %get3A_414 = arith.index_cast %add3A_413 : i32 to index
              %get3A_415 = arith.constant 16 : index
              %get3A_416 = tpu.vector_load %arg14[%get3A_414, %get3A_415] {strides = array<i32>} : memref<16x64xf32, #tpu.memory_space<vmem>>, vector<16xf32>,
              %mul3A_417 = arith.mulf %get3A_409, %get3A_416 : vector<16xf32>
              %mul3A_418 = arith.constant 8 : i32
              %mul3A_419 = arith.muli %scan3A_294, %mul3A_418 : i32
              %add3A_420 = arith.constant 1 : i32
              %add3A_421 = arith.addi %mul3A_419, %add3A_420 : i32
              %swap3A_422 = arith.index_cast %add3A_421 : i32 to index
              %swap3A_423 = arith.constant 16 : index
              %swap3A_424 = tpu.vector_load %arg13[%swap3A_422, %swap3A_423] {strides = array<i32>} : memref<16x64xf32, #tpu.memory_space<vmem>>, vector<16xf32>,
              tpu.vector_store %arg13[%swap3A_422, %swap3A_423], %mul3A_417 {strides = array<i32>} : memref<16x64xf32, #tpu.memory_space<vmem>>, vector<16xf32>,
              %mul3A_425 = arith.constant 8 : i32
              %mul3A_426 = arith.muli %scan3A_294, %mul3A_425 : i32
              %add3A_427 = arith.constant 1 : i32
              %add3A_428 = arith.addi %mul3A_426, %add3A_427 : i32
              %get3A_429 = arith.index_cast %add3A_428 : i32 to index
              %get3A_430 = arith.constant 32 : index
              %get3A_431 = tpu.vector_load %arg13[%get3A_429, %get3A_430] {strides = array<i32>} : memref<16x64xf32, #tpu.memory_space<vmem>>, vector<16xf32>,
              %mul3A_432 = arith.constant 8 : i32
              %mul3A_433 = arith.muli %scan3A_294, %mul3A_432 : i32
              %add3A_434 = arith.constant 1 : i32
              %add3A_435 = arith.addi %mul3A_433, %add3A_434 : i32
              %get3A_436 = arith.index_cast %add3A_435 : i32 to index
              %get3A_437 = arith.constant 32 : index
              %get3A_438 = tpu.vector_load %arg14[%get3A_436, %get3A_437] {strides = array<i32>} : memref<16x64xf32, #tpu.memory_space<vmem>>, vector<16xf32>,
              %mul3A_439 = arith.mulf %get3A_431, %get3A_438 : vector<16xf32>
              %mul3A_440 = arith.constant 8 : i32
              %mul3A_441 = arith.muli %scan3A_294, %mul3A_440 : i32
              %add3A_442 = arith.constant 1 : i32
              %add3A_443 = arith.addi %mul3A_441, %add3A_442 : i32
              %swap3A_444 = arith.index_cast %add3A_443 : i32 to index
              %swap3A_445 = arith.constant 32 : index
              %swap3A_446 = tpu.vector_load %arg13[%swap3A_444, %swap3A_445] {strides = array<i32>} : memref<16x64xf32, #tpu.memory_space<vmem>>, vector<16xf32>,
              tpu.vector_store %arg13[%swap3A_444, %swap3A_445], %mul3A_439 {strides = array<i32>} : memref<16x64xf32, #tpu.memory_space<vmem>>, vector<16xf32>,
              %mul3A_447 = arith.constant 8 : i32
              %mul3A_448 = arith.muli %scan3A_294, %mul3A_447 : i32
              %add3A_449 = arith.constant 1 : i32
              %add3A_450 = arith.addi %mul3A_448, %add3A_449 : i32
              %get3A_451 = arith.index_cast %add3A_450 : i32 to index
              %get3A_452 = arith.constant 48 : index
              %get3A_453 = tpu.vector_load %arg13[%get3A_451, %get3A_452] {strides = array<i32>} : memref<16x64xf32, #tpu.memory_space<vmem>>, vector<16xf32>,
              %mul3A_454 = arith.constant 8 : i32
              %mul3A_455 = arith.muli %scan3A_294, %mul3A_454 : i32
              %add3A_456 = arith.constant 1 : i32
              %add3A_457 = arith.addi %mul3A_455, %add3A_456 : i32
              %get3A_458 = arith.index_cast %add3A_457 : i32 to index
              %get3A_459 = arith.constant 48 : index
              %get3A_460 = tpu.vector_load %arg14[%get3A_458, %get3A_459] {strides = array<i32>} : memref<16x64xf32, #tpu.memory_space<vmem>>, vector<16xf32>,
              %mul3A_461 = arith.mulf %get3A_453, %get3A_460 : vector<16xf32>
              %mul3A_462 = arith.constant 8 : i32
              %mul3A_463 = arith.muli %scan3A_294, %mul3A_462 : i32
              %add3A_464 = arith.constant 1 : i32
              %add3A_465 = arith.addi %mul3A_463, %add3A_464 : i32
              %swap3A_466 = arith.index_cast %add3A_465 : i32 to index
              %swap3A_467 = arith.constant 48 : index
              %swap3A_468 = tpu.vector_load %arg13[%swap3A_466, %swap3A_467] {strides = array<i32>} : memref<16x64xf32, #tpu.memory_space<vmem>>, vector<16xf32>,
              tpu.vector_store %arg13[%swap3A_466, %swap3A_467], %mul3A_461 {strides = array<i32>} : memref<16x64xf32, #tpu.memory_space<vmem>>, vector<16xf32>,
              %mul3A_469 = arith.constant 8 : i32
              %mul3A_470 = arith.muli %scan3A_294, %mul3A_469 : i32
              %add3A_471 = arith.constant 2 : i32
              %add3A_472 = arith.addi %mul3A_470, %add3A_471 : i32
              %get3A_473 = arith.index_cast %add3A_472 : i32 to index
              %get3A_474 = arith.constant 0 : index
              %get3A_475 = tpu.vector_load %arg13[%get3A_473, %get3A_474] {strides = array<i32>} : memref<16x64xf32, #tpu.memory_space<vmem>>, vector<16xf32>,
              %mul3A_476 = arith.constant 8 : i32
              %mul3A_477 = arith.muli %scan3A_294, %mul3A_476 : i32
              %add3A_478 = arith.constant 2 : i32
              %add3A_479 = arith.addi %mul3A_477, %add3A_478 : i32
              %get3A_480 = arith.index_cast %add3A_479 : i32 to index
              %get3A_481 = arith.constant 0 : index
              %get3A_482 = tpu.vector_load %arg14[%get3A_480, %get3A_481] {strides = array<i32>} : memref<16x64xf32, #tpu.memory_space<vmem>>, vector<16xf32>,
              %mul3A_483 = arith.mulf %get3A_475, %get3A_482 : vector<16xf32>
              %mul3A_484 = arith.constant 8 : i32
              %mul3A_485 = arith.muli %scan3A_294, %mul3A_484 : i32
              %add3A_486 = arith.constant 2 : i32
              %add3A_487 = arith.addi %mul3A_485, %add3A_486 : i32
              %swap3A_488 = arith.index_cast %add3A_487 : i32 to index
              %swap3A_489 = arith.constant 0 : index
              %swap3A_490 = tpu.vector_load %arg13[%swap3A_488, %swap3A_489] {strides = array<i32>} : memref<16x64xf32, #tpu.memory_space<vmem>>, vector<16xf32>,
              tpu.vector_store %arg13[%swap3A_488, %swap3A_489], %mul3A_483 {strides = array<i32>} : memref<16x64xf32, #tpu.memory_space<vmem>>, vector<16xf32>,
              %mul3A_491 = arith.constant 8 : i32
              %mul3A_492 = arith.muli %scan3A_294, %mul3A_491 : i32
              %add3A_493 = arith.constant 2 : i32
              %add3A_494 = arith.addi %mul3A_492, %add3A_493 : i32
              %get3A_495 = arith.index_cast %add3A_494 : i32 to index
              %get3A_496 = arith.constant 16 : index
              %get3A_497 = tpu.vector_load %arg13[%get3A_495, %get3A_496] {strides = array<i32>} : memref<16x64xf32, #tpu.memory_space<vmem>>, vector<16xf32>,
              %mul3A_498 = arith.constant 8 : i32
              %mul3A_499 = arith.muli %scan3A_294, %mul3A_498 : i32
              %add3A_500 = arith.constant 2 : i32
              %add3A_501 = arith.addi %mul3A_499, %add3A_500 : i32
              %get3A_502 = arith.index_cast %add3A_501 : i32 to index
              %get3A_503 = arith.constant 16 : index
              %get3A_504 = tpu.vector_load %arg14[%get3A_502, %get3A_503] {strides = array<i32>} : memref<16x64xf32, #tpu.memory_space<vmem>>, vector<16xf32>,
              %mul3A_505 = arith.mulf %get3A_497, %get3A_504 : vector<16xf32>
              %mul3A_506 = arith.constant 8 : i32
              %mul3A_507 = arith.muli %scan3A_294, %mul3A_506 : i32
              %add3A_508 = arith.constant 2 : i32
              %add3A_509 = arith.addi %mul3A_507, %add3A_508 : i32
              %swap3A_510 = arith.index_cast %add3A_509 : i32 to index
              %swap3A_511 = arith.constant 16 : index
              %swap3A_512 = tpu.vector_load %arg13[%swap3A_510, %swap3A_511] {strides = array<i32>} : memref<16x64xf32, #tpu.memory_space<vmem>>, vector<16xf32>,
              tpu.vector_store %arg13[%swap3A_510, %swap3A_511], %mul3A_505 {strides = array<i32>} : memref<16x64xf32, #tpu.memory_space<vmem>>, vector<16xf32>,
              %mul3A_513 = arith.constant 8 : i32
              %mul3A_514 = arith.muli %scan3A_294, %mul3A_513 : i32
              %add3A_515 = arith.constant 2 : i32
              %add3A_516 = arith.addi %mul3A_514, %add3A_515 : i32
              %get3A_517 = arith.index_cast %add3A_516 : i32 to index
              %get3A_518 = arith.constant 32 : index
              %get3A_519 = tpu.vector_load %arg13[%get3A_517, %get3A_518] {strides = array<i32>} : memref<16x64xf32, #tpu.memory_space<vmem>>, vector<16xf32>,
              %mul3A_520 = arith.constant 8 : i32
              %mul3A_521 = arith.muli %scan3A_294, %mul3A_520 : i32
              %add3A_522 = arith.constant 2 : i32
              %add3A_523 = arith.addi %mul3A_521, %add3A_522 : i32
              %get3A_524 = arith.index_cast %add3A_523 : i32 to index
              %get3A_525 = arith.constant 32 : index
              %get3A_526 = tpu.vector_load %arg14[%get3A_524, %get3A_525] {strides = array<i32>} : memref<16x64xf32, #tpu.memory_space<vmem>>, vector<16xf32>,
              %mul3A_527 = arith.mulf %get3A_519, %get3A_526 : vector<16xf32>
              %mul3A_528 = arith.constant 8 : i32
              %mul3A_529 = arith.muli %scan3A_294, %mul3A_528 : i32
              %add3A_530 = arith.constant 2 : i32
              %add3A_531 = arith.addi %mul3A_529, %add3A_530 : i32
              %swap3A_532 = arith.index_cast %add3A_531 : i32 to index
              %swap3A_533 = arith.constant 32 : index
              %swap3A_534 = tpu.vector_load %arg13[%swap3A_532, %swap3A_533] {strides = array<i32>} : memref<16x64xf32, #tpu.memory_space<vmem>>, vector<16xf32>,
              tpu.vector_store %arg13[%swap3A_532, %swap3A_533], %mul3A_527 {strides = array<i32>} : memref<16x64xf32, #tpu.memory_space<vmem>>, vector<16xf32>,
              %mul3A_535 = arith.constant 8 : i32
              %mul3A_536 = arith.muli %scan3A_294, %mul3A_535 : i32
              %add3A_537 = arith.constant 2 : i32
              %add3A_538 = arith.addi %mul3A_536, %add3A_537 : i32
              %get3A_539 = arith.index_cast %add3A_538 : i32 to index
              %get3A_540 = arith.constant 48 : index
              %get3A_541 = tpu.vector_load %arg13[%get3A_539, %get3A_540] {strides = array<i32>} : memref<16x64xf32, #tpu.memory_space<vmem>>, vector<16xf32>,
              %mul3A_542 = arith.constant 8 : i32
              %mul3A_543 = arith.muli %scan3A_294, %mul3A_542 : i32
              %add3A_544 = arith.constant 2 : i32
              %add3A_545 = arith.addi %mul3A_543, %add3A_544 : i32
              %get3A_546 = arith.index_cast %add3A_545 : i32 to index
              %get3A_547 = arith.constant 48 : index
              %get3A_548 = tpu.vector_load %arg14[%get3A_546, %get3A_547] {strides = array<i32>} : memref<16x64xf32, #tpu.memory_space<vmem>>, vector<16xf32>,
              %mul3A_549 = arith.mulf %get3A_541, %get3A_548 : vector<16xf32>
              %mul3A_550 = arith.constant 8 : i32
              %mul3A_551 = arith.muli %scan3A_294, %mul3A_550 : i32
              %add3A_552 = arith.constant 2 : i32
              %add3A_553 = arith.addi %mul3A_551, %add3A_552 : i32
              %swap3A_554 = arith.index_cast %add3A_553 : i32 to index
              %swap3A_555 = arith.constant 48 : index
              %swap3A_556 = tpu.vector_load %arg13[%swap3A_554, %swap3A_555] {strides = array<i32>} : memref<16x64xf32, #tpu.memory_space<vmem>>, vector<16xf32>,
              tpu.vector_store %arg13[%swap3A_554, %swap3A_555], %mul3A_549 {strides = array<i32>} : memref<16x64xf32, #tpu.memory_space<vmem>>, vector<16xf32>,
              %mul3A_557 = arith.constant 8 : i32
              %mul3A_558 = arith.muli %scan3A_294, %mul3A_557 : i32
              %add3A_559 = arith.constant 3 : i32
              %add3A_560 = arith.addi %mul3A_558, %add3A_559 : i32
              %get3A_561 = arith.index_cast %add3A_560 : i32 to index
              %get3A_562 = arith.constant 0 : index
              %get3A_563 = tpu.vector_load %arg13[%get3A_561, %get3A_562] {strides = array<i32>} : memref<16x64xf32, #tpu.memory_space<vmem>>, vector<16xf32>,
              %mul3A_564 = arith.constant 8 : i32
              %mul3A_565 = arith.muli %scan3A_294, %mul3A_564 : i32
              %add3A_566 = arith.constant 3 : i32
              %add3A_567 = arith.addi %mul3A_565, %add3A_566 : i32
              %get3A_568 = arith.index_cast %add3A_567 : i32 to index
              %get3A_569 = arith.constant 0 : index
              %get3A_570 = tpu.vector_load %arg14[%get3A_568, %get3A_569] {strides = array<i32>} : memref<16x64xf32, #tpu.memory_space<vmem>>, vector<16xf32>,
              %mul3A_571 = arith.mulf %get3A_563, %get3A_570 : vector<16xf32>
              %mul3A_572 = arith.constant 8 : i32
              %mul3A_573 = arith.muli %scan3A_294, %mul3A_572 : i32
              %add3A_574 = arith.constant 3 : i32
              %add3A_575 = arith.addi %mul3A_573, %add3A_574 : i32
              %swap3A_576 = arith.index_cast %add3A_575 : i32 to index
              %swap3A_577 = arith.constant 0 : index
              %swap3A_578 = tpu.vector_load %arg13[%swap3A_576, %swap3A_577] {strides = array<i32>} : memref<16x64xf32, #tpu.memory_space<vmem>>, vector<16xf32>,
              tpu.vector_store %arg13[%swap3A_576, %swap3A_577], %mul3A_571 {strides = array<i32>} : memref<16x64xf32, #tpu.memory_space<vmem>>, vector<16xf32>,
              %mul3A_579 = arith.constant 8 : i32
              %mul3A_580 = arith.muli %scan3A_294, %mul3A_579 : i32
              %add3A_581 = arith.constant 3 : i32
              %add3A_582 = arith.addi %mul3A_580, %add3A_581 : i32
              %get3A_583 = arith.index_cast %add3A_582 : i32 to index
              %get3A_584 = arith.constant 16 : index
              %get3A_585 = tpu.vector_load %arg13[%get3A_583, %get3A_584] {strides = array<i32>} : memref<16x64xf32, #tpu.memory_space<vmem>>, vector<16xf32>,
              %mul3A_586 = arith.constant 8 : i32
              %mul3A_587 = arith.muli %scan3A_294, %mul3A_586 : i32
              %add3A_588 = arith.constant 3 : i32
              %add3A_589 = arith.addi %mul3A_587, %add3A_588 : i32
              %get3A_590 = arith.index_cast %add3A_589 : i32 to index
              %get3A_591 = arith.constant 16 : index
              %get3A_592 = tpu.vector_load %arg14[%get3A_590, %get3A_591] {strides = array<i32>} : memref<16x64xf32, #tpu.memory_space<vmem>>, vector<16xf32>,
              %mul3A_593 = arith.mulf %get3A_585, %get3A_592 : vector<16xf32>
              %mul3A_594 = arith.constant 8 : i32
              %mul3A_595 = arith.muli %scan3A_294, %mul3A_594 : i32
              %add3A_596 = arith.constant 3 : i32
              %add3A_597 = arith.addi %mul3A_595, %add3A_596 : i32
              %swap3A_598 = arith.index_cast %add3A_597 : i32 to index
              %swap3A_599 = arith.constant 16 : index
              %swap3A_600 = tpu.vector_load %arg13[%swap3A_598, %swap3A_599] {strides = array<i32>} : memref<16x64xf32, #tpu.memory_space<vmem>>, vector<16xf32>,
              tpu.vector_store %arg13[%swap3A_598, %swap3A_599], %mul3A_593 {strides = array<i32>} : memref<16x64xf32, #tpu.memory_space<vmem>>, vector<16xf32>,
              %mul3A_601 = arith.constant 8 : i32
              %mul3A_602 = arith.muli %scan3A_294, %mul3A_601 : i32
              %add3A_603 = arith.constant 3 : i32
              %add3A_604 = arith.addi %mul3A_602, %add3A_603 : i32
              %get3A_605 = arith.index_cast %add3A_604 : i32 to index
              %get3A_606 = arith.constant 32 : index
              %get3A_607 = tpu.vector_load %arg13[%get3A_605, %get3A_606] {strides = array<i32>} : memref<16x64xf32, #tpu.memory_space<vmem>>, vector<16xf32>,
              %mul3A_608 = arith.constant 8 : i32
              %mul3A_609 = arith.muli %scan3A_294, %mul3A_608 : i32
              %add3A_610 = arith.constant 3 : i32
              %add3A_611 = arith.addi %mul3A_609, %add3A_610 : i32
              %get3A_612 = arith.index_cast %add3A_611 : i32 to index
              %get3A_613 = arith.constant 32 : index
              %get3A_614 = tpu.vector_load %arg14[%get3A_612, %get3A_613] {strides = array<i32>} : memref<16x64xf32, #tpu.memory_space<vmem>>, vector<16xf32>,
              %mul3A_615 = arith.mulf %get3A_607, %get3A_614 : vector<16xf32>
              %mul3A_616 = arith.constant 8 : i32
              %mul3A_617 = arith.muli %scan3A_294, %mul3A_616 : i32
              %add3A_618 = arith.constant 3 : i32
              %add3A_619 = arith.addi %mul3A_617, %add3A_618 : i32
              %swap3A_620 = arith.index_cast %add3A_619 : i32 to index
              %swap3A_621 = arith.constant 32 : index
              %swap3A_622 = tpu.vector_load %arg13[%swap3A_620, %swap3A_621] {strides = array<i32>} : memref<16x64xf32, #tpu.memory_space<vmem>>, vector<16xf32>,
              tpu.vector_store %arg13[%swap3A_620, %swap3A_621], %mul3A_615 {strides = array<i32>} : memref<16x64xf32, #tpu.memory_space<vmem>>, vector<16xf32>,
              %mul3A_623 = arith.constant 8 : i32
              %mul3A_624 = arith.muli %scan3A_294, %mul3A_623 : i32
              %add3A_625 = arith.constant 3 : i32
              %add3A_626 = arith.addi %mul3A_624, %add3A_625 : i32
              %get3A_627 = arith.index_cast %add3A_626 : i32 to index
              %get3A_628 = arith.constant 48 : index
              %get3A_629 = tpu.vector_load %arg13[%get3A_627, %get3A_628] {strides = array<i32>} : memref<16x64xf32, #tpu.memory_space<vmem>>, vector<16xf32>,
              %mul3A_630 = arith.constant 8 : i32
              %mul3A_631 = arith.muli %scan3A_294, %mul3A_630 : i32
              %add3A_632 = arith.constant 3 : i32
              %add3A_633 = arith.addi %mul3A_631, %add3A_632 : i32
              %get3A_634 = arith.index_cast %add3A_633 : i32 to index
              %get3A_635 = arith.constant 48 : index
              %get3A_636 = tpu.vector_load %arg14[%get3A_634, %get3A_635] {strides = array<i32>} : memref<16x64xf32, #tpu.memory_space<vmem>>, vector<16xf32>,
              %mul3A_637 = arith.mulf %get3A_629, %get3A_636 : vector<16xf32>
              %mul3A_638 = arith.constant 8 : i32
              %mul3A_639 = arith.muli %scan3A_294, %mul3A_638 : i32
              %add3A_640 = arith.constant 3 : i32
              %add3A_641 = arith.addi %mul3A_639, %add3A_640 : i32
              %swap3A_642 = arith.index_cast %add3A_641 : i32 to index
              %swap3A_643 = arith.constant 48 : index
              %swap3A_644 = tpu.vector_load %arg13[%swap3A_642, %swap3A_643] {strides = array<i32>} : memref<16x64xf32, #tpu.memory_space<vmem>>, vector<16xf32>,
              tpu.vector_store %arg13[%swap3A_642, %swap3A_643], %mul3A_637 {strides = array<i32>} : memref<16x64xf32, #tpu.memory_space<vmem>>, vector<16xf32>,
              %mul3A_645 = arith.constant 8 : i32
              %mul3A_646 = arith.muli %scan3A_294, %mul3A_645 : i32
              %add3A_647 = arith.constant 4 : i32
              %add3A_648 = arith.addi %mul3A_646, %add3A_647 : i32
              %get3A_649 = arith.index_cast %add3A_648 : i32 to index
              %get3A_650 = arith.constant 0 : index
              %get3A_651 = tpu.vector_load %arg13[%get3A_649, %get3A_650] {strides = array<i32>} : memref<16x64xf32, #tpu.memory_space<vmem>>, vector<16xf32>,
              %mul3A_652 = arith.constant 8 : i32
              %mul3A_653 = arith.muli %scan3A_294, %mul3A_652 : i32
              %add3A_654 = arith.constant 4 : i32
              %add3A_655 = arith.addi %mul3A_653, %add3A_654 : i32
              %get3A_656 = arith.index_cast %add3A_655 : i32 to index
              %get3A_657 = arith.constant 0 : index
              %get3A_658 = tpu.vector_load %arg14[%get3A_656, %get3A_657] {strides = array<i32>} : memref<16x64xf32, #tpu.memory_space<vmem>>, vector<16xf32>,
              %mul3A_659 = arith.mulf %get3A_651, %get3A_658 : vector<16xf32>
              %mul3A_660 = arith.constant 8 : i32
              %mul3A_661 = arith.muli %scan3A_294, %mul3A_660 : i32
              %add3A_662 = arith.constant 4 : i32
              %add3A_663 = arith.addi %mul3A_661, %add3A_662 : i32
              %swap3A_664 = arith.index_cast %add3A_663 : i32 to index
              %swap3A_665 = arith.constant 0 : index
              %swap3A_666 = tpu.vector_load %arg13[%swap3A_664, %swap3A_665] {strides = array<i32>} : memref<16x64xf32, #tpu.memory_space<vmem>>, vector<16xf32>,
              tpu.vector_store %arg13[%swap3A_664, %swap3A_665], %mul3A_659 {strides = array<i32>} : memref<16x64xf32, #tpu.memory_space<vmem>>, vector<16xf32>,
              %mul3A_667 = arith.constant 8 : i32
              %mul3A_668 = arith.muli %scan3A_294, %mul3A_667 : i32
              %add3A_669 = arith.constant 4 : i32
              %add3A_670 = arith.addi %mul3A_668, %add3A_669 : i32
              %get3A_671 = arith.index_cast %add3A_670 : i32 to index
              %get3A_672 = arith.constant 16 : index
              %get3A_673 = tpu.vector_load %arg13[%get3A_671, %get3A_672] {strides = array<i32>} : memref<16x64xf32, #tpu.memory_space<vmem>>, vector<16xf32>,
              %mul3A_674 = arith.constant 8 : i32
              %mul3A_675 = arith.muli %scan3A_294, %mul3A_674 : i32
              %add3A_676 = arith.constant 4 : i32
              %add3A_677 = arith.addi %mul3A_675, %add3A_676 : i32
              %get3A_678 = arith.index_cast %add3A_677 : i32 to index
              %get3A_679 = arith.constant 16 : index
              %get3A_680 = tpu.vector_load %arg14[%get3A_678, %get3A_679] {strides = array<i32>} : memref<16x64xf32, #tpu.memory_space<vmem>>, vector<16xf32>,
              %mul3A_681 = arith.mulf %get3A_673, %get3A_680 : vector<16xf32>
              %mul3A_682 = arith.constant 8 : i32
              %mul3A_683 = arith.muli %scan3A_294, %mul3A_682 : i32
              %add3A_684 = arith.constant 4 : i32
              %add3A_685 = arith.addi %mul3A_683, %add3A_684 : i32
              %swap3A_686 = arith.index_cast %add3A_685 : i32 to index
              %swap3A_687 = arith.constant 16 : index
              %swap3A_688 = tpu.vector_load %arg13[%swap3A_686, %swap3A_687] {strides = array<i32>} : memref<16x64xf32, #tpu.memory_space<vmem>>, vector<16xf32>,
              tpu.vector_store %arg13[%swap3A_686, %swap3A_687], %mul3A_681 {strides = array<i32>} : memref<16x64xf32, #tpu.memory_space<vmem>>, vector<16xf32>,
              %mul3A_689 = arith.constant 8 : i32
              %mul3A_690 = arith.muli %scan3A_294, %mul3A_689 : i32
              %add3A_691 = arith.constant 4 : i32
              %add3A_692 = arith.addi %mul3A_690, %add3A_691 : i32
              %get3A_693 = arith.index_cast %add3A_692 : i32 to index
              %get3A_694 = arith.constant 32 : index
              %get3A_695 = tpu.vector_load %arg13[%get3A_693, %get3A_694] {strides = array<i32>} : memref<16x64xf32, #tpu.memory_space<vmem>>, vector<16xf32>,
              %mul3A_696 = arith.constant 8 : i32
              %mul3A_697 = arith.muli %scan3A_294, %mul3A_696 : i32
              %add3A_698 = arith.constant 4 : i32
              %add3A_699 = arith.addi %mul3A_697, %add3A_698 : i32
              %get3A_700 = arith.index_cast %add3A_699 : i32 to index
              %get3A_701 = arith.constant 32 : index
              %get3A_702 = tpu.vector_load %arg14[%get3A_700, %get3A_701] {strides = array<i32>} : memref<16x64xf32, #tpu.memory_space<vmem>>, vector<16xf32>,
              %mul3A_703 = arith.mulf %get3A_695, %get3A_702 : vector<16xf32>
              %mul3A_704 = arith.constant 8 : i32
              %mul3A_705 = arith.muli %scan3A_294, %mul3A_704 : i32
              %add3A_706 = arith.constant 4 : i32
              %add3A_707 = arith.addi %mul3A_705, %add3A_706 : i32
              %swap3A_708 = arith.index_cast %add3A_707 : i32 to index
              %swap3A_709 = arith.constant 32 : index
              %swap3A_710 = tpu.vector_load %arg13[%swap3A_708, %swap3A_709] {strides = array<i32>} : memref<16x64xf32, #tpu.memory_space<vmem>>, vector<16xf32>,
              tpu.vector_store %arg13[%swap3A_708, %swap3A_709], %mul3A_703 {strides = array<i32>} : memref<16x64xf32, #tpu.memory_space<vmem>>, vector<16xf32>,
              %mul3A_711 = arith.constant 8 : i32
              %mul3A_712 = arith.muli %scan3A_294, %mul3A_711 : i32
              %add3A_713 = arith.constant 4 : i32
              %add3A_714 = arith.addi %mul3A_712, %add3A_713 : i32
              %get3A_715 = arith.index_cast %add3A_714 : i32 to index
              %get3A_716 = arith.constant 48 : index
              %get3A_717 = tpu.vector_load %arg13[%get3A_715, %get3A_716] {strides = array<i32>} : memref<16x64xf32, #tpu.memory_space<vmem>>, vector<16xf32>,
              %mul3A_718 = arith.constant 8 : i32
              %mul3A_719 = arith.muli %scan3A_294, %mul3A_718 : i32
              %add3A_720 = arith.constant 4 : i32
              %add3A_721 = arith.addi %mul3A_719, %add3A_720 : i32
              %get3A_722 = arith.index_cast %add3A_721 : i32 to index
              %get3A_723 = arith.constant 48 : index
              %get3A_724 = tpu.vector_load %arg14[%get3A_722, %get3A_723] {strides = array<i32>} : memref<16x64xf32, #tpu.memory_space<vmem>>, vector<16xf32>,
              %mul3A_725 = arith.mulf %get3A_717, %get3A_724 : vector<16xf32>
              %mul3A_726 = arith.constant 8 : i32
              %mul3A_727 = arith.muli %scan3A_294, %mul3A_726 : i32
              %add3A_728 = arith.constant 4 : i32
              %add3A_729 = arith.addi %mul3A_727, %add3A_728 : i32
              %swap3A_730 = arith.index_cast %add3A_729 : i32 to index
              %swap3A_731 = arith.constant 48 : index
              %swap3A_732 = tpu.vector_load %arg13[%swap3A_730, %swap3A_731] {strides = array<i32>} : memref<16x64xf32, #tpu.memory_space<vmem>>, vector<16xf32>,
              tpu.vector_store %arg13[%swap3A_730, %swap3A_731], %mul3A_725 {strides = array<i32>} : memref<16x64xf32, #tpu.memory_space<vmem>>, vector<16xf32>,
              %mul3A_733 = arith.constant 8 : i32
              %mul3A_734 = arith.muli %scan3A_294, %mul3A_733 : i32
              %add3A_735 = arith.constant 5 : i32
              %add3A_736 = arith.addi %mul3A_734, %add3A_735 : i32
              %get3A_737 = arith.index_cast %add3A_736 : i32 to index
              %get3A_738 = arith.constant 0 : index
              %get3A_739 = tpu.vector_load %arg13[%get3A_737, %get3A_738] {strides = array<i32>} : memref<16x64xf32, #tpu.memory_space<vmem>>, vector<16xf32>,
              %mul3A_740 = arith.constant 8 : i32
              %mul3A_741 = arith.muli %scan3A_294, %mul3A_740 : i32
              %add3A_742 = arith.constant 5 : i32
              %add3A_743 = arith.addi %mul3A_741, %add3A_742 : i32
              %get3A_744 = arith.index_cast %add3A_743 : i32 to index
              %get3A_745 = arith.constant 0 : index
              %get3A_746 = tpu.vector_load %arg14[%get3A_744, %get3A_745] {strides = array<i32>} : memref<16x64xf32, #tpu.memory_space<vmem>>, vector<16xf32>,
              %mul3A_747 = arith.mulf %get3A_739, %get3A_746 : vector<16xf32>
              %mul3A_748 = arith.constant 8 : i32
              %mul3A_749 = arith.muli %scan3A_294, %mul3A_748 : i32
              %add3A_750 = arith.constant 5 : i32
              %add3A_751 = arith.addi %mul3A_749, %add3A_750 : i32
              %swap3A_752 = arith.index_cast %add3A_751 : i32 to index
              %swap3A_753 = arith.constant 0 : index
              %swap3A_754 = tpu.vector_load %arg13[%swap3A_752, %swap3A_753] {strides = array<i32>} : memref<16x64xf32, #tpu.memory_space<vmem>>, vector<16xf32>,
              tpu.vector_store %arg13[%swap3A_752, %swap3A_753], %mul3A_747 {strides = array<i32>} : memref<16x64xf32, #tpu.memory_space<vmem>>, vector<16xf32>,
              %mul3A_755 = arith.constant 8 : i32
              %mul3A_756 = arith.muli %scan3A_294, %mul3A_755 : i32
              %add3A_757 = arith.constant 5 : i32
              %add3A_758 = arith.addi %mul3A_756, %add3A_757 : i32
              %get3A_759 = arith.index_cast %add3A_758 : i32 to index
              %get3A_760 = arith.constant 16 : index
              %get3A_761 = tpu.vector_load %arg13[%get3A_759, %get3A_760] {strides = array<i32>} : memref<16x64xf32, #tpu.memory_space<vmem>>, vector<16xf32>,
              %mul3A_762 = arith.constant 8 : i32
              %mul3A_763 = arith.muli %scan3A_294, %mul3A_762 : i32
              %add3A_764 = arith.constant 5 : i32
              %add3A_765 = arith.addi %mul3A_763, %add3A_764 : i32
              %get3A_766 = arith.index_cast %add3A_765 : i32 to index
              %get3A_767 = arith.constant 16 : index
              %get3A_768 = tpu.vector_load %arg14[%get3A_766, %get3A_767] {strides = array<i32>} : memref<16x64xf32, #tpu.memory_space<vmem>>, vector<16xf32>,
              %mul3A_769 = arith.mulf %get3A_761, %get3A_768 : vector<16xf32>
              %mul3A_770 = arith.constant 8 : i32
              %mul3A_771 = arith.muli %scan3A_294, %mul3A_770 : i32
              %add3A_772 = arith.constant 5 : i32
              %add3A_773 = arith.addi %mul3A_771, %add3A_772 : i32
              %swap3A_774 = arith.index_cast %add3A_773 : i32 to index
              %swap3A_775 = arith.constant 16 : index
              %swap3A_776 = tpu.vector_load %arg13[%swap3A_774, %swap3A_775] {strides = array<i32>} : memref<16x64xf32, #tpu.memory_space<vmem>>, vector<16xf32>,
              tpu.vector_store %arg13[%swap3A_774, %swap3A_775], %mul3A_769 {strides = array<i32>} : memref<16x64xf32, #tpu.memory_space<vmem>>, vector<16xf32>,
              %mul3A_777 = arith.constant 8 : i32
              %mul3A_778 = arith.muli %scan3A_294, %mul3A_777 : i32
              %add3A_779 = arith.constant 5 : i32
              %add3A_780 = arith.addi %mul3A_778, %add3A_779 : i32
              %get3A_781 = arith.index_cast %add3A_780 : i32 to index
              %get3A_782 = arith.constant 32 : index
              %get3A_783 = tpu.vector_load %arg13[%get3A_781, %get3A_782] {strides = array<i32>} : memref<16x64xf32, #tpu.memory_space<vmem>>, vector<16xf32>,
              %mul3A_784 = arith.constant 8 : i32
              %mul3A_785 = arith.muli %scan3A_294, %mul3A_784 : i32
              %add3A_786 = arith.constant 5 : i32
              %add3A_787 = arith.addi %mul3A_785, %add3A_786 : i32
              %get3A_788 = arith.index_cast %add3A_787 : i32 to index
              %get3A_789 = arith.constant 32 : index
              %get3A_790 = tpu.vector_load %arg14[%get3A_788, %get3A_789] {strides = array<i32>} : memref<16x64xf32, #tpu.memory_space<vmem>>, vector<16xf32>,
              %mul3A_791 = arith.mulf %get3A_783, %get3A_790 : vector<16xf32>
              %mul3A_792 = arith.constant 8 : i32
              %mul3A_793 = arith.muli %scan3A_294, %mul3A_792 : i32
              %add3A_794 = arith.constant 5 : i32
              %add3A_795 = arith.addi %mul3A_793, %add3A_794 : i32
              %swap3A_796 = arith.index_cast %add3A_795 : i32 to index
              %swap3A_797 = arith.constant 32 : index
              %swap3A_798 = tpu.vector_load %arg13[%swap3A_796, %swap3A_797] {strides = array<i32>} : memref<16x64xf32, #tpu.memory_space<vmem>>, vector<16xf32>,
              tpu.vector_store %arg13[%swap3A_796, %swap3A_797], %mul3A_791 {strides = array<i32>} : memref<16x64xf32, #tpu.memory_space<vmem>>, vector<16xf32>,
              %mul3A_799 = arith.constant 8 : i32
              %mul3A_800 = arith.muli %scan3A_294, %mul3A_799 : i32
              %add3A_801 = arith.constant 5 : i32
              %add3A_802 = arith.addi %mul3A_800, %add3A_801 : i32
              %get3A_803 = arith.index_cast %add3A_802 : i32 to index
              %get3A_804 = arith.constant 48 : index
              %get3A_805 = tpu.vector_load %arg13[%get3A_803, %get3A_804] {strides = array<i32>} : memref<16x64xf32, #tpu.memory_space<vmem>>, vector<16xf32>,
              %mul3A_806 = arith.constant 8 : i32
              %mul3A_807 = arith.muli %scan3A_294, %mul3A_806 : i32
              %add3A_808 = arith.constant 5 : i32
              %add3A_809 = arith.addi %mul3A_807, %add3A_808 : i32
              %get3A_810 = arith.index_cast %add3A_809 : i32 to index
              %get3A_811 = arith.constant 48 : index
              %get3A_812 = tpu.vector_load %arg14[%get3A_810, %get3A_811] {strides = array<i32>} : memref<16x64xf32, #tpu.memory_space<vmem>>, vector<16xf32>,
              %mul3A_813 = arith.mulf %get3A_805, %get3A_812 : vector<16xf32>
              %mul3A_814 = arith.constant 8 : i32
              %mul3A_815 = arith.muli %scan3A_294, %mul3A_814 : i32
              %add3A_816 = arith.constant 5 : i32
              %add3A_817 = arith.addi %mul3A_815, %add3A_816 : i32
              %swap3A_818 = arith.index_cast %add3A_817 : i32 to index
              %swap3A_819 = arith.constant 48 : index
              %swap3A_820 = tpu.vector_load %arg13[%swap3A_818, %swap3A_819] {strides = array<i32>} : memref<16x64xf32, #tpu.memory_space<vmem>>, vector<16xf32>,
              tpu.vector_store %arg13[%swap3A_818, %swap3A_819], %mul3A_813 {strides = array<i32>} : memref<16x64xf32, #tpu.memory_space<vmem>>, vector<16xf32>,
              %mul3A_821 = arith.constant 8 : i32
              %mul3A_822 = arith.muli %scan3A_294, %mul3A_821 : i32
              %add3A_823 = arith.constant 6 : i32
              %add3A_824 = arith.addi %mul3A_822, %add3A_823 : i32
              %get3A_825 = arith.index_cast %add3A_824 : i32 to index
              %get3A_826 = arith.constant 0 : index
              %get3A_827 = tpu.vector_load %arg13[%get3A_825, %get3A_826] {strides = array<i32>} : memref<16x64xf32, #tpu.memory_space<vmem>>, vector<16xf32>,
              %mul3A_828 = arith.constant 8 : i32
              %mul3A_829 = arith.muli %scan3A_294, %mul3A_828 : i32
              %add3A_830 = arith.constant 6 : i32
              %add3A_831 = arith.addi %mul3A_829, %add3A_830 : i32
              %get3A_832 = arith.index_cast %add3A_831 : i32 to index
              %get3A_833 = arith.constant 0 : index
              %get3A_834 = tpu.vector_load %arg14[%get3A_832, %get3A_833] {strides = array<i32>} : memref<16x64xf32, #tpu.memory_space<vmem>>, vector<16xf32>,
              %mul3A_835 = arith.mulf %get3A_827, %get3A_834 : vector<16xf32>
              %mul3A_836 = arith.constant 8 : i32
              %mul3A_837 = arith.muli %scan3A_294, %mul3A_836 : i32
              %add3A_838 = arith.constant 6 : i32
              %add3A_839 = arith.addi %mul3A_837, %add3A_838 : i32
              %swap3A_840 = arith.index_cast %add3A_839 : i32 to index
              %swap3A_841 = arith.constant 0 : index
              %swap3A_842 = tpu.vector_load %arg13[%swap3A_840, %swap3A_841] {strides = array<i32>} : memref<16x64xf32, #tpu.memory_space<vmem>>, vector<16xf32>,
              tpu.vector_store %arg13[%swap3A_840, %swap3A_841], %mul3A_835 {strides = array<i32>} : memref<16x64xf32, #tpu.memory_space<vmem>>, vector<16xf32>,
              %mul3A_843 = arith.constant 8 : i32
              %mul3A_844 = arith.muli %scan3A_294, %mul3A_843 : i32
              %add3A_845 = arith.constant 6 : i32
              %add3A_846 = arith.addi %mul3A_844, %add3A_845 : i32
              %get3A_847 = arith.index_cast %add3A_846 : i32 to index
              %get3A_848 = arith.constant 16 : index
              %get3A_849 = tpu.vector_load %arg13[%get3A_847, %get3A_848] {strides = array<i32>} : memref<16x64xf32, #tpu.memory_space<vmem>>, vector<16xf32>,
              %mul3A_850 = arith.constant 8 : i32
              %mul3A_851 = arith.muli %scan3A_294, %mul3A_850 : i32
              %add3A_852 = arith.constant 6 : i32
              %add3A_853 = arith.addi %mul3A_851, %add3A_852 : i32
              %get3A_854 = arith.index_cast %add3A_853 : i32 to index
              %get3A_855 = arith.constant 16 : index
              %get3A_856 = tpu.vector_load %arg14[%get3A_854, %get3A_855] {strides = array<i32>} : memref<16x64xf32, #tpu.memory_space<vmem>>, vector<16xf32>,
              %mul3A_857 = arith.mulf %get3A_849, %get3A_856 : vector<16xf32>
              %mul3A_858 = arith.constant 8 : i32
              %mul3A_859 = arith.muli %scan3A_294, %mul3A_858 : i32
              %add3A_860 = arith.constant 6 : i32
              %add3A_861 = arith.addi %mul3A_859, %add3A_860 : i32
              %swap3A_862 = arith.index_cast %add3A_861 : i32 to index
              %swap3A_863 = arith.constant 16 : index
              %swap3A_864 = tpu.vector_load %arg13[%swap3A_862, %swap3A_863] {strides = array<i32>} : memref<16x64xf32, #tpu.memory_space<vmem>>, vector<16xf32>,
              tpu.vector_store %arg13[%swap3A_862, %swap3A_863], %mul3A_857 {strides = array<i32>} : memref<16x64xf32, #tpu.memory_space<vmem>>, vector<16xf32>,
              %mul3A_865 = arith.constant 8 : i32
              %mul3A_866 = arith.muli %scan3A_294, %mul3A_865 : i32
              %add3A_867 = arith.constant 6 : i32
              %add3A_868 = arith.addi %mul3A_866, %add3A_867 : i32
              %get3A_869 = arith.index_cast %add3A_868 : i32 to index
              %get3A_870 = arith.constant 32 : index
              %get3A_871 = tpu.vector_load %arg13[%get3A_869, %get3A_870] {strides = array<i32>} : memref<16x64xf32, #tpu.memory_space<vmem>>, vector<16xf32>,
              %mul3A_872 = arith.constant 8 : i32
              %mul3A_873 = arith.muli %scan3A_294, %mul3A_872 : i32
              %add3A_874 = arith.constant 6 : i32
              %add3A_875 = arith.addi %mul3A_873, %add3A_874 : i32
              %get3A_876 = arith.index_cast %add3A_875 : i32 to index
              %get3A_877 = arith.constant 32 : index
              %get3A_878 = tpu.vector_load %arg14[%get3A_876, %get3A_877] {strides = array<i32>} : memref<16x64xf32, #tpu.memory_space<vmem>>, vector<16xf32>,
              %mul3A_879 = arith.mulf %get3A_871, %get3A_878 : vector<16xf32>
              %mul3A_880 = arith.constant 8 : i32
              %mul3A_881 = arith.muli %scan3A_294, %mul3A_880 : i32
              %add3A_882 = arith.constant 6 : i32
              %add3A_883 = arith.addi %mul3A_881, %add3A_882 : i32
              %swap3A_884 = arith.index_cast %add3A_883 : i32 to index
              %swap3A_885 = arith.constant 32 : index
              %swap3A_886 = tpu.vector_load %arg13[%swap3A_884, %swap3A_885] {strides = array<i32>} : memref<16x64xf32, #tpu.memory_space<vmem>>, vector<16xf32>,
              tpu.vector_store %arg13[%swap3A_884, %swap3A_885], %mul3A_879 {strides = array<i32>} : memref<16x64xf32, #tpu.memory_space<vmem>>, vector<16xf32>,
              %mul3A_887 = arith.constant 8 : i32
              %mul3A_888 = arith.muli %scan3A_294, %mul3A_887 : i32
              %add3A_889 = arith.constant 6 : i32
              %add3A_890 = arith.addi %mul3A_888, %add3A_889 : i32
              %get3A_891 = arith.index_cast %add3A_890 : i32 to index
              %get3A_892 = arith.constant 48 : index
              %get3A_893 = tpu.vector_load %arg13[%get3A_891, %get3A_892] {strides = array<i32>} : memref<16x64xf32, #tpu.memory_space<vmem>>, vector<16xf32>,
              %mul3A_894 = arith.constant 8 : i32
              %mul3A_895 = arith.muli %scan3A_294, %mul3A_894 : i32
              %add3A_896 = arith.constant 6 : i32
              %add3A_897 = arith.addi %mul3A_895, %add3A_896 : i32
              %get3A_898 = arith.index_cast %add3A_897 : i32 to index
              %get3A_899 = arith.constant 48 : index
              %get3A_900 = tpu.vector_load %arg14[%get3A_898, %get3A_899] {strides = array<i32>} : memref<16x64xf32, #tpu.memory_space<vmem>>, vector<16xf32>,
              %mul3A_901 = arith.mulf %get3A_893, %get3A_900 : vector<16xf32>
              %mul3A_902 = arith.constant 8 : i32
              %mul3A_903 = arith.muli %scan3A_294, %mul3A_902 : i32
              %add3A_904 = arith.constant 6 : i32
              %add3A_905 = arith.addi %mul3A_903, %add3A_904 : i32
              %swap3A_906 = arith.index_cast %add3A_905 : i32 to index
              %swap3A_907 = arith.constant 48 : index
              %swap3A_908 = tpu.vector_load %arg13[%swap3A_906, %swap3A_907] {strides = array<i32>} : memref<16x64xf32, #tpu.memory_space<vmem>>, vector<16xf32>,
              tpu.vector_store %arg13[%swap3A_906, %swap3A_907], %mul3A_901 {strides = array<i32>} : memref<16x64xf32, #tpu.memory_space<vmem>>, vector<16xf32>,
              %mul3A_909 = arith.constant 8 : i32
              %mul3A_910 = arith.muli %scan3A_294, %mul3A_909 : i32
              %add3A_911 = arith.constant 7 : i32
              %add3A_912 = arith.addi %mul3A_910, %add3A_911 : i32
              %get3A_913 = arith.index_cast %add3A_912 : i32 to index
              %get3A_914 = arith.constant 0 : index
              %get3A_915 = tpu.vector_load %arg13[%get3A_913, %get3A_914] {strides = array<i32>} : memref<16x64xf32, #tpu.memory_space<vmem>>, vector<16xf32>,
              %mul3A_916 = arith.constant 8 : i32
              %mul3A_917 = arith.muli %scan3A_294, %mul3A_916 : i32
              %add3A_918 = arith.constant 7 : i32
              %add3A_919 = arith.addi %mul3A_917, %add3A_918 : i32
              %get3A_920 = arith.index_cast %add3A_919 : i32 to index
              %get3A_921 = arith.constant 0 : index
              %get3A_922 = tpu.vector_load %arg14[%get3A_920, %get3A_921] {strides = array<i32>} : memref<16x64xf32, #tpu.memory_space<vmem>>, vector<16xf32>,
              %mul3A_923 = arith.mulf %get3A_915, %get3A_922 : vector<16xf32>
              %mul3A_924 = arith.constant 8 : i32
              %mul3A_925 = arith.muli %scan3A_294, %mul3A_924 : i32
              %add3A_926 = arith.constant 7 : i32
              %add3A_927 = arith.addi %mul3A_925, %add3A_926 : i32
              %swap3A_928 = arith.index_cast %add3A_927 : i32 to index
              %swap3A_929 = arith.constant 0 : index
              %swap3A_930 = tpu.vector_load %arg13[%swap3A_928, %swap3A_929] {strides = array<i32>} : memref<16x64xf32, #tpu.memory_space<vmem>>, vector<16xf32>,
              tpu.vector_store %arg13[%swap3A_928, %swap3A_929], %mul3A_923 {strides = array<i32>} : memref<16x64xf32, #tpu.memory_space<vmem>>, vector<16xf32>,
              %mul3A_931 = arith.constant 8 : i32
              %mul3A_932 = arith.muli %scan3A_294, %mul3A_931 : i32
              %add3A_933 = arith.constant 7 : i32
              %add3A_934 = arith.addi %mul3A_932, %add3A_933 : i32
              %get3A_935 = arith.index_cast %add3A_934 : i32 to index
              %get3A_936 = arith.constant 16 : index
              %get3A_937 = tpu.vector_load %arg13[%get3A_935, %get3A_936] {strides = array<i32>} : memref<16x64xf32, #tpu.memory_space<vmem>>, vector<16xf32>,
              %mul3A_938 = arith.constant 8 : i32
              %mul3A_939 = arith.muli %scan3A_294, %mul3A_938 : i32
              %add3A_940 = arith.constant 7 : i32
              %add3A_941 = arith.addi %mul3A_939, %add3A_940 : i32
              %get3A_942 = arith.index_cast %add3A_941 : i32 to index
              %get3A_943 = arith.constant 16 : index
              %get3A_944 = tpu.vector_load %arg14[%get3A_942, %get3A_943] {strides = array<i32>} : memref<16x64xf32, #tpu.memory_space<vmem>>, vector<16xf32>,
              %mul3A_945 = arith.mulf %get3A_937, %get3A_944 : vector<16xf32>
              %mul3A_946 = arith.constant 8 : i32
              %mul3A_947 = arith.muli %scan3A_294, %mul3A_946 : i32
              %add3A_948 = arith.constant 7 : i32
              %add3A_949 = arith.addi %mul3A_947, %add3A_948 : i32
              %swap3A_950 = arith.index_cast %add3A_949 : i32 to index
              %swap3A_951 = arith.constant 16 : index
              %swap3A_952 = tpu.vector_load %arg13[%swap3A_950, %swap3A_951] {strides = array<i32>} : memref<16x64xf32, #tpu.memory_space<vmem>>, vector<16xf32>,
              tpu.vector_store %arg13[%swap3A_950, %swap3A_951], %mul3A_945 {strides = array<i32>} : memref<16x64xf32, #tpu.memory_space<vmem>>, vector<16xf32>,
              %mul3A_953 = arith.constant 8 : i32
              %mul3A_954 = arith.muli %scan3A_294, %mul3A_953 : i32
              %add3A_955 = arith.constant 7 : i32
              %add3A_956 = arith.addi %mul3A_954, %add3A_955 : i32
              %get3A_957 = arith.index_cast %add3A_956 : i32 to index
              %get3A_958 = arith.constant 32 : index
              %get3A_959 = tpu.vector_load %arg13[%get3A_957, %get3A_958] {strides = array<i32>} : memref<16x64xf32, #tpu.memory_space<vmem>>, vector<16xf32>,
              %mul3A_960 = arith.constant 8 : i32
              %mul3A_961 = arith.muli %scan3A_294, %mul3A_960 : i32
              %add3A_962 = arith.constant 7 : i32
              %add3A_963 = arith.addi %mul3A_961, %add3A_962 : i32
              %get3A_964 = arith.index_cast %add3A_963 : i32 to index
              %get3A_965 = arith.constant 32 : index
              %get3A_966 = tpu.vector_load %arg14[%get3A_964, %get3A_965] {strides = array<i32>} : memref<16x64xf32, #tpu.memory_space<vmem>>, vector<16xf32>,
              %mul3A_967 = arith.mulf %get3A_959, %get3A_966 : vector<16xf32>
              %mul3A_968 = arith.constant 8 : i32
              %mul3A_969 = arith.muli %scan3A_294, %mul3A_968 : i32
              %add3A_970 = arith.constant 7 : i32
              %add3A_971 = arith.addi %mul3A_969, %add3A_970 : i32
              %swap3A_972 = arith.index_cast %add3A_971 : i32 to index
              %swap3A_973 = arith.constant 32 : index
              %swap3A_974 = tpu.vector_load %arg13[%swap3A_972, %swap3A_973] {strides = array<i32>} : memref<16x64xf32, #tpu.memory_space<vmem>>, vector<16xf32>,
              tpu.vector_store %arg13[%swap3A_972, %swap3A_973], %mul3A_967 {strides = array<i32>} : memref<16x64xf32, #tpu.memory_space<vmem>>, vector<16xf32>,
              %mul3A_975 = arith.constant 8 : i32
              %mul3A_976 = arith.muli %scan3A_294, %mul3A_975 : i32
              %add3A_977 = arith.constant 7 : i32
              %add3A_978 = arith.addi %mul3A_976, %add3A_977 : i32
              %get3A_979 = arith.index_cast %add3A_978 : i32 to index
              %get3A_980 = arith.constant 48 : index
              %get3A_981 = tpu.vector_load %arg13[%get3A_979, %get3A_980] {strides = array<i32>} : memref<16x64xf32, #tpu.memory_space<vmem>>, vector<16xf32>,
              %mul3A_982 = arith.constant 8 : i32
              %mul3A_983 = arith.muli %scan3A_294, %mul3A_982 : i32
              %add3A_984 = arith.constant 7 : i32
              %add3A_985 = arith.addi %mul3A_983, %add3A_984 : i32
              %get3A_986 = arith.index_cast %add3A_985 : i32 to index
              %get3A_987 = arith.constant 48 : index
              %get3A_988 = tpu.vector_load %arg14[%get3A_986, %get3A_987] {strides = array<i32>} : memref<16x64xf32, #tpu.memory_space<vmem>>, vector<16xf32>,
              %mul3A_989 = arith.mulf %get3A_981, %get3A_988 : vector<16xf32>
              %mul3A_990 = arith.constant 8 : i32
              %mul3A_991 = arith.muli %scan3A_294, %mul3A_990 : i32
              %add3A_992 = arith.constant 7 : i32
              %add3A_993 = arith.addi %mul3A_991, %add3A_992 : i32
              %swap3A_994 = arith.index_cast %add3A_993 : i32 to index
              %swap3A_995 = arith.constant 48 : index
              %swap3A_996 = tpu.vector_load %arg13[%swap3A_994, %swap3A_995] {strides = array<i32>} : memref<16x64xf32, #tpu.memory_space<vmem>>, vector<16xf32>,
              tpu.vector_store %arg13[%swap3A_994, %swap3A_995], %mul3A_989 {strides = array<i32>} : memref<16x64xf32, #tpu.memory_space<vmem>>, vector<16xf32>,
            }
            %scan3A_279 = arith.constant 2 : i32
            "tpu.region"() ({
              %run_scoped3A = tpu.sem_alloc : memref<!tpu.dma_semaphore, #tpu.memory_space<semaphore_mem>>
              %dma_start3A_294 = tpu.memref_slice %arg12[%mul3A_243] : memref<2032xi32, #tpu.memory_space<vmem>> -> memref<16xi32, #tpu.memory_space<vmem>>
              %dma_start3A_295 = arith.constant 0 : i32
              %dma_start3A_296 = arith.constant 0 : i32
              %dma_start3A_297 = tpu.memref_slice %arg7[%dma_start3A_295, %dma_start3A_296] : memref<20008x64xf32, #tpu.memory_space<vmem_shared>> -> memref<20008x64xf32, #tpu.memory_space<vmem_shared>>
              tpu.enqueue_indirect_dma source(%arg13 : memref<16x64xf32, #tpu.memory_space<vmem>>) target(%dma_start3A_297 : memref<20008x64xf32, #tpu.memory_space<vmem_shared>>) offsets(%dma_start3A_294 : memref<16xi32, #tpu.memory_space<vmem>>) semaphore(%run_scoped3A : memref<!tpu.dma_semaphore, #tpu.memory_space<semaphore_mem>>) {add = true}
              %dma_wait3A_298 = tpu.memref_slice %arg12[%mul3A_243] : memref<2032xi32, #tpu.memory_space<vmem>> -> memref<16xi32, #tpu.memory_space<vmem>>
              %dma_wait3A_299 = arith.constant 0 : i32
              %dma_wait3A_300 = arith.constant 0 : i32
              %dma_wait3A_301 = tpu.memref_slice %arg7[%dma_wait3A_299, %dma_wait3A_300] : memref<20008x64xf32, #tpu.memory_space<vmem_shared>> -> memref<20008x64xf32, #tpu.memory_space<vmem_shared>>
              tpu.wait_indirect_dma semaphore(%run_scoped3A : memref<!tpu.dma_semaphore, #tpu.memory_space<semaphore_mem>>) src(%arg13 : memref<16x64xf32, #tpu.memory_space<vmem>>) dst(%dma_wait3A_301 : memref<20008x64xf32, #tpu.memory_space<vmem_shared>>)
              tpu.yield
            }) : () -> ()
            %dma_wait3A_280 = tpu.memref_slice %arg11[%add3A_245] : memref<2032xi32, #tpu.memory_space<vmem>> -> memref<16xi32, #tpu.memory_space<vmem>>
            %dma_wait3A_281 = arith.constant 0 : i32
            %dma_wait3A_282 = arith.constant 0 : i32
            %dma_wait3A_283 = tpu.memref_slice %arg4[%dma_wait3A_281, %dma_wait3A_282] : memref<160000x64xf32, #tpu.memory_space<hbm>> -> memref<160000x64xf32, #tpu.memory_space<hbm>>
            tpu.wait_indirect_dma semaphore(%arg20 : memref<!tpu.dma_semaphore, #tpu.memory_space<semaphore_mem>>) src(%dma_wait3A_283 : memref<160000x64xf32, #tpu.memory_space<hbm>>) dst(%arg15 : memref<16x64xf32, #tpu.memory_space<vmem>>)
            %dma_wait3A_284 = tpu.memref_slice %arg10[%add3A_245] : memref<2032xi32, #tpu.memory_space<vmem>> -> memref<16xi32, #tpu.memory_space<vmem>>
            %dma_wait3A_285 = arith.constant 0 : i32
            %dma_wait3A_286 = arith.constant 0 : i32
            %dma_wait3A_287 = tpu.memref_slice %arg5[%dma_wait3A_285, %dma_wait3A_286] : memref<480000x64xf32, #tpu.memory_space<hbm>> -> memref<480000x64xf32, #tpu.memory_space<hbm>>
            tpu.wait_indirect_dma semaphore(%arg21 : memref<!tpu.dma_semaphore, #tpu.memory_space<semaphore_mem>>) src(%dma_wait3A_287 : memref<480000x64xf32, #tpu.memory_space<hbm>>) dst(%arg16 : memref<16x64xf32, #tpu.memory_space<vmem>>)
            %scan3A_288 = arith.constant 0 : i32
            %scan3A_289 = arith.constant 0 : i32
            %scan3A_290 = arith.constant 2 : i32
            %scan3A_291 = arith.addi %scan3A_289, %scan3A_290 : i32
            %scan3A_292 = arith.constant 1 : i32
            scf.for %scan3A_294 = %scan3A_289 to %scan3A_291 step %scan3A_292  : i32 {
              %mul3A_295 = arith.constant 8 : i32
              %mul3A_296 = arith.muli %scan3A_294, %mul3A_295 : i32
              %add3A_297 = arith.constant 0 : i32
              %add3A_298 = arith.addi %mul3A_296, %add3A_297 : i32
              %get3A = arith.index_cast %add3A_298 : i32 to index
              %get3A_299 = arith.constant 0 : index
              %get3A_300 = tpu.vector_load %arg15[%get3A, %get3A_299] {strides = array<i32>} : memref<16x64xf32, #tpu.memory_space<vmem>>, vector<16xf32>,
              %mul3A_301 = arith.constant 8 : i32
              %mul3A_302 = arith.muli %scan3A_294, %mul3A_301 : i32
              %add3A_303 = arith.constant 0 : i32
              %add3A_304 = arith.addi %mul3A_302, %add3A_303 : i32
              %get3A_305 = arith.index_cast %add3A_304 : i32 to index
              %get3A_306 = arith.constant 0 : index
              %get3A_307 = tpu.vector_load %arg16[%get3A_305, %get3A_306] {strides = array<i32>} : memref<16x64xf32, #tpu.memory_space<vmem>>, vector<16xf32>,
              %mul3A_308 = arith.mulf %get3A_300, %get3A_307 : vector<16xf32>
              %mul3A_309 = arith.constant 8 : i32
              %mul3A_310 = arith.muli %scan3A_294, %mul3A_309 : i32
              %add3A_311 = arith.constant 0 : i32
              %add3A_312 = arith.addi %mul3A_310, %add3A_311 : i32
              %swap3A = arith.index_cast %add3A_312 : i32 to index
              %swap3A_313 = arith.constant 0 : index
              %swap3A_314 = tpu.vector_load %arg15[%swap3A, %swap3A_313] {strides = array<i32>} : memref<16x64xf32, #tpu.memory_space<vmem>>, vector<16xf32>,
              tpu.vector_store %arg15[%swap3A, %swap3A_313], %mul3A_308 {strides = array<i32>} : memref<16x64xf32, #tpu.memory_space<vmem>>, vector<16xf32>,
              %mul3A_315 = arith.constant 8 : i32
              %mul3A_316 = arith.muli %scan3A_294, %mul3A_315 : i32
              %add3A_317 = arith.constant 0 : i32
              %add3A_318 = arith.addi %mul3A_316, %add3A_317 : i32
              %get3A_319 = arith.index_cast %add3A_318 : i32 to index
              %get3A_320 = arith.constant 16 : index
              %get3A_321 = tpu.vector_load %arg15[%get3A_319, %get3A_320] {strides = array<i32>} : memref<16x64xf32, #tpu.memory_space<vmem>>, vector<16xf32>,
              %mul3A_322 = arith.constant 8 : i32
              %mul3A_323 = arith.muli %scan3A_294, %mul3A_322 : i32
              %add3A_324 = arith.constant 0 : i32
              %add3A_325 = arith.addi %mul3A_323, %add3A_324 : i32
              %get3A_326 = arith.index_cast %add3A_325 : i32 to index
              %get3A_327 = arith.constant 16 : index
              %get3A_328 = tpu.vector_load %arg16[%get3A_326, %get3A_327] {strides = array<i32>} : memref<16x64xf32, #tpu.memory_space<vmem>>, vector<16xf32>,
              %mul3A_329 = arith.mulf %get3A_321, %get3A_328 : vector<16xf32>
              %mul3A_330 = arith.constant 8 : i32
              %mul3A_331 = arith.muli %scan3A_294, %mul3A_330 : i32
              %add3A_332 = arith.constant 0 : i32
              %add3A_333 = arith.addi %mul3A_331, %add3A_332 : i32
              %swap3A_334 = arith.index_cast %add3A_333 : i32 to index
              %swap3A_335 = arith.constant 16 : index
              %swap3A_336 = tpu.vector_load %arg15[%swap3A_334, %swap3A_335] {strides = array<i32>} : memref<16x64xf32, #tpu.memory_space<vmem>>, vector<16xf32>,
              tpu.vector_store %arg15[%swap3A_334, %swap3A_335], %mul3A_329 {strides = array<i32>} : memref<16x64xf32, #tpu.memory_space<vmem>>, vector<16xf32>,
              %mul3A_337 = arith.constant 8 : i32
              %mul3A_338 = arith.muli %scan3A_294, %mul3A_337 : i32
              %add3A_339 = arith.constant 0 : i32
              %add3A_340 = arith.addi %mul3A_338, %add3A_339 : i32
              %get3A_341 = arith.index_cast %add3A_340 : i32 to index
              %get3A_342 = arith.constant 32 : index
              %get3A_343 = tpu.vector_load %arg15[%get3A_341, %get3A_342] {strides = array<i32>} : memref<16x64xf32, #tpu.memory_space<vmem>>, vector<16xf32>,
              %mul3A_344 = arith.constant 8 : i32
              %mul3A_345 = arith.muli %scan3A_294, %mul3A_344 : i32
              %add3A_346 = arith.constant 0 : i32
              %add3A_347 = arith.addi %mul3A_345, %add3A_346 : i32
              %get3A_348 = arith.index_cast %add3A_347 : i32 to index
              %get3A_349 = arith.constant 32 : index
              %get3A_350 = tpu.vector_load %arg16[%get3A_348, %get3A_349] {strides = array<i32>} : memref<16x64xf32, #tpu.memory_space<vmem>>, vector<16xf32>,
              %mul3A_351 = arith.mulf %get3A_343, %get3A_350 : vector<16xf32>
              %mul3A_352 = arith.constant 8 : i32
              %mul3A_353 = arith.muli %scan3A_294, %mul3A_352 : i32
              %add3A_354 = arith.constant 0 : i32
              %add3A_355 = arith.addi %mul3A_353, %add3A_354 : i32
              %swap3A_356 = arith.index_cast %add3A_355 : i32 to index
              %swap3A_357 = arith.constant 32 : index
              %swap3A_358 = tpu.vector_load %arg15[%swap3A_356, %swap3A_357] {strides = array<i32>} : memref<16x64xf32, #tpu.memory_space<vmem>>, vector<16xf32>,
              tpu.vector_store %arg15[%swap3A_356, %swap3A_357], %mul3A_351 {strides = array<i32>} : memref<16x64xf32, #tpu.memory_space<vmem>>, vector<16xf32>,
              %mul3A_359 = arith.constant 8 : i32
              %mul3A_360 = arith.muli %scan3A_294, %mul3A_359 : i32
              %add3A_361 = arith.constant 0 : i32
              %add3A_362 = arith.addi %mul3A_360, %add3A_361 : i32
              %get3A_363 = arith.index_cast %add3A_362 : i32 to index
              %get3A_364 = arith.constant 48 : index
              %get3A_365 = tpu.vector_load %arg15[%get3A_363, %get3A_364] {strides = array<i32>} : memref<16x64xf32, #tpu.memory_space<vmem>>, vector<16xf32>,
              %mul3A_366 = arith.constant 8 : i32
              %mul3A_367 = arith.muli %scan3A_294, %mul3A_366 : i32
              %add3A_368 = arith.constant 0 : i32
              %add3A_369 = arith.addi %mul3A_367, %add3A_368 : i32
              %get3A_370 = arith.index_cast %add3A_369 : i32 to index
              %get3A_371 = arith.constant 48 : index
              %get3A_372 = tpu.vector_load %arg16[%get3A_370, %get3A_371] {strides = array<i32>} : memref<16x64xf32, #tpu.memory_space<vmem>>, vector<16xf32>,
              %mul3A_373 = arith.mulf %get3A_365, %get3A_372 : vector<16xf32>
              %mul3A_374 = arith.constant 8 : i32
              %mul3A_375 = arith.muli %scan3A_294, %mul3A_374 : i32
              %add3A_376 = arith.constant 0 : i32
              %add3A_377 = arith.addi %mul3A_375, %add3A_376 : i32
              %swap3A_378 = arith.index_cast %add3A_377 : i32 to index
              %swap3A_379 = arith.constant 48 : index
              %swap3A_380 = tpu.vector_load %arg15[%swap3A_378, %swap3A_379] {strides = array<i32>} : memref<16x64xf32, #tpu.memory_space<vmem>>, vector<16xf32>,
              tpu.vector_store %arg15[%swap3A_378, %swap3A_379], %mul3A_373 {strides = array<i32>} : memref<16x64xf32, #tpu.memory_space<vmem>>, vector<16xf32>,
              %mul3A_381 = arith.constant 8 : i32
              %mul3A_382 = arith.muli %scan3A_294, %mul3A_381 : i32
              %add3A_383 = arith.constant 1 : i32
              %add3A_384 = arith.addi %mul3A_382, %add3A_383 : i32
              %get3A_385 = arith.index_cast %add3A_384 : i32 to index
              %get3A_386 = arith.constant 0 : index
              %get3A_387 = tpu.vector_load %arg15[%get3A_385, %get3A_386] {strides = array<i32>} : memref<16x64xf32, #tpu.memory_space<vmem>>, vector<16xf32>,
              %mul3A_388 = arith.constant 8 : i32
              %mul3A_389 = arith.muli %scan3A_294, %mul3A_388 : i32
              %add3A_390 = arith.constant 1 : i32
              %add3A_391 = arith.addi %mul3A_389, %add3A_390 : i32
              %get3A_392 = arith.index_cast %add3A_391 : i32 to index
              %get3A_393 = arith.constant 0 : index
              %get3A_394 = tpu.vector_load %arg16[%get3A_392, %get3A_393] {strides = array<i32>} : memref<16x64xf32, #tpu.memory_space<vmem>>, vector<16xf32>,
              %mul3A_395 = arith.mulf %get3A_387, %get3A_394 : vector<16xf32>
              %mul3A_396 = arith.constant 8 : i32
              %mul3A_397 = arith.muli %scan3A_294, %mul3A_396 : i32
              %add3A_398 = arith.constant 1 : i32
              %add3A_399 = arith.addi %mul3A_397, %add3A_398 : i32
              %swap3A_400 = arith.index_cast %add3A_399 : i32 to index
              %swap3A_401 = arith.constant 0 : index
              %swap3A_402 = tpu.vector_load %arg15[%swap3A_400, %swap3A_401] {strides = array<i32>} : memref<16x64xf32, #tpu.memory_space<vmem>>, vector<16xf32>,
              tpu.vector_store %arg15[%swap3A_400, %swap3A_401], %mul3A_395 {strides = array<i32>} : memref<16x64xf32, #tpu.memory_space<vmem>>, vector<16xf32>,
              %mul3A_403 = arith.constant 8 : i32
              %mul3A_404 = arith.muli %scan3A_294, %mul3A_403 : i32
              %add3A_405 = arith.constant 1 : i32
              %add3A_406 = arith.addi %mul3A_404, %add3A_405 : i32
              %get3A_407 = arith.index_cast %add3A_406 : i32 to index
              %get3A_408 = arith.constant 16 : index
              %get3A_409 = tpu.vector_load %arg15[%get3A_407, %get3A_408] {strides = array<i32>} : memref<16x64xf32, #tpu.memory_space<vmem>>, vector<16xf32>,
              %mul3A_410 = arith.constant 8 : i32
              %mul3A_411 = arith.muli %scan3A_294, %mul3A_410 : i32
              %add3A_412 = arith.constant 1 : i32
              %add3A_413 = arith.addi %mul3A_411, %add3A_412 : i32
              %get3A_414 = arith.index_cast %add3A_413 : i32 to index
              %get3A_415 = arith.constant 16 : index
              %get3A_416 = tpu.vector_load %arg16[%get3A_414, %get3A_415] {strides = array<i32>} : memref<16x64xf32, #tpu.memory_space<vmem>>, vector<16xf32>,
              %mul3A_417 = arith.mulf %get3A_409, %get3A_416 : vector<16xf32>
              %mul3A_418 = arith.constant 8 : i32
              %mul3A_419 = arith.muli %scan3A_294, %mul3A_418 : i32
              %add3A_420 = arith.constant 1 : i32
              %add3A_421 = arith.addi %mul3A_419, %add3A_420 : i32
              %swap3A_422 = arith.index_cast %add3A_421 : i32 to index
              %swap3A_423 = arith.constant 16 : index
              %swap3A_424 = tpu.vector_load %arg15[%swap3A_422, %swap3A_423] {strides = array<i32>} : memref<16x64xf32, #tpu.memory_space<vmem>>, vector<16xf32>,
              tpu.vector_store %arg15[%swap3A_422, %swap3A_423], %mul3A_417 {strides = array<i32>} : memref<16x64xf32, #tpu.memory_space<vmem>>, vector<16xf32>,
              %mul3A_425 = arith.constant 8 : i32
              %mul3A_426 = arith.muli %scan3A_294, %mul3A_425 : i32
              %add3A_427 = arith.constant 1 : i32
              %add3A_428 = arith.addi %mul3A_426, %add3A_427 : i32
              %get3A_429 = arith.index_cast %add3A_428 : i32 to index
              %get3A_430 = arith.constant 32 : index
              %get3A_431 = tpu.vector_load %arg15[%get3A_429, %get3A_430] {strides = array<i32>} : memref<16x64xf32, #tpu.memory_space<vmem>>, vector<16xf32>,
              %mul3A_432 = arith.constant 8 : i32
              %mul3A_433 = arith.muli %scan3A_294, %mul3A_432 : i32
              %add3A_434 = arith.constant 1 : i32
              %add3A_435 = arith.addi %mul3A_433, %add3A_434 : i32
              %get3A_436 = arith.index_cast %add3A_435 : i32 to index
              %get3A_437 = arith.constant 32 : index
              %get3A_438 = tpu.vector_load %arg16[%get3A_436, %get3A_437] {strides = array<i32>} : memref<16x64xf32, #tpu.memory_space<vmem>>, vector<16xf32>,
              %mul3A_439 = arith.mulf %get3A_431, %get3A_438 : vector<16xf32>
              %mul3A_440 = arith.constant 8 : i32
              %mul3A_441 = arith.muli %scan3A_294, %mul3A_440 : i32
              %add3A_442 = arith.constant 1 : i32
              %add3A_443 = arith.addi %mul3A_441, %add3A_442 : i32
              %swap3A_444 = arith.index_cast %add3A_443 : i32 to index
              %swap3A_445 = arith.constant 32 : index
              %swap3A_446 = tpu.vector_load %arg15[%swap3A_444, %swap3A_445] {strides = array<i32>} : memref<16x64xf32, #tpu.memory_space<vmem>>, vector<16xf32>,
              tpu.vector_store %arg15[%swap3A_444, %swap3A_445], %mul3A_439 {strides = array<i32>} : memref<16x64xf32, #tpu.memory_space<vmem>>, vector<16xf32>,
              %mul3A_447 = arith.constant 8 : i32
              %mul3A_448 = arith.muli %scan3A_294, %mul3A_447 : i32
              %add3A_449 = arith.constant 1 : i32
              %add3A_450 = arith.addi %mul3A_448, %add3A_449 : i32
              %get3A_451 = arith.index_cast %add3A_450 : i32 to index
              %get3A_452 = arith.constant 48 : index
              %get3A_453 = tpu.vector_load %arg15[%get3A_451, %get3A_452] {strides = array<i32>} : memref<16x64xf32, #tpu.memory_space<vmem>>, vector<16xf32>,
              %mul3A_454 = arith.constant 8 : i32
              %mul3A_455 = arith.muli %scan3A_294, %mul3A_454 : i32
              %add3A_456 = arith.constant 1 : i32
              %add3A_457 = arith.addi %mul3A_455, %add3A_456 : i32
              %get3A_458 = arith.index_cast %add3A_457 : i32 to index
              %get3A_459 = arith.constant 48 : index
              %get3A_460 = tpu.vector_load %arg16[%get3A_458, %get3A_459] {strides = array<i32>} : memref<16x64xf32, #tpu.memory_space<vmem>>, vector<16xf32>,
              %mul3A_461 = arith.mulf %get3A_453, %get3A_460 : vector<16xf32>
              %mul3A_462 = arith.constant 8 : i32
              %mul3A_463 = arith.muli %scan3A_294, %mul3A_462 : i32
              %add3A_464 = arith.constant 1 : i32
              %add3A_465 = arith.addi %mul3A_463, %add3A_464 : i32
              %swap3A_466 = arith.index_cast %add3A_465 : i32 to index
              %swap3A_467 = arith.constant 48 : index
              %swap3A_468 = tpu.vector_load %arg15[%swap3A_466, %swap3A_467] {strides = array<i32>} : memref<16x64xf32, #tpu.memory_space<vmem>>, vector<16xf32>,
              tpu.vector_store %arg15[%swap3A_466, %swap3A_467], %mul3A_461 {strides = array<i32>} : memref<16x64xf32, #tpu.memory_space<vmem>>, vector<16xf32>,
              %mul3A_469 = arith.constant 8 : i32
              %mul3A_470 = arith.muli %scan3A_294, %mul3A_469 : i32
              %add3A_471 = arith.constant 2 : i32
              %add3A_472 = arith.addi %mul3A_470, %add3A_471 : i32
              %get3A_473 = arith.index_cast %add3A_472 : i32 to index
              %get3A_474 = arith.constant 0 : index
              %get3A_475 = tpu.vector_load %arg15[%get3A_473, %get3A_474] {strides = array<i32>} : memref<16x64xf32, #tpu.memory_space<vmem>>, vector<16xf32>,
              %mul3A_476 = arith.constant 8 : i32
              %mul3A_477 = arith.muli %scan3A_294, %mul3A_476 : i32
              %add3A_478 = arith.constant 2 : i32
              %add3A_479 = arith.addi %mul3A_477, %add3A_478 : i32
              %get3A_480 = arith.index_cast %add3A_479 : i32 to index
              %get3A_481 = arith.constant 0 : index
              %get3A_482 = tpu.vector_load %arg16[%get3A_480, %get3A_481] {strides = array<i32>} : memref<16x64xf32, #tpu.memory_space<vmem>>, vector<16xf32>,
              %mul3A_483 = arith.mulf %get3A_475, %get3A_482 : vector<16xf32>
              %mul3A_484 = arith.constant 8 : i32
              %mul3A_485 = arith.muli %scan3A_294, %mul3A_484 : i32
              %add3A_486 = arith.constant 2 : i32
              %add3A_487 = arith.addi %mul3A_485, %add3A_486 : i32
              %swap3A_488 = arith.index_cast %add3A_487 : i32 to index
              %swap3A_489 = arith.constant 0 : index
              %swap3A_490 = tpu.vector_load %arg15[%swap3A_488, %swap3A_489] {strides = array<i32>} : memref<16x64xf32, #tpu.memory_space<vmem>>, vector<16xf32>,
              tpu.vector_store %arg15[%swap3A_488, %swap3A_489], %mul3A_483 {strides = array<i32>} : memref<16x64xf32, #tpu.memory_space<vmem>>, vector<16xf32>,
              %mul3A_491 = arith.constant 8 : i32
              %mul3A_492 = arith.muli %scan3A_294, %mul3A_491 : i32
              %add3A_493 = arith.constant 2 : i32
              %add3A_494 = arith.addi %mul3A_492, %add3A_493 : i32
              %get3A_495 = arith.index_cast %add3A_494 : i32 to index
              %get3A_496 = arith.constant 16 : index
              %get3A_497 = tpu.vector_load %arg15[%get3A_495, %get3A_496] {strides = array<i32>} : memref<16x64xf32, #tpu.memory_space<vmem>>, vector<16xf32>,
              %mul3A_498 = arith.constant 8 : i32
              %mul3A_499 = arith.muli %scan3A_294, %mul3A_498 : i32
              %add3A_500 = arith.constant 2 : i32
              %add3A_501 = arith.addi %mul3A_499, %add3A_500 : i32
              %get3A_502 = arith.index_cast %add3A_501 : i32 to index
              %get3A_503 = arith.constant 16 : index
              %get3A_504 = tpu.vector_load %arg16[%get3A_502, %get3A_503] {strides = array<i32>} : memref<16x64xf32, #tpu.memory_space<vmem>>, vector<16xf32>,
              %mul3A_505 = arith.mulf %get3A_497, %get3A_504 : vector<16xf32>
              %mul3A_506 = arith.constant 8 : i32
              %mul3A_507 = arith.muli %scan3A_294, %mul3A_506 : i32
              %add3A_508 = arith.constant 2 : i32
              %add3A_509 = arith.addi %mul3A_507, %add3A_508 : i32
              %swap3A_510 = arith.index_cast %add3A_509 : i32 to index
              %swap3A_511 = arith.constant 16 : index
              %swap3A_512 = tpu.vector_load %arg15[%swap3A_510, %swap3A_511] {strides = array<i32>} : memref<16x64xf32, #tpu.memory_space<vmem>>, vector<16xf32>,
              tpu.vector_store %arg15[%swap3A_510, %swap3A_511], %mul3A_505 {strides = array<i32>} : memref<16x64xf32, #tpu.memory_space<vmem>>, vector<16xf32>,
              %mul3A_513 = arith.constant 8 : i32
              %mul3A_514 = arith.muli %scan3A_294, %mul3A_513 : i32
              %add3A_515 = arith.constant 2 : i32
              %add3A_516 = arith.addi %mul3A_514, %add3A_515 : i32
              %get3A_517 = arith.index_cast %add3A_516 : i32 to index
              %get3A_518 = arith.constant 32 : index
              %get3A_519 = tpu.vector_load %arg15[%get3A_517, %get3A_518] {strides = array<i32>} : memref<16x64xf32, #tpu.memory_space<vmem>>, vector<16xf32>,
              %mul3A_520 = arith.constant 8 : i32
              %mul3A_521 = arith.muli %scan3A_294, %mul3A_520 : i32
              %add3A_522 = arith.constant 2 : i32
              %add3A_523 = arith.addi %mul3A_521, %add3A_522 : i32
              %get3A_524 = arith.index_cast %add3A_523 : i32 to index
              %get3A_525 = arith.constant 32 : index
              %get3A_526 = tpu.vector_load %arg16[%get3A_524, %get3A_525] {strides = array<i32>} : memref<16x64xf32, #tpu.memory_space<vmem>>, vector<16xf32>,
              %mul3A_527 = arith.mulf %get3A_519, %get3A_526 : vector<16xf32>
              %mul3A_528 = arith.constant 8 : i32
              %mul3A_529 = arith.muli %scan3A_294, %mul3A_528 : i32
              %add3A_530 = arith.constant 2 : i32
              %add3A_531 = arith.addi %mul3A_529, %add3A_530 : i32
              %swap3A_532 = arith.index_cast %add3A_531 : i32 to index
              %swap3A_533 = arith.constant 32 : index
              %swap3A_534 = tpu.vector_load %arg15[%swap3A_532, %swap3A_533] {strides = array<i32>} : memref<16x64xf32, #tpu.memory_space<vmem>>, vector<16xf32>,
              tpu.vector_store %arg15[%swap3A_532, %swap3A_533], %mul3A_527 {strides = array<i32>} : memref<16x64xf32, #tpu.memory_space<vmem>>, vector<16xf32>,
              %mul3A_535 = arith.constant 8 : i32
              %mul3A_536 = arith.muli %scan3A_294, %mul3A_535 : i32
              %add3A_537 = arith.constant 2 : i32
              %add3A_538 = arith.addi %mul3A_536, %add3A_537 : i32
              %get3A_539 = arith.index_cast %add3A_538 : i32 to index
              %get3A_540 = arith.constant 48 : index
              %get3A_541 = tpu.vector_load %arg15[%get3A_539, %get3A_540] {strides = array<i32>} : memref<16x64xf32, #tpu.memory_space<vmem>>, vector<16xf32>,
              %mul3A_542 = arith.constant 8 : i32
              %mul3A_543 = arith.muli %scan3A_294, %mul3A_542 : i32
              %add3A_544 = arith.constant 2 : i32
              %add3A_545 = arith.addi %mul3A_543, %add3A_544 : i32
              %get3A_546 = arith.index_cast %add3A_545 : i32 to index
              %get3A_547 = arith.constant 48 : index
              %get3A_548 = tpu.vector_load %arg16[%get3A_546, %get3A_547] {strides = array<i32>} : memref<16x64xf32, #tpu.memory_space<vmem>>, vector<16xf32>,
              %mul3A_549 = arith.mulf %get3A_541, %get3A_548 : vector<16xf32>
              %mul3A_550 = arith.constant 8 : i32
              %mul3A_551 = arith.muli %scan3A_294, %mul3A_550 : i32
              %add3A_552 = arith.constant 2 : i32
              %add3A_553 = arith.addi %mul3A_551, %add3A_552 : i32
              %swap3A_554 = arith.index_cast %add3A_553 : i32 to index
              %swap3A_555 = arith.constant 48 : index
              %swap3A_556 = tpu.vector_load %arg15[%swap3A_554, %swap3A_555] {strides = array<i32>} : memref<16x64xf32, #tpu.memory_space<vmem>>, vector<16xf32>,
              tpu.vector_store %arg15[%swap3A_554, %swap3A_555], %mul3A_549 {strides = array<i32>} : memref<16x64xf32, #tpu.memory_space<vmem>>, vector<16xf32>,
              %mul3A_557 = arith.constant 8 : i32
              %mul3A_558 = arith.muli %scan3A_294, %mul3A_557 : i32
              %add3A_559 = arith.constant 3 : i32
              %add3A_560 = arith.addi %mul3A_558, %add3A_559 : i32
              %get3A_561 = arith.index_cast %add3A_560 : i32 to index
              %get3A_562 = arith.constant 0 : index
              %get3A_563 = tpu.vector_load %arg15[%get3A_561, %get3A_562] {strides = array<i32>} : memref<16x64xf32, #tpu.memory_space<vmem>>, vector<16xf32>,
              %mul3A_564 = arith.constant 8 : i32
              %mul3A_565 = arith.muli %scan3A_294, %mul3A_564 : i32
              %add3A_566 = arith.constant 3 : i32
              %add3A_567 = arith.addi %mul3A_565, %add3A_566 : i32
              %get3A_568 = arith.index_cast %add3A_567 : i32 to index
              %get3A_569 = arith.constant 0 : index
              %get3A_570 = tpu.vector_load %arg16[%get3A_568, %get3A_569] {strides = array<i32>} : memref<16x64xf32, #tpu.memory_space<vmem>>, vector<16xf32>,
              %mul3A_571 = arith.mulf %get3A_563, %get3A_570 : vector<16xf32>
              %mul3A_572 = arith.constant 8 : i32
              %mul3A_573 = arith.muli %scan3A_294, %mul3A_572 : i32
              %add3A_574 = arith.constant 3 : i32
              %add3A_575 = arith.addi %mul3A_573, %add3A_574 : i32
              %swap3A_576 = arith.index_cast %add3A_575 : i32 to index
              %swap3A_577 = arith.constant 0 : index
              %swap3A_578 = tpu.vector_load %arg15[%swap3A_576, %swap3A_577] {strides = array<i32>} : memref<16x64xf32, #tpu.memory_space<vmem>>, vector<16xf32>,
              tpu.vector_store %arg15[%swap3A_576, %swap3A_577], %mul3A_571 {strides = array<i32>} : memref<16x64xf32, #tpu.memory_space<vmem>>, vector<16xf32>,
              %mul3A_579 = arith.constant 8 : i32
              %mul3A_580 = arith.muli %scan3A_294, %mul3A_579 : i32
              %add3A_581 = arith.constant 3 : i32
              %add3A_582 = arith.addi %mul3A_580, %add3A_581 : i32
              %get3A_583 = arith.index_cast %add3A_582 : i32 to index
              %get3A_584 = arith.constant 16 : index
              %get3A_585 = tpu.vector_load %arg15[%get3A_583, %get3A_584] {strides = array<i32>} : memref<16x64xf32, #tpu.memory_space<vmem>>, vector<16xf32>,
              %mul3A_586 = arith.constant 8 : i32
              %mul3A_587 = arith.muli %scan3A_294, %mul3A_586 : i32
              %add3A_588 = arith.constant 3 : i32
              %add3A_589 = arith.addi %mul3A_587, %add3A_588 : i32
              %get3A_590 = arith.index_cast %add3A_589 : i32 to index
              %get3A_591 = arith.constant 16 : index
              %get3A_592 = tpu.vector_load %arg16[%get3A_590, %get3A_591] {strides = array<i32>} : memref<16x64xf32, #tpu.memory_space<vmem>>, vector<16xf32>,
              %mul3A_593 = arith.mulf %get3A_585, %get3A_592 : vector<16xf32>
              %mul3A_594 = arith.constant 8 : i32
              %mul3A_595 = arith.muli %scan3A_294, %mul3A_594 : i32
              %add3A_596 = arith.constant 3 : i32
              %add3A_597 = arith.addi %mul3A_595, %add3A_596 : i32
              %swap3A_598 = arith.index_cast %add3A_597 : i32 to index
              %swap3A_599 = arith.constant 16 : index
              %swap3A_600 = tpu.vector_load %arg15[%swap3A_598, %swap3A_599] {strides = array<i32>} : memref<16x64xf32, #tpu.memory_space<vmem>>, vector<16xf32>,
              tpu.vector_store %arg15[%swap3A_598, %swap3A_599], %mul3A_593 {strides = array<i32>} : memref<16x64xf32, #tpu.memory_space<vmem>>, vector<16xf32>,
              %mul3A_601 = arith.constant 8 : i32
              %mul3A_602 = arith.muli %scan3A_294, %mul3A_601 : i32
              %add3A_603 = arith.constant 3 : i32
              %add3A_604 = arith.addi %mul3A_602, %add3A_603 : i32
              %get3A_605 = arith.index_cast %add3A_604 : i32 to index
              %get3A_606 = arith.constant 32 : index
              %get3A_607 = tpu.vector_load %arg15[%get3A_605, %get3A_606] {strides = array<i32>} : memref<16x64xf32, #tpu.memory_space<vmem>>, vector<16xf32>,
              %mul3A_608 = arith.constant 8 : i32
              %mul3A_609 = arith.muli %scan3A_294, %mul3A_608 : i32
              %add3A_610 = arith.constant 3 : i32
              %add3A_611 = arith.addi %mul3A_609, %add3A_610 : i32
              %get3A_612 = arith.index_cast %add3A_611 : i32 to index
              %get3A_613 = arith.constant 32 : index
              %get3A_614 = tpu.vector_load %arg16[%get3A_612, %get3A_613] {strides = array<i32>} : memref<16x64xf32, #tpu.memory_space<vmem>>, vector<16xf32>,
              %mul3A_615 = arith.mulf %get3A_607, %get3A_614 : vector<16xf32>
              %mul3A_616 = arith.constant 8 : i32
              %mul3A_617 = arith.muli %scan3A_294, %mul3A_616 : i32
              %add3A_618 = arith.constant 3 : i32
              %add3A_619 = arith.addi %mul3A_617, %add3A_618 : i32
              %swap3A_620 = arith.index_cast %add3A_619 : i32 to index
              %swap3A_621 = arith.constant 32 : index
              %swap3A_622 = tpu.vector_load %arg15[%swap3A_620, %swap3A_621] {strides = array<i32>} : memref<16x64xf32, #tpu.memory_space<vmem>>, vector<16xf32>,
              tpu.vector_store %arg15[%swap3A_620, %swap3A_621], %mul3A_615 {strides = array<i32>} : memref<16x64xf32, #tpu.memory_space<vmem>>, vector<16xf32>,
              %mul3A_623 = arith.constant 8 : i32
              %mul3A_624 = arith.muli %scan3A_294, %mul3A_623 : i32
              %add3A_625 = arith.constant 3 : i32
              %add3A_626 = arith.addi %mul3A_624, %add3A_625 : i32
              %get3A_627 = arith.index_cast %add3A_626 : i32 to index
              %get3A_628 = arith.constant 48 : index
              %get3A_629 = tpu.vector_load %arg15[%get3A_627, %get3A_628] {strides = array<i32>} : memref<16x64xf32, #tpu.memory_space<vmem>>, vector<16xf32>,
              %mul3A_630 = arith.constant 8 : i32
              %mul3A_631 = arith.muli %scan3A_294, %mul3A_630 : i32
              %add3A_632 = arith.constant 3 : i32
              %add3A_633 = arith.addi %mul3A_631, %add3A_632 : i32
              %get3A_634 = arith.index_cast %add3A_633 : i32 to index
              %get3A_635 = arith.constant 48 : index
              %get3A_636 = tpu.vector_load %arg16[%get3A_634, %get3A_635] {strides = array<i32>} : memref<16x64xf32, #tpu.memory_space<vmem>>, vector<16xf32>,
              %mul3A_637 = arith.mulf %get3A_629, %get3A_636 : vector<16xf32>
              %mul3A_638 = arith.constant 8 : i32
              %mul3A_639 = arith.muli %scan3A_294, %mul3A_638 : i32
              %add3A_640 = arith.constant 3 : i32
              %add3A_641 = arith.addi %mul3A_639, %add3A_640 : i32
              %swap3A_642 = arith.index_cast %add3A_641 : i32 to index
              %swap3A_643 = arith.constant 48 : index
              %swap3A_644 = tpu.vector_load %arg15[%swap3A_642, %swap3A_643] {strides = array<i32>} : memref<16x64xf32, #tpu.memory_space<vmem>>, vector<16xf32>,
              tpu.vector_store %arg15[%swap3A_642, %swap3A_643], %mul3A_637 {strides = array<i32>} : memref<16x64xf32, #tpu.memory_space<vmem>>, vector<16xf32>,
              %mul3A_645 = arith.constant 8 : i32
              %mul3A_646 = arith.muli %scan3A_294, %mul3A_645 : i32
              %add3A_647 = arith.constant 4 : i32
              %add3A_648 = arith.addi %mul3A_646, %add3A_647 : i32
              %get3A_649 = arith.index_cast %add3A_648 : i32 to index
              %get3A_650 = arith.constant 0 : index
              %get3A_651 = tpu.vector_load %arg15[%get3A_649, %get3A_650] {strides = array<i32>} : memref<16x64xf32, #tpu.memory_space<vmem>>, vector<16xf32>,
              %mul3A_652 = arith.constant 8 : i32
              %mul3A_653 = arith.muli %scan3A_294, %mul3A_652 : i32
              %add3A_654 = arith.constant 4 : i32
              %add3A_655 = arith.addi %mul3A_653, %add3A_654 : i32
              %get3A_656 = arith.index_cast %add3A_655 : i32 to index
              %get3A_657 = arith.constant 0 : index
              %get3A_658 = tpu.vector_load %arg16[%get3A_656, %get3A_657] {strides = array<i32>} : memref<16x64xf32, #tpu.memory_space<vmem>>, vector<16xf32>,
              %mul3A_659 = arith.mulf %get3A_651, %get3A_658 : vector<16xf32>
              %mul3A_660 = arith.constant 8 : i32
              %mul3A_661 = arith.muli %scan3A_294, %mul3A_660 : i32
              %add3A_662 = arith.constant 4 : i32
              %add3A_663 = arith.addi %mul3A_661, %add3A_662 : i32
              %swap3A_664 = arith.index_cast %add3A_663 : i32 to index
              %swap3A_665 = arith.constant 0 : index
              %swap3A_666 = tpu.vector_load %arg15[%swap3A_664, %swap3A_665] {strides = array<i32>} : memref<16x64xf32, #tpu.memory_space<vmem>>, vector<16xf32>,
              tpu.vector_store %arg15[%swap3A_664, %swap3A_665], %mul3A_659 {strides = array<i32>} : memref<16x64xf32, #tpu.memory_space<vmem>>, vector<16xf32>,
              %mul3A_667 = arith.constant 8 : i32
              %mul3A_668 = arith.muli %scan3A_294, %mul3A_667 : i32
              %add3A_669 = arith.constant 4 : i32
              %add3A_670 = arith.addi %mul3A_668, %add3A_669 : i32
              %get3A_671 = arith.index_cast %add3A_670 : i32 to index
              %get3A_672 = arith.constant 16 : index
              %get3A_673 = tpu.vector_load %arg15[%get3A_671, %get3A_672] {strides = array<i32>} : memref<16x64xf32, #tpu.memory_space<vmem>>, vector<16xf32>,
              %mul3A_674 = arith.constant 8 : i32
              %mul3A_675 = arith.muli %scan3A_294, %mul3A_674 : i32
              %add3A_676 = arith.constant 4 : i32
              %add3A_677 = arith.addi %mul3A_675, %add3A_676 : i32
              %get3A_678 = arith.index_cast %add3A_677 : i32 to index
              %get3A_679 = arith.constant 16 : index
              %get3A_680 = tpu.vector_load %arg16[%get3A_678, %get3A_679] {strides = array<i32>} : memref<16x64xf32, #tpu.memory_space<vmem>>, vector<16xf32>,
              %mul3A_681 = arith.mulf %get3A_673, %get3A_680 : vector<16xf32>
              %mul3A_682 = arith.constant 8 : i32
              %mul3A_683 = arith.muli %scan3A_294, %mul3A_682 : i32
              %add3A_684 = arith.constant 4 : i32
              %add3A_685 = arith.addi %mul3A_683, %add3A_684 : i32
              %swap3A_686 = arith.index_cast %add3A_685 : i32 to index
              %swap3A_687 = arith.constant 16 : index
              %swap3A_688 = tpu.vector_load %arg15[%swap3A_686, %swap3A_687] {strides = array<i32>} : memref<16x64xf32, #tpu.memory_space<vmem>>, vector<16xf32>,
              tpu.vector_store %arg15[%swap3A_686, %swap3A_687], %mul3A_681 {strides = array<i32>} : memref<16x64xf32, #tpu.memory_space<vmem>>, vector<16xf32>,
              %mul3A_689 = arith.constant 8 : i32
              %mul3A_690 = arith.muli %scan3A_294, %mul3A_689 : i32
              %add3A_691 = arith.constant 4 : i32
              %add3A_692 = arith.addi %mul3A_690, %add3A_691 : i32
              %get3A_693 = arith.index_cast %add3A_692 : i32 to index
              %get3A_694 = arith.constant 32 : index
              %get3A_695 = tpu.vector_load %arg15[%get3A_693, %get3A_694] {strides = array<i32>} : memref<16x64xf32, #tpu.memory_space<vmem>>, vector<16xf32>,
              %mul3A_696 = arith.constant 8 : i32
              %mul3A_697 = arith.muli %scan3A_294, %mul3A_696 : i32
              %add3A_698 = arith.constant 4 : i32
              %add3A_699 = arith.addi %mul3A_697, %add3A_698 : i32
              %get3A_700 = arith.index_cast %add3A_699 : i32 to index
              %get3A_701 = arith.constant 32 : index
              %get3A_702 = tpu.vector_load %arg16[%get3A_700, %get3A_701] {strides = array<i32>} : memref<16x64xf32, #tpu.memory_space<vmem>>, vector<16xf32>,
              %mul3A_703 = arith.mulf %get3A_695, %get3A_702 : vector<16xf32>
              %mul3A_704 = arith.constant 8 : i32
              %mul3A_705 = arith.muli %scan3A_294, %mul3A_704 : i32
              %add3A_706 = arith.constant 4 : i32
              %add3A_707 = arith.addi %mul3A_705, %add3A_706 : i32
              %swap3A_708 = arith.index_cast %add3A_707 : i32 to index
              %swap3A_709 = arith.constant 32 : index
              %swap3A_710 = tpu.vector_load %arg15[%swap3A_708, %swap3A_709] {strides = array<i32>} : memref<16x64xf32, #tpu.memory_space<vmem>>, vector<16xf32>,
              tpu.vector_store %arg15[%swap3A_708, %swap3A_709], %mul3A_703 {strides = array<i32>} : memref<16x64xf32, #tpu.memory_space<vmem>>, vector<16xf32>,
              %mul3A_711 = arith.constant 8 : i32
              %mul3A_712 = arith.muli %scan3A_294, %mul3A_711 : i32
              %add3A_713 = arith.constant 4 : i32
              %add3A_714 = arith.addi %mul3A_712, %add3A_713 : i32
              %get3A_715 = arith.index_cast %add3A_714 : i32 to index
              %get3A_716 = arith.constant 48 : index
              %get3A_717 = tpu.vector_load %arg15[%get3A_715, %get3A_716] {strides = array<i32>} : memref<16x64xf32, #tpu.memory_space<vmem>>, vector<16xf32>,
              %mul3A_718 = arith.constant 8 : i32
              %mul3A_719 = arith.muli %scan3A_294, %mul3A_718 : i32
              %add3A_720 = arith.constant 4 : i32
              %add3A_721 = arith.addi %mul3A_719, %add3A_720 : i32
              %get3A_722 = arith.index_cast %add3A_721 : i32 to index
              %get3A_723 = arith.constant 48 : index
              %get3A_724 = tpu.vector_load %arg16[%get3A_722, %get3A_723] {strides = array<i32>} : memref<16x64xf32, #tpu.memory_space<vmem>>, vector<16xf32>,
              %mul3A_725 = arith.mulf %get3A_717, %get3A_724 : vector<16xf32>
              %mul3A_726 = arith.constant 8 : i32
              %mul3A_727 = arith.muli %scan3A_294, %mul3A_726 : i32
              %add3A_728 = arith.constant 4 : i32
              %add3A_729 = arith.addi %mul3A_727, %add3A_728 : i32
              %swap3A_730 = arith.index_cast %add3A_729 : i32 to index
              %swap3A_731 = arith.constant 48 : index
              %swap3A_732 = tpu.vector_load %arg15[%swap3A_730, %swap3A_731] {strides = array<i32>} : memref<16x64xf32, #tpu.memory_space<vmem>>, vector<16xf32>,
              tpu.vector_store %arg15[%swap3A_730, %swap3A_731], %mul3A_725 {strides = array<i32>} : memref<16x64xf32, #tpu.memory_space<vmem>>, vector<16xf32>,
              %mul3A_733 = arith.constant 8 : i32
              %mul3A_734 = arith.muli %scan3A_294, %mul3A_733 : i32
              %add3A_735 = arith.constant 5 : i32
              %add3A_736 = arith.addi %mul3A_734, %add3A_735 : i32
              %get3A_737 = arith.index_cast %add3A_736 : i32 to index
              %get3A_738 = arith.constant 0 : index
              %get3A_739 = tpu.vector_load %arg15[%get3A_737, %get3A_738] {strides = array<i32>} : memref<16x64xf32, #tpu.memory_space<vmem>>, vector<16xf32>,
              %mul3A_740 = arith.constant 8 : i32
              %mul3A_741 = arith.muli %scan3A_294, %mul3A_740 : i32
              %add3A_742 = arith.constant 5 : i32
              %add3A_743 = arith.addi %mul3A_741, %add3A_742 : i32
              %get3A_744 = arith.index_cast %add3A_743 : i32 to index
              %get3A_745 = arith.constant 0 : index
              %get3A_746 = tpu.vector_load %arg16[%get3A_744, %get3A_745] {strides = array<i32>} : memref<16x64xf32, #tpu.memory_space<vmem>>, vector<16xf32>,
              %mul3A_747 = arith.mulf %get3A_739, %get3A_746 : vector<16xf32>
              %mul3A_748 = arith.constant 8 : i32
              %mul3A_749 = arith.muli %scan3A_294, %mul3A_748 : i32
              %add3A_750 = arith.constant 5 : i32
              %add3A_751 = arith.addi %mul3A_749, %add3A_750 : i32
              %swap3A_752 = arith.index_cast %add3A_751 : i32 to index
              %swap3A_753 = arith.constant 0 : index
              %swap3A_754 = tpu.vector_load %arg15[%swap3A_752, %swap3A_753] {strides = array<i32>} : memref<16x64xf32, #tpu.memory_space<vmem>>, vector<16xf32>,
              tpu.vector_store %arg15[%swap3A_752, %swap3A_753], %mul3A_747 {strides = array<i32>} : memref<16x64xf32, #tpu.memory_space<vmem>>, vector<16xf32>,
              %mul3A_755 = arith.constant 8 : i32
              %mul3A_756 = arith.muli %scan3A_294, %mul3A_755 : i32
              %add3A_757 = arith.constant 5 : i32
              %add3A_758 = arith.addi %mul3A_756, %add3A_757 : i32
              %get3A_759 = arith.index_cast %add3A_758 : i32 to index
              %get3A_760 = arith.constant 16 : index
              %get3A_761 = tpu.vector_load %arg15[%get3A_759, %get3A_760] {strides = array<i32>} : memref<16x64xf32, #tpu.memory_space<vmem>>, vector<16xf32>,
              %mul3A_762 = arith.constant 8 : i32
              %mul3A_763 = arith.muli %scan3A_294, %mul3A_762 : i32
              %add3A_764 = arith.constant 5 : i32
              %add3A_765 = arith.addi %mul3A_763, %add3A_764 : i32
              %get3A_766 = arith.index_cast %add3A_765 : i32 to index
              %get3A_767 = arith.constant 16 : index
              %get3A_768 = tpu.vector_load %arg16[%get3A_766, %get3A_767] {strides = array<i32>} : memref<16x64xf32, #tpu.memory_space<vmem>>, vector<16xf32>,
              %mul3A_769 = arith.mulf %get3A_761, %get3A_768 : vector<16xf32>
              %mul3A_770 = arith.constant 8 : i32
              %mul3A_771 = arith.muli %scan3A_294, %mul3A_770 : i32
              %add3A_772 = arith.constant 5 : i32
              %add3A_773 = arith.addi %mul3A_771, %add3A_772 : i32
              %swap3A_774 = arith.index_cast %add3A_773 : i32 to index
              %swap3A_775 = arith.constant 16 : index
              %swap3A_776 = tpu.vector_load %arg15[%swap3A_774, %swap3A_775] {strides = array<i32>} : memref<16x64xf32, #tpu.memory_space<vmem>>, vector<16xf32>,
              tpu.vector_store %arg15[%swap3A_774, %swap3A_775], %mul3A_769 {strides = array<i32>} : memref<16x64xf32, #tpu.memory_space<vmem>>, vector<16xf32>,
              %mul3A_777 = arith.constant 8 : i32
              %mul3A_778 = arith.muli %scan3A_294, %mul3A_777 : i32
              %add3A_779 = arith.constant 5 : i32
              %add3A_780 = arith.addi %mul3A_778, %add3A_779 : i32
              %get3A_781 = arith.index_cast %add3A_780 : i32 to index
              %get3A_782 = arith.constant 32 : index
              %get3A_783 = tpu.vector_load %arg15[%get3A_781, %get3A_782] {strides = array<i32>} : memref<16x64xf32, #tpu.memory_space<vmem>>, vector<16xf32>,
              %mul3A_784 = arith.constant 8 : i32
              %mul3A_785 = arith.muli %scan3A_294, %mul3A_784 : i32
              %add3A_786 = arith.constant 5 : i32
              %add3A_787 = arith.addi %mul3A_785, %add3A_786 : i32
              %get3A_788 = arith.index_cast %add3A_787 : i32 to index
              %get3A_789 = arith.constant 32 : index
              %get3A_790 = tpu.vector_load %arg16[%get3A_788, %get3A_789] {strides = array<i32>} : memref<16x64xf32, #tpu.memory_space<vmem>>, vector<16xf32>,
              %mul3A_791 = arith.mulf %get3A_783, %get3A_790 : vector<16xf32>
              %mul3A_792 = arith.constant 8 : i32
              %mul3A_793 = arith.muli %scan3A_294, %mul3A_792 : i32
              %add3A_794 = arith.constant 5 : i32
              %add3A_795 = arith.addi %mul3A_793, %add3A_794 : i32
              %swap3A_796 = arith.index_cast %add3A_795 : i32 to index
              %swap3A_797 = arith.constant 32 : index
              %swap3A_798 = tpu.vector_load %arg15[%swap3A_796, %swap3A_797] {strides = array<i32>} : memref<16x64xf32, #tpu.memory_space<vmem>>, vector<16xf32>,
              tpu.vector_store %arg15[%swap3A_796, %swap3A_797], %mul3A_791 {strides = array<i32>} : memref<16x64xf32, #tpu.memory_space<vmem>>, vector<16xf32>,
              %mul3A_799 = arith.constant 8 : i32
              %mul3A_800 = arith.muli %scan3A_294, %mul3A_799 : i32
              %add3A_801 = arith.constant 5 : i32
              %add3A_802 = arith.addi %mul3A_800, %add3A_801 : i32
              %get3A_803 = arith.index_cast %add3A_802 : i32 to index
              %get3A_804 = arith.constant 48 : index
              %get3A_805 = tpu.vector_load %arg15[%get3A_803, %get3A_804] {strides = array<i32>} : memref<16x64xf32, #tpu.memory_space<vmem>>, vector<16xf32>,
              %mul3A_806 = arith.constant 8 : i32
              %mul3A_807 = arith.muli %scan3A_294, %mul3A_806 : i32
              %add3A_808 = arith.constant 5 : i32
              %add3A_809 = arith.addi %mul3A_807, %add3A_808 : i32
              %get3A_810 = arith.index_cast %add3A_809 : i32 to index
              %get3A_811 = arith.constant 48 : index
              %get3A_812 = tpu.vector_load %arg16[%get3A_810, %get3A_811] {strides = array<i32>} : memref<16x64xf32, #tpu.memory_space<vmem>>, vector<16xf32>,
              %mul3A_813 = arith.mulf %get3A_805, %get3A_812 : vector<16xf32>
              %mul3A_814 = arith.constant 8 : i32
              %mul3A_815 = arith.muli %scan3A_294, %mul3A_814 : i32
              %add3A_816 = arith.constant 5 : i32
              %add3A_817 = arith.addi %mul3A_815, %add3A_816 : i32
              %swap3A_818 = arith.index_cast %add3A_817 : i32 to index
              %swap3A_819 = arith.constant 48 : index
              %swap3A_820 = tpu.vector_load %arg15[%swap3A_818, %swap3A_819] {strides = array<i32>} : memref<16x64xf32, #tpu.memory_space<vmem>>, vector<16xf32>,
              tpu.vector_store %arg15[%swap3A_818, %swap3A_819], %mul3A_813 {strides = array<i32>} : memref<16x64xf32, #tpu.memory_space<vmem>>, vector<16xf32>,
              %mul3A_821 = arith.constant 8 : i32
              %mul3A_822 = arith.muli %scan3A_294, %mul3A_821 : i32
              %add3A_823 = arith.constant 6 : i32
              %add3A_824 = arith.addi %mul3A_822, %add3A_823 : i32
              %get3A_825 = arith.index_cast %add3A_824 : i32 to index
              %get3A_826 = arith.constant 0 : index
              %get3A_827 = tpu.vector_load %arg15[%get3A_825, %get3A_826] {strides = array<i32>} : memref<16x64xf32, #tpu.memory_space<vmem>>, vector<16xf32>,
              %mul3A_828 = arith.constant 8 : i32
              %mul3A_829 = arith.muli %scan3A_294, %mul3A_828 : i32
              %add3A_830 = arith.constant 6 : i32
              %add3A_831 = arith.addi %mul3A_829, %add3A_830 : i32
              %get3A_832 = arith.index_cast %add3A_831 : i32 to index
              %get3A_833 = arith.constant 0 : index
              %get3A_834 = tpu.vector_load %arg16[%get3A_832, %get3A_833] {strides = array<i32>} : memref<16x64xf32, #tpu.memory_space<vmem>>, vector<16xf32>,
              %mul3A_835 = arith.mulf %get3A_827, %get3A_834 : vector<16xf32>
              %mul3A_836 = arith.constant 8 : i32
              %mul3A_837 = arith.muli %scan3A_294, %mul3A_836 : i32
              %add3A_838 = arith.constant 6 : i32
              %add3A_839 = arith.addi %mul3A_837, %add3A_838 : i32
              %swap3A_840 = arith.index_cast %add3A_839 : i32 to index
              %swap3A_841 = arith.constant 0 : index
              %swap3A_842 = tpu.vector_load %arg15[%swap3A_840, %swap3A_841] {strides = array<i32>} : memref<16x64xf32, #tpu.memory_space<vmem>>, vector<16xf32>,
              tpu.vector_store %arg15[%swap3A_840, %swap3A_841], %mul3A_835 {strides = array<i32>} : memref<16x64xf32, #tpu.memory_space<vmem>>, vector<16xf32>,
              %mul3A_843 = arith.constant 8 : i32
              %mul3A_844 = arith.muli %scan3A_294, %mul3A_843 : i32
              %add3A_845 = arith.constant 6 : i32
              %add3A_846 = arith.addi %mul3A_844, %add3A_845 : i32
              %get3A_847 = arith.index_cast %add3A_846 : i32 to index
              %get3A_848 = arith.constant 16 : index
              %get3A_849 = tpu.vector_load %arg15[%get3A_847, %get3A_848] {strides = array<i32>} : memref<16x64xf32, #tpu.memory_space<vmem>>, vector<16xf32>,
              %mul3A_850 = arith.constant 8 : i32
              %mul3A_851 = arith.muli %scan3A_294, %mul3A_850 : i32
              %add3A_852 = arith.constant 6 : i32
              %add3A_853 = arith.addi %mul3A_851, %add3A_852 : i32
              %get3A_854 = arith.index_cast %add3A_853 : i32 to index
              %get3A_855 = arith.constant 16 : index
              %get3A_856 = tpu.vector_load %arg16[%get3A_854, %get3A_855] {strides = array<i32>} : memref<16x64xf32, #tpu.memory_space<vmem>>, vector<16xf32>,
              %mul3A_857 = arith.mulf %get3A_849, %get3A_856 : vector<16xf32>
              %mul3A_858 = arith.constant 8 : i32
              %mul3A_859 = arith.muli %scan3A_294, %mul3A_858 : i32
              %add3A_860 = arith.constant 6 : i32
              %add3A_861 = arith.addi %mul3A_859, %add3A_860 : i32
              %swap3A_862 = arith.index_cast %add3A_861 : i32 to index
              %swap3A_863 = arith.constant 16 : index
              %swap3A_864 = tpu.vector_load %arg15[%swap3A_862, %swap3A_863] {strides = array<i32>} : memref<16x64xf32, #tpu.memory_space<vmem>>, vector<16xf32>,
              tpu.vector_store %arg15[%swap3A_862, %swap3A_863], %mul3A_857 {strides = array<i32>} : memref<16x64xf32, #tpu.memory_space<vmem>>, vector<16xf32>,
              %mul3A_865 = arith.constant 8 : i32
              %mul3A_866 = arith.muli %scan3A_294, %mul3A_865 : i32
              %add3A_867 = arith.constant 6 : i32
              %add3A_868 = arith.addi %mul3A_866, %add3A_867 : i32
              %get3A_869 = arith.index_cast %add3A_868 : i32 to index
              %get3A_870 = arith.constant 32 : index
              %get3A_871 = tpu.vector_load %arg15[%get3A_869, %get3A_870] {strides = array<i32>} : memref<16x64xf32, #tpu.memory_space<vmem>>, vector<16xf32>,
              %mul3A_872 = arith.constant 8 : i32
              %mul3A_873 = arith.muli %scan3A_294, %mul3A_872 : i32
              %add3A_874 = arith.constant 6 : i32
              %add3A_875 = arith.addi %mul3A_873, %add3A_874 : i32
              %get3A_876 = arith.index_cast %add3A_875 : i32 to index
              %get3A_877 = arith.constant 32 : index
              %get3A_878 = tpu.vector_load %arg16[%get3A_876, %get3A_877] {strides = array<i32>} : memref<16x64xf32, #tpu.memory_space<vmem>>, vector<16xf32>,
              %mul3A_879 = arith.mulf %get3A_871, %get3A_878 : vector<16xf32>
              %mul3A_880 = arith.constant 8 : i32
              %mul3A_881 = arith.muli %scan3A_294, %mul3A_880 : i32
              %add3A_882 = arith.constant 6 : i32
              %add3A_883 = arith.addi %mul3A_881, %add3A_882 : i32
              %swap3A_884 = arith.index_cast %add3A_883 : i32 to index
              %swap3A_885 = arith.constant 32 : index
              %swap3A_886 = tpu.vector_load %arg15[%swap3A_884, %swap3A_885] {strides = array<i32>} : memref<16x64xf32, #tpu.memory_space<vmem>>, vector<16xf32>,
              tpu.vector_store %arg15[%swap3A_884, %swap3A_885], %mul3A_879 {strides = array<i32>} : memref<16x64xf32, #tpu.memory_space<vmem>>, vector<16xf32>,
              %mul3A_887 = arith.constant 8 : i32
              %mul3A_888 = arith.muli %scan3A_294, %mul3A_887 : i32
              %add3A_889 = arith.constant 6 : i32
              %add3A_890 = arith.addi %mul3A_888, %add3A_889 : i32
              %get3A_891 = arith.index_cast %add3A_890 : i32 to index
              %get3A_892 = arith.constant 48 : index
              %get3A_893 = tpu.vector_load %arg15[%get3A_891, %get3A_892] {strides = array<i32>} : memref<16x64xf32, #tpu.memory_space<vmem>>, vector<16xf32>,
              %mul3A_894 = arith.constant 8 : i32
              %mul3A_895 = arith.muli %scan3A_294, %mul3A_894 : i32
              %add3A_896 = arith.constant 6 : i32
              %add3A_897 = arith.addi %mul3A_895, %add3A_896 : i32
              %get3A_898 = arith.index_cast %add3A_897 : i32 to index
              %get3A_899 = arith.constant 48 : index
              %get3A_900 = tpu.vector_load %arg16[%get3A_898, %get3A_899] {strides = array<i32>} : memref<16x64xf32, #tpu.memory_space<vmem>>, vector<16xf32>,
              %mul3A_901 = arith.mulf %get3A_893, %get3A_900 : vector<16xf32>
              %mul3A_902 = arith.constant 8 : i32
              %mul3A_903 = arith.muli %scan3A_294, %mul3A_902 : i32
              %add3A_904 = arith.constant 6 : i32
              %add3A_905 = arith.addi %mul3A_903, %add3A_904 : i32
              %swap3A_906 = arith.index_cast %add3A_905 : i32 to index
              %swap3A_907 = arith.constant 48 : index
              %swap3A_908 = tpu.vector_load %arg15[%swap3A_906, %swap3A_907] {strides = array<i32>} : memref<16x64xf32, #tpu.memory_space<vmem>>, vector<16xf32>,
              tpu.vector_store %arg15[%swap3A_906, %swap3A_907], %mul3A_901 {strides = array<i32>} : memref<16x64xf32, #tpu.memory_space<vmem>>, vector<16xf32>,
              %mul3A_909 = arith.constant 8 : i32
              %mul3A_910 = arith.muli %scan3A_294, %mul3A_909 : i32
              %add3A_911 = arith.constant 7 : i32
              %add3A_912 = arith.addi %mul3A_910, %add3A_911 : i32
              %get3A_913 = arith.index_cast %add3A_912 : i32 to index
              %get3A_914 = arith.constant 0 : index
              %get3A_915 = tpu.vector_load %arg15[%get3A_913, %get3A_914] {strides = array<i32>} : memref<16x64xf32, #tpu.memory_space<vmem>>, vector<16xf32>,
              %mul3A_916 = arith.constant 8 : i32
              %mul3A_917 = arith.muli %scan3A_294, %mul3A_916 : i32
              %add3A_918 = arith.constant 7 : i32
              %add3A_919 = arith.addi %mul3A_917, %add3A_918 : i32
              %get3A_920 = arith.index_cast %add3A_919 : i32 to index
              %get3A_921 = arith.constant 0 : index
              %get3A_922 = tpu.vector_load %arg16[%get3A_920, %get3A_921] {strides = array<i32>} : memref<16x64xf32, #tpu.memory_space<vmem>>, vector<16xf32>,
              %mul3A_923 = arith.mulf %get3A_915, %get3A_922 : vector<16xf32>
              %mul3A_924 = arith.constant 8 : i32
              %mul3A_925 = arith.muli %scan3A_294, %mul3A_924 : i32
              %add3A_926 = arith.constant 7 : i32
              %add3A_927 = arith.addi %mul3A_925, %add3A_926 : i32
              %swap3A_928 = arith.index_cast %add3A_927 : i32 to index
              %swap3A_929 = arith.constant 0 : index
              %swap3A_930 = tpu.vector_load %arg15[%swap3A_928, %swap3A_929] {strides = array<i32>} : memref<16x64xf32, #tpu.memory_space<vmem>>, vector<16xf32>,
              tpu.vector_store %arg15[%swap3A_928, %swap3A_929], %mul3A_923 {strides = array<i32>} : memref<16x64xf32, #tpu.memory_space<vmem>>, vector<16xf32>,
              %mul3A_931 = arith.constant 8 : i32
              %mul3A_932 = arith.muli %scan3A_294, %mul3A_931 : i32
              %add3A_933 = arith.constant 7 : i32
              %add3A_934 = arith.addi %mul3A_932, %add3A_933 : i32
              %get3A_935 = arith.index_cast %add3A_934 : i32 to index
              %get3A_936 = arith.constant 16 : index
              %get3A_937 = tpu.vector_load %arg15[%get3A_935, %get3A_936] {strides = array<i32>} : memref<16x64xf32, #tpu.memory_space<vmem>>, vector<16xf32>,
              %mul3A_938 = arith.constant 8 : i32
              %mul3A_939 = arith.muli %scan3A_294, %mul3A_938 : i32
              %add3A_940 = arith.constant 7 : i32
              %add3A_941 = arith.addi %mul3A_939, %add3A_940 : i32
              %get3A_942 = arith.index_cast %add3A_941 : i32 to index
              %get3A_943 = arith.constant 16 : index
              %get3A_944 = tpu.vector_load %arg16[%get3A_942, %get3A_943] {strides = array<i32>} : memref<16x64xf32, #tpu.memory_space<vmem>>, vector<16xf32>,
              %mul3A_945 = arith.mulf %get3A_937, %get3A_944 : vector<16xf32>
              %mul3A_946 = arith.constant 8 : i32
              %mul3A_947 = arith.muli %scan3A_294, %mul3A_946 : i32
              %add3A_948 = arith.constant 7 : i32
              %add3A_949 = arith.addi %mul3A_947, %add3A_948 : i32
              %swap3A_950 = arith.index_cast %add3A_949 : i32 to index
              %swap3A_951 = arith.constant 16 : index
              %swap3A_952 = tpu.vector_load %arg15[%swap3A_950, %swap3A_951] {strides = array<i32>} : memref<16x64xf32, #tpu.memory_space<vmem>>, vector<16xf32>,
              tpu.vector_store %arg15[%swap3A_950, %swap3A_951], %mul3A_945 {strides = array<i32>} : memref<16x64xf32, #tpu.memory_space<vmem>>, vector<16xf32>,
              %mul3A_953 = arith.constant 8 : i32
              %mul3A_954 = arith.muli %scan3A_294, %mul3A_953 : i32
              %add3A_955 = arith.constant 7 : i32
              %add3A_956 = arith.addi %mul3A_954, %add3A_955 : i32
              %get3A_957 = arith.index_cast %add3A_956 : i32 to index
              %get3A_958 = arith.constant 32 : index
              %get3A_959 = tpu.vector_load %arg15[%get3A_957, %get3A_958] {strides = array<i32>} : memref<16x64xf32, #tpu.memory_space<vmem>>, vector<16xf32>,
              %mul3A_960 = arith.constant 8 : i32
              %mul3A_961 = arith.muli %scan3A_294, %mul3A_960 : i32
              %add3A_962 = arith.constant 7 : i32
              %add3A_963 = arith.addi %mul3A_961, %add3A_962 : i32
              %get3A_964 = arith.index_cast %add3A_963 : i32 to index
              %get3A_965 = arith.constant 32 : index
              %get3A_966 = tpu.vector_load %arg16[%get3A_964, %get3A_965] {strides = array<i32>} : memref<16x64xf32, #tpu.memory_space<vmem>>, vector<16xf32>,
              %mul3A_967 = arith.mulf %get3A_959, %get3A_966 : vector<16xf32>
              %mul3A_968 = arith.constant 8 : i32
              %mul3A_969 = arith.muli %scan3A_294, %mul3A_968 : i32
              %add3A_970 = arith.constant 7 : i32
              %add3A_971 = arith.addi %mul3A_969, %add3A_970 : i32
              %swap3A_972 = arith.index_cast %add3A_971 : i32 to index
              %swap3A_973 = arith.constant 32 : index
              %swap3A_974 = tpu.vector_load %arg15[%swap3A_972, %swap3A_973] {strides = array<i32>} : memref<16x64xf32, #tpu.memory_space<vmem>>, vector<16xf32>,
              tpu.vector_store %arg15[%swap3A_972, %swap3A_973], %mul3A_967 {strides = array<i32>} : memref<16x64xf32, #tpu.memory_space<vmem>>, vector<16xf32>,
              %mul3A_975 = arith.constant 8 : i32
              %mul3A_976 = arith.muli %scan3A_294, %mul3A_975 : i32
              %add3A_977 = arith.constant 7 : i32
              %add3A_978 = arith.addi %mul3A_976, %add3A_977 : i32
              %get3A_979 = arith.index_cast %add3A_978 : i32 to index
              %get3A_980 = arith.constant 48 : index
              %get3A_981 = tpu.vector_load %arg15[%get3A_979, %get3A_980] {strides = array<i32>} : memref<16x64xf32, #tpu.memory_space<vmem>>, vector<16xf32>,
              %mul3A_982 = arith.constant 8 : i32
              %mul3A_983 = arith.muli %scan3A_294, %mul3A_982 : i32
              %add3A_984 = arith.constant 7 : i32
              %add3A_985 = arith.addi %mul3A_983, %add3A_984 : i32
              %get3A_986 = arith.index_cast %add3A_985 : i32 to index
              %get3A_987 = arith.constant 48 : index
              %get3A_988 = tpu.vector_load %arg16[%get3A_986, %get3A_987] {strides = array<i32>} : memref<16x64xf32, #tpu.memory_space<vmem>>, vector<16xf32>,
              %mul3A_989 = arith.mulf %get3A_981, %get3A_988 : vector<16xf32>
              %mul3A_990 = arith.constant 8 : i32
              %mul3A_991 = arith.muli %scan3A_294, %mul3A_990 : i32
              %add3A_992 = arith.constant 7 : i32
              %add3A_993 = arith.addi %mul3A_991, %add3A_992 : i32
              %swap3A_994 = arith.index_cast %add3A_993 : i32 to index
              %swap3A_995 = arith.constant 48 : index
              %swap3A_996 = tpu.vector_load %arg15[%swap3A_994, %swap3A_995] {strides = array<i32>} : memref<16x64xf32, #tpu.memory_space<vmem>>, vector<16xf32>,
              tpu.vector_store %arg15[%swap3A_994, %swap3A_995], %mul3A_989 {strides = array<i32>} : memref<16x64xf32, #tpu.memory_space<vmem>>, vector<16xf32>,
            }
            %scan3A_293 = arith.constant 2 : i32
            "tpu.region"() ({
              %run_scoped3A = tpu.sem_alloc : memref<!tpu.dma_semaphore, #tpu.memory_space<semaphore_mem>>
              %dma_start3A_294 = tpu.memref_slice %arg12[%add3A_245] : memref<2032xi32, #tpu.memory_space<vmem>> -> memref<16xi32, #tpu.memory_space<vmem>>
              %dma_start3A_295 = arith.constant 0 : i32
              %dma_start3A_296 = arith.constant 0 : i32
              %dma_start3A_297 = tpu.memref_slice %arg7[%dma_start3A_295, %dma_start3A_296] : memref<20008x64xf32, #tpu.memory_space<vmem_shared>> -> memref<20008x64xf32, #tpu.memory_space<vmem_shared>>
              tpu.enqueue_indirect_dma source(%arg15 : memref<16x64xf32, #tpu.memory_space<vmem>>) target(%dma_start3A_297 : memref<20008x64xf32, #tpu.memory_space<vmem_shared>>) offsets(%dma_start3A_294 : memref<16xi32, #tpu.memory_space<vmem>>) semaphore(%run_scoped3A : memref<!tpu.dma_semaphore, #tpu.memory_space<semaphore_mem>>) {add = true}
              %dma_wait3A_298 = tpu.memref_slice %arg12[%add3A_245] : memref<2032xi32, #tpu.memory_space<vmem>> -> memref<16xi32, #tpu.memory_space<vmem>>
              %dma_wait3A_299 = arith.constant 0 : i32
              %dma_wait3A_300 = arith.constant 0 : i32
              %dma_wait3A_301 = tpu.memref_slice %arg7[%dma_wait3A_299, %dma_wait3A_300] : memref<20008x64xf32, #tpu.memory_space<vmem_shared>> -> memref<20008x64xf32, #tpu.memory_space<vmem_shared>>
              tpu.wait_indirect_dma semaphore(%run_scoped3A : memref<!tpu.dma_semaphore, #tpu.memory_space<semaphore_mem>>) src(%arg15 : memref<16x64xf32, #tpu.memory_space<vmem>>) dst(%dma_wait3A_301 : memref<20008x64xf32, #tpu.memory_space<vmem_shared>>)
              tpu.yield
            }) : () -> ()
          } else {
          }
          %ge3A = arith.cmpi sge, %add3A_245, %reduce_max3A_174 : i32
          %convert_element_type3A_255 = arith.extui %ge3A : i1 to i32
          %cond3A_256 = arith.constant 0 : i32
          %cond3A_257 = arith.cmpi ne, %convert_element_type3A_255, %cond3A_256 : i32
          scf.if %cond3A_257 {
            %dma_wait3A_258 = tpu.memref_slice %arg11[%mul3A_243] : memref<2032xi32, #tpu.memory_space<vmem>> -> memref<16xi32, #tpu.memory_space<vmem>>
            %dma_wait3A_259 = arith.constant 0 : i32
            %dma_wait3A_260 = arith.constant 0 : i32
            %dma_wait3A_261 = tpu.memref_slice %arg4[%dma_wait3A_259, %dma_wait3A_260] : memref<160000x64xf32, #tpu.memory_space<hbm>> -> memref<160000x64xf32, #tpu.memory_space<hbm>>
            tpu.wait_indirect_dma semaphore(%arg18 : memref<!tpu.dma_semaphore, #tpu.memory_space<semaphore_mem>>) src(%dma_wait3A_261 : memref<160000x64xf32, #tpu.memory_space<hbm>>) dst(%arg13 : memref<16x64xf32, #tpu.memory_space<vmem>>)
            %dma_wait3A_262 = tpu.memref_slice %arg10[%mul3A_243] : memref<2032xi32, #tpu.memory_space<vmem>> -> memref<16xi32, #tpu.memory_space<vmem>>
            %dma_wait3A_263 = arith.constant 0 : i32
            %dma_wait3A_264 = arith.constant 0 : i32
            %dma_wait3A_265 = tpu.memref_slice %arg5[%dma_wait3A_263, %dma_wait3A_264] : memref<480000x64xf32, #tpu.memory_space<hbm>> -> memref<480000x64xf32, #tpu.memory_space<hbm>>
            tpu.wait_indirect_dma semaphore(%arg19 : memref<!tpu.dma_semaphore, #tpu.memory_space<semaphore_mem>>) src(%dma_wait3A_265 : memref<480000x64xf32, #tpu.memory_space<hbm>>) dst(%arg14 : memref<16x64xf32, #tpu.memory_space<vmem>>)
            %scan3A_266 = arith.constant 0 : i32
            %scan3A_267 = arith.constant 0 : i32
            %scan3A_268 = arith.constant 2 : i32
            %scan3A_269 = arith.addi %scan3A_267, %scan3A_268 : i32
            %scan3A_270 = arith.constant 1 : i32
            scf.for %scan3A_272 = %scan3A_267 to %scan3A_269 step %scan3A_270  : i32 {
              %mul3A_273 = arith.constant 8 : i32
              %mul3A_274 = arith.muli %scan3A_272, %mul3A_273 : i32
              %add3A_275 = arith.constant 0 : i32
              %add3A_276 = arith.addi %mul3A_274, %add3A_275 : i32
              %get3A = arith.index_cast %add3A_276 : i32 to index
              %get3A_277 = arith.constant 0 : index
              %get3A_278 = tpu.vector_load %arg13[%get3A, %get3A_277] {strides = array<i32>} : memref<16x64xf32, #tpu.memory_space<vmem>>, vector<16xf32>,
              %mul3A_279 = arith.constant 8 : i32
              %mul3A_280 = arith.muli %scan3A_272, %mul3A_279 : i32
              %add3A_281 = arith.constant 0 : i32
              %add3A_282 = arith.addi %mul3A_280, %add3A_281 : i32
              %get3A_283 = arith.index_cast %add3A_282 : i32 to index
              %get3A_284 = arith.constant 0 : index
              %get3A_285 = tpu.vector_load %arg14[%get3A_283, %get3A_284] {strides = array<i32>} : memref<16x64xf32, #tpu.memory_space<vmem>>, vector<16xf32>,
              %mul3A_286 = arith.mulf %get3A_278, %get3A_285 : vector<16xf32>
              %mul3A_287 = arith.constant 8 : i32
              %mul3A_288 = arith.muli %scan3A_272, %mul3A_287 : i32
              %add3A_289 = arith.constant 0 : i32
              %add3A_290 = arith.addi %mul3A_288, %add3A_289 : i32
              %swap3A = arith.index_cast %add3A_290 : i32 to index
              %swap3A_291 = arith.constant 0 : index
              %swap3A_292 = tpu.vector_load %arg13[%swap3A, %swap3A_291] {strides = array<i32>} : memref<16x64xf32, #tpu.memory_space<vmem>>, vector<16xf32>,
              tpu.vector_store %arg13[%swap3A, %swap3A_291], %mul3A_286 {strides = array<i32>} : memref<16x64xf32, #tpu.memory_space<vmem>>, vector<16xf32>,
              %mul3A_293 = arith.constant 8 : i32
              %mul3A_294 = arith.muli %scan3A_272, %mul3A_293 : i32
              %add3A_295 = arith.constant 0 : i32
              %add3A_296 = arith.addi %mul3A_294, %add3A_295 : i32
              %get3A_297 = arith.index_cast %add3A_296 : i32 to index
              %get3A_298 = arith.constant 16 : index
              %get3A_299 = tpu.vector_load %arg13[%get3A_297, %get3A_298] {strides = array<i32>} : memref<16x64xf32, #tpu.memory_space<vmem>>, vector<16xf32>,
              %mul3A_300 = arith.constant 8 : i32
              %mul3A_301 = arith.muli %scan3A_272, %mul3A_300 : i32
              %add3A_302 = arith.constant 0 : i32
              %add3A_303 = arith.addi %mul3A_301, %add3A_302 : i32
              %get3A_304 = arith.index_cast %add3A_303 : i32 to index
              %get3A_305 = arith.constant 16 : index
              %get3A_306 = tpu.vector_load %arg14[%get3A_304, %get3A_305] {strides = array<i32>} : memref<16x64xf32, #tpu.memory_space<vmem>>, vector<16xf32>,
              %mul3A_307 = arith.mulf %get3A_299, %get3A_306 : vector<16xf32>
              %mul3A_308 = arith.constant 8 : i32
              %mul3A_309 = arith.muli %scan3A_272, %mul3A_308 : i32
              %add3A_310 = arith.constant 0 : i32
              %add3A_311 = arith.addi %mul3A_309, %add3A_310 : i32
              %swap3A_312 = arith.index_cast %add3A_311 : i32 to index
              %swap3A_313 = arith.constant 16 : index
              %swap3A_314 = tpu.vector_load %arg13[%swap3A_312, %swap3A_313] {strides = array<i32>} : memref<16x64xf32, #tpu.memory_space<vmem>>, vector<16xf32>,
              tpu.vector_store %arg13[%swap3A_312, %swap3A_313], %mul3A_307 {strides = array<i32>} : memref<16x64xf32, #tpu.memory_space<vmem>>, vector<16xf32>,
              %mul3A_315 = arith.constant 8 : i32
              %mul3A_316 = arith.muli %scan3A_272, %mul3A_315 : i32
              %add3A_317 = arith.constant 0 : i32
              %add3A_318 = arith.addi %mul3A_316, %add3A_317 : i32
              %get3A_319 = arith.index_cast %add3A_318 : i32 to index
              %get3A_320 = arith.constant 32 : index
              %get3A_321 = tpu.vector_load %arg13[%get3A_319, %get3A_320] {strides = array<i32>} : memref<16x64xf32, #tpu.memory_space<vmem>>, vector<16xf32>,
              %mul3A_322 = arith.constant 8 : i32
              %mul3A_323 = arith.muli %scan3A_272, %mul3A_322 : i32
              %add3A_324 = arith.constant 0 : i32
              %add3A_325 = arith.addi %mul3A_323, %add3A_324 : i32
              %get3A_326 = arith.index_cast %add3A_325 : i32 to index
              %get3A_327 = arith.constant 32 : index
              %get3A_328 = tpu.vector_load %arg14[%get3A_326, %get3A_327] {strides = array<i32>} : memref<16x64xf32, #tpu.memory_space<vmem>>, vector<16xf32>,
              %mul3A_329 = arith.mulf %get3A_321, %get3A_328 : vector<16xf32>
              %mul3A_330 = arith.constant 8 : i32
              %mul3A_331 = arith.muli %scan3A_272, %mul3A_330 : i32
              %add3A_332 = arith.constant 0 : i32
              %add3A_333 = arith.addi %mul3A_331, %add3A_332 : i32
              %swap3A_334 = arith.index_cast %add3A_333 : i32 to index
              %swap3A_335 = arith.constant 32 : index
              %swap3A_336 = tpu.vector_load %arg13[%swap3A_334, %swap3A_335] {strides = array<i32>} : memref<16x64xf32, #tpu.memory_space<vmem>>, vector<16xf32>,
              tpu.vector_store %arg13[%swap3A_334, %swap3A_335], %mul3A_329 {strides = array<i32>} : memref<16x64xf32, #tpu.memory_space<vmem>>, vector<16xf32>,
              %mul3A_337 = arith.constant 8 : i32
              %mul3A_338 = arith.muli %scan3A_272, %mul3A_337 : i32
              %add3A_339 = arith.constant 0 : i32
              %add3A_340 = arith.addi %mul3A_338, %add3A_339 : i32
              %get3A_341 = arith.index_cast %add3A_340 : i32 to index
              %get3A_342 = arith.constant 48 : index
              %get3A_343 = tpu.vector_load %arg13[%get3A_341, %get3A_342] {strides = array<i32>} : memref<16x64xf32, #tpu.memory_space<vmem>>, vector<16xf32>,
              %mul3A_344 = arith.constant 8 : i32
              %mul3A_345 = arith.muli %scan3A_272, %mul3A_344 : i32
              %add3A_346 = arith.constant 0 : i32
              %add3A_347 = arith.addi %mul3A_345, %add3A_346 : i32
              %get3A_348 = arith.index_cast %add3A_347 : i32 to index
              %get3A_349 = arith.constant 48 : index
              %get3A_350 = tpu.vector_load %arg14[%get3A_348, %get3A_349] {strides = array<i32>} : memref<16x64xf32, #tpu.memory_space<vmem>>, vector<16xf32>,
              %mul3A_351 = arith.mulf %get3A_343, %get3A_350 : vector<16xf32>
              %mul3A_352 = arith.constant 8 : i32
              %mul3A_353 = arith.muli %scan3A_272, %mul3A_352 : i32
              %add3A_354 = arith.constant 0 : i32
              %add3A_355 = arith.addi %mul3A_353, %add3A_354 : i32
              %swap3A_356 = arith.index_cast %add3A_355 : i32 to index
              %swap3A_357 = arith.constant 48 : index
              %swap3A_358 = tpu.vector_load %arg13[%swap3A_356, %swap3A_357] {strides = array<i32>} : memref<16x64xf32, #tpu.memory_space<vmem>>, vector<16xf32>,
              tpu.vector_store %arg13[%swap3A_356, %swap3A_357], %mul3A_351 {strides = array<i32>} : memref<16x64xf32, #tpu.memory_space<vmem>>, vector<16xf32>,
              %mul3A_359 = arith.constant 8 : i32
              %mul3A_360 = arith.muli %scan3A_272, %mul3A_359 : i32
              %add3A_361 = arith.constant 1 : i32
              %add3A_362 = arith.addi %mul3A_360, %add3A_361 : i32
              %get3A_363 = arith.index_cast %add3A_362 : i32 to index
              %get3A_364 = arith.constant 0 : index
              %get3A_365 = tpu.vector_load %arg13[%get3A_363, %get3A_364] {strides = array<i32>} : memref<16x64xf32, #tpu.memory_space<vmem>>, vector<16xf32>,
              %mul3A_366 = arith.constant 8 : i32
              %mul3A_367 = arith.muli %scan3A_272, %mul3A_366 : i32
              %add3A_368 = arith.constant 1 : i32
              %add3A_369 = arith.addi %mul3A_367, %add3A_368 : i32
              %get3A_370 = arith.index_cast %add3A_369 : i32 to index
              %get3A_371 = arith.constant 0 : index
              %get3A_372 = tpu.vector_load %arg14[%get3A_370, %get3A_371] {strides = array<i32>} : memref<16x64xf32, #tpu.memory_space<vmem>>, vector<16xf32>,
              %mul3A_373 = arith.mulf %get3A_365, %get3A_372 : vector<16xf32>
              %mul3A_374 = arith.constant 8 : i32
              %mul3A_375 = arith.muli %scan3A_272, %mul3A_374 : i32
              %add3A_376 = arith.constant 1 : i32
              %add3A_377 = arith.addi %mul3A_375, %add3A_376 : i32
              %swap3A_378 = arith.index_cast %add3A_377 : i32 to index
              %swap3A_379 = arith.constant 0 : index
              %swap3A_380 = tpu.vector_load %arg13[%swap3A_378, %swap3A_379] {strides = array<i32>} : memref<16x64xf32, #tpu.memory_space<vmem>>, vector<16xf32>,
              tpu.vector_store %arg13[%swap3A_378, %swap3A_379], %mul3A_373 {strides = array<i32>} : memref<16x64xf32, #tpu.memory_space<vmem>>, vector<16xf32>,
              %mul3A_381 = arith.constant 8 : i32
              %mul3A_382 = arith.muli %scan3A_272, %mul3A_381 : i32
              %add3A_383 = arith.constant 1 : i32
              %add3A_384 = arith.addi %mul3A_382, %add3A_383 : i32
              %get3A_385 = arith.index_cast %add3A_384 : i32 to index
              %get3A_386 = arith.constant 16 : index
              %get3A_387 = tpu.vector_load %arg13[%get3A_385, %get3A_386] {strides = array<i32>} : memref<16x64xf32, #tpu.memory_space<vmem>>, vector<16xf32>,
              %mul3A_388 = arith.constant 8 : i32
              %mul3A_389 = arith.muli %scan3A_272, %mul3A_388 : i32
              %add3A_390 = arith.constant 1 : i32
              %add3A_391 = arith.addi %mul3A_389, %add3A_390 : i32
              %get3A_392 = arith.index_cast %add3A_391 : i32 to index
              %get3A_393 = arith.constant 16 : index
              %get3A_394 = tpu.vector_load %arg14[%get3A_392, %get3A_393] {strides = array<i32>} : memref<16x64xf32, #tpu.memory_space<vmem>>, vector<16xf32>,
              %mul3A_395 = arith.mulf %get3A_387, %get3A_394 : vector<16xf32>
              %mul3A_396 = arith.constant 8 : i32
              %mul3A_397 = arith.muli %scan3A_272, %mul3A_396 : i32
              %add3A_398 = arith.constant 1 : i32
              %add3A_399 = arith.addi %mul3A_397, %add3A_398 : i32
              %swap3A_400 = arith.index_cast %add3A_399 : i32 to index
              %swap3A_401 = arith.constant 16 : index
              %swap3A_402 = tpu.vector_load %arg13[%swap3A_400, %swap3A_401] {strides = array<i32>} : memref<16x64xf32, #tpu.memory_space<vmem>>, vector<16xf32>,
              tpu.vector_store %arg13[%swap3A_400, %swap3A_401], %mul3A_395 {strides = array<i32>} : memref<16x64xf32, #tpu.memory_space<vmem>>, vector<16xf32>,
              %mul3A_403 = arith.constant 8 : i32
              %mul3A_404 = arith.muli %scan3A_272, %mul3A_403 : i32
              %add3A_405 = arith.constant 1 : i32
              %add3A_406 = arith.addi %mul3A_404, %add3A_405 : i32
              %get3A_407 = arith.index_cast %add3A_406 : i32 to index
              %get3A_408 = arith.constant 32 : index
              %get3A_409 = tpu.vector_load %arg13[%get3A_407, %get3A_408] {strides = array<i32>} : memref<16x64xf32, #tpu.memory_space<vmem>>, vector<16xf32>,
              %mul3A_410 = arith.constant 8 : i32
              %mul3A_411 = arith.muli %scan3A_272, %mul3A_410 : i32
              %add3A_412 = arith.constant 1 : i32
              %add3A_413 = arith.addi %mul3A_411, %add3A_412 : i32
              %get3A_414 = arith.index_cast %add3A_413 : i32 to index
              %get3A_415 = arith.constant 32 : index
              %get3A_416 = tpu.vector_load %arg14[%get3A_414, %get3A_415] {strides = array<i32>} : memref<16x64xf32, #tpu.memory_space<vmem>>, vector<16xf32>,
              %mul3A_417 = arith.mulf %get3A_409, %get3A_416 : vector<16xf32>
              %mul3A_418 = arith.constant 8 : i32
              %mul3A_419 = arith.muli %scan3A_272, %mul3A_418 : i32
              %add3A_420 = arith.constant 1 : i32
              %add3A_421 = arith.addi %mul3A_419, %add3A_420 : i32
              %swap3A_422 = arith.index_cast %add3A_421 : i32 to index
              %swap3A_423 = arith.constant 32 : index
              %swap3A_424 = tpu.vector_load %arg13[%swap3A_422, %swap3A_423] {strides = array<i32>} : memref<16x64xf32, #tpu.memory_space<vmem>>, vector<16xf32>,
              tpu.vector_store %arg13[%swap3A_422, %swap3A_423], %mul3A_417 {strides = array<i32>} : memref<16x64xf32, #tpu.memory_space<vmem>>, vector<16xf32>,
              %mul3A_425 = arith.constant 8 : i32
              %mul3A_426 = arith.muli %scan3A_272, %mul3A_425 : i32
              %add3A_427 = arith.constant 1 : i32
              %add3A_428 = arith.addi %mul3A_426, %add3A_427 : i32
              %get3A_429 = arith.index_cast %add3A_428 : i32 to index
              %get3A_430 = arith.constant 48 : index
              %get3A_431 = tpu.vector_load %arg13[%get3A_429, %get3A_430] {strides = array<i32>} : memref<16x64xf32, #tpu.memory_space<vmem>>, vector<16xf32>,
              %mul3A_432 = arith.constant 8 : i32
              %mul3A_433 = arith.muli %scan3A_272, %mul3A_432 : i32
              %add3A_434 = arith.constant 1 : i32
              %add3A_435 = arith.addi %mul3A_433, %add3A_434 : i32
              %get3A_436 = arith.index_cast %add3A_435 : i32 to index
              %get3A_437 = arith.constant 48 : index
              %get3A_438 = tpu.vector_load %arg14[%get3A_436, %get3A_437] {strides = array<i32>} : memref<16x64xf32, #tpu.memory_space<vmem>>, vector<16xf32>,
              %mul3A_439 = arith.mulf %get3A_431, %get3A_438 : vector<16xf32>
              %mul3A_440 = arith.constant 8 : i32
              %mul3A_441 = arith.muli %scan3A_272, %mul3A_440 : i32
              %add3A_442 = arith.constant 1 : i32
              %add3A_443 = arith.addi %mul3A_441, %add3A_442 : i32
              %swap3A_444 = arith.index_cast %add3A_443 : i32 to index
              %swap3A_445 = arith.constant 48 : index
              %swap3A_446 = tpu.vector_load %arg13[%swap3A_444, %swap3A_445] {strides = array<i32>} : memref<16x64xf32, #tpu.memory_space<vmem>>, vector<16xf32>,
              tpu.vector_store %arg13[%swap3A_444, %swap3A_445], %mul3A_439 {strides = array<i32>} : memref<16x64xf32, #tpu.memory_space<vmem>>, vector<16xf32>,
              %mul3A_447 = arith.constant 8 : i32
              %mul3A_448 = arith.muli %scan3A_272, %mul3A_447 : i32
              %add3A_449 = arith.constant 2 : i32
              %add3A_450 = arith.addi %mul3A_448, %add3A_449 : i32
              %get3A_451 = arith.index_cast %add3A_450 : i32 to index
              %get3A_452 = arith.constant 0 : index
              %get3A_453 = tpu.vector_load %arg13[%get3A_451, %get3A_452] {strides = array<i32>} : memref<16x64xf32, #tpu.memory_space<vmem>>, vector<16xf32>,
              %mul3A_454 = arith.constant 8 : i32
              %mul3A_455 = arith.muli %scan3A_272, %mul3A_454 : i32
              %add3A_456 = arith.constant 2 : i32
              %add3A_457 = arith.addi %mul3A_455, %add3A_456 : i32
              %get3A_458 = arith.index_cast %add3A_457 : i32 to index
              %get3A_459 = arith.constant 0 : index
              %get3A_460 = tpu.vector_load %arg14[%get3A_458, %get3A_459] {strides = array<i32>} : memref<16x64xf32, #tpu.memory_space<vmem>>, vector<16xf32>,
              %mul3A_461 = arith.mulf %get3A_453, %get3A_460 : vector<16xf32>
              %mul3A_462 = arith.constant 8 : i32
              %mul3A_463 = arith.muli %scan3A_272, %mul3A_462 : i32
              %add3A_464 = arith.constant 2 : i32
              %add3A_465 = arith.addi %mul3A_463, %add3A_464 : i32
              %swap3A_466 = arith.index_cast %add3A_465 : i32 to index
              %swap3A_467 = arith.constant 0 : index
              %swap3A_468 = tpu.vector_load %arg13[%swap3A_466, %swap3A_467] {strides = array<i32>} : memref<16x64xf32, #tpu.memory_space<vmem>>, vector<16xf32>,
              tpu.vector_store %arg13[%swap3A_466, %swap3A_467], %mul3A_461 {strides = array<i32>} : memref<16x64xf32, #tpu.memory_space<vmem>>, vector<16xf32>,
              %mul3A_469 = arith.constant 8 : i32
              %mul3A_470 = arith.muli %scan3A_272, %mul3A_469 : i32
              %add3A_471 = arith.constant 2 : i32
              %add3A_472 = arith.addi %mul3A_470, %add3A_471 : i32
              %get3A_473 = arith.index_cast %add3A_472 : i32 to index
              %get3A_474 = arith.constant 16 : index
              %get3A_475 = tpu.vector_load %arg13[%get3A_473, %get3A_474] {strides = array<i32>} : memref<16x64xf32, #tpu.memory_space<vmem>>, vector<16xf32>,
              %mul3A_476 = arith.constant 8 : i32
              %mul3A_477 = arith.muli %scan3A_272, %mul3A_476 : i32
              %add3A_478 = arith.constant 2 : i32
              %add3A_479 = arith.addi %mul3A_477, %add3A_478 : i32
              %get3A_480 = arith.index_cast %add3A_479 : i32 to index
              %get3A_481 = arith.constant 16 : index
              %get3A_482 = tpu.vector_load %arg14[%get3A_480, %get3A_481] {strides = array<i32>} : memref<16x64xf32, #tpu.memory_space<vmem>>, vector<16xf32>,
              %mul3A_483 = arith.mulf %get3A_475, %get3A_482 : vector<16xf32>
              %mul3A_484 = arith.constant 8 : i32
              %mul3A_485 = arith.muli %scan3A_272, %mul3A_484 : i32
              %add3A_486 = arith.constant 2 : i32
              %add3A_487 = arith.addi %mul3A_485, %add3A_486 : i32
              %swap3A_488 = arith.index_cast %add3A_487 : i32 to index
              %swap3A_489 = arith.constant 16 : index
              %swap3A_490 = tpu.vector_load %arg13[%swap3A_488, %swap3A_489] {strides = array<i32>} : memref<16x64xf32, #tpu.memory_space<vmem>>, vector<16xf32>,
              tpu.vector_store %arg13[%swap3A_488, %swap3A_489], %mul3A_483 {strides = array<i32>} : memref<16x64xf32, #tpu.memory_space<vmem>>, vector<16xf32>,
              %mul3A_491 = arith.constant 8 : i32
              %mul3A_492 = arith.muli %scan3A_272, %mul3A_491 : i32
              %add3A_493 = arith.constant 2 : i32
              %add3A_494 = arith.addi %mul3A_492, %add3A_493 : i32
              %get3A_495 = arith.index_cast %add3A_494 : i32 to index
              %get3A_496 = arith.constant 32 : index
              %get3A_497 = tpu.vector_load %arg13[%get3A_495, %get3A_496] {strides = array<i32>} : memref<16x64xf32, #tpu.memory_space<vmem>>, vector<16xf32>,
              %mul3A_498 = arith.constant 8 : i32
              %mul3A_499 = arith.muli %scan3A_272, %mul3A_498 : i32
              %add3A_500 = arith.constant 2 : i32
              %add3A_501 = arith.addi %mul3A_499, %add3A_500 : i32
              %get3A_502 = arith.index_cast %add3A_501 : i32 to index
              %get3A_503 = arith.constant 32 : index
              %get3A_504 = tpu.vector_load %arg14[%get3A_502, %get3A_503] {strides = array<i32>} : memref<16x64xf32, #tpu.memory_space<vmem>>, vector<16xf32>,
              %mul3A_505 = arith.mulf %get3A_497, %get3A_504 : vector<16xf32>
              %mul3A_506 = arith.constant 8 : i32
              %mul3A_507 = arith.muli %scan3A_272, %mul3A_506 : i32
              %add3A_508 = arith.constant 2 : i32
              %add3A_509 = arith.addi %mul3A_507, %add3A_508 : i32
              %swap3A_510 = arith.index_cast %add3A_509 : i32 to index
              %swap3A_511 = arith.constant 32 : index
              %swap3A_512 = tpu.vector_load %arg13[%swap3A_510, %swap3A_511] {strides = array<i32>} : memref<16x64xf32, #tpu.memory_space<vmem>>, vector<16xf32>,
              tpu.vector_store %arg13[%swap3A_510, %swap3A_511], %mul3A_505 {strides = array<i32>} : memref<16x64xf32, #tpu.memory_space<vmem>>, vector<16xf32>,
              %mul3A_513 = arith.constant 8 : i32
              %mul3A_514 = arith.muli %scan3A_272, %mul3A_513 : i32
              %add3A_515 = arith.constant 2 : i32
              %add3A_516 = arith.addi %mul3A_514, %add3A_515 : i32
              %get3A_517 = arith.index_cast %add3A_516 : i32 to index
              %get3A_518 = arith.constant 48 : index
              %get3A_519 = tpu.vector_load %arg13[%get3A_517, %get3A_518] {strides = array<i32>} : memref<16x64xf32, #tpu.memory_space<vmem>>, vector<16xf32>,
              %mul3A_520 = arith.constant 8 : i32
              %mul3A_521 = arith.muli %scan3A_272, %mul3A_520 : i32
              %add3A_522 = arith.constant 2 : i32
              %add3A_523 = arith.addi %mul3A_521, %add3A_522 : i32
              %get3A_524 = arith.index_cast %add3A_523 : i32 to index
              %get3A_525 = arith.constant 48 : index
              %get3A_526 = tpu.vector_load %arg14[%get3A_524, %get3A_525] {strides = array<i32>} : memref<16x64xf32, #tpu.memory_space<vmem>>, vector<16xf32>,
              %mul3A_527 = arith.mulf %get3A_519, %get3A_526 : vector<16xf32>
              %mul3A_528 = arith.constant 8 : i32
              %mul3A_529 = arith.muli %scan3A_272, %mul3A_528 : i32
              %add3A_530 = arith.constant 2 : i32
              %add3A_531 = arith.addi %mul3A_529, %add3A_530 : i32
              %swap3A_532 = arith.index_cast %add3A_531 : i32 to index
              %swap3A_533 = arith.constant 48 : index
              %swap3A_534 = tpu.vector_load %arg13[%swap3A_532, %swap3A_533] {strides = array<i32>} : memref<16x64xf32, #tpu.memory_space<vmem>>, vector<16xf32>,
              tpu.vector_store %arg13[%swap3A_532, %swap3A_533], %mul3A_527 {strides = array<i32>} : memref<16x64xf32, #tpu.memory_space<vmem>>, vector<16xf32>,
              %mul3A_535 = arith.constant 8 : i32
              %mul3A_536 = arith.muli %scan3A_272, %mul3A_535 : i32
              %add3A_537 = arith.constant 3 : i32
              %add3A_538 = arith.addi %mul3A_536, %add3A_537 : i32
              %get3A_539 = arith.index_cast %add3A_538 : i32 to index
              %get3A_540 = arith.constant 0 : index
              %get3A_541 = tpu.vector_load %arg13[%get3A_539, %get3A_540] {strides = array<i32>} : memref<16x64xf32, #tpu.memory_space<vmem>>, vector<16xf32>,
              %mul3A_542 = arith.constant 8 : i32
              %mul3A_543 = arith.muli %scan3A_272, %mul3A_542 : i32
              %add3A_544 = arith.constant 3 : i32
              %add3A_545 = arith.addi %mul3A_543, %add3A_544 : i32
              %get3A_546 = arith.index_cast %add3A_545 : i32 to index
              %get3A_547 = arith.constant 0 : index
              %get3A_548 = tpu.vector_load %arg14[%get3A_546, %get3A_547] {strides = array<i32>} : memref<16x64xf32, #tpu.memory_space<vmem>>, vector<16xf32>,
              %mul3A_549 = arith.mulf %get3A_541, %get3A_548 : vector<16xf32>
              %mul3A_550 = arith.constant 8 : i32
              %mul3A_551 = arith.muli %scan3A_272, %mul3A_550 : i32
              %add3A_552 = arith.constant 3 : i32
              %add3A_553 = arith.addi %mul3A_551, %add3A_552 : i32
              %swap3A_554 = arith.index_cast %add3A_553 : i32 to index
              %swap3A_555 = arith.constant 0 : index
              %swap3A_556 = tpu.vector_load %arg13[%swap3A_554, %swap3A_555] {strides = array<i32>} : memref<16x64xf32, #tpu.memory_space<vmem>>, vector<16xf32>,
              tpu.vector_store %arg13[%swap3A_554, %swap3A_555], %mul3A_549 {strides = array<i32>} : memref<16x64xf32, #tpu.memory_space<vmem>>, vector<16xf32>,
              %mul3A_557 = arith.constant 8 : i32
              %mul3A_558 = arith.muli %scan3A_272, %mul3A_557 : i32
              %add3A_559 = arith.constant 3 : i32
              %add3A_560 = arith.addi %mul3A_558, %add3A_559 : i32
              %get3A_561 = arith.index_cast %add3A_560 : i32 to index
              %get3A_562 = arith.constant 16 : index
              %get3A_563 = tpu.vector_load %arg13[%get3A_561, %get3A_562] {strides = array<i32>} : memref<16x64xf32, #tpu.memory_space<vmem>>, vector<16xf32>,
              %mul3A_564 = arith.constant 8 : i32
              %mul3A_565 = arith.muli %scan3A_272, %mul3A_564 : i32
              %add3A_566 = arith.constant 3 : i32
              %add3A_567 = arith.addi %mul3A_565, %add3A_566 : i32
              %get3A_568 = arith.index_cast %add3A_567 : i32 to index
              %get3A_569 = arith.constant 16 : index
              %get3A_570 = tpu.vector_load %arg14[%get3A_568, %get3A_569] {strides = array<i32>} : memref<16x64xf32, #tpu.memory_space<vmem>>, vector<16xf32>,
              %mul3A_571 = arith.mulf %get3A_563, %get3A_570 : vector<16xf32>
              %mul3A_572 = arith.constant 8 : i32
              %mul3A_573 = arith.muli %scan3A_272, %mul3A_572 : i32
              %add3A_574 = arith.constant 3 : i32
              %add3A_575 = arith.addi %mul3A_573, %add3A_574 : i32
              %swap3A_576 = arith.index_cast %add3A_575 : i32 to index
              %swap3A_577 = arith.constant 16 : index
              %swap3A_578 = tpu.vector_load %arg13[%swap3A_576, %swap3A_577] {strides = array<i32>} : memref<16x64xf32, #tpu.memory_space<vmem>>, vector<16xf32>,
              tpu.vector_store %arg13[%swap3A_576, %swap3A_577], %mul3A_571 {strides = array<i32>} : memref<16x64xf32, #tpu.memory_space<vmem>>, vector<16xf32>,
              %mul3A_579 = arith.constant 8 : i32
              %mul3A_580 = arith.muli %scan3A_272, %mul3A_579 : i32
              %add3A_581 = arith.constant 3 : i32
              %add3A_582 = arith.addi %mul3A_580, %add3A_581 : i32
              %get3A_583 = arith.index_cast %add3A_582 : i32 to index
              %get3A_584 = arith.constant 32 : index
              %get3A_585 = tpu.vector_load %arg13[%get3A_583, %get3A_584] {strides = array<i32>} : memref<16x64xf32, #tpu.memory_space<vmem>>, vector<16xf32>,
              %mul3A_586 = arith.constant 8 : i32
              %mul3A_587 = arith.muli %scan3A_272, %mul3A_586 : i32
              %add3A_588 = arith.constant 3 : i32
              %add3A_589 = arith.addi %mul3A_587, %add3A_588 : i32
              %get3A_590 = arith.index_cast %add3A_589 : i32 to index
              %get3A_591 = arith.constant 32 : index
              %get3A_592 = tpu.vector_load %arg14[%get3A_590, %get3A_591] {strides = array<i32>} : memref<16x64xf32, #tpu.memory_space<vmem>>, vector<16xf32>,
              %mul3A_593 = arith.mulf %get3A_585, %get3A_592 : vector<16xf32>
              %mul3A_594 = arith.constant 8 : i32
              %mul3A_595 = arith.muli %scan3A_272, %mul3A_594 : i32
              %add3A_596 = arith.constant 3 : i32
              %add3A_597 = arith.addi %mul3A_595, %add3A_596 : i32
              %swap3A_598 = arith.index_cast %add3A_597 : i32 to index
              %swap3A_599 = arith.constant 32 : index
              %swap3A_600 = tpu.vector_load %arg13[%swap3A_598, %swap3A_599] {strides = array<i32>} : memref<16x64xf32, #tpu.memory_space<vmem>>, vector<16xf32>,
              tpu.vector_store %arg13[%swap3A_598, %swap3A_599], %mul3A_593 {strides = array<i32>} : memref<16x64xf32, #tpu.memory_space<vmem>>, vector<16xf32>,
              %mul3A_601 = arith.constant 8 : i32
              %mul3A_602 = arith.muli %scan3A_272, %mul3A_601 : i32
              %add3A_603 = arith.constant 3 : i32
              %add3A_604 = arith.addi %mul3A_602, %add3A_603 : i32
              %get3A_605 = arith.index_cast %add3A_604 : i32 to index
              %get3A_606 = arith.constant 48 : index
              %get3A_607 = tpu.vector_load %arg13[%get3A_605, %get3A_606] {strides = array<i32>} : memref<16x64xf32, #tpu.memory_space<vmem>>, vector<16xf32>,
              %mul3A_608 = arith.constant 8 : i32
              %mul3A_609 = arith.muli %scan3A_272, %mul3A_608 : i32
              %add3A_610 = arith.constant 3 : i32
              %add3A_611 = arith.addi %mul3A_609, %add3A_610 : i32
              %get3A_612 = arith.index_cast %add3A_611 : i32 to index
              %get3A_613 = arith.constant 48 : index
              %get3A_614 = tpu.vector_load %arg14[%get3A_612, %get3A_613] {strides = array<i32>} : memref<16x64xf32, #tpu.memory_space<vmem>>, vector<16xf32>,
              %mul3A_615 = arith.mulf %get3A_607, %get3A_614 : vector<16xf32>
              %mul3A_616 = arith.constant 8 : i32
              %mul3A_617 = arith.muli %scan3A_272, %mul3A_616 : i32
              %add3A_618 = arith.constant 3 : i32
              %add3A_619 = arith.addi %mul3A_617, %add3A_618 : i32
              %swap3A_620 = arith.index_cast %add3A_619 : i32 to index
              %swap3A_621 = arith.constant 48 : index
              %swap3A_622 = tpu.vector_load %arg13[%swap3A_620, %swap3A_621] {strides = array<i32>} : memref<16x64xf32, #tpu.memory_space<vmem>>, vector<16xf32>,
              tpu.vector_store %arg13[%swap3A_620, %swap3A_621], %mul3A_615 {strides = array<i32>} : memref<16x64xf32, #tpu.memory_space<vmem>>, vector<16xf32>,
              %mul3A_623 = arith.constant 8 : i32
              %mul3A_624 = arith.muli %scan3A_272, %mul3A_623 : i32
              %add3A_625 = arith.constant 4 : i32
              %add3A_626 = arith.addi %mul3A_624, %add3A_625 : i32
              %get3A_627 = arith.index_cast %add3A_626 : i32 to index
              %get3A_628 = arith.constant 0 : index
              %get3A_629 = tpu.vector_load %arg13[%get3A_627, %get3A_628] {strides = array<i32>} : memref<16x64xf32, #tpu.memory_space<vmem>>, vector<16xf32>,
              %mul3A_630 = arith.constant 8 : i32
              %mul3A_631 = arith.muli %scan3A_272, %mul3A_630 : i32
              %add3A_632 = arith.constant 4 : i32
              %add3A_633 = arith.addi %mul3A_631, %add3A_632 : i32
              %get3A_634 = arith.index_cast %add3A_633 : i32 to index
              %get3A_635 = arith.constant 0 : index
              %get3A_636 = tpu.vector_load %arg14[%get3A_634, %get3A_635] {strides = array<i32>} : memref<16x64xf32, #tpu.memory_space<vmem>>, vector<16xf32>,
              %mul3A_637 = arith.mulf %get3A_629, %get3A_636 : vector<16xf32>
              %mul3A_638 = arith.constant 8 : i32
              %mul3A_639 = arith.muli %scan3A_272, %mul3A_638 : i32
              %add3A_640 = arith.constant 4 : i32
              %add3A_641 = arith.addi %mul3A_639, %add3A_640 : i32
              %swap3A_642 = arith.index_cast %add3A_641 : i32 to index
              %swap3A_643 = arith.constant 0 : index
              %swap3A_644 = tpu.vector_load %arg13[%swap3A_642, %swap3A_643] {strides = array<i32>} : memref<16x64xf32, #tpu.memory_space<vmem>>, vector<16xf32>,
              tpu.vector_store %arg13[%swap3A_642, %swap3A_643], %mul3A_637 {strides = array<i32>} : memref<16x64xf32, #tpu.memory_space<vmem>>, vector<16xf32>,
              %mul3A_645 = arith.constant 8 : i32
              %mul3A_646 = arith.muli %scan3A_272, %mul3A_645 : i32
              %add3A_647 = arith.constant 4 : i32
              %add3A_648 = arith.addi %mul3A_646, %add3A_647 : i32
              %get3A_649 = arith.index_cast %add3A_648 : i32 to index
              %get3A_650 = arith.constant 16 : index
              %get3A_651 = tpu.vector_load %arg13[%get3A_649, %get3A_650] {strides = array<i32>} : memref<16x64xf32, #tpu.memory_space<vmem>>, vector<16xf32>,
              %mul3A_652 = arith.constant 8 : i32
              %mul3A_653 = arith.muli %scan3A_272, %mul3A_652 : i32
              %add3A_654 = arith.constant 4 : i32
              %add3A_655 = arith.addi %mul3A_653, %add3A_654 : i32
              %get3A_656 = arith.index_cast %add3A_655 : i32 to index
              %get3A_657 = arith.constant 16 : index
              %get3A_658 = tpu.vector_load %arg14[%get3A_656, %get3A_657] {strides = array<i32>} : memref<16x64xf32, #tpu.memory_space<vmem>>, vector<16xf32>,
              %mul3A_659 = arith.mulf %get3A_651, %get3A_658 : vector<16xf32>
              %mul3A_660 = arith.constant 8 : i32
              %mul3A_661 = arith.muli %scan3A_272, %mul3A_660 : i32
              %add3A_662 = arith.constant 4 : i32
              %add3A_663 = arith.addi %mul3A_661, %add3A_662 : i32
              %swap3A_664 = arith.index_cast %add3A_663 : i32 to index
              %swap3A_665 = arith.constant 16 : index
              %swap3A_666 = tpu.vector_load %arg13[%swap3A_664, %swap3A_665] {strides = array<i32>} : memref<16x64xf32, #tpu.memory_space<vmem>>, vector<16xf32>,
              tpu.vector_store %arg13[%swap3A_664, %swap3A_665], %mul3A_659 {strides = array<i32>} : memref<16x64xf32, #tpu.memory_space<vmem>>, vector<16xf32>,
              %mul3A_667 = arith.constant 8 : i32
              %mul3A_668 = arith.muli %scan3A_272, %mul3A_667 : i32
              %add3A_669 = arith.constant 4 : i32
              %add3A_670 = arith.addi %mul3A_668, %add3A_669 : i32
              %get3A_671 = arith.index_cast %add3A_670 : i32 to index
              %get3A_672 = arith.constant 32 : index
              %get3A_673 = tpu.vector_load %arg13[%get3A_671, %get3A_672] {strides = array<i32>} : memref<16x64xf32, #tpu.memory_space<vmem>>, vector<16xf32>,
              %mul3A_674 = arith.constant 8 : i32
              %mul3A_675 = arith.muli %scan3A_272, %mul3A_674 : i32
              %add3A_676 = arith.constant 4 : i32
              %add3A_677 = arith.addi %mul3A_675, %add3A_676 : i32
              %get3A_678 = arith.index_cast %add3A_677 : i32 to index
              %get3A_679 = arith.constant 32 : index
              %get3A_680 = tpu.vector_load %arg14[%get3A_678, %get3A_679] {strides = array<i32>} : memref<16x64xf32, #tpu.memory_space<vmem>>, vector<16xf32>,
              %mul3A_681 = arith.mulf %get3A_673, %get3A_680 : vector<16xf32>
              %mul3A_682 = arith.constant 8 : i32
              %mul3A_683 = arith.muli %scan3A_272, %mul3A_682 : i32
              %add3A_684 = arith.constant 4 : i32
              %add3A_685 = arith.addi %mul3A_683, %add3A_684 : i32
              %swap3A_686 = arith.index_cast %add3A_685 : i32 to index
              %swap3A_687 = arith.constant 32 : index
              %swap3A_688 = tpu.vector_load %arg13[%swap3A_686, %swap3A_687] {strides = array<i32>} : memref<16x64xf32, #tpu.memory_space<vmem>>, vector<16xf32>,
              tpu.vector_store %arg13[%swap3A_686, %swap3A_687], %mul3A_681 {strides = array<i32>} : memref<16x64xf32, #tpu.memory_space<vmem>>, vector<16xf32>,
              %mul3A_689 = arith.constant 8 : i32
              %mul3A_690 = arith.muli %scan3A_272, %mul3A_689 : i32
              %add3A_691 = arith.constant 4 : i32
              %add3A_692 = arith.addi %mul3A_690, %add3A_691 : i32
              %get3A_693 = arith.index_cast %add3A_692 : i32 to index
              %get3A_694 = arith.constant 48 : index
              %get3A_695 = tpu.vector_load %arg13[%get3A_693, %get3A_694] {strides = array<i32>} : memref<16x64xf32, #tpu.memory_space<vmem>>, vector<16xf32>,
              %mul3A_696 = arith.constant 8 : i32
              %mul3A_697 = arith.muli %scan3A_272, %mul3A_696 : i32
              %add3A_698 = arith.constant 4 : i32
              %add3A_699 = arith.addi %mul3A_697, %add3A_698 : i32
              %get3A_700 = arith.index_cast %add3A_699 : i32 to index
              %get3A_701 = arith.constant 48 : index
              %get3A_702 = tpu.vector_load %arg14[%get3A_700, %get3A_701] {strides = array<i32>} : memref<16x64xf32, #tpu.memory_space<vmem>>, vector<16xf32>,
              %mul3A_703 = arith.mulf %get3A_695, %get3A_702 : vector<16xf32>
              %mul3A_704 = arith.constant 8 : i32
              %mul3A_705 = arith.muli %scan3A_272, %mul3A_704 : i32
              %add3A_706 = arith.constant 4 : i32
              %add3A_707 = arith.addi %mul3A_705, %add3A_706 : i32
              %swap3A_708 = arith.index_cast %add3A_707 : i32 to index
              %swap3A_709 = arith.constant 48 : index
              %swap3A_710 = tpu.vector_load %arg13[%swap3A_708, %swap3A_709] {strides = array<i32>} : memref<16x64xf32, #tpu.memory_space<vmem>>, vector<16xf32>,
              tpu.vector_store %arg13[%swap3A_708, %swap3A_709], %mul3A_703 {strides = array<i32>} : memref<16x64xf32, #tpu.memory_space<vmem>>, vector<16xf32>,
              %mul3A_711 = arith.constant 8 : i32
              %mul3A_712 = arith.muli %scan3A_272, %mul3A_711 : i32
              %add3A_713 = arith.constant 5 : i32
              %add3A_714 = arith.addi %mul3A_712, %add3A_713 : i32
              %get3A_715 = arith.index_cast %add3A_714 : i32 to index
              %get3A_716 = arith.constant 0 : index
              %get3A_717 = tpu.vector_load %arg13[%get3A_715, %get3A_716] {strides = array<i32>} : memref<16x64xf32, #tpu.memory_space<vmem>>, vector<16xf32>,
              %mul3A_718 = arith.constant 8 : i32
              %mul3A_719 = arith.muli %scan3A_272, %mul3A_718 : i32
              %add3A_720 = arith.constant 5 : i32
              %add3A_721 = arith.addi %mul3A_719, %add3A_720 : i32
              %get3A_722 = arith.index_cast %add3A_721 : i32 to index
              %get3A_723 = arith.constant 0 : index
              %get3A_724 = tpu.vector_load %arg14[%get3A_722, %get3A_723] {strides = array<i32>} : memref<16x64xf32, #tpu.memory_space<vmem>>, vector<16xf32>,
              %mul3A_725 = arith.mulf %get3A_717, %get3A_724 : vector<16xf32>
              %mul3A_726 = arith.constant 8 : i32
              %mul3A_727 = arith.muli %scan3A_272, %mul3A_726 : i32
              %add3A_728 = arith.constant 5 : i32
              %add3A_729 = arith.addi %mul3A_727, %add3A_728 : i32
              %swap3A_730 = arith.index_cast %add3A_729 : i32 to index
              %swap3A_731 = arith.constant 0 : index
              %swap3A_732 = tpu.vector_load %arg13[%swap3A_730, %swap3A_731] {strides = array<i32>} : memref<16x64xf32, #tpu.memory_space<vmem>>, vector<16xf32>,
              tpu.vector_store %arg13[%swap3A_730, %swap3A_731], %mul3A_725 {strides = array<i32>} : memref<16x64xf32, #tpu.memory_space<vmem>>, vector<16xf32>,
              %mul3A_733 = arith.constant 8 : i32
              %mul3A_734 = arith.muli %scan3A_272, %mul3A_733 : i32
              %add3A_735 = arith.constant 5 : i32
              %add3A_736 = arith.addi %mul3A_734, %add3A_735 : i32
              %get3A_737 = arith.index_cast %add3A_736 : i32 to index
              %get3A_738 = arith.constant 16 : index
              %get3A_739 = tpu.vector_load %arg13[%get3A_737, %get3A_738] {strides = array<i32>} : memref<16x64xf32, #tpu.memory_space<vmem>>, vector<16xf32>,
              %mul3A_740 = arith.constant 8 : i32
              %mul3A_741 = arith.muli %scan3A_272, %mul3A_740 : i32
              %add3A_742 = arith.constant 5 : i32
              %add3A_743 = arith.addi %mul3A_741, %add3A_742 : i32
              %get3A_744 = arith.index_cast %add3A_743 : i32 to index
              %get3A_745 = arith.constant 16 : index
              %get3A_746 = tpu.vector_load %arg14[%get3A_744, %get3A_745] {strides = array<i32>} : memref<16x64xf32, #tpu.memory_space<vmem>>, vector<16xf32>,
              %mul3A_747 = arith.mulf %get3A_739, %get3A_746 : vector<16xf32>
              %mul3A_748 = arith.constant 8 : i32
              %mul3A_749 = arith.muli %scan3A_272, %mul3A_748 : i32
              %add3A_750 = arith.constant 5 : i32
              %add3A_751 = arith.addi %mul3A_749, %add3A_750 : i32
              %swap3A_752 = arith.index_cast %add3A_751 : i32 to index
              %swap3A_753 = arith.constant 16 : index
              %swap3A_754 = tpu.vector_load %arg13[%swap3A_752, %swap3A_753] {strides = array<i32>} : memref<16x64xf32, #tpu.memory_space<vmem>>, vector<16xf32>,
              tpu.vector_store %arg13[%swap3A_752, %swap3A_753], %mul3A_747 {strides = array<i32>} : memref<16x64xf32, #tpu.memory_space<vmem>>, vector<16xf32>,
              %mul3A_755 = arith.constant 8 : i32
              %mul3A_756 = arith.muli %scan3A_272, %mul3A_755 : i32
              %add3A_757 = arith.constant 5 : i32
              %add3A_758 = arith.addi %mul3A_756, %add3A_757 : i32
              %get3A_759 = arith.index_cast %add3A_758 : i32 to index
              %get3A_760 = arith.constant 32 : index
              %get3A_761 = tpu.vector_load %arg13[%get3A_759, %get3A_760] {strides = array<i32>} : memref<16x64xf32, #tpu.memory_space<vmem>>, vector<16xf32>,
              %mul3A_762 = arith.constant 8 : i32
              %mul3A_763 = arith.muli %scan3A_272, %mul3A_762 : i32
              %add3A_764 = arith.constant 5 : i32
              %add3A_765 = arith.addi %mul3A_763, %add3A_764 : i32
              %get3A_766 = arith.index_cast %add3A_765 : i32 to index
              %get3A_767 = arith.constant 32 : index
              %get3A_768 = tpu.vector_load %arg14[%get3A_766, %get3A_767] {strides = array<i32>} : memref<16x64xf32, #tpu.memory_space<vmem>>, vector<16xf32>,
              %mul3A_769 = arith.mulf %get3A_761, %get3A_768 : vector<16xf32>
              %mul3A_770 = arith.constant 8 : i32
              %mul3A_771 = arith.muli %scan3A_272, %mul3A_770 : i32
              %add3A_772 = arith.constant 5 : i32
              %add3A_773 = arith.addi %mul3A_771, %add3A_772 : i32
              %swap3A_774 = arith.index_cast %add3A_773 : i32 to index
              %swap3A_775 = arith.constant 32 : index
              %swap3A_776 = tpu.vector_load %arg13[%swap3A_774, %swap3A_775] {strides = array<i32>} : memref<16x64xf32, #tpu.memory_space<vmem>>, vector<16xf32>,
              tpu.vector_store %arg13[%swap3A_774, %swap3A_775], %mul3A_769 {strides = array<i32>} : memref<16x64xf32, #tpu.memory_space<vmem>>, vector<16xf32>,
              %mul3A_777 = arith.constant 8 : i32
              %mul3A_778 = arith.muli %scan3A_272, %mul3A_777 : i32
              %add3A_779 = arith.constant 5 : i32
              %add3A_780 = arith.addi %mul3A_778, %add3A_779 : i32
              %get3A_781 = arith.index_cast %add3A_780 : i32 to index
              %get3A_782 = arith.constant 48 : index
              %get3A_783 = tpu.vector_load %arg13[%get3A_781, %get3A_782] {strides = array<i32>} : memref<16x64xf32, #tpu.memory_space<vmem>>, vector<16xf32>,
              %mul3A_784 = arith.constant 8 : i32
              %mul3A_785 = arith.muli %scan3A_272, %mul3A_784 : i32
              %add3A_786 = arith.constant 5 : i32
              %add3A_787 = arith.addi %mul3A_785, %add3A_786 : i32
              %get3A_788 = arith.index_cast %add3A_787 : i32 to index
              %get3A_789 = arith.constant 48 : index
              %get3A_790 = tpu.vector_load %arg14[%get3A_788, %get3A_789] {strides = array<i32>} : memref<16x64xf32, #tpu.memory_space<vmem>>, vector<16xf32>,
              %mul3A_791 = arith.mulf %get3A_783, %get3A_790 : vector<16xf32>
              %mul3A_792 = arith.constant 8 : i32
              %mul3A_793 = arith.muli %scan3A_272, %mul3A_792 : i32
              %add3A_794 = arith.constant 5 : i32
              %add3A_795 = arith.addi %mul3A_793, %add3A_794 : i32
              %swap3A_796 = arith.index_cast %add3A_795 : i32 to index
              %swap3A_797 = arith.constant 48 : index
              %swap3A_798 = tpu.vector_load %arg13[%swap3A_796, %swap3A_797] {strides = array<i32>} : memref<16x64xf32, #tpu.memory_space<vmem>>, vector<16xf32>,
              tpu.vector_store %arg13[%swap3A_796, %swap3A_797], %mul3A_791 {strides = array<i32>} : memref<16x64xf32, #tpu.memory_space<vmem>>, vector<16xf32>,
              %mul3A_799 = arith.constant 8 : i32
              %mul3A_800 = arith.muli %scan3A_272, %mul3A_799 : i32
              %add3A_801 = arith.constant 6 : i32
              %add3A_802 = arith.addi %mul3A_800, %add3A_801 : i32
              %get3A_803 = arith.index_cast %add3A_802 : i32 to index
              %get3A_804 = arith.constant 0 : index
              %get3A_805 = tpu.vector_load %arg13[%get3A_803, %get3A_804] {strides = array<i32>} : memref<16x64xf32, #tpu.memory_space<vmem>>, vector<16xf32>,
              %mul3A_806 = arith.constant 8 : i32
              %mul3A_807 = arith.muli %scan3A_272, %mul3A_806 : i32
              %add3A_808 = arith.constant 6 : i32
              %add3A_809 = arith.addi %mul3A_807, %add3A_808 : i32
              %get3A_810 = arith.index_cast %add3A_809 : i32 to index
              %get3A_811 = arith.constant 0 : index
              %get3A_812 = tpu.vector_load %arg14[%get3A_810, %get3A_811] {strides = array<i32>} : memref<16x64xf32, #tpu.memory_space<vmem>>, vector<16xf32>,
              %mul3A_813 = arith.mulf %get3A_805, %get3A_812 : vector<16xf32>
              %mul3A_814 = arith.constant 8 : i32
              %mul3A_815 = arith.muli %scan3A_272, %mul3A_814 : i32
              %add3A_816 = arith.constant 6 : i32
              %add3A_817 = arith.addi %mul3A_815, %add3A_816 : i32
              %swap3A_818 = arith.index_cast %add3A_817 : i32 to index
              %swap3A_819 = arith.constant 0 : index
              %swap3A_820 = tpu.vector_load %arg13[%swap3A_818, %swap3A_819] {strides = array<i32>} : memref<16x64xf32, #tpu.memory_space<vmem>>, vector<16xf32>,
              tpu.vector_store %arg13[%swap3A_818, %swap3A_819], %mul3A_813 {strides = array<i32>} : memref<16x64xf32, #tpu.memory_space<vmem>>, vector<16xf32>,
              %mul3A_821 = arith.constant 8 : i32
              %mul3A_822 = arith.muli %scan3A_272, %mul3A_821 : i32
              %add3A_823 = arith.constant 6 : i32
              %add3A_824 = arith.addi %mul3A_822, %add3A_823 : i32
              %get3A_825 = arith.index_cast %add3A_824 : i32 to index
              %get3A_826 = arith.constant 16 : index
              %get3A_827 = tpu.vector_load %arg13[%get3A_825, %get3A_826] {strides = array<i32>} : memref<16x64xf32, #tpu.memory_space<vmem>>, vector<16xf32>,
              %mul3A_828 = arith.constant 8 : i32
              %mul3A_829 = arith.muli %scan3A_272, %mul3A_828 : i32
              %add3A_830 = arith.constant 6 : i32
              %add3A_831 = arith.addi %mul3A_829, %add3A_830 : i32
              %get3A_832 = arith.index_cast %add3A_831 : i32 to index
              %get3A_833 = arith.constant 16 : index
              %get3A_834 = tpu.vector_load %arg14[%get3A_832, %get3A_833] {strides = array<i32>} : memref<16x64xf32, #tpu.memory_space<vmem>>, vector<16xf32>,
              %mul3A_835 = arith.mulf %get3A_827, %get3A_834 : vector<16xf32>
              %mul3A_836 = arith.constant 8 : i32
              %mul3A_837 = arith.muli %scan3A_272, %mul3A_836 : i32
              %add3A_838 = arith.constant 6 : i32
              %add3A_839 = arith.addi %mul3A_837, %add3A_838 : i32
              %swap3A_840 = arith.index_cast %add3A_839 : i32 to index
              %swap3A_841 = arith.constant 16 : index
              %swap3A_842 = tpu.vector_load %arg13[%swap3A_840, %swap3A_841] {strides = array<i32>} : memref<16x64xf32, #tpu.memory_space<vmem>>, vector<16xf32>,
              tpu.vector_store %arg13[%swap3A_840, %swap3A_841], %mul3A_835 {strides = array<i32>} : memref<16x64xf32, #tpu.memory_space<vmem>>, vector<16xf32>,
              %mul3A_843 = arith.constant 8 : i32
              %mul3A_844 = arith.muli %scan3A_272, %mul3A_843 : i32
              %add3A_845 = arith.constant 6 : i32
              %add3A_846 = arith.addi %mul3A_844, %add3A_845 : i32
              %get3A_847 = arith.index_cast %add3A_846 : i32 to index
              %get3A_848 = arith.constant 32 : index
              %get3A_849 = tpu.vector_load %arg13[%get3A_847, %get3A_848] {strides = array<i32>} : memref<16x64xf32, #tpu.memory_space<vmem>>, vector<16xf32>,
              %mul3A_850 = arith.constant 8 : i32
              %mul3A_851 = arith.muli %scan3A_272, %mul3A_850 : i32
              %add3A_852 = arith.constant 6 : i32
              %add3A_853 = arith.addi %mul3A_851, %add3A_852 : i32
              %get3A_854 = arith.index_cast %add3A_853 : i32 to index
              %get3A_855 = arith.constant 32 : index
              %get3A_856 = tpu.vector_load %arg14[%get3A_854, %get3A_855] {strides = array<i32>} : memref<16x64xf32, #tpu.memory_space<vmem>>, vector<16xf32>,
              %mul3A_857 = arith.mulf %get3A_849, %get3A_856 : vector<16xf32>
              %mul3A_858 = arith.constant 8 : i32
              %mul3A_859 = arith.muli %scan3A_272, %mul3A_858 : i32
              %add3A_860 = arith.constant 6 : i32
              %add3A_861 = arith.addi %mul3A_859, %add3A_860 : i32
              %swap3A_862 = arith.index_cast %add3A_861 : i32 to index
              %swap3A_863 = arith.constant 32 : index
              %swap3A_864 = tpu.vector_load %arg13[%swap3A_862, %swap3A_863] {strides = array<i32>} : memref<16x64xf32, #tpu.memory_space<vmem>>, vector<16xf32>,
              tpu.vector_store %arg13[%swap3A_862, %swap3A_863], %mul3A_857 {strides = array<i32>} : memref<16x64xf32, #tpu.memory_space<vmem>>, vector<16xf32>,
              %mul3A_865 = arith.constant 8 : i32
              %mul3A_866 = arith.muli %scan3A_272, %mul3A_865 : i32
              %add3A_867 = arith.constant 6 : i32
              %add3A_868 = arith.addi %mul3A_866, %add3A_867 : i32
              %get3A_869 = arith.index_cast %add3A_868 : i32 to index
              %get3A_870 = arith.constant 48 : index
              %get3A_871 = tpu.vector_load %arg13[%get3A_869, %get3A_870] {strides = array<i32>} : memref<16x64xf32, #tpu.memory_space<vmem>>, vector<16xf32>,
              %mul3A_872 = arith.constant 8 : i32
              %mul3A_873 = arith.muli %scan3A_272, %mul3A_872 : i32
              %add3A_874 = arith.constant 6 : i32
              %add3A_875 = arith.addi %mul3A_873, %add3A_874 : i32
              %get3A_876 = arith.index_cast %add3A_875 : i32 to index
              %get3A_877 = arith.constant 48 : index
              %get3A_878 = tpu.vector_load %arg14[%get3A_876, %get3A_877] {strides = array<i32>} : memref<16x64xf32, #tpu.memory_space<vmem>>, vector<16xf32>,
              %mul3A_879 = arith.mulf %get3A_871, %get3A_878 : vector<16xf32>
              %mul3A_880 = arith.constant 8 : i32
              %mul3A_881 = arith.muli %scan3A_272, %mul3A_880 : i32
              %add3A_882 = arith.constant 6 : i32
              %add3A_883 = arith.addi %mul3A_881, %add3A_882 : i32
              %swap3A_884 = arith.index_cast %add3A_883 : i32 to index
              %swap3A_885 = arith.constant 48 : index
              %swap3A_886 = tpu.vector_load %arg13[%swap3A_884, %swap3A_885] {strides = array<i32>} : memref<16x64xf32, #tpu.memory_space<vmem>>, vector<16xf32>,
              tpu.vector_store %arg13[%swap3A_884, %swap3A_885], %mul3A_879 {strides = array<i32>} : memref<16x64xf32, #tpu.memory_space<vmem>>, vector<16xf32>,
              %mul3A_887 = arith.constant 8 : i32
              %mul3A_888 = arith.muli %scan3A_272, %mul3A_887 : i32
              %add3A_889 = arith.constant 7 : i32
              %add3A_890 = arith.addi %mul3A_888, %add3A_889 : i32
              %get3A_891 = arith.index_cast %add3A_890 : i32 to index
              %get3A_892 = arith.constant 0 : index
              %get3A_893 = tpu.vector_load %arg13[%get3A_891, %get3A_892] {strides = array<i32>} : memref<16x64xf32, #tpu.memory_space<vmem>>, vector<16xf32>,
              %mul3A_894 = arith.constant 8 : i32
              %mul3A_895 = arith.muli %scan3A_272, %mul3A_894 : i32
              %add3A_896 = arith.constant 7 : i32
              %add3A_897 = arith.addi %mul3A_895, %add3A_896 : i32
              %get3A_898 = arith.index_cast %add3A_897 : i32 to index
              %get3A_899 = arith.constant 0 : index
              %get3A_900 = tpu.vector_load %arg14[%get3A_898, %get3A_899] {strides = array<i32>} : memref<16x64xf32, #tpu.memory_space<vmem>>, vector<16xf32>,
              %mul3A_901 = arith.mulf %get3A_893, %get3A_900 : vector<16xf32>
              %mul3A_902 = arith.constant 8 : i32
              %mul3A_903 = arith.muli %scan3A_272, %mul3A_902 : i32
              %add3A_904 = arith.constant 7 : i32
              %add3A_905 = arith.addi %mul3A_903, %add3A_904 : i32
              %swap3A_906 = arith.index_cast %add3A_905 : i32 to index
              %swap3A_907 = arith.constant 0 : index
              %swap3A_908 = tpu.vector_load %arg13[%swap3A_906, %swap3A_907] {strides = array<i32>} : memref<16x64xf32, #tpu.memory_space<vmem>>, vector<16xf32>,
              tpu.vector_store %arg13[%swap3A_906, %swap3A_907], %mul3A_901 {strides = array<i32>} : memref<16x64xf32, #tpu.memory_space<vmem>>, vector<16xf32>,
              %mul3A_909 = arith.constant 8 : i32
              %mul3A_910 = arith.muli %scan3A_272, %mul3A_909 : i32
              %add3A_911 = arith.constant 7 : i32
              %add3A_912 = arith.addi %mul3A_910, %add3A_911 : i32
              %get3A_913 = arith.index_cast %add3A_912 : i32 to index
              %get3A_914 = arith.constant 16 : index
              %get3A_915 = tpu.vector_load %arg13[%get3A_913, %get3A_914] {strides = array<i32>} : memref<16x64xf32, #tpu.memory_space<vmem>>, vector<16xf32>,
              %mul3A_916 = arith.constant 8 : i32
              %mul3A_917 = arith.muli %scan3A_272, %mul3A_916 : i32
              %add3A_918 = arith.constant 7 : i32
              %add3A_919 = arith.addi %mul3A_917, %add3A_918 : i32
              %get3A_920 = arith.index_cast %add3A_919 : i32 to index
              %get3A_921 = arith.constant 16 : index
              %get3A_922 = tpu.vector_load %arg14[%get3A_920, %get3A_921] {strides = array<i32>} : memref<16x64xf32, #tpu.memory_space<vmem>>, vector<16xf32>,
              %mul3A_923 = arith.mulf %get3A_915, %get3A_922 : vector<16xf32>
              %mul3A_924 = arith.constant 8 : i32
              %mul3A_925 = arith.muli %scan3A_272, %mul3A_924 : i32
              %add3A_926 = arith.constant 7 : i32
              %add3A_927 = arith.addi %mul3A_925, %add3A_926 : i32
              %swap3A_928 = arith.index_cast %add3A_927 : i32 to index
              %swap3A_929 = arith.constant 16 : index
              %swap3A_930 = tpu.vector_load %arg13[%swap3A_928, %swap3A_929] {strides = array<i32>} : memref<16x64xf32, #tpu.memory_space<vmem>>, vector<16xf32>,
              tpu.vector_store %arg13[%swap3A_928, %swap3A_929], %mul3A_923 {strides = array<i32>} : memref<16x64xf32, #tpu.memory_space<vmem>>, vector<16xf32>,
              %mul3A_931 = arith.constant 8 : i32
              %mul3A_932 = arith.muli %scan3A_272, %mul3A_931 : i32
              %add3A_933 = arith.constant 7 : i32
              %add3A_934 = arith.addi %mul3A_932, %add3A_933 : i32
              %get3A_935 = arith.index_cast %add3A_934 : i32 to index
              %get3A_936 = arith.constant 32 : index
              %get3A_937 = tpu.vector_load %arg13[%get3A_935, %get3A_936] {strides = array<i32>} : memref<16x64xf32, #tpu.memory_space<vmem>>, vector<16xf32>,
              %mul3A_938 = arith.constant 8 : i32
              %mul3A_939 = arith.muli %scan3A_272, %mul3A_938 : i32
              %add3A_940 = arith.constant 7 : i32
              %add3A_941 = arith.addi %mul3A_939, %add3A_940 : i32
              %get3A_942 = arith.index_cast %add3A_941 : i32 to index
              %get3A_943 = arith.constant 32 : index
              %get3A_944 = tpu.vector_load %arg14[%get3A_942, %get3A_943] {strides = array<i32>} : memref<16x64xf32, #tpu.memory_space<vmem>>, vector<16xf32>,
              %mul3A_945 = arith.mulf %get3A_937, %get3A_944 : vector<16xf32>
              %mul3A_946 = arith.constant 8 : i32
              %mul3A_947 = arith.muli %scan3A_272, %mul3A_946 : i32
              %add3A_948 = arith.constant 7 : i32
              %add3A_949 = arith.addi %mul3A_947, %add3A_948 : i32
              %swap3A_950 = arith.index_cast %add3A_949 : i32 to index
              %swap3A_951 = arith.constant 32 : index
              %swap3A_952 = tpu.vector_load %arg13[%swap3A_950, %swap3A_951] {strides = array<i32>} : memref<16x64xf32, #tpu.memory_space<vmem>>, vector<16xf32>,
              tpu.vector_store %arg13[%swap3A_950, %swap3A_951], %mul3A_945 {strides = array<i32>} : memref<16x64xf32, #tpu.memory_space<vmem>>, vector<16xf32>,
              %mul3A_953 = arith.constant 8 : i32
              %mul3A_954 = arith.muli %scan3A_272, %mul3A_953 : i32
              %add3A_955 = arith.constant 7 : i32
              %add3A_956 = arith.addi %mul3A_954, %add3A_955 : i32
              %get3A_957 = arith.index_cast %add3A_956 : i32 to index
              %get3A_958 = arith.constant 48 : index
              %get3A_959 = tpu.vector_load %arg13[%get3A_957, %get3A_958] {strides = array<i32>} : memref<16x64xf32, #tpu.memory_space<vmem>>, vector<16xf32>,
              %mul3A_960 = arith.constant 8 : i32
              %mul3A_961 = arith.muli %scan3A_272, %mul3A_960 : i32
              %add3A_962 = arith.constant 7 : i32
              %add3A_963 = arith.addi %mul3A_961, %add3A_962 : i32
              %get3A_964 = arith.index_cast %add3A_963 : i32 to index
              %get3A_965 = arith.constant 48 : index
              %get3A_966 = tpu.vector_load %arg14[%get3A_964, %get3A_965] {strides = array<i32>} : memref<16x64xf32, #tpu.memory_space<vmem>>, vector<16xf32>,
              %mul3A_967 = arith.mulf %get3A_959, %get3A_966 : vector<16xf32>
              %mul3A_968 = arith.constant 8 : i32
              %mul3A_969 = arith.muli %scan3A_272, %mul3A_968 : i32
              %add3A_970 = arith.constant 7 : i32
              %add3A_971 = arith.addi %mul3A_969, %add3A_970 : i32
              %swap3A_972 = arith.index_cast %add3A_971 : i32 to index
              %swap3A_973 = arith.constant 48 : index
              %swap3A_974 = tpu.vector_load %arg13[%swap3A_972, %swap3A_973] {strides = array<i32>} : memref<16x64xf32, #tpu.memory_space<vmem>>, vector<16xf32>,
              tpu.vector_store %arg13[%swap3A_972, %swap3A_973], %mul3A_967 {strides = array<i32>} : memref<16x64xf32, #tpu.memory_space<vmem>>, vector<16xf32>,
            }
            %scan3A_271 = arith.constant 2 : i32
            "tpu.region"() ({
              %run_scoped3A = tpu.sem_alloc : memref<!tpu.dma_semaphore, #tpu.memory_space<semaphore_mem>>
              %dma_start3A_272 = tpu.memref_slice %arg12[%mul3A_243] : memref<2032xi32, #tpu.memory_space<vmem>> -> memref<16xi32, #tpu.memory_space<vmem>>
              %dma_start3A_273 = arith.constant 0 : i32
              %dma_start3A_274 = arith.constant 0 : i32
              %dma_start3A_275 = tpu.memref_slice %arg7[%dma_start3A_273, %dma_start3A_274] : memref<20008x64xf32, #tpu.memory_space<vmem_shared>> -> memref<20008x64xf32, #tpu.memory_space<vmem_shared>>
              tpu.enqueue_indirect_dma source(%arg13 : memref<16x64xf32, #tpu.memory_space<vmem>>) target(%dma_start3A_275 : memref<20008x64xf32, #tpu.memory_space<vmem_shared>>) offsets(%dma_start3A_272 : memref<16xi32, #tpu.memory_space<vmem>>) semaphore(%run_scoped3A : memref<!tpu.dma_semaphore, #tpu.memory_space<semaphore_mem>>) {add = true}
              %dma_wait3A_276 = tpu.memref_slice %arg12[%mul3A_243] : memref<2032xi32, #tpu.memory_space<vmem>> -> memref<16xi32, #tpu.memory_space<vmem>>
              %dma_wait3A_277 = arith.constant 0 : i32
              %dma_wait3A_278 = arith.constant 0 : i32
              %dma_wait3A_279 = tpu.memref_slice %arg7[%dma_wait3A_277, %dma_wait3A_278] : memref<20008x64xf32, #tpu.memory_space<vmem_shared>> -> memref<20008x64xf32, #tpu.memory_space<vmem_shared>>
              tpu.wait_indirect_dma semaphore(%run_scoped3A : memref<!tpu.dma_semaphore, #tpu.memory_space<semaphore_mem>>) src(%arg13 : memref<16x64xf32, #tpu.memory_space<vmem>>) dst(%dma_wait3A_279 : memref<20008x64xf32, #tpu.memory_space<vmem_shared>>)
              tpu.yield
            }) : () -> ()
          } else {
          }
        }
        %while3A_238 = arith.constant 1 : i32
        scf.for %while3A_239 = %while3A_236 to %while3A_232 step %while3A_238  : i32 {
          %mul3A_240 = arith.constant 2 : i32
          %mul3A_241 = arith.muli %while3A_239, %mul3A_240 : i32
          %mul3A_242 = arith.constant 16 : i32
          %mul3A_243 = arith.muli %mul3A_241, %mul3A_242 : i32
          %add3A_244 = arith.constant 16 : i32
          %add3A_245 = arith.addi %mul3A_243, %add3A_244 : i32
          %dma_start3A_246 = tpu.memref_slice %arg11[%mul3A_243] : memref<2032xi32, #tpu.memory_space<vmem>> -> memref<16xi32, #tpu.memory_space<vmem>>
          %dma_start3A_247 = arith.constant 0 : i32
          %dma_start3A_248 = arith.constant 0 : i32
          %dma_start3A_249 = tpu.memref_slice %arg4[%dma_start3A_247, %dma_start3A_248] : memref<160000x64xf32, #tpu.memory_space<hbm>> -> memref<160000x64xf32, #tpu.memory_space<hbm>>
          tpu.enqueue_indirect_dma source(%dma_start3A_249 : memref<160000x64xf32, #tpu.memory_space<hbm>>) target(%arg13 : memref<16x64xf32, #tpu.memory_space<vmem>>) offsets(%dma_start3A_246 : memref<16xi32, #tpu.memory_space<vmem>>) semaphore(%arg18 : memref<!tpu.dma_semaphore, #tpu.memory_space<semaphore_mem>>)
          %dma_start3A_250 = tpu.memref_slice %arg10[%mul3A_243] : memref<2032xi32, #tpu.memory_space<vmem>> -> memref<16xi32, #tpu.memory_space<vmem>>
          %dma_start3A_251 = arith.constant 0 : i32
          %dma_start3A_252 = arith.constant 0 : i32
          %dma_start3A_253 = tpu.memref_slice %arg5[%dma_start3A_251, %dma_start3A_252] : memref<480000x64xf32, #tpu.memory_space<hbm>> -> memref<480000x64xf32, #tpu.memory_space<hbm>>
          tpu.enqueue_indirect_dma source(%dma_start3A_253 : memref<480000x64xf32, #tpu.memory_space<hbm>>) target(%arg14 : memref<16x64xf32, #tpu.memory_space<vmem>>) offsets(%dma_start3A_250 : memref<16xi32, #tpu.memory_space<vmem>>) semaphore(%arg19 : memref<!tpu.dma_semaphore, #tpu.memory_space<semaphore_mem>>)
          %lt3A = arith.cmpi slt, %add3A_245, %reduce_max3A_174 : i32
          %convert_element_type3A = arith.extui %lt3A : i1 to i32
          %cond3A = arith.constant 0 : i32
          %cond3A_254 = arith.cmpi ne, %convert_element_type3A, %cond3A : i32
          scf.if %cond3A_254 {
            %dma_start3A_258 = tpu.memref_slice %arg11[%add3A_245] : memref<2032xi32, #tpu.memory_space<vmem>> -> memref<16xi32, #tpu.memory_space<vmem>>
            %dma_start3A_259 = arith.constant 0 : i32
            %dma_start3A_260 = arith.constant 0 : i32
            %dma_start3A_261 = tpu.memref_slice %arg4[%dma_start3A_259, %dma_start3A_260] : memref<160000x64xf32, #tpu.memory_space<hbm>> -> memref<160000x64xf32, #tpu.memory_space<hbm>>
            tpu.enqueue_indirect_dma source(%dma_start3A_261 : memref<160000x64xf32, #tpu.memory_space<hbm>>) target(%arg15 : memref<16x64xf32, #tpu.memory_space<vmem>>) offsets(%dma_start3A_258 : memref<16xi32, #tpu.memory_space<vmem>>) semaphore(%arg20 : memref<!tpu.dma_semaphore, #tpu.memory_space<semaphore_mem>>)
            %dma_start3A_262 = tpu.memref_slice %arg10[%add3A_245] : memref<2032xi32, #tpu.memory_space<vmem>> -> memref<16xi32, #tpu.memory_space<vmem>>
            %dma_start3A_263 = arith.constant 0 : i32
            %dma_start3A_264 = arith.constant 0 : i32
            %dma_start3A_265 = tpu.memref_slice %arg5[%dma_start3A_263, %dma_start3A_264] : memref<480000x64xf32, #tpu.memory_space<hbm>> -> memref<480000x64xf32, #tpu.memory_space<hbm>>
            tpu.enqueue_indirect_dma source(%dma_start3A_265 : memref<480000x64xf32, #tpu.memory_space<hbm>>) target(%arg16 : memref<16x64xf32, #tpu.memory_space<vmem>>) offsets(%dma_start3A_262 : memref<16xi32, #tpu.memory_space<vmem>>) semaphore(%arg21 : memref<!tpu.dma_semaphore, #tpu.memory_space<semaphore_mem>>)
            %dma_wait3A_266 = tpu.memref_slice %arg11[%mul3A_243] : memref<2032xi32, #tpu.memory_space<vmem>> -> memref<16xi32, #tpu.memory_space<vmem>>
            %dma_wait3A_267 = arith.constant 0 : i32
            %dma_wait3A_268 = arith.constant 0 : i32
            %dma_wait3A_269 = tpu.memref_slice %arg4[%dma_wait3A_267, %dma_wait3A_268] : memref<160000x64xf32, #tpu.memory_space<hbm>> -> memref<160000x64xf32, #tpu.memory_space<hbm>>
            tpu.wait_indirect_dma semaphore(%arg18 : memref<!tpu.dma_semaphore, #tpu.memory_space<semaphore_mem>>) src(%dma_wait3A_269 : memref<160000x64xf32, #tpu.memory_space<hbm>>) dst(%arg13 : memref<16x64xf32, #tpu.memory_space<vmem>>)
            %dma_wait3A_270 = tpu.memref_slice %arg10[%mul3A_243] : memref<2032xi32, #tpu.memory_space<vmem>> -> memref<16xi32, #tpu.memory_space<vmem>>
            %dma_wait3A_271 = arith.constant 0 : i32
            %dma_wait3A_272 = arith.constant 0 : i32
            %dma_wait3A_273 = tpu.memref_slice %arg5[%dma_wait3A_271, %dma_wait3A_272] : memref<480000x64xf32, #tpu.memory_space<hbm>> -> memref<480000x64xf32, #tpu.memory_space<hbm>>
            tpu.wait_indirect_dma semaphore(%arg19 : memref<!tpu.dma_semaphore, #tpu.memory_space<semaphore_mem>>) src(%dma_wait3A_273 : memref<480000x64xf32, #tpu.memory_space<hbm>>) dst(%arg14 : memref<16x64xf32, #tpu.memory_space<vmem>>)
            %scan3A_274 = arith.constant 0 : i32
            %scan3A_275 = arith.constant 0 : i32
            %scan3A_276 = arith.constant 2 : i32
            %scan3A_277 = arith.addi %scan3A_275, %scan3A_276 : i32
            %scan3A_278 = arith.constant 1 : i32
            scf.for %scan3A_294 = %scan3A_275 to %scan3A_277 step %scan3A_278  : i32 {
              %mul3A_295 = arith.constant 8 : i32
              %mul3A_296 = arith.muli %scan3A_294, %mul3A_295 : i32
              %add3A_297 = arith.constant 0 : i32
              %add3A_298 = arith.addi %mul3A_296, %add3A_297 : i32
              %get3A = arith.index_cast %add3A_298 : i32 to index
              %get3A_299 = arith.constant 0 : index
              %get3A_300 = tpu.vector_load %arg13[%get3A, %get3A_299] {strides = array<i32>} : memref<16x64xf32, #tpu.memory_space<vmem>>, vector<16xf32>,
              %mul3A_301 = arith.constant 8 : i32
              %mul3A_302 = arith.muli %scan3A_294, %mul3A_301 : i32
              %add3A_303 = arith.constant 0 : i32
              %add3A_304 = arith.addi %mul3A_302, %add3A_303 : i32
              %get3A_305 = arith.index_cast %add3A_304 : i32 to index
              %get3A_306 = arith.constant 0 : index
              %get3A_307 = tpu.vector_load %arg14[%get3A_305, %get3A_306] {strides = array<i32>} : memref<16x64xf32, #tpu.memory_space<vmem>>, vector<16xf32>,
              %mul3A_308 = arith.mulf %get3A_300, %get3A_307 : vector<16xf32>
              %mul3A_309 = arith.constant 8 : i32
              %mul3A_310 = arith.muli %scan3A_294, %mul3A_309 : i32
              %add3A_311 = arith.constant 0 : i32
              %add3A_312 = arith.addi %mul3A_310, %add3A_311 : i32
              %swap3A = arith.index_cast %add3A_312 : i32 to index
              %swap3A_313 = arith.constant 0 : index
              %swap3A_314 = tpu.vector_load %arg13[%swap3A, %swap3A_313] {strides = array<i32>} : memref<16x64xf32, #tpu.memory_space<vmem>>, vector<16xf32>,
              tpu.vector_store %arg13[%swap3A, %swap3A_313], %mul3A_308 {strides = array<i32>} : memref<16x64xf32, #tpu.memory_space<vmem>>, vector<16xf32>,
              %mul3A_315 = arith.constant 8 : i32
              %mul3A_316 = arith.muli %scan3A_294, %mul3A_315 : i32
              %add3A_317 = arith.constant 0 : i32
              %add3A_318 = arith.addi %mul3A_316, %add3A_317 : i32
              %get3A_319 = arith.index_cast %add3A_318 : i32 to index
              %get3A_320 = arith.constant 16 : index
              %get3A_321 = tpu.vector_load %arg13[%get3A_319, %get3A_320] {strides = array<i32>} : memref<16x64xf32, #tpu.memory_space<vmem>>, vector<16xf32>,
              %mul3A_322 = arith.constant 8 : i32
              %mul3A_323 = arith.muli %scan3A_294, %mul3A_322 : i32
              %add3A_324 = arith.constant 0 : i32
              %add3A_325 = arith.addi %mul3A_323, %add3A_324 : i32
              %get3A_326 = arith.index_cast %add3A_325 : i32 to index
              %get3A_327 = arith.constant 16 : index
              %get3A_328 = tpu.vector_load %arg14[%get3A_326, %get3A_327] {strides = array<i32>} : memref<16x64xf32, #tpu.memory_space<vmem>>, vector<16xf32>,
              %mul3A_329 = arith.mulf %get3A_321, %get3A_328 : vector<16xf32>
              %mul3A_330 = arith.constant 8 : i32
              %mul3A_331 = arith.muli %scan3A_294, %mul3A_330 : i32
              %add3A_332 = arith.constant 0 : i32
              %add3A_333 = arith.addi %mul3A_331, %add3A_332 : i32
              %swap3A_334 = arith.index_cast %add3A_333 : i32 to index
              %swap3A_335 = arith.constant 16 : index
              %swap3A_336 = tpu.vector_load %arg13[%swap3A_334, %swap3A_335] {strides = array<i32>} : memref<16x64xf32, #tpu.memory_space<vmem>>, vector<16xf32>,
              tpu.vector_store %arg13[%swap3A_334, %swap3A_335], %mul3A_329 {strides = array<i32>} : memref<16x64xf32, #tpu.memory_space<vmem>>, vector<16xf32>,
              %mul3A_337 = arith.constant 8 : i32
              %mul3A_338 = arith.muli %scan3A_294, %mul3A_337 : i32
              %add3A_339 = arith.constant 0 : i32
              %add3A_340 = arith.addi %mul3A_338, %add3A_339 : i32
              %get3A_341 = arith.index_cast %add3A_340 : i32 to index
              %get3A_342 = arith.constant 32 : index
              %get3A_343 = tpu.vector_load %arg13[%get3A_341, %get3A_342] {strides = array<i32>} : memref<16x64xf32, #tpu.memory_space<vmem>>, vector<16xf32>,
              %mul3A_344 = arith.constant 8 : i32
              %mul3A_345 = arith.muli %scan3A_294, %mul3A_344 : i32
              %add3A_346 = arith.constant 0 : i32
              %add3A_347 = arith.addi %mul3A_345, %add3A_346 : i32
              %get3A_348 = arith.index_cast %add3A_347 : i32 to index
              %get3A_349 = arith.constant 32 : index
              %get3A_350 = tpu.vector_load %arg14[%get3A_348, %get3A_349] {strides = array<i32>} : memref<16x64xf32, #tpu.memory_space<vmem>>, vector<16xf32>,
              %mul3A_351 = arith.mulf %get3A_343, %get3A_350 : vector<16xf32>
              %mul3A_352 = arith.constant 8 : i32
              %mul3A_353 = arith.muli %scan3A_294, %mul3A_352 : i32
              %add3A_354 = arith.constant 0 : i32
              %add3A_355 = arith.addi %mul3A_353, %add3A_354 : i32
              %swap3A_356 = arith.index_cast %add3A_355 : i32 to index
              %swap3A_357 = arith.constant 32 : index
              %swap3A_358 = tpu.vector_load %arg13[%swap3A_356, %swap3A_357] {strides = array<i32>} : memref<16x64xf32, #tpu.memory_space<vmem>>, vector<16xf32>,
              tpu.vector_store %arg13[%swap3A_356, %swap3A_357], %mul3A_351 {strides = array<i32>} : memref<16x64xf32, #tpu.memory_space<vmem>>, vector<16xf32>,
              %mul3A_359 = arith.constant 8 : i32
              %mul3A_360 = arith.muli %scan3A_294, %mul3A_359 : i32
              %add3A_361 = arith.constant 0 : i32
              %add3A_362 = arith.addi %mul3A_360, %add3A_361 : i32
              %get3A_363 = arith.index_cast %add3A_362 : i32 to index
              %get3A_364 = arith.constant 48 : index
              %get3A_365 = tpu.vector_load %arg13[%get3A_363, %get3A_364] {strides = array<i32>} : memref<16x64xf32, #tpu.memory_space<vmem>>, vector<16xf32>,
              %mul3A_366 = arith.constant 8 : i32
              %mul3A_367 = arith.muli %scan3A_294, %mul3A_366 : i32
              %add3A_368 = arith.constant 0 : i32
              %add3A_369 = arith.addi %mul3A_367, %add3A_368 : i32
              %get3A_370 = arith.index_cast %add3A_369 : i32 to index
              %get3A_371 = arith.constant 48 : index
              %get3A_372 = tpu.vector_load %arg14[%get3A_370, %get3A_371] {strides = array<i32>} : memref<16x64xf32, #tpu.memory_space<vmem>>, vector<16xf32>,
              %mul3A_373 = arith.mulf %get3A_365, %get3A_372 : vector<16xf32>
              %mul3A_374 = arith.constant 8 : i32
              %mul3A_375 = arith.muli %scan3A_294, %mul3A_374 : i32
              %add3A_376 = arith.constant 0 : i32
              %add3A_377 = arith.addi %mul3A_375, %add3A_376 : i32
              %swap3A_378 = arith.index_cast %add3A_377 : i32 to index
              %swap3A_379 = arith.constant 48 : index
              %swap3A_380 = tpu.vector_load %arg13[%swap3A_378, %swap3A_379] {strides = array<i32>} : memref<16x64xf32, #tpu.memory_space<vmem>>, vector<16xf32>,
              tpu.vector_store %arg13[%swap3A_378, %swap3A_379], %mul3A_373 {strides = array<i32>} : memref<16x64xf32, #tpu.memory_space<vmem>>, vector<16xf32>,
              %mul3A_381 = arith.constant 8 : i32
              %mul3A_382 = arith.muli %scan3A_294, %mul3A_381 : i32
              %add3A_383 = arith.constant 1 : i32
              %add3A_384 = arith.addi %mul3A_382, %add3A_383 : i32
              %get3A_385 = arith.index_cast %add3A_384 : i32 to index
              %get3A_386 = arith.constant 0 : index
              %get3A_387 = tpu.vector_load %arg13[%get3A_385, %get3A_386] {strides = array<i32>} : memref<16x64xf32, #tpu.memory_space<vmem>>, vector<16xf32>,
              %mul3A_388 = arith.constant 8 : i32
              %mul3A_389 = arith.muli %scan3A_294, %mul3A_388 : i32
              %add3A_390 = arith.constant 1 : i32
              %add3A_391 = arith.addi %mul3A_389, %add3A_390 : i32
              %get3A_392 = arith.index_cast %add3A_391 : i32 to index
              %get3A_393 = arith.constant 0 : index
              %get3A_394 = tpu.vector_load %arg14[%get3A_392, %get3A_393] {strides = array<i32>} : memref<16x64xf32, #tpu.memory_space<vmem>>, vector<16xf32>,
              %mul3A_395 = arith.mulf %get3A_387, %get3A_394 : vector<16xf32>
              %mul3A_396 = arith.constant 8 : i32
              %mul3A_397 = arith.muli %scan3A_294, %mul3A_396 : i32
              %add3A_398 = arith.constant 1 : i32
              %add3A_399 = arith.addi %mul3A_397, %add3A_398 : i32
              %swap3A_400 = arith.index_cast %add3A_399 : i32 to index
              %swap3A_401 = arith.constant 0 : index
              %swap3A_402 = tpu.vector_load %arg13[%swap3A_400, %swap3A_401] {strides = array<i32>} : memref<16x64xf32, #tpu.memory_space<vmem>>, vector<16xf32>,
              tpu.vector_store %arg13[%swap3A_400, %swap3A_401], %mul3A_395 {strides = array<i32>} : memref<16x64xf32, #tpu.memory_space<vmem>>, vector<16xf32>,
              %mul3A_403 = arith.constant 8 : i32
              %mul3A_404 = arith.muli %scan3A_294, %mul3A_403 : i32
              %add3A_405 = arith.constant 1 : i32
              %add3A_406 = arith.addi %mul3A_404, %add3A_405 : i32
              %get3A_407 = arith.index_cast %add3A_406 : i32 to index
              %get3A_408 = arith.constant 16 : index
              %get3A_409 = tpu.vector_load %arg13[%get3A_407, %get3A_408] {strides = array<i32>} : memref<16x64xf32, #tpu.memory_space<vmem>>, vector<16xf32>,
              %mul3A_410 = arith.constant 8 : i32
              %mul3A_411 = arith.muli %scan3A_294, %mul3A_410 : i32
              %add3A_412 = arith.constant 1 : i32
              %add3A_413 = arith.addi %mul3A_411, %add3A_412 : i32
              %get3A_414 = arith.index_cast %add3A_413 : i32 to index
              %get3A_415 = arith.constant 16 : index
              %get3A_416 = tpu.vector_load %arg14[%get3A_414, %get3A_415] {strides = array<i32>} : memref<16x64xf32, #tpu.memory_space<vmem>>, vector<16xf32>,
              %mul3A_417 = arith.mulf %get3A_409, %get3A_416 : vector<16xf32>
              %mul3A_418 = arith.constant 8 : i32
              %mul3A_419 = arith.muli %scan3A_294, %mul3A_418 : i32
              %add3A_420 = arith.constant 1 : i32
              %add3A_421 = arith.addi %mul3A_419, %add3A_420 : i32
              %swap3A_422 = arith.index_cast %add3A_421 : i32 to index
              %swap3A_423 = arith.constant 16 : index
              %swap3A_424 = tpu.vector_load %arg13[%swap3A_422, %swap3A_423] {strides = array<i32>} : memref<16x64xf32, #tpu.memory_space<vmem>>, vector<16xf32>,
              tpu.vector_store %arg13[%swap3A_422, %swap3A_423], %mul3A_417 {strides = array<i32>} : memref<16x64xf32, #tpu.memory_space<vmem>>, vector<16xf32>,
              %mul3A_425 = arith.constant 8 : i32
              %mul3A_426 = arith.muli %scan3A_294, %mul3A_425 : i32
              %add3A_427 = arith.constant 1 : i32
              %add3A_428 = arith.addi %mul3A_426, %add3A_427 : i32
              %get3A_429 = arith.index_cast %add3A_428 : i32 to index
              %get3A_430 = arith.constant 32 : index
              %get3A_431 = tpu.vector_load %arg13[%get3A_429, %get3A_430] {strides = array<i32>} : memref<16x64xf32, #tpu.memory_space<vmem>>, vector<16xf32>,
              %mul3A_432 = arith.constant 8 : i32
              %mul3A_433 = arith.muli %scan3A_294, %mul3A_432 : i32
              %add3A_434 = arith.constant 1 : i32
              %add3A_435 = arith.addi %mul3A_433, %add3A_434 : i32
              %get3A_436 = arith.index_cast %add3A_435 : i32 to index
              %get3A_437 = arith.constant 32 : index
              %get3A_438 = tpu.vector_load %arg14[%get3A_436, %get3A_437] {strides = array<i32>} : memref<16x64xf32, #tpu.memory_space<vmem>>, vector<16xf32>,
              %mul3A_439 = arith.mulf %get3A_431, %get3A_438 : vector<16xf32>
              %mul3A_440 = arith.constant 8 : i32
              %mul3A_441 = arith.muli %scan3A_294, %mul3A_440 : i32
              %add3A_442 = arith.constant 1 : i32
              %add3A_443 = arith.addi %mul3A_441, %add3A_442 : i32
              %swap3A_444 = arith.index_cast %add3A_443 : i32 to index
              %swap3A_445 = arith.constant 32 : index
              %swap3A_446 = tpu.vector_load %arg13[%swap3A_444, %swap3A_445] {strides = array<i32>} : memref<16x64xf32, #tpu.memory_space<vmem>>, vector<16xf32>,
              tpu.vector_store %arg13[%swap3A_444, %swap3A_445], %mul3A_439 {strides = array<i32>} : memref<16x64xf32, #tpu.memory_space<vmem>>, vector<16xf32>,
              %mul3A_447 = arith.constant 8 : i32
              %mul3A_448 = arith.muli %scan3A_294, %mul3A_447 : i32
              %add3A_449 = arith.constant 1 : i32
              %add3A_450 = arith.addi %mul3A_448, %add3A_449 : i32
              %get3A_451 = arith.index_cast %add3A_450 : i32 to index
              %get3A_452 = arith.constant 48 : index
              %get3A_453 = tpu.vector_load %arg13[%get3A_451, %get3A_452] {strides = array<i32>} : memref<16x64xf32, #tpu.memory_space<vmem>>, vector<16xf32>,
              %mul3A_454 = arith.constant 8 : i32
              %mul3A_455 = arith.muli %scan3A_294, %mul3A_454 : i32
              %add3A_456 = arith.constant 1 : i32
              %add3A_457 = arith.addi %mul3A_455, %add3A_456 : i32
              %get3A_458 = arith.index_cast %add3A_457 : i32 to index
              %get3A_459 = arith.constant 48 : index
              %get3A_460 = tpu.vector_load %arg14[%get3A_458, %get3A_459] {strides = array<i32>} : memref<16x64xf32, #tpu.memory_space<vmem>>, vector<16xf32>,
              %mul3A_461 = arith.mulf %get3A_453, %get3A_460 : vector<16xf32>
              %mul3A_462 = arith.constant 8 : i32
              %mul3A_463 = arith.muli %scan3A_294, %mul3A_462 : i32
              %add3A_464 = arith.constant 1 : i32
              %add3A_465 = arith.addi %mul3A_463, %add3A_464 : i32
              %swap3A_466 = arith.index_cast %add3A_465 : i32 to index
              %swap3A_467 = arith.constant 48 : index
              %swap3A_468 = tpu.vector_load %arg13[%swap3A_466, %swap3A_467] {strides = array<i32>} : memref<16x64xf32, #tpu.memory_space<vmem>>, vector<16xf32>,
              tpu.vector_store %arg13[%swap3A_466, %swap3A_467], %mul3A_461 {strides = array<i32>} : memref<16x64xf32, #tpu.memory_space<vmem>>, vector<16xf32>,
              %mul3A_469 = arith.constant 8 : i32
              %mul3A_470 = arith.muli %scan3A_294, %mul3A_469 : i32
              %add3A_471 = arith.constant 2 : i32
              %add3A_472 = arith.addi %mul3A_470, %add3A_471 : i32
              %get3A_473 = arith.index_cast %add3A_472 : i32 to index
              %get3A_474 = arith.constant 0 : index
              %get3A_475 = tpu.vector_load %arg13[%get3A_473, %get3A_474] {strides = array<i32>} : memref<16x64xf32, #tpu.memory_space<vmem>>, vector<16xf32>,
              %mul3A_476 = arith.constant 8 : i32
              %mul3A_477 = arith.muli %scan3A_294, %mul3A_476 : i32
              %add3A_478 = arith.constant 2 : i32
              %add3A_479 = arith.addi %mul3A_477, %add3A_478 : i32
              %get3A_480 = arith.index_cast %add3A_479 : i32 to index
              %get3A_481 = arith.constant 0 : index
              %get3A_482 = tpu.vector_load %arg14[%get3A_480, %get3A_481] {strides = array<i32>} : memref<16x64xf32, #tpu.memory_space<vmem>>, vector<16xf32>,
              %mul3A_483 = arith.mulf %get3A_475, %get3A_482 : vector<16xf32>
              %mul3A_484 = arith.constant 8 : i32
              %mul3A_485 = arith.muli %scan3A_294, %mul3A_484 : i32
              %add3A_486 = arith.constant 2 : i32
              %add3A_487 = arith.addi %mul3A_485, %add3A_486 : i32
              %swap3A_488 = arith.index_cast %add3A_487 : i32 to index
              %swap3A_489 = arith.constant 0 : index
              %swap3A_490 = tpu.vector_load %arg13[%swap3A_488, %swap3A_489] {strides = array<i32>} : memref<16x64xf32, #tpu.memory_space<vmem>>, vector<16xf32>,
              tpu.vector_store %arg13[%swap3A_488, %swap3A_489], %mul3A_483 {strides = array<i32>} : memref<16x64xf32, #tpu.memory_space<vmem>>, vector<16xf32>,
              %mul3A_491 = arith.constant 8 : i32
              %mul3A_492 = arith.muli %scan3A_294, %mul3A_491 : i32
              %add3A_493 = arith.constant 2 : i32
              %add3A_494 = arith.addi %mul3A_492, %add3A_493 : i32
              %get3A_495 = arith.index_cast %add3A_494 : i32 to index
              %get3A_496 = arith.constant 16 : index
              %get3A_497 = tpu.vector_load %arg13[%get3A_495, %get3A_496] {strides = array<i32>} : memref<16x64xf32, #tpu.memory_space<vmem>>, vector<16xf32>,
              %mul3A_498 = arith.constant 8 : i32
              %mul3A_499 = arith.muli %scan3A_294, %mul3A_498 : i32
              %add3A_500 = arith.constant 2 : i32
              %add3A_501 = arith.addi %mul3A_499, %add3A_500 : i32
              %get3A_502 = arith.index_cast %add3A_501 : i32 to index
              %get3A_503 = arith.constant 16 : index
              %get3A_504 = tpu.vector_load %arg14[%get3A_502, %get3A_503] {strides = array<i32>} : memref<16x64xf32, #tpu.memory_space<vmem>>, vector<16xf32>,
              %mul3A_505 = arith.mulf %get3A_497, %get3A_504 : vector<16xf32>
              %mul3A_506 = arith.constant 8 : i32
              %mul3A_507 = arith.muli %scan3A_294, %mul3A_506 : i32
              %add3A_508 = arith.constant 2 : i32
              %add3A_509 = arith.addi %mul3A_507, %add3A_508 : i32
              %swap3A_510 = arith.index_cast %add3A_509 : i32 to index
              %swap3A_511 = arith.constant 16 : index
              %swap3A_512 = tpu.vector_load %arg13[%swap3A_510, %swap3A_511] {strides = array<i32>} : memref<16x64xf32, #tpu.memory_space<vmem>>, vector<16xf32>,
              tpu.vector_store %arg13[%swap3A_510, %swap3A_511], %mul3A_505 {strides = array<i32>} : memref<16x64xf32, #tpu.memory_space<vmem>>, vector<16xf32>,
              %mul3A_513 = arith.constant 8 : i32
              %mul3A_514 = arith.muli %scan3A_294, %mul3A_513 : i32
              %add3A_515 = arith.constant 2 : i32
              %add3A_516 = arith.addi %mul3A_514, %add3A_515 : i32
              %get3A_517 = arith.index_cast %add3A_516 : i32 to index
              %get3A_518 = arith.constant 32 : index
              %get3A_519 = tpu.vector_load %arg13[%get3A_517, %get3A_518] {strides = array<i32>} : memref<16x64xf32, #tpu.memory_space<vmem>>, vector<16xf32>,
              %mul3A_520 = arith.constant 8 : i32
              %mul3A_521 = arith.muli %scan3A_294, %mul3A_520 : i32
              %add3A_522 = arith.constant 2 : i32
              %add3A_523 = arith.addi %mul3A_521, %add3A_522 : i32
              %get3A_524 = arith.index_cast %add3A_523 : i32 to index
              %get3A_525 = arith.constant 32 : index
              %get3A_526 = tpu.vector_load %arg14[%get3A_524, %get3A_525] {strides = array<i32>} : memref<16x64xf32, #tpu.memory_space<vmem>>, vector<16xf32>,
              %mul3A_527 = arith.mulf %get3A_519, %get3A_526 : vector<16xf32>
              %mul3A_528 = arith.constant 8 : i32
              %mul3A_529 = arith.muli %scan3A_294, %mul3A_528 : i32
              %add3A_530 = arith.constant 2 : i32
              %add3A_531 = arith.addi %mul3A_529, %add3A_530 : i32
              %swap3A_532 = arith.index_cast %add3A_531 : i32 to index
              %swap3A_533 = arith.constant 32 : index
              %swap3A_534 = tpu.vector_load %arg13[%swap3A_532, %swap3A_533] {strides = array<i32>} : memref<16x64xf32, #tpu.memory_space<vmem>>, vector<16xf32>,
              tpu.vector_store %arg13[%swap3A_532, %swap3A_533], %mul3A_527 {strides = array<i32>} : memref<16x64xf32, #tpu.memory_space<vmem>>, vector<16xf32>,
              %mul3A_535 = arith.constant 8 : i32
              %mul3A_536 = arith.muli %scan3A_294, %mul3A_535 : i32
              %add3A_537 = arith.constant 2 : i32
              %add3A_538 = arith.addi %mul3A_536, %add3A_537 : i32
              %get3A_539 = arith.index_cast %add3A_538 : i32 to index
              %get3A_540 = arith.constant 48 : index
              %get3A_541 = tpu.vector_load %arg13[%get3A_539, %get3A_540] {strides = array<i32>} : memref<16x64xf32, #tpu.memory_space<vmem>>, vector<16xf32>,
              %mul3A_542 = arith.constant 8 : i32
              %mul3A_543 = arith.muli %scan3A_294, %mul3A_542 : i32
              %add3A_544 = arith.constant 2 : i32
              %add3A_545 = arith.addi %mul3A_543, %add3A_544 : i32
              %get3A_546 = arith.index_cast %add3A_545 : i32 to index
              %get3A_547 = arith.constant 48 : index
              %get3A_548 = tpu.vector_load %arg14[%get3A_546, %get3A_547] {strides = array<i32>} : memref<16x64xf32, #tpu.memory_space<vmem>>, vector<16xf32>,
              %mul3A_549 = arith.mulf %get3A_541, %get3A_548 : vector<16xf32>
              %mul3A_550 = arith.constant 8 : i32
              %mul3A_551 = arith.muli %scan3A_294, %mul3A_550 : i32
              %add3A_552 = arith.constant 2 : i32
              %add3A_553 = arith.addi %mul3A_551, %add3A_552 : i32
              %swap3A_554 = arith.index_cast %add3A_553 : i32 to index
              %swap3A_555 = arith.constant 48 : index
              %swap3A_556 = tpu.vector_load %arg13[%swap3A_554, %swap3A_555] {strides = array<i32>} : memref<16x64xf32, #tpu.memory_space<vmem>>, vector<16xf32>,
              tpu.vector_store %arg13[%swap3A_554, %swap3A_555], %mul3A_549 {strides = array<i32>} : memref<16x64xf32, #tpu.memory_space<vmem>>, vector<16xf32>,
              %mul3A_557 = arith.constant 8 : i32
              %mul3A_558 = arith.muli %scan3A_294, %mul3A_557 : i32
              %add3A_559 = arith.constant 3 : i32
              %add3A_560 = arith.addi %mul3A_558, %add3A_559 : i32
              %get3A_561 = arith.index_cast %add3A_560 : i32 to index
              %get3A_562 = arith.constant 0 : index
              %get3A_563 = tpu.vector_load %arg13[%get3A_561, %get3A_562] {strides = array<i32>} : memref<16x64xf32, #tpu.memory_space<vmem>>, vector<16xf32>,
              %mul3A_564 = arith.constant 8 : i32
              %mul3A_565 = arith.muli %scan3A_294, %mul3A_564 : i32
              %add3A_566 = arith.constant 3 : i32
              %add3A_567 = arith.addi %mul3A_565, %add3A_566 : i32
              %get3A_568 = arith.index_cast %add3A_567 : i32 to index
              %get3A_569 = arith.constant 0 : index
              %get3A_570 = tpu.vector_load %arg14[%get3A_568, %get3A_569] {strides = array<i32>} : memref<16x64xf32, #tpu.memory_space<vmem>>, vector<16xf32>,
              %mul3A_571 = arith.mulf %get3A_563, %get3A_570 : vector<16xf32>
              %mul3A_572 = arith.constant 8 : i32
              %mul3A_573 = arith.muli %scan3A_294, %mul3A_572 : i32
              %add3A_574 = arith.constant 3 : i32
              %add3A_575 = arith.addi %mul3A_573, %add3A_574 : i32
              %swap3A_576 = arith.index_cast %add3A_575 : i32 to index
              %swap3A_577 = arith.constant 0 : index
              %swap3A_578 = tpu.vector_load %arg13[%swap3A_576, %swap3A_577] {strides = array<i32>} : memref<16x64xf32, #tpu.memory_space<vmem>>, vector<16xf32>,
              tpu.vector_store %arg13[%swap3A_576, %swap3A_577], %mul3A_571 {strides = array<i32>} : memref<16x64xf32, #tpu.memory_space<vmem>>, vector<16xf32>,
              %mul3A_579 = arith.constant 8 : i32
              %mul3A_580 = arith.muli %scan3A_294, %mul3A_579 : i32
              %add3A_581 = arith.constant 3 : i32
              %add3A_582 = arith.addi %mul3A_580, %add3A_581 : i32
              %get3A_583 = arith.index_cast %add3A_582 : i32 to index
              %get3A_584 = arith.constant 16 : index
              %get3A_585 = tpu.vector_load %arg13[%get3A_583, %get3A_584] {strides = array<i32>} : memref<16x64xf32, #tpu.memory_space<vmem>>, vector<16xf32>,
              %mul3A_586 = arith.constant 8 : i32
              %mul3A_587 = arith.muli %scan3A_294, %mul3A_586 : i32
              %add3A_588 = arith.constant 3 : i32
              %add3A_589 = arith.addi %mul3A_587, %add3A_588 : i32
              %get3A_590 = arith.index_cast %add3A_589 : i32 to index
              %get3A_591 = arith.constant 16 : index
              %get3A_592 = tpu.vector_load %arg14[%get3A_590, %get3A_591] {strides = array<i32>} : memref<16x64xf32, #tpu.memory_space<vmem>>, vector<16xf32>,
              %mul3A_593 = arith.mulf %get3A_585, %get3A_592 : vector<16xf32>
              %mul3A_594 = arith.constant 8 : i32
              %mul3A_595 = arith.muli %scan3A_294, %mul3A_594 : i32
              %add3A_596 = arith.constant 3 : i32
              %add3A_597 = arith.addi %mul3A_595, %add3A_596 : i32
              %swap3A_598 = arith.index_cast %add3A_597 : i32 to index
              %swap3A_599 = arith.constant 16 : index
              %swap3A_600 = tpu.vector_load %arg13[%swap3A_598, %swap3A_599] {strides = array<i32>} : memref<16x64xf32, #tpu.memory_space<vmem>>, vector<16xf32>,
              tpu.vector_store %arg13[%swap3A_598, %swap3A_599], %mul3A_593 {strides = array<i32>} : memref<16x64xf32, #tpu.memory_space<vmem>>, vector<16xf32>,
              %mul3A_601 = arith.constant 8 : i32
              %mul3A_602 = arith.muli %scan3A_294, %mul3A_601 : i32
              %add3A_603 = arith.constant 3 : i32
              %add3A_604 = arith.addi %mul3A_602, %add3A_603 : i32
              %get3A_605 = arith.index_cast %add3A_604 : i32 to index
              %get3A_606 = arith.constant 32 : index
              %get3A_607 = tpu.vector_load %arg13[%get3A_605, %get3A_606] {strides = array<i32>} : memref<16x64xf32, #tpu.memory_space<vmem>>, vector<16xf32>,
              %mul3A_608 = arith.constant 8 : i32
              %mul3A_609 = arith.muli %scan3A_294, %mul3A_608 : i32
              %add3A_610 = arith.constant 3 : i32
              %add3A_611 = arith.addi %mul3A_609, %add3A_610 : i32
              %get3A_612 = arith.index_cast %add3A_611 : i32 to index
              %get3A_613 = arith.constant 32 : index
              %get3A_614 = tpu.vector_load %arg14[%get3A_612, %get3A_613] {strides = array<i32>} : memref<16x64xf32, #tpu.memory_space<vmem>>, vector<16xf32>,
              %mul3A_615 = arith.mulf %get3A_607, %get3A_614 : vector<16xf32>
              %mul3A_616 = arith.constant 8 : i32
              %mul3A_617 = arith.muli %scan3A_294, %mul3A_616 : i32
              %add3A_618 = arith.constant 3 : i32
              %add3A_619 = arith.addi %mul3A_617, %add3A_618 : i32
              %swap3A_620 = arith.index_cast %add3A_619 : i32 to index
              %swap3A_621 = arith.constant 32 : index
              %swap3A_622 = tpu.vector_load %arg13[%swap3A_620, %swap3A_621] {strides = array<i32>} : memref<16x64xf32, #tpu.memory_space<vmem>>, vector<16xf32>,
              tpu.vector_store %arg13[%swap3A_620, %swap3A_621], %mul3A_615 {strides = array<i32>} : memref<16x64xf32, #tpu.memory_space<vmem>>, vector<16xf32>,
              %mul3A_623 = arith.constant 8 : i32
              %mul3A_624 = arith.muli %scan3A_294, %mul3A_623 : i32
              %add3A_625 = arith.constant 3 : i32
              %add3A_626 = arith.addi %mul3A_624, %add3A_625 : i32
              %get3A_627 = arith.index_cast %add3A_626 : i32 to index
              %get3A_628 = arith.constant 48 : index
              %get3A_629 = tpu.vector_load %arg13[%get3A_627, %get3A_628] {strides = array<i32>} : memref<16x64xf32, #tpu.memory_space<vmem>>, vector<16xf32>,
              %mul3A_630 = arith.constant 8 : i32
              %mul3A_631 = arith.muli %scan3A_294, %mul3A_630 : i32
              %add3A_632 = arith.constant 3 : i32
              %add3A_633 = arith.addi %mul3A_631, %add3A_632 : i32
              %get3A_634 = arith.index_cast %add3A_633 : i32 to index
              %get3A_635 = arith.constant 48 : index
              %get3A_636 = tpu.vector_load %arg14[%get3A_634, %get3A_635] {strides = array<i32>} : memref<16x64xf32, #tpu.memory_space<vmem>>, vector<16xf32>,
              %mul3A_637 = arith.mulf %get3A_629, %get3A_636 : vector<16xf32>
              %mul3A_638 = arith.constant 8 : i32
              %mul3A_639 = arith.muli %scan3A_294, %mul3A_638 : i32
              %add3A_640 = arith.constant 3 : i32
              %add3A_641 = arith.addi %mul3A_639, %add3A_640 : i32
              %swap3A_642 = arith.index_cast %add3A_641 : i32 to index
              %swap3A_643 = arith.constant 48 : index
              %swap3A_644 = tpu.vector_load %arg13[%swap3A_642, %swap3A_643] {strides = array<i32>} : memref<16x64xf32, #tpu.memory_space<vmem>>, vector<16xf32>,
              tpu.vector_store %arg13[%swap3A_642, %swap3A_643], %mul3A_637 {strides = array<i32>} : memref<16x64xf32, #tpu.memory_space<vmem>>, vector<16xf32>,
              %mul3A_645 = arith.constant 8 : i32
              %mul3A_646 = arith.muli %scan3A_294, %mul3A_645 : i32
              %add3A_647 = arith.constant 4 : i32
              %add3A_648 = arith.addi %mul3A_646, %add3A_647 : i32
              %get3A_649 = arith.index_cast %add3A_648 : i32 to index
              %get3A_650 = arith.constant 0 : index
              %get3A_651 = tpu.vector_load %arg13[%get3A_649, %get3A_650] {strides = array<i32>} : memref<16x64xf32, #tpu.memory_space<vmem>>, vector<16xf32>,
              %mul3A_652 = arith.constant 8 : i32
              %mul3A_653 = arith.muli %scan3A_294, %mul3A_652 : i32
              %add3A_654 = arith.constant 4 : i32
              %add3A_655 = arith.addi %mul3A_653, %add3A_654 : i32
              %get3A_656 = arith.index_cast %add3A_655 : i32 to index
              %get3A_657 = arith.constant 0 : index
              %get3A_658 = tpu.vector_load %arg14[%get3A_656, %get3A_657] {strides = array<i32>} : memref<16x64xf32, #tpu.memory_space<vmem>>, vector<16xf32>,
              %mul3A_659 = arith.mulf %get3A_651, %get3A_658 : vector<16xf32>
              %mul3A_660 = arith.constant 8 : i32
              %mul3A_661 = arith.muli %scan3A_294, %mul3A_660 : i32
              %add3A_662 = arith.constant 4 : i32
              %add3A_663 = arith.addi %mul3A_661, %add3A_662 : i32
              %swap3A_664 = arith.index_cast %add3A_663 : i32 to index
              %swap3A_665 = arith.constant 0 : index
              %swap3A_666 = tpu.vector_load %arg13[%swap3A_664, %swap3A_665] {strides = array<i32>} : memref<16x64xf32, #tpu.memory_space<vmem>>, vector<16xf32>,
              tpu.vector_store %arg13[%swap3A_664, %swap3A_665], %mul3A_659 {strides = array<i32>} : memref<16x64xf32, #tpu.memory_space<vmem>>, vector<16xf32>,
              %mul3A_667 = arith.constant 8 : i32
              %mul3A_668 = arith.muli %scan3A_294, %mul3A_667 : i32
              %add3A_669 = arith.constant 4 : i32
              %add3A_670 = arith.addi %mul3A_668, %add3A_669 : i32
              %get3A_671 = arith.index_cast %add3A_670 : i32 to index
              %get3A_672 = arith.constant 16 : index
              %get3A_673 = tpu.vector_load %arg13[%get3A_671, %get3A_672] {strides = array<i32>} : memref<16x64xf32, #tpu.memory_space<vmem>>, vector<16xf32>,
              %mul3A_674 = arith.constant 8 : i32
              %mul3A_675 = arith.muli %scan3A_294, %mul3A_674 : i32
              %add3A_676 = arith.constant 4 : i32
              %add3A_677 = arith.addi %mul3A_675, %add3A_676 : i32
              %get3A_678 = arith.index_cast %add3A_677 : i32 to index
              %get3A_679 = arith.constant 16 : index
              %get3A_680 = tpu.vector_load %arg14[%get3A_678, %get3A_679] {strides = array<i32>} : memref<16x64xf32, #tpu.memory_space<vmem>>, vector<16xf32>,
              %mul3A_681 = arith.mulf %get3A_673, %get3A_680 : vector<16xf32>
              %mul3A_682 = arith.constant 8 : i32
              %mul3A_683 = arith.muli %scan3A_294, %mul3A_682 : i32
              %add3A_684 = arith.constant 4 : i32
              %add3A_685 = arith.addi %mul3A_683, %add3A_684 : i32
              %swap3A_686 = arith.index_cast %add3A_685 : i32 to index
              %swap3A_687 = arith.constant 16 : index
              %swap3A_688 = tpu.vector_load %arg13[%swap3A_686, %swap3A_687] {strides = array<i32>} : memref<16x64xf32, #tpu.memory_space<vmem>>, vector<16xf32>,
              tpu.vector_store %arg13[%swap3A_686, %swap3A_687], %mul3A_681 {strides = array<i32>} : memref<16x64xf32, #tpu.memory_space<vmem>>, vector<16xf32>,
              %mul3A_689 = arith.constant 8 : i32
              %mul3A_690 = arith.muli %scan3A_294, %mul3A_689 : i32
              %add3A_691 = arith.constant 4 : i32
              %add3A_692 = arith.addi %mul3A_690, %add3A_691 : i32
              %get3A_693 = arith.index_cast %add3A_692 : i32 to index
              %get3A_694 = arith.constant 32 : index
              %get3A_695 = tpu.vector_load %arg13[%get3A_693, %get3A_694] {strides = array<i32>} : memref<16x64xf32, #tpu.memory_space<vmem>>, vector<16xf32>,
              %mul3A_696 = arith.constant 8 : i32
              %mul3A_697 = arith.muli %scan3A_294, %mul3A_696 : i32
              %add3A_698 = arith.constant 4 : i32
              %add3A_699 = arith.addi %mul3A_697, %add3A_698 : i32
              %get3A_700 = arith.index_cast %add3A_699 : i32 to index
              %get3A_701 = arith.constant 32 : index
              %get3A_702 = tpu.vector_load %arg14[%get3A_700, %get3A_701] {strides = array<i32>} : memref<16x64xf32, #tpu.memory_space<vmem>>, vector<16xf32>,
              %mul3A_703 = arith.mulf %get3A_695, %get3A_702 : vector<16xf32>
              %mul3A_704 = arith.constant 8 : i32
              %mul3A_705 = arith.muli %scan3A_294, %mul3A_704 : i32
              %add3A_706 = arith.constant 4 : i32
              %add3A_707 = arith.addi %mul3A_705, %add3A_706 : i32
              %swap3A_708 = arith.index_cast %add3A_707 : i32 to index
              %swap3A_709 = arith.constant 32 : index
              %swap3A_710 = tpu.vector_load %arg13[%swap3A_708, %swap3A_709] {strides = array<i32>} : memref<16x64xf32, #tpu.memory_space<vmem>>, vector<16xf32>,
              tpu.vector_store %arg13[%swap3A_708, %swap3A_709], %mul3A_703 {strides = array<i32>} : memref<16x64xf32, #tpu.memory_space<vmem>>, vector<16xf32>,
              %mul3A_711 = arith.constant 8 : i32
              %mul3A_712 = arith.muli %scan3A_294, %mul3A_711 : i32
              %add3A_713 = arith.constant 4 : i32
              %add3A_714 = arith.addi %mul3A_712, %add3A_713 : i32
              %get3A_715 = arith.index_cast %add3A_714 : i32 to index
              %get3A_716 = arith.constant 48 : index
              %get3A_717 = tpu.vector_load %arg13[%get3A_715, %get3A_716] {strides = array<i32>} : memref<16x64xf32, #tpu.memory_space<vmem>>, vector<16xf32>,
              %mul3A_718 = arith.constant 8 : i32
              %mul3A_719 = arith.muli %scan3A_294, %mul3A_718 : i32
              %add3A_720 = arith.constant 4 : i32
              %add3A_721 = arith.addi %mul3A_719, %add3A_720 : i32
              %get3A_722 = arith.index_cast %add3A_721 : i32 to index
              %get3A_723 = arith.constant 48 : index
              %get3A_724 = tpu.vector_load %arg14[%get3A_722, %get3A_723] {strides = array<i32>} : memref<16x64xf32, #tpu.memory_space<vmem>>, vector<16xf32>,
              %mul3A_725 = arith.mulf %get3A_717, %get3A_724 : vector<16xf32>
              %mul3A_726 = arith.constant 8 : i32
              %mul3A_727 = arith.muli %scan3A_294, %mul3A_726 : i32
              %add3A_728 = arith.constant 4 : i32
              %add3A_729 = arith.addi %mul3A_727, %add3A_728 : i32
              %swap3A_730 = arith.index_cast %add3A_729 : i32 to index
              %swap3A_731 = arith.constant 48 : index
              %swap3A_732 = tpu.vector_load %arg13[%swap3A_730, %swap3A_731] {strides = array<i32>} : memref<16x64xf32, #tpu.memory_space<vmem>>, vector<16xf32>,
              tpu.vector_store %arg13[%swap3A_730, %swap3A_731], %mul3A_725 {strides = array<i32>} : memref<16x64xf32, #tpu.memory_space<vmem>>, vector<16xf32>,
              %mul3A_733 = arith.constant 8 : i32
              %mul3A_734 = arith.muli %scan3A_294, %mul3A_733 : i32
              %add3A_735 = arith.constant 5 : i32
              %add3A_736 = arith.addi %mul3A_734, %add3A_735 : i32
              %get3A_737 = arith.index_cast %add3A_736 : i32 to index
              %get3A_738 = arith.constant 0 : index
              %get3A_739 = tpu.vector_load %arg13[%get3A_737, %get3A_738] {strides = array<i32>} : memref<16x64xf32, #tpu.memory_space<vmem>>, vector<16xf32>,
              %mul3A_740 = arith.constant 8 : i32
              %mul3A_741 = arith.muli %scan3A_294, %mul3A_740 : i32
              %add3A_742 = arith.constant 5 : i32
              %add3A_743 = arith.addi %mul3A_741, %add3A_742 : i32
              %get3A_744 = arith.index_cast %add3A_743 : i32 to index
              %get3A_745 = arith.constant 0 : index
              %get3A_746 = tpu.vector_load %arg14[%get3A_744, %get3A_745] {strides = array<i32>} : memref<16x64xf32, #tpu.memory_space<vmem>>, vector<16xf32>,
              %mul3A_747 = arith.mulf %get3A_739, %get3A_746 : vector<16xf32>
              %mul3A_748 = arith.constant 8 : i32
              %mul3A_749 = arith.muli %scan3A_294, %mul3A_748 : i32
              %add3A_750 = arith.constant 5 : i32
              %add3A_751 = arith.addi %mul3A_749, %add3A_750 : i32
              %swap3A_752 = arith.index_cast %add3A_751 : i32 to index
              %swap3A_753 = arith.constant 0 : index
              %swap3A_754 = tpu.vector_load %arg13[%swap3A_752, %swap3A_753] {strides = array<i32>} : memref<16x64xf32, #tpu.memory_space<vmem>>, vector<16xf32>,
              tpu.vector_store %arg13[%swap3A_752, %swap3A_753], %mul3A_747 {strides = array<i32>} : memref<16x64xf32, #tpu.memory_space<vmem>>, vector<16xf32>,
              %mul3A_755 = arith.constant 8 : i32
              %mul3A_756 = arith.muli %scan3A_294, %mul3A_755 : i32
              %add3A_757 = arith.constant 5 : i32
              %add3A_758 = arith.addi %mul3A_756, %add3A_757 : i32
              %get3A_759 = arith.index_cast %add3A_758 : i32 to index
              %get3A_760 = arith.constant 16 : index
              %get3A_761 = tpu.vector_load %arg13[%get3A_759, %get3A_760] {strides = array<i32>} : memref<16x64xf32, #tpu.memory_space<vmem>>, vector<16xf32>,
              %mul3A_762 = arith.constant 8 : i32
              %mul3A_763 = arith.muli %scan3A_294, %mul3A_762 : i32
              %add3A_764 = arith.constant 5 : i32
              %add3A_765 = arith.addi %mul3A_763, %add3A_764 : i32
              %get3A_766 = arith.index_cast %add3A_765 : i32 to index
              %get3A_767 = arith.constant 16 : index
              %get3A_768 = tpu.vector_load %arg14[%get3A_766, %get3A_767] {strides = array<i32>} : memref<16x64xf32, #tpu.memory_space<vmem>>, vector<16xf32>,
              %mul3A_769 = arith.mulf %get3A_761, %get3A_768 : vector<16xf32>
              %mul3A_770 = arith.constant 8 : i32
              %mul3A_771 = arith.muli %scan3A_294, %mul3A_770 : i32
              %add3A_772 = arith.constant 5 : i32
              %add3A_773 = arith.addi %mul3A_771, %add3A_772 : i32
              %swap3A_774 = arith.index_cast %add3A_773 : i32 to index
              %swap3A_775 = arith.constant 16 : index
              %swap3A_776 = tpu.vector_load %arg13[%swap3A_774, %swap3A_775] {strides = array<i32>} : memref<16x64xf32, #tpu.memory_space<vmem>>, vector<16xf32>,
              tpu.vector_store %arg13[%swap3A_774, %swap3A_775], %mul3A_769 {strides = array<i32>} : memref<16x64xf32, #tpu.memory_space<vmem>>, vector<16xf32>,
              %mul3A_777 = arith.constant 8 : i32
              %mul3A_778 = arith.muli %scan3A_294, %mul3A_777 : i32
              %add3A_779 = arith.constant 5 : i32
              %add3A_780 = arith.addi %mul3A_778, %add3A_779 : i32
              %get3A_781 = arith.index_cast %add3A_780 : i32 to index
              %get3A_782 = arith.constant 32 : index
              %get3A_783 = tpu.vector_load %arg13[%get3A_781, %get3A_782] {strides = array<i32>} : memref<16x64xf32, #tpu.memory_space<vmem>>, vector<16xf32>,
              %mul3A_784 = arith.constant 8 : i32
              %mul3A_785 = arith.muli %scan3A_294, %mul3A_784 : i32
              %add3A_786 = arith.constant 5 : i32
              %add3A_787 = arith.addi %mul3A_785, %add3A_786 : i32
              %get3A_788 = arith.index_cast %add3A_787 : i32 to index
              %get3A_789 = arith.constant 32 : index
              %get3A_790 = tpu.vector_load %arg14[%get3A_788, %get3A_789] {strides = array<i32>} : memref<16x64xf32, #tpu.memory_space<vmem>>, vector<16xf32>,
              %mul3A_791 = arith.mulf %get3A_783, %get3A_790 : vector<16xf32>
              %mul3A_792 = arith.constant 8 : i32
              %mul3A_793 = arith.muli %scan3A_294, %mul3A_792 : i32
              %add3A_794 = arith.constant 5 : i32
              %add3A_795 = arith.addi %mul3A_793, %add3A_794 : i32
              %swap3A_796 = arith.index_cast %add3A_795 : i32 to index
              %swap3A_797 = arith.constant 32 : index
              %swap3A_798 = tpu.vector_load %arg13[%swap3A_796, %swap3A_797] {strides = array<i32>} : memref<16x64xf32, #tpu.memory_space<vmem>>, vector<16xf32>,
              tpu.vector_store %arg13[%swap3A_796, %swap3A_797], %mul3A_791 {strides = array<i32>} : memref<16x64xf32, #tpu.memory_space<vmem>>, vector<16xf32>,
              %mul3A_799 = arith.constant 8 : i32
              %mul3A_800 = arith.muli %scan3A_294, %mul3A_799 : i32
              %add3A_801 = arith.constant 5 : i32
              %add3A_802 = arith.addi %mul3A_800, %add3A_801 : i32
              %get3A_803 = arith.index_cast %add3A_802 : i32 to index
              %get3A_804 = arith.constant 48 : index
              %get3A_805 = tpu.vector_load %arg13[%get3A_803, %get3A_804] {strides = array<i32>} : memref<16x64xf32, #tpu.memory_space<vmem>>, vector<16xf32>,
              %mul3A_806 = arith.constant 8 : i32
              %mul3A_807 = arith.muli %scan3A_294, %mul3A_806 : i32
              %add3A_808 = arith.constant 5 : i32
              %add3A_809 = arith.addi %mul3A_807, %add3A_808 : i32
              %get3A_810 = arith.index_cast %add3A_809 : i32 to index
              %get3A_811 = arith.constant 48 : index
              %get3A_812 = tpu.vector_load %arg14[%get3A_810, %get3A_811] {strides = array<i32>} : memref<16x64xf32, #tpu.memory_space<vmem>>, vector<16xf32>,
              %mul3A_813 = arith.mulf %get3A_805, %get3A_812 : vector<16xf32>
              %mul3A_814 = arith.constant 8 : i32
              %mul3A_815 = arith.muli %scan3A_294, %mul3A_814 : i32
              %add3A_816 = arith.constant 5 : i32
              %add3A_817 = arith.addi %mul3A_815, %add3A_816 : i32
              %swap3A_818 = arith.index_cast %add3A_817 : i32 to index
              %swap3A_819 = arith.constant 48 : index
              %swap3A_820 = tpu.vector_load %arg13[%swap3A_818, %swap3A_819] {strides = array<i32>} : memref<16x64xf32, #tpu.memory_space<vmem>>, vector<16xf32>,
              tpu.vector_store %arg13[%swap3A_818, %swap3A_819], %mul3A_813 {strides = array<i32>} : memref<16x64xf32, #tpu.memory_space<vmem>>, vector<16xf32>,
              %mul3A_821 = arith.constant 8 : i32
              %mul3A_822 = arith.muli %scan3A_294, %mul3A_821 : i32
              %add3A_823 = arith.constant 6 : i32
              %add3A_824 = arith.addi %mul3A_822, %add3A_823 : i32
              %get3A_825 = arith.index_cast %add3A_824 : i32 to index
              %get3A_826 = arith.constant 0 : index
              %get3A_827 = tpu.vector_load %arg13[%get3A_825, %get3A_826] {strides = array<i32>} : memref<16x64xf32, #tpu.memory_space<vmem>>, vector<16xf32>,
              %mul3A_828 = arith.constant 8 : i32
              %mul3A_829 = arith.muli %scan3A_294, %mul3A_828 : i32
              %add3A_830 = arith.constant 6 : i32
              %add3A_831 = arith.addi %mul3A_829, %add3A_830 : i32
              %get3A_832 = arith.index_cast %add3A_831 : i32 to index
              %get3A_833 = arith.constant 0 : index
              %get3A_834 = tpu.vector_load %arg14[%get3A_832, %get3A_833] {strides = array<i32>} : memref<16x64xf32, #tpu.memory_space<vmem>>, vector<16xf32>,
              %mul3A_835 = arith.mulf %get3A_827, %get3A_834 : vector<16xf32>
              %mul3A_836 = arith.constant 8 : i32
              %mul3A_837 = arith.muli %scan3A_294, %mul3A_836 : i32
              %add3A_838 = arith.constant 6 : i32
              %add3A_839 = arith.addi %mul3A_837, %add3A_838 : i32
              %swap3A_840 = arith.index_cast %add3A_839 : i32 to index
              %swap3A_841 = arith.constant 0 : index
              %swap3A_842 = tpu.vector_load %arg13[%swap3A_840, %swap3A_841] {strides = array<i32>} : memref<16x64xf32, #tpu.memory_space<vmem>>, vector<16xf32>,
              tpu.vector_store %arg13[%swap3A_840, %swap3A_841], %mul3A_835 {strides = array<i32>} : memref<16x64xf32, #tpu.memory_space<vmem>>, vector<16xf32>,
              %mul3A_843 = arith.constant 8 : i32
              %mul3A_844 = arith.muli %scan3A_294, %mul3A_843 : i32
              %add3A_845 = arith.constant 6 : i32
              %add3A_846 = arith.addi %mul3A_844, %add3A_845 : i32
              %get3A_847 = arith.index_cast %add3A_846 : i32 to index
              %get3A_848 = arith.constant 16 : index
              %get3A_849 = tpu.vector_load %arg13[%get3A_847, %get3A_848] {strides = array<i32>} : memref<16x64xf32, #tpu.memory_space<vmem>>, vector<16xf32>,
              %mul3A_850 = arith.constant 8 : i32
              %mul3A_851 = arith.muli %scan3A_294, %mul3A_850 : i32
              %add3A_852 = arith.constant 6 : i32
              %add3A_853 = arith.addi %mul3A_851, %add3A_852 : i32
              %get3A_854 = arith.index_cast %add3A_853 : i32 to index
              %get3A_855 = arith.constant 16 : index
              %get3A_856 = tpu.vector_load %arg14[%get3A_854, %get3A_855] {strides = array<i32>} : memref<16x64xf32, #tpu.memory_space<vmem>>, vector<16xf32>,
              %mul3A_857 = arith.mulf %get3A_849, %get3A_856 : vector<16xf32>
              %mul3A_858 = arith.constant 8 : i32
              %mul3A_859 = arith.muli %scan3A_294, %mul3A_858 : i32
              %add3A_860 = arith.constant 6 : i32
              %add3A_861 = arith.addi %mul3A_859, %add3A_860 : i32
              %swap3A_862 = arith.index_cast %add3A_861 : i32 to index
              %swap3A_863 = arith.constant 16 : index
              %swap3A_864 = tpu.vector_load %arg13[%swap3A_862, %swap3A_863] {strides = array<i32>} : memref<16x64xf32, #tpu.memory_space<vmem>>, vector<16xf32>,
              tpu.vector_store %arg13[%swap3A_862, %swap3A_863], %mul3A_857 {strides = array<i32>} : memref<16x64xf32, #tpu.memory_space<vmem>>, vector<16xf32>,
              %mul3A_865 = arith.constant 8 : i32
              %mul3A_866 = arith.muli %scan3A_294, %mul3A_865 : i32
              %add3A_867 = arith.constant 6 : i32
              %add3A_868 = arith.addi %mul3A_866, %add3A_867 : i32
              %get3A_869 = arith.index_cast %add3A_868 : i32 to index
              %get3A_870 = arith.constant 32 : index
              %get3A_871 = tpu.vector_load %arg13[%get3A_869, %get3A_870] {strides = array<i32>} : memref<16x64xf32, #tpu.memory_space<vmem>>, vector<16xf32>,
              %mul3A_872 = arith.constant 8 : i32
              %mul3A_873 = arith.muli %scan3A_294, %mul3A_872 : i32
              %add3A_874 = arith.constant 6 : i32
              %add3A_875 = arith.addi %mul3A_873, %add3A_874 : i32
              %get3A_876 = arith.index_cast %add3A_875 : i32 to index
              %get3A_877 = arith.constant 32 : index
              %get3A_878 = tpu.vector_load %arg14[%get3A_876, %get3A_877] {strides = array<i32>} : memref<16x64xf32, #tpu.memory_space<vmem>>, vector<16xf32>,
              %mul3A_879 = arith.mulf %get3A_871, %get3A_878 : vector<16xf32>
              %mul3A_880 = arith.constant 8 : i32
              %mul3A_881 = arith.muli %scan3A_294, %mul3A_880 : i32
              %add3A_882 = arith.constant 6 : i32
              %add3A_883 = arith.addi %mul3A_881, %add3A_882 : i32
              %swap3A_884 = arith.index_cast %add3A_883 : i32 to index
              %swap3A_885 = arith.constant 32 : index
              %swap3A_886 = tpu.vector_load %arg13[%swap3A_884, %swap3A_885] {strides = array<i32>} : memref<16x64xf32, #tpu.memory_space<vmem>>, vector<16xf32>,
              tpu.vector_store %arg13[%swap3A_884, %swap3A_885], %mul3A_879 {strides = array<i32>} : memref<16x64xf32, #tpu.memory_space<vmem>>, vector<16xf32>,
              %mul3A_887 = arith.constant 8 : i32
              %mul3A_888 = arith.muli %scan3A_294, %mul3A_887 : i32
              %add3A_889 = arith.constant 6 : i32
              %add3A_890 = arith.addi %mul3A_888, %add3A_889 : i32
              %get3A_891 = arith.index_cast %add3A_890 : i32 to index
              %get3A_892 = arith.constant 48 : index
              %get3A_893 = tpu.vector_load %arg13[%get3A_891, %get3A_892] {strides = array<i32>} : memref<16x64xf32, #tpu.memory_space<vmem>>, vector<16xf32>,
              %mul3A_894 = arith.constant 8 : i32
              %mul3A_895 = arith.muli %scan3A_294, %mul3A_894 : i32
              %add3A_896 = arith.constant 6 : i32
              %add3A_897 = arith.addi %mul3A_895, %add3A_896 : i32
              %get3A_898 = arith.index_cast %add3A_897 : i32 to index
              %get3A_899 = arith.constant 48 : index
              %get3A_900 = tpu.vector_load %arg14[%get3A_898, %get3A_899] {strides = array<i32>} : memref<16x64xf32, #tpu.memory_space<vmem>>, vector<16xf32>,
              %mul3A_901 = arith.mulf %get3A_893, %get3A_900 : vector<16xf32>
              %mul3A_902 = arith.constant 8 : i32
              %mul3A_903 = arith.muli %scan3A_294, %mul3A_902 : i32
              %add3A_904 = arith.constant 6 : i32
              %add3A_905 = arith.addi %mul3A_903, %add3A_904 : i32
              %swap3A_906 = arith.index_cast %add3A_905 : i32 to index
              %swap3A_907 = arith.constant 48 : index
              %swap3A_908 = tpu.vector_load %arg13[%swap3A_906, %swap3A_907] {strides = array<i32>} : memref<16x64xf32, #tpu.memory_space<vmem>>, vector<16xf32>,
              tpu.vector_store %arg13[%swap3A_906, %swap3A_907], %mul3A_901 {strides = array<i32>} : memref<16x64xf32, #tpu.memory_space<vmem>>, vector<16xf32>,
              %mul3A_909 = arith.constant 8 : i32
              %mul3A_910 = arith.muli %scan3A_294, %mul3A_909 : i32
              %add3A_911 = arith.constant 7 : i32
              %add3A_912 = arith.addi %mul3A_910, %add3A_911 : i32
              %get3A_913 = arith.index_cast %add3A_912 : i32 to index
              %get3A_914 = arith.constant 0 : index
              %get3A_915 = tpu.vector_load %arg13[%get3A_913, %get3A_914] {strides = array<i32>} : memref<16x64xf32, #tpu.memory_space<vmem>>, vector<16xf32>,
              %mul3A_916 = arith.constant 8 : i32
              %mul3A_917 = arith.muli %scan3A_294, %mul3A_916 : i32
              %add3A_918 = arith.constant 7 : i32
              %add3A_919 = arith.addi %mul3A_917, %add3A_918 : i32
              %get3A_920 = arith.index_cast %add3A_919 : i32 to index
              %get3A_921 = arith.constant 0 : index
              %get3A_922 = tpu.vector_load %arg14[%get3A_920, %get3A_921] {strides = array<i32>} : memref<16x64xf32, #tpu.memory_space<vmem>>, vector<16xf32>,
              %mul3A_923 = arith.mulf %get3A_915, %get3A_922 : vector<16xf32>
              %mul3A_924 = arith.constant 8 : i32
              %mul3A_925 = arith.muli %scan3A_294, %mul3A_924 : i32
              %add3A_926 = arith.constant 7 : i32
              %add3A_927 = arith.addi %mul3A_925, %add3A_926 : i32
              %swap3A_928 = arith.index_cast %add3A_927 : i32 to index
              %swap3A_929 = arith.constant 0 : index
              %swap3A_930 = tpu.vector_load %arg13[%swap3A_928, %swap3A_929] {strides = array<i32>} : memref<16x64xf32, #tpu.memory_space<vmem>>, vector<16xf32>,
              tpu.vector_store %arg13[%swap3A_928, %swap3A_929], %mul3A_923 {strides = array<i32>} : memref<16x64xf32, #tpu.memory_space<vmem>>, vector<16xf32>,
              %mul3A_931 = arith.constant 8 : i32
              %mul3A_932 = arith.muli %scan3A_294, %mul3A_931 : i32
              %add3A_933 = arith.constant 7 : i32
              %add3A_934 = arith.addi %mul3A_932, %add3A_933 : i32
              %get3A_935 = arith.index_cast %add3A_934 : i32 to index
              %get3A_936 = arith.constant 16 : index
              %get3A_937 = tpu.vector_load %arg13[%get3A_935, %get3A_936] {strides = array<i32>} : memref<16x64xf32, #tpu.memory_space<vmem>>, vector<16xf32>,
              %mul3A_938 = arith.constant 8 : i32
              %mul3A_939 = arith.muli %scan3A_294, %mul3A_938 : i32
              %add3A_940 = arith.constant 7 : i32
              %add3A_941 = arith.addi %mul3A_939, %add3A_940 : i32
              %get3A_942 = arith.index_cast %add3A_941 : i32 to index
              %get3A_943 = arith.constant 16 : index
              %get3A_944 = tpu.vector_load %arg14[%get3A_942, %get3A_943] {strides = array<i32>} : memref<16x64xf32, #tpu.memory_space<vmem>>, vector<16xf32>,
              %mul3A_945 = arith.mulf %get3A_937, %get3A_944 : vector<16xf32>
              %mul3A_946 = arith.constant 8 : i32
              %mul3A_947 = arith.muli %scan3A_294, %mul3A_946 : i32
              %add3A_948 = arith.constant 7 : i32
              %add3A_949 = arith.addi %mul3A_947, %add3A_948 : i32
              %swap3A_950 = arith.index_cast %add3A_949 : i32 to index
              %swap3A_951 = arith.constant 16 : index
              %swap3A_952 = tpu.vector_load %arg13[%swap3A_950, %swap3A_951] {strides = array<i32>} : memref<16x64xf32, #tpu.memory_space<vmem>>, vector<16xf32>,
              tpu.vector_store %arg13[%swap3A_950, %swap3A_951], %mul3A_945 {strides = array<i32>} : memref<16x64xf32, #tpu.memory_space<vmem>>, vector<16xf32>,
              %mul3A_953 = arith.constant 8 : i32
              %mul3A_954 = arith.muli %scan3A_294, %mul3A_953 : i32
              %add3A_955 = arith.constant 7 : i32
              %add3A_956 = arith.addi %mul3A_954, %add3A_955 : i32
              %get3A_957 = arith.index_cast %add3A_956 : i32 to index
              %get3A_958 = arith.constant 32 : index
              %get3A_959 = tpu.vector_load %arg13[%get3A_957, %get3A_958] {strides = array<i32>} : memref<16x64xf32, #tpu.memory_space<vmem>>, vector<16xf32>,
              %mul3A_960 = arith.constant 8 : i32
              %mul3A_961 = arith.muli %scan3A_294, %mul3A_960 : i32
              %add3A_962 = arith.constant 7 : i32
              %add3A_963 = arith.addi %mul3A_961, %add3A_962 : i32
              %get3A_964 = arith.index_cast %add3A_963 : i32 to index
              %get3A_965 = arith.constant 32 : index
              %get3A_966 = tpu.vector_load %arg14[%get3A_964, %get3A_965] {strides = array<i32>} : memref<16x64xf32, #tpu.memory_space<vmem>>, vector<16xf32>,
              %mul3A_967 = arith.mulf %get3A_959, %get3A_966 : vector<16xf32>
              %mul3A_968 = arith.constant 8 : i32
              %mul3A_969 = arith.muli %scan3A_294, %mul3A_968 : i32
              %add3A_970 = arith.constant 7 : i32
              %add3A_971 = arith.addi %mul3A_969, %add3A_970 : i32
              %swap3A_972 = arith.index_cast %add3A_971 : i32 to index
              %swap3A_973 = arith.constant 32 : index
              %swap3A_974 = tpu.vector_load %arg13[%swap3A_972, %swap3A_973] {strides = array<i32>} : memref<16x64xf32, #tpu.memory_space<vmem>>, vector<16xf32>,
              tpu.vector_store %arg13[%swap3A_972, %swap3A_973], %mul3A_967 {strides = array<i32>} : memref<16x64xf32, #tpu.memory_space<vmem>>, vector<16xf32>,
              %mul3A_975 = arith.constant 8 : i32
              %mul3A_976 = arith.muli %scan3A_294, %mul3A_975 : i32
              %add3A_977 = arith.constant 7 : i32
              %add3A_978 = arith.addi %mul3A_976, %add3A_977 : i32
              %get3A_979 = arith.index_cast %add3A_978 : i32 to index
              %get3A_980 = arith.constant 48 : index
              %get3A_981 = tpu.vector_load %arg13[%get3A_979, %get3A_980] {strides = array<i32>} : memref<16x64xf32, #tpu.memory_space<vmem>>, vector<16xf32>,
              %mul3A_982 = arith.constant 8 : i32
              %mul3A_983 = arith.muli %scan3A_294, %mul3A_982 : i32
              %add3A_984 = arith.constant 7 : i32
              %add3A_985 = arith.addi %mul3A_983, %add3A_984 : i32
              %get3A_986 = arith.index_cast %add3A_985 : i32 to index
              %get3A_987 = arith.constant 48 : index
              %get3A_988 = tpu.vector_load %arg14[%get3A_986, %get3A_987] {strides = array<i32>} : memref<16x64xf32, #tpu.memory_space<vmem>>, vector<16xf32>,
              %mul3A_989 = arith.mulf %get3A_981, %get3A_988 : vector<16xf32>
              %mul3A_990 = arith.constant 8 : i32
              %mul3A_991 = arith.muli %scan3A_294, %mul3A_990 : i32
              %add3A_992 = arith.constant 7 : i32
              %add3A_993 = arith.addi %mul3A_991, %add3A_992 : i32
              %swap3A_994 = arith.index_cast %add3A_993 : i32 to index
              %swap3A_995 = arith.constant 48 : index
              %swap3A_996 = tpu.vector_load %arg13[%swap3A_994, %swap3A_995] {strides = array<i32>} : memref<16x64xf32, #tpu.memory_space<vmem>>, vector<16xf32>,
              tpu.vector_store %arg13[%swap3A_994, %swap3A_995], %mul3A_989 {strides = array<i32>} : memref<16x64xf32, #tpu.memory_space<vmem>>, vector<16xf32>,
            }
            %scan3A_279 = arith.constant 2 : i32
            "tpu.region"() ({
              %run_scoped3A = tpu.sem_alloc : memref<!tpu.dma_semaphore, #tpu.memory_space<semaphore_mem>>
              %dma_start3A_294 = tpu.memref_slice %arg12[%mul3A_243] : memref<2032xi32, #tpu.memory_space<vmem>> -> memref<16xi32, #tpu.memory_space<vmem>>
              %dma_start3A_295 = arith.constant 0 : i32
              %dma_start3A_296 = arith.constant 0 : i32
              %dma_start3A_297 = tpu.memref_slice %arg7[%dma_start3A_295, %dma_start3A_296] : memref<20008x64xf32, #tpu.memory_space<vmem_shared>> -> memref<20008x64xf32, #tpu.memory_space<vmem_shared>>
              tpu.enqueue_indirect_dma source(%arg13 : memref<16x64xf32, #tpu.memory_space<vmem>>) target(%dma_start3A_297 : memref<20008x64xf32, #tpu.memory_space<vmem_shared>>) offsets(%dma_start3A_294 : memref<16xi32, #tpu.memory_space<vmem>>) semaphore(%run_scoped3A : memref<!tpu.dma_semaphore, #tpu.memory_space<semaphore_mem>>) {add = true}
              %dma_wait3A_298 = tpu.memref_slice %arg12[%mul3A_243] : memref<2032xi32, #tpu.memory_space<vmem>> -> memref<16xi32, #tpu.memory_space<vmem>>
              %dma_wait3A_299 = arith.constant 0 : i32
              %dma_wait3A_300 = arith.constant 0 : i32
              %dma_wait3A_301 = tpu.memref_slice %arg7[%dma_wait3A_299, %dma_wait3A_300] : memref<20008x64xf32, #tpu.memory_space<vmem_shared>> -> memref<20008x64xf32, #tpu.memory_space<vmem_shared>>
              tpu.wait_indirect_dma semaphore(%run_scoped3A : memref<!tpu.dma_semaphore, #tpu.memory_space<semaphore_mem>>) src(%arg13 : memref<16x64xf32, #tpu.memory_space<vmem>>) dst(%dma_wait3A_301 : memref<20008x64xf32, #tpu.memory_space<vmem_shared>>)
              tpu.yield
            }) : () -> ()
            %dma_wait3A_280 = tpu.memref_slice %arg11[%add3A_245] : memref<2032xi32, #tpu.memory_space<vmem>> -> memref<16xi32, #tpu.memory_space<vmem>>
            %dma_wait3A_281 = arith.constant 0 : i32
            %dma_wait3A_282 = arith.constant 0 : i32
            %dma_wait3A_283 = tpu.memref_slice %arg4[%dma_wait3A_281, %dma_wait3A_282] : memref<160000x64xf32, #tpu.memory_space<hbm>> -> memref<160000x64xf32, #tpu.memory_space<hbm>>
            tpu.wait_indirect_dma semaphore(%arg20 : memref<!tpu.dma_semaphore, #tpu.memory_space<semaphore_mem>>) src(%dma_wait3A_283 : memref<160000x64xf32, #tpu.memory_space<hbm>>) dst(%arg15 : memref<16x64xf32, #tpu.memory_space<vmem>>)
            %dma_wait3A_284 = tpu.memref_slice %arg10[%add3A_245] : memref<2032xi32, #tpu.memory_space<vmem>> -> memref<16xi32, #tpu.memory_space<vmem>>
            %dma_wait3A_285 = arith.constant 0 : i32
            %dma_wait3A_286 = arith.constant 0 : i32
            %dma_wait3A_287 = tpu.memref_slice %arg5[%dma_wait3A_285, %dma_wait3A_286] : memref<480000x64xf32, #tpu.memory_space<hbm>> -> memref<480000x64xf32, #tpu.memory_space<hbm>>
            tpu.wait_indirect_dma semaphore(%arg21 : memref<!tpu.dma_semaphore, #tpu.memory_space<semaphore_mem>>) src(%dma_wait3A_287 : memref<480000x64xf32, #tpu.memory_space<hbm>>) dst(%arg16 : memref<16x64xf32, #tpu.memory_space<vmem>>)
            %scan3A_288 = arith.constant 0 : i32
            %scan3A_289 = arith.constant 0 : i32
            %scan3A_290 = arith.constant 2 : i32
            %scan3A_291 = arith.addi %scan3A_289, %scan3A_290 : i32
            %scan3A_292 = arith.constant 1 : i32
            scf.for %scan3A_294 = %scan3A_289 to %scan3A_291 step %scan3A_292  : i32 {
              %mul3A_295 = arith.constant 8 : i32
              %mul3A_296 = arith.muli %scan3A_294, %mul3A_295 : i32
              %add3A_297 = arith.constant 0 : i32
              %add3A_298 = arith.addi %mul3A_296, %add3A_297 : i32
              %get3A = arith.index_cast %add3A_298 : i32 to index
              %get3A_299 = arith.constant 0 : index
              %get3A_300 = tpu.vector_load %arg15[%get3A, %get3A_299] {strides = array<i32>} : memref<16x64xf32, #tpu.memory_space<vmem>>, vector<16xf32>,
              %mul3A_301 = arith.constant 8 : i32
              %mul3A_302 = arith.muli %scan3A_294, %mul3A_301 : i32
              %add3A_303 = arith.constant 0 : i32
              %add3A_304 = arith.addi %mul3A_302, %add3A_303 : i32
              %get3A_305 = arith.index_cast %add3A_304 : i32 to index
              %get3A_306 = arith.constant 0 : index
              %get3A_307 = tpu.vector_load %arg16[%get3A_305, %get3A_306] {strides = array<i32>} : memref<16x64xf32, #tpu.memory_space<vmem>>, vector<16xf32>,
              %mul3A_308 = arith.mulf %get3A_300, %get3A_307 : vector<16xf32>
              %mul3A_309 = arith.constant 8 : i32
              %mul3A_310 = arith.muli %scan3A_294, %mul3A_309 : i32
              %add3A_311 = arith.constant 0 : i32
              %add3A_312 = arith.addi %mul3A_310, %add3A_311 : i32
              %swap3A = arith.index_cast %add3A_312 : i32 to index
              %swap3A_313 = arith.constant 0 : index
              %swap3A_314 = tpu.vector_load %arg15[%swap3A, %swap3A_313] {strides = array<i32>} : memref<16x64xf32, #tpu.memory_space<vmem>>, vector<16xf32>,
              tpu.vector_store %arg15[%swap3A, %swap3A_313], %mul3A_308 {strides = array<i32>} : memref<16x64xf32, #tpu.memory_space<vmem>>, vector<16xf32>,
              %mul3A_315 = arith.constant 8 : i32
              %mul3A_316 = arith.muli %scan3A_294, %mul3A_315 : i32
              %add3A_317 = arith.constant 0 : i32
              %add3A_318 = arith.addi %mul3A_316, %add3A_317 : i32
              %get3A_319 = arith.index_cast %add3A_318 : i32 to index
              %get3A_320 = arith.constant 16 : index
              %get3A_321 = tpu.vector_load %arg15[%get3A_319, %get3A_320] {strides = array<i32>} : memref<16x64xf32, #tpu.memory_space<vmem>>, vector<16xf32>,
              %mul3A_322 = arith.constant 8 : i32
              %mul3A_323 = arith.muli %scan3A_294, %mul3A_322 : i32
              %add3A_324 = arith.constant 0 : i32
              %add3A_325 = arith.addi %mul3A_323, %add3A_324 : i32
              %get3A_326 = arith.index_cast %add3A_325 : i32 to index
              %get3A_327 = arith.constant 16 : index
              %get3A_328 = tpu.vector_load %arg16[%get3A_326, %get3A_327] {strides = array<i32>} : memref<16x64xf32, #tpu.memory_space<vmem>>, vector<16xf32>,
              %mul3A_329 = arith.mulf %get3A_321, %get3A_328 : vector<16xf32>
              %mul3A_330 = arith.constant 8 : i32
              %mul3A_331 = arith.muli %scan3A_294, %mul3A_330 : i32
              %add3A_332 = arith.constant 0 : i32
              %add3A_333 = arith.addi %mul3A_331, %add3A_332 : i32
              %swap3A_334 = arith.index_cast %add3A_333 : i32 to index
              %swap3A_335 = arith.constant 16 : index
              %swap3A_336 = tpu.vector_load %arg15[%swap3A_334, %swap3A_335] {strides = array<i32>} : memref<16x64xf32, #tpu.memory_space<vmem>>, vector<16xf32>,
              tpu.vector_store %arg15[%swap3A_334, %swap3A_335], %mul3A_329 {strides = array<i32>} : memref<16x64xf32, #tpu.memory_space<vmem>>, vector<16xf32>,
              %mul3A_337 = arith.constant 8 : i32
              %mul3A_338 = arith.muli %scan3A_294, %mul3A_337 : i32
              %add3A_339 = arith.constant 0 : i32
              %add3A_340 = arith.addi %mul3A_338, %add3A_339 : i32
              %get3A_341 = arith.index_cast %add3A_340 : i32 to index
              %get3A_342 = arith.constant 32 : index
              %get3A_343 = tpu.vector_load %arg15[%get3A_341, %get3A_342] {strides = array<i32>} : memref<16x64xf32, #tpu.memory_space<vmem>>, vector<16xf32>,
              %mul3A_344 = arith.constant 8 : i32
              %mul3A_345 = arith.muli %scan3A_294, %mul3A_344 : i32
              %add3A_346 = arith.constant 0 : i32
              %add3A_347 = arith.addi %mul3A_345, %add3A_346 : i32
              %get3A_348 = arith.index_cast %add3A_347 : i32 to index
              %get3A_349 = arith.constant 32 : index
              %get3A_350 = tpu.vector_load %arg16[%get3A_348, %get3A_349] {strides = array<i32>} : memref<16x64xf32, #tpu.memory_space<vmem>>, vector<16xf32>,
              %mul3A_351 = arith.mulf %get3A_343, %get3A_350 : vector<16xf32>
              %mul3A_352 = arith.constant 8 : i32
              %mul3A_353 = arith.muli %scan3A_294, %mul3A_352 : i32
              %add3A_354 = arith.constant 0 : i32
              %add3A_355 = arith.addi %mul3A_353, %add3A_354 : i32
              %swap3A_356 = arith.index_cast %add3A_355 : i32 to index
              %swap3A_357 = arith.constant 32 : index
              %swap3A_358 = tpu.vector_load %arg15[%swap3A_356, %swap3A_357] {strides = array<i32>} : memref<16x64xf32, #tpu.memory_space<vmem>>, vector<16xf32>,
              tpu.vector_store %arg15[%swap3A_356, %swap3A_357], %mul3A_351 {strides = array<i32>} : memref<16x64xf32, #tpu.memory_space<vmem>>, vector<16xf32>,
              %mul3A_359 = arith.constant 8 : i32
              %mul3A_360 = arith.muli %scan3A_294, %mul3A_359 : i32
              %add3A_361 = arith.constant 0 : i32
              %add3A_362 = arith.addi %mul3A_360, %add3A_361 : i32
              %get3A_363 = arith.index_cast %add3A_362 : i32 to index
              %get3A_364 = arith.constant 48 : index
              %get3A_365 = tpu.vector_load %arg15[%get3A_363, %get3A_364] {strides = array<i32>} : memref<16x64xf32, #tpu.memory_space<vmem>>, vector<16xf32>,
              %mul3A_366 = arith.constant 8 : i32
              %mul3A_367 = arith.muli %scan3A_294, %mul3A_366 : i32
              %add3A_368 = arith.constant 0 : i32
              %add3A_369 = arith.addi %mul3A_367, %add3A_368 : i32
              %get3A_370 = arith.index_cast %add3A_369 : i32 to index
              %get3A_371 = arith.constant 48 : index
              %get3A_372 = tpu.vector_load %arg16[%get3A_370, %get3A_371] {strides = array<i32>} : memref<16x64xf32, #tpu.memory_space<vmem>>, vector<16xf32>,
              %mul3A_373 = arith.mulf %get3A_365, %get3A_372 : vector<16xf32>
              %mul3A_374 = arith.constant 8 : i32
              %mul3A_375 = arith.muli %scan3A_294, %mul3A_374 : i32
              %add3A_376 = arith.constant 0 : i32
              %add3A_377 = arith.addi %mul3A_375, %add3A_376 : i32
              %swap3A_378 = arith.index_cast %add3A_377 : i32 to index
              %swap3A_379 = arith.constant 48 : index
              %swap3A_380 = tpu.vector_load %arg15[%swap3A_378, %swap3A_379] {strides = array<i32>} : memref<16x64xf32, #tpu.memory_space<vmem>>, vector<16xf32>,
              tpu.vector_store %arg15[%swap3A_378, %swap3A_379], %mul3A_373 {strides = array<i32>} : memref<16x64xf32, #tpu.memory_space<vmem>>, vector<16xf32>,
              %mul3A_381 = arith.constant 8 : i32
              %mul3A_382 = arith.muli %scan3A_294, %mul3A_381 : i32
              %add3A_383 = arith.constant 1 : i32
              %add3A_384 = arith.addi %mul3A_382, %add3A_383 : i32
              %get3A_385 = arith.index_cast %add3A_384 : i32 to index
              %get3A_386 = arith.constant 0 : index
              %get3A_387 = tpu.vector_load %arg15[%get3A_385, %get3A_386] {strides = array<i32>} : memref<16x64xf32, #tpu.memory_space<vmem>>, vector<16xf32>,
              %mul3A_388 = arith.constant 8 : i32
              %mul3A_389 = arith.muli %scan3A_294, %mul3A_388 : i32
              %add3A_390 = arith.constant 1 : i32
              %add3A_391 = arith.addi %mul3A_389, %add3A_390 : i32
              %get3A_392 = arith.index_cast %add3A_391 : i32 to index
              %get3A_393 = arith.constant 0 : index
              %get3A_394 = tpu.vector_load %arg16[%get3A_392, %get3A_393] {strides = array<i32>} : memref<16x64xf32, #tpu.memory_space<vmem>>, vector<16xf32>,
              %mul3A_395 = arith.mulf %get3A_387, %get3A_394 : vector<16xf32>
              %mul3A_396 = arith.constant 8 : i32
              %mul3A_397 = arith.muli %scan3A_294, %mul3A_396 : i32
              %add3A_398 = arith.constant 1 : i32
              %add3A_399 = arith.addi %mul3A_397, %add3A_398 : i32
              %swap3A_400 = arith.index_cast %add3A_399 : i32 to index
              %swap3A_401 = arith.constant 0 : index
              %swap3A_402 = tpu.vector_load %arg15[%swap3A_400, %swap3A_401] {strides = array<i32>} : memref<16x64xf32, #tpu.memory_space<vmem>>, vector<16xf32>,
              tpu.vector_store %arg15[%swap3A_400, %swap3A_401], %mul3A_395 {strides = array<i32>} : memref<16x64xf32, #tpu.memory_space<vmem>>, vector<16xf32>,
              %mul3A_403 = arith.constant 8 : i32
              %mul3A_404 = arith.muli %scan3A_294, %mul3A_403 : i32
              %add3A_405 = arith.constant 1 : i32
              %add3A_406 = arith.addi %mul3A_404, %add3A_405 : i32
              %get3A_407 = arith.index_cast %add3A_406 : i32 to index
              %get3A_408 = arith.constant 16 : index
              %get3A_409 = tpu.vector_load %arg15[%get3A_407, %get3A_408] {strides = array<i32>} : memref<16x64xf32, #tpu.memory_space<vmem>>, vector<16xf32>,
              %mul3A_410 = arith.constant 8 : i32
              %mul3A_411 = arith.muli %scan3A_294, %mul3A_410 : i32
              %add3A_412 = arith.constant 1 : i32
              %add3A_413 = arith.addi %mul3A_411, %add3A_412 : i32
              %get3A_414 = arith.index_cast %add3A_413 : i32 to index
              %get3A_415 = arith.constant 16 : index
              %get3A_416 = tpu.vector_load %arg16[%get3A_414, %get3A_415] {strides = array<i32>} : memref<16x64xf32, #tpu.memory_space<vmem>>, vector<16xf32>,
              %mul3A_417 = arith.mulf %get3A_409, %get3A_416 : vector<16xf32>
              %mul3A_418 = arith.constant 8 : i32
              %mul3A_419 = arith.muli %scan3A_294, %mul3A_418 : i32
              %add3A_420 = arith.constant 1 : i32
              %add3A_421 = arith.addi %mul3A_419, %add3A_420 : i32
              %swap3A_422 = arith.index_cast %add3A_421 : i32 to index
              %swap3A_423 = arith.constant 16 : index
              %swap3A_424 = tpu.vector_load %arg15[%swap3A_422, %swap3A_423] {strides = array<i32>} : memref<16x64xf32, #tpu.memory_space<vmem>>, vector<16xf32>,
              tpu.vector_store %arg15[%swap3A_422, %swap3A_423], %mul3A_417 {strides = array<i32>} : memref<16x64xf32, #tpu.memory_space<vmem>>, vector<16xf32>,
              %mul3A_425 = arith.constant 8 : i32
              %mul3A_426 = arith.muli %scan3A_294, %mul3A_425 : i32
              %add3A_427 = arith.constant 1 : i32
              %add3A_428 = arith.addi %mul3A_426, %add3A_427 : i32
              %get3A_429 = arith.index_cast %add3A_428 : i32 to index
              %get3A_430 = arith.constant 32 : index
              %get3A_431 = tpu.vector_load %arg15[%get3A_429, %get3A_430] {strides = array<i32>} : memref<16x64xf32, #tpu.memory_space<vmem>>, vector<16xf32>,
              %mul3A_432 = arith.constant 8 : i32
              %mul3A_433 = arith.muli %scan3A_294, %mul3A_432 : i32
              %add3A_434 = arith.constant 1 : i32
              %add3A_435 = arith.addi %mul3A_433, %add3A_434 : i32
              %get3A_436 = arith.index_cast %add3A_435 : i32 to index
              %get3A_437 = arith.constant 32 : index
              %get3A_438 = tpu.vector_load %arg16[%get3A_436, %get3A_437] {strides = array<i32>} : memref<16x64xf32, #tpu.memory_space<vmem>>, vector<16xf32>,
              %mul3A_439 = arith.mulf %get3A_431, %get3A_438 : vector<16xf32>
              %mul3A_440 = arith.constant 8 : i32
              %mul3A_441 = arith.muli %scan3A_294, %mul3A_440 : i32
              %add3A_442 = arith.constant 1 : i32
              %add3A_443 = arith.addi %mul3A_441, %add3A_442 : i32
              %swap3A_444 = arith.index_cast %add3A_443 : i32 to index
              %swap3A_445 = arith.constant 32 : index
              %swap3A_446 = tpu.vector_load %arg15[%swap3A_444, %swap3A_445] {strides = array<i32>} : memref<16x64xf32, #tpu.memory_space<vmem>>, vector<16xf32>,
              tpu.vector_store %arg15[%swap3A_444, %swap3A_445], %mul3A_439 {strides = array<i32>} : memref<16x64xf32, #tpu.memory_space<vmem>>, vector<16xf32>,
              %mul3A_447 = arith.constant 8 : i32
              %mul3A_448 = arith.muli %scan3A_294, %mul3A_447 : i32
              %add3A_449 = arith.constant 1 : i32
              %add3A_450 = arith.addi %mul3A_448, %add3A_449 : i32
              %get3A_451 = arith.index_cast %add3A_450 : i32 to index
              %get3A_452 = arith.constant 48 : index
              %get3A_453 = tpu.vector_load %arg15[%get3A_451, %get3A_452] {strides = array<i32>} : memref<16x64xf32, #tpu.memory_space<vmem>>, vector<16xf32>,
              %mul3A_454 = arith.constant 8 : i32
              %mul3A_455 = arith.muli %scan3A_294, %mul3A_454 : i32
              %add3A_456 = arith.constant 1 : i32
              %add3A_457 = arith.addi %mul3A_455, %add3A_456 : i32
              %get3A_458 = arith.index_cast %add3A_457 : i32 to index
              %get3A_459 = arith.constant 48 : index
              %get3A_460 = tpu.vector_load %arg16[%get3A_458, %get3A_459] {strides = array<i32>} : memref<16x64xf32, #tpu.memory_space<vmem>>, vector<16xf32>,
              %mul3A_461 = arith.mulf %get3A_453, %get3A_460 : vector<16xf32>
              %mul3A_462 = arith.constant 8 : i32
              %mul3A_463 = arith.muli %scan3A_294, %mul3A_462 : i32
              %add3A_464 = arith.constant 1 : i32
              %add3A_465 = arith.addi %mul3A_463, %add3A_464 : i32
              %swap3A_466 = arith.index_cast %add3A_465 : i32 to index
              %swap3A_467 = arith.constant 48 : index
              %swap3A_468 = tpu.vector_load %arg15[%swap3A_466, %swap3A_467] {strides = array<i32>} : memref<16x64xf32, #tpu.memory_space<vmem>>, vector<16xf32>,
              tpu.vector_store %arg15[%swap3A_466, %swap3A_467], %mul3A_461 {strides = array<i32>} : memref<16x64xf32, #tpu.memory_space<vmem>>, vector<16xf32>,
              %mul3A_469 = arith.constant 8 : i32
              %mul3A_470 = arith.muli %scan3A_294, %mul3A_469 : i32
              %add3A_471 = arith.constant 2 : i32
              %add3A_472 = arith.addi %mul3A_470, %add3A_471 : i32
              %get3A_473 = arith.index_cast %add3A_472 : i32 to index
              %get3A_474 = arith.constant 0 : index
              %get3A_475 = tpu.vector_load %arg15[%get3A_473, %get3A_474] {strides = array<i32>} : memref<16x64xf32, #tpu.memory_space<vmem>>, vector<16xf32>,
              %mul3A_476 = arith.constant 8 : i32
              %mul3A_477 = arith.muli %scan3A_294, %mul3A_476 : i32
              %add3A_478 = arith.constant 2 : i32
              %add3A_479 = arith.addi %mul3A_477, %add3A_478 : i32
              %get3A_480 = arith.index_cast %add3A_479 : i32 to index
              %get3A_481 = arith.constant 0 : index
              %get3A_482 = tpu.vector_load %arg16[%get3A_480, %get3A_481] {strides = array<i32>} : memref<16x64xf32, #tpu.memory_space<vmem>>, vector<16xf32>,
              %mul3A_483 = arith.mulf %get3A_475, %get3A_482 : vector<16xf32>
              %mul3A_484 = arith.constant 8 : i32
              %mul3A_485 = arith.muli %scan3A_294, %mul3A_484 : i32
              %add3A_486 = arith.constant 2 : i32
              %add3A_487 = arith.addi %mul3A_485, %add3A_486 : i32
              %swap3A_488 = arith.index_cast %add3A_487 : i32 to index
              %swap3A_489 = arith.constant 0 : index
              %swap3A_490 = tpu.vector_load %arg15[%swap3A_488, %swap3A_489] {strides = array<i32>} : memref<16x64xf32, #tpu.memory_space<vmem>>, vector<16xf32>,
              tpu.vector_store %arg15[%swap3A_488, %swap3A_489], %mul3A_483 {strides = array<i32>} : memref<16x64xf32, #tpu.memory_space<vmem>>, vector<16xf32>,
              %mul3A_491 = arith.constant 8 : i32
              %mul3A_492 = arith.muli %scan3A_294, %mul3A_491 : i32
              %add3A_493 = arith.constant 2 : i32
              %add3A_494 = arith.addi %mul3A_492, %add3A_493 : i32
              %get3A_495 = arith.index_cast %add3A_494 : i32 to index
              %get3A_496 = arith.constant 16 : index
              %get3A_497 = tpu.vector_load %arg15[%get3A_495, %get3A_496] {strides = array<i32>} : memref<16x64xf32, #tpu.memory_space<vmem>>, vector<16xf32>,
              %mul3A_498 = arith.constant 8 : i32
              %mul3A_499 = arith.muli %scan3A_294, %mul3A_498 : i32
              %add3A_500 = arith.constant 2 : i32
              %add3A_501 = arith.addi %mul3A_499, %add3A_500 : i32
              %get3A_502 = arith.index_cast %add3A_501 : i32 to index
              %get3A_503 = arith.constant 16 : index
              %get3A_504 = tpu.vector_load %arg16[%get3A_502, %get3A_503] {strides = array<i32>} : memref<16x64xf32, #tpu.memory_space<vmem>>, vector<16xf32>,
              %mul3A_505 = arith.mulf %get3A_497, %get3A_504 : vector<16xf32>
              %mul3A_506 = arith.constant 8 : i32
              %mul3A_507 = arith.muli %scan3A_294, %mul3A_506 : i32
              %add3A_508 = arith.constant 2 : i32
              %add3A_509 = arith.addi %mul3A_507, %add3A_508 : i32
              %swap3A_510 = arith.index_cast %add3A_509 : i32 to index
              %swap3A_511 = arith.constant 16 : index
              %swap3A_512 = tpu.vector_load %arg15[%swap3A_510, %swap3A_511] {strides = array<i32>} : memref<16x64xf32, #tpu.memory_space<vmem>>, vector<16xf32>,
              tpu.vector_store %arg15[%swap3A_510, %swap3A_511], %mul3A_505 {strides = array<i32>} : memref<16x64xf32, #tpu.memory_space<vmem>>, vector<16xf32>,
              %mul3A_513 = arith.constant 8 : i32
              %mul3A_514 = arith.muli %scan3A_294, %mul3A_513 : i32
              %add3A_515 = arith.constant 2 : i32
              %add3A_516 = arith.addi %mul3A_514, %add3A_515 : i32
              %get3A_517 = arith.index_cast %add3A_516 : i32 to index
              %get3A_518 = arith.constant 32 : index
              %get3A_519 = tpu.vector_load %arg15[%get3A_517, %get3A_518] {strides = array<i32>} : memref<16x64xf32, #tpu.memory_space<vmem>>, vector<16xf32>,
              %mul3A_520 = arith.constant 8 : i32
              %mul3A_521 = arith.muli %scan3A_294, %mul3A_520 : i32
              %add3A_522 = arith.constant 2 : i32
              %add3A_523 = arith.addi %mul3A_521, %add3A_522 : i32
              %get3A_524 = arith.index_cast %add3A_523 : i32 to index
              %get3A_525 = arith.constant 32 : index
              %get3A_526 = tpu.vector_load %arg16[%get3A_524, %get3A_525] {strides = array<i32>} : memref<16x64xf32, #tpu.memory_space<vmem>>, vector<16xf32>,
              %mul3A_527 = arith.mulf %get3A_519, %get3A_526 : vector<16xf32>
              %mul3A_528 = arith.constant 8 : i32
              %mul3A_529 = arith.muli %scan3A_294, %mul3A_528 : i32
              %add3A_530 = arith.constant 2 : i32
              %add3A_531 = arith.addi %mul3A_529, %add3A_530 : i32
              %swap3A_532 = arith.index_cast %add3A_531 : i32 to index
              %swap3A_533 = arith.constant 32 : index
              %swap3A_534 = tpu.vector_load %arg15[%swap3A_532, %swap3A_533] {strides = array<i32>} : memref<16x64xf32, #tpu.memory_space<vmem>>, vector<16xf32>,
              tpu.vector_store %arg15[%swap3A_532, %swap3A_533], %mul3A_527 {strides = array<i32>} : memref<16x64xf32, #tpu.memory_space<vmem>>, vector<16xf32>,
              %mul3A_535 = arith.constant 8 : i32
              %mul3A_536 = arith.muli %scan3A_294, %mul3A_535 : i32
              %add3A_537 = arith.constant 2 : i32
              %add3A_538 = arith.addi %mul3A_536, %add3A_537 : i32
              %get3A_539 = arith.index_cast %add3A_538 : i32 to index
              %get3A_540 = arith.constant 48 : index
              %get3A_541 = tpu.vector_load %arg15[%get3A_539, %get3A_540] {strides = array<i32>} : memref<16x64xf32, #tpu.memory_space<vmem>>, vector<16xf32>,
              %mul3A_542 = arith.constant 8 : i32
              %mul3A_543 = arith.muli %scan3A_294, %mul3A_542 : i32
              %add3A_544 = arith.constant 2 : i32
              %add3A_545 = arith.addi %mul3A_543, %add3A_544 : i32
              %get3A_546 = arith.index_cast %add3A_545 : i32 to index
              %get3A_547 = arith.constant 48 : index
              %get3A_548 = tpu.vector_load %arg16[%get3A_546, %get3A_547] {strides = array<i32>} : memref<16x64xf32, #tpu.memory_space<vmem>>, vector<16xf32>,
              %mul3A_549 = arith.mulf %get3A_541, %get3A_548 : vector<16xf32>
              %mul3A_550 = arith.constant 8 : i32
              %mul3A_551 = arith.muli %scan3A_294, %mul3A_550 : i32
              %add3A_552 = arith.constant 2 : i32
              %add3A_553 = arith.addi %mul3A_551, %add3A_552 : i32
              %swap3A_554 = arith.index_cast %add3A_553 : i32 to index
              %swap3A_555 = arith.constant 48 : index
              %swap3A_556 = tpu.vector_load %arg15[%swap3A_554, %swap3A_555] {strides = array<i32>} : memref<16x64xf32, #tpu.memory_space<vmem>>, vector<16xf32>,
              tpu.vector_store %arg15[%swap3A_554, %swap3A_555], %mul3A_549 {strides = array<i32>} : memref<16x64xf32, #tpu.memory_space<vmem>>, vector<16xf32>,
              %mul3A_557 = arith.constant 8 : i32
              %mul3A_558 = arith.muli %scan3A_294, %mul3A_557 : i32
              %add3A_559 = arith.constant 3 : i32
              %add3A_560 = arith.addi %mul3A_558, %add3A_559 : i32
              %get3A_561 = arith.index_cast %add3A_560 : i32 to index
              %get3A_562 = arith.constant 0 : index
              %get3A_563 = tpu.vector_load %arg15[%get3A_561, %get3A_562] {strides = array<i32>} : memref<16x64xf32, #tpu.memory_space<vmem>>, vector<16xf32>,
              %mul3A_564 = arith.constant 8 : i32
              %mul3A_565 = arith.muli %scan3A_294, %mul3A_564 : i32
              %add3A_566 = arith.constant 3 : i32
              %add3A_567 = arith.addi %mul3A_565, %add3A_566 : i32
              %get3A_568 = arith.index_cast %add3A_567 : i32 to index
              %get3A_569 = arith.constant 0 : index
              %get3A_570 = tpu.vector_load %arg16[%get3A_568, %get3A_569] {strides = array<i32>} : memref<16x64xf32, #tpu.memory_space<vmem>>, vector<16xf32>,
              %mul3A_571 = arith.mulf %get3A_563, %get3A_570 : vector<16xf32>
              %mul3A_572 = arith.constant 8 : i32
              %mul3A_573 = arith.muli %scan3A_294, %mul3A_572 : i32
              %add3A_574 = arith.constant 3 : i32
              %add3A_575 = arith.addi %mul3A_573, %add3A_574 : i32
              %swap3A_576 = arith.index_cast %add3A_575 : i32 to index
              %swap3A_577 = arith.constant 0 : index
              %swap3A_578 = tpu.vector_load %arg15[%swap3A_576, %swap3A_577] {strides = array<i32>} : memref<16x64xf32, #tpu.memory_space<vmem>>, vector<16xf32>,
              tpu.vector_store %arg15[%swap3A_576, %swap3A_577], %mul3A_571 {strides = array<i32>} : memref<16x64xf32, #tpu.memory_space<vmem>>, vector<16xf32>,
              %mul3A_579 = arith.constant 8 : i32
              %mul3A_580 = arith.muli %scan3A_294, %mul3A_579 : i32
              %add3A_581 = arith.constant 3 : i32
              %add3A_582 = arith.addi %mul3A_580, %add3A_581 : i32
              %get3A_583 = arith.index_cast %add3A_582 : i32 to index
              %get3A_584 = arith.constant 16 : index
              %get3A_585 = tpu.vector_load %arg15[%get3A_583, %get3A_584] {strides = array<i32>} : memref<16x64xf32, #tpu.memory_space<vmem>>, vector<16xf32>,
              %mul3A_586 = arith.constant 8 : i32
              %mul3A_587 = arith.muli %scan3A_294, %mul3A_586 : i32
              %add3A_588 = arith.constant 3 : i32
              %add3A_589 = arith.addi %mul3A_587, %add3A_588 : i32
              %get3A_590 = arith.index_cast %add3A_589 : i32 to index
              %get3A_591 = arith.constant 16 : index
              %get3A_592 = tpu.vector_load %arg16[%get3A_590, %get3A_591] {strides = array<i32>} : memref<16x64xf32, #tpu.memory_space<vmem>>, vector<16xf32>,
              %mul3A_593 = arith.mulf %get3A_585, %get3A_592 : vector<16xf32>
              %mul3A_594 = arith.constant 8 : i32
              %mul3A_595 = arith.muli %scan3A_294, %mul3A_594 : i32
              %add3A_596 = arith.constant 3 : i32
              %add3A_597 = arith.addi %mul3A_595, %add3A_596 : i32
              %swap3A_598 = arith.index_cast %add3A_597 : i32 to index
              %swap3A_599 = arith.constant 16 : index
              %swap3A_600 = tpu.vector_load %arg15[%swap3A_598, %swap3A_599] {strides = array<i32>} : memref<16x64xf32, #tpu.memory_space<vmem>>, vector<16xf32>,
              tpu.vector_store %arg15[%swap3A_598, %swap3A_599], %mul3A_593 {strides = array<i32>} : memref<16x64xf32, #tpu.memory_space<vmem>>, vector<16xf32>,
              %mul3A_601 = arith.constant 8 : i32
              %mul3A_602 = arith.muli %scan3A_294, %mul3A_601 : i32
              %add3A_603 = arith.constant 3 : i32
              %add3A_604 = arith.addi %mul3A_602, %add3A_603 : i32
              %get3A_605 = arith.index_cast %add3A_604 : i32 to index
              %get3A_606 = arith.constant 32 : index
              %get3A_607 = tpu.vector_load %arg15[%get3A_605, %get3A_606] {strides = array<i32>} : memref<16x64xf32, #tpu.memory_space<vmem>>, vector<16xf32>,
              %mul3A_608 = arith.constant 8 : i32
              %mul3A_609 = arith.muli %scan3A_294, %mul3A_608 : i32
              %add3A_610 = arith.constant 3 : i32
              %add3A_611 = arith.addi %mul3A_609, %add3A_610 : i32
              %get3A_612 = arith.index_cast %add3A_611 : i32 to index
              %get3A_613 = arith.constant 32 : index
              %get3A_614 = tpu.vector_load %arg16[%get3A_612, %get3A_613] {strides = array<i32>} : memref<16x64xf32, #tpu.memory_space<vmem>>, vector<16xf32>,
              %mul3A_615 = arith.mulf %get3A_607, %get3A_614 : vector<16xf32>
              %mul3A_616 = arith.constant 8 : i32
              %mul3A_617 = arith.muli %scan3A_294, %mul3A_616 : i32
              %add3A_618 = arith.constant 3 : i32
              %add3A_619 = arith.addi %mul3A_617, %add3A_618 : i32
              %swap3A_620 = arith.index_cast %add3A_619 : i32 to index
              %swap3A_621 = arith.constant 32 : index
              %swap3A_622 = tpu.vector_load %arg15[%swap3A_620, %swap3A_621] {strides = array<i32>} : memref<16x64xf32, #tpu.memory_space<vmem>>, vector<16xf32>,
              tpu.vector_store %arg15[%swap3A_620, %swap3A_621], %mul3A_615 {strides = array<i32>} : memref<16x64xf32, #tpu.memory_space<vmem>>, vector<16xf32>,
              %mul3A_623 = arith.constant 8 : i32
              %mul3A_624 = arith.muli %scan3A_294, %mul3A_623 : i32
              %add3A_625 = arith.constant 3 : i32
              %add3A_626 = arith.addi %mul3A_624, %add3A_625 : i32
              %get3A_627 = arith.index_cast %add3A_626 : i32 to index
              %get3A_628 = arith.constant 48 : index
              %get3A_629 = tpu.vector_load %arg15[%get3A_627, %get3A_628] {strides = array<i32>} : memref<16x64xf32, #tpu.memory_space<vmem>>, vector<16xf32>,
              %mul3A_630 = arith.constant 8 : i32
              %mul3A_631 = arith.muli %scan3A_294, %mul3A_630 : i32
              %add3A_632 = arith.constant 3 : i32
              %add3A_633 = arith.addi %mul3A_631, %add3A_632 : i32
              %get3A_634 = arith.index_cast %add3A_633 : i32 to index
              %get3A_635 = arith.constant 48 : index
              %get3A_636 = tpu.vector_load %arg16[%get3A_634, %get3A_635] {strides = array<i32>} : memref<16x64xf32, #tpu.memory_space<vmem>>, vector<16xf32>,
              %mul3A_637 = arith.mulf %get3A_629, %get3A_636 : vector<16xf32>
              %mul3A_638 = arith.constant 8 : i32
              %mul3A_639 = arith.muli %scan3A_294, %mul3A_638 : i32
              %add3A_640 = arith.constant 3 : i32
              %add3A_641 = arith.addi %mul3A_639, %add3A_640 : i32
              %swap3A_642 = arith.index_cast %add3A_641 : i32 to index
              %swap3A_643 = arith.constant 48 : index
              %swap3A_644 = tpu.vector_load %arg15[%swap3A_642, %swap3A_643] {strides = array<i32>} : memref<16x64xf32, #tpu.memory_space<vmem>>, vector<16xf32>,
              tpu.vector_store %arg15[%swap3A_642, %swap3A_643], %mul3A_637 {strides = array<i32>} : memref<16x64xf32, #tpu.memory_space<vmem>>, vector<16xf32>,
              %mul3A_645 = arith.constant 8 : i32
              %mul3A_646 = arith.muli %scan3A_294, %mul3A_645 : i32
              %add3A_647 = arith.constant 4 : i32
              %add3A_648 = arith.addi %mul3A_646, %add3A_647 : i32
              %get3A_649 = arith.index_cast %add3A_648 : i32 to index
              %get3A_650 = arith.constant 0 : index
              %get3A_651 = tpu.vector_load %arg15[%get3A_649, %get3A_650] {strides = array<i32>} : memref<16x64xf32, #tpu.memory_space<vmem>>, vector<16xf32>,
              %mul3A_652 = arith.constant 8 : i32
              %mul3A_653 = arith.muli %scan3A_294, %mul3A_652 : i32
              %add3A_654 = arith.constant 4 : i32
              %add3A_655 = arith.addi %mul3A_653, %add3A_654 : i32
              %get3A_656 = arith.index_cast %add3A_655 : i32 to index
              %get3A_657 = arith.constant 0 : index
              %get3A_658 = tpu.vector_load %arg16[%get3A_656, %get3A_657] {strides = array<i32>} : memref<16x64xf32, #tpu.memory_space<vmem>>, vector<16xf32>,
              %mul3A_659 = arith.mulf %get3A_651, %get3A_658 : vector<16xf32>
              %mul3A_660 = arith.constant 8 : i32
              %mul3A_661 = arith.muli %scan3A_294, %mul3A_660 : i32
              %add3A_662 = arith.constant 4 : i32
              %add3A_663 = arith.addi %mul3A_661, %add3A_662 : i32
              %swap3A_664 = arith.index_cast %add3A_663 : i32 to index
              %swap3A_665 = arith.constant 0 : index
              %swap3A_666 = tpu.vector_load %arg15[%swap3A_664, %swap3A_665] {strides = array<i32>} : memref<16x64xf32, #tpu.memory_space<vmem>>, vector<16xf32>,
              tpu.vector_store %arg15[%swap3A_664, %swap3A_665], %mul3A_659 {strides = array<i32>} : memref<16x64xf32, #tpu.memory_space<vmem>>, vector<16xf32>,
              %mul3A_667 = arith.constant 8 : i32
              %mul3A_668 = arith.muli %scan3A_294, %mul3A_667 : i32
              %add3A_669 = arith.constant 4 : i32
              %add3A_670 = arith.addi %mul3A_668, %add3A_669 : i32
              %get3A_671 = arith.index_cast %add3A_670 : i32 to index
              %get3A_672 = arith.constant 16 : index
              %get3A_673 = tpu.vector_load %arg15[%get3A_671, %get3A_672] {strides = array<i32>} : memref<16x64xf32, #tpu.memory_space<vmem>>, vector<16xf32>,
              %mul3A_674 = arith.constant 8 : i32
              %mul3A_675 = arith.muli %scan3A_294, %mul3A_674 : i32
              %add3A_676 = arith.constant 4 : i32
              %add3A_677 = arith.addi %mul3A_675, %add3A_676 : i32
              %get3A_678 = arith.index_cast %add3A_677 : i32 to index
              %get3A_679 = arith.constant 16 : index
              %get3A_680 = tpu.vector_load %arg16[%get3A_678, %get3A_679] {strides = array<i32>} : memref<16x64xf32, #tpu.memory_space<vmem>>, vector<16xf32>,
              %mul3A_681 = arith.mulf %get3A_673, %get3A_680 : vector<16xf32>
              %mul3A_682 = arith.constant 8 : i32
              %mul3A_683 = arith.muli %scan3A_294, %mul3A_682 : i32
              %add3A_684 = arith.constant 4 : i32
              %add3A_685 = arith.addi %mul3A_683, %add3A_684 : i32
              %swap3A_686 = arith.index_cast %add3A_685 : i32 to index
              %swap3A_687 = arith.constant 16 : index
              %swap3A_688 = tpu.vector_load %arg15[%swap3A_686, %swap3A_687] {strides = array<i32>} : memref<16x64xf32, #tpu.memory_space<vmem>>, vector<16xf32>,
              tpu.vector_store %arg15[%swap3A_686, %swap3A_687], %mul3A_681 {strides = array<i32>} : memref<16x64xf32, #tpu.memory_space<vmem>>, vector<16xf32>,
              %mul3A_689 = arith.constant 8 : i32
              %mul3A_690 = arith.muli %scan3A_294, %mul3A_689 : i32
              %add3A_691 = arith.constant 4 : i32
              %add3A_692 = arith.addi %mul3A_690, %add3A_691 : i32
              %get3A_693 = arith.index_cast %add3A_692 : i32 to index
              %get3A_694 = arith.constant 32 : index
              %get3A_695 = tpu.vector_load %arg15[%get3A_693, %get3A_694] {strides = array<i32>} : memref<16x64xf32, #tpu.memory_space<vmem>>, vector<16xf32>,
              %mul3A_696 = arith.constant 8 : i32
              %mul3A_697 = arith.muli %scan3A_294, %mul3A_696 : i32
              %add3A_698 = arith.constant 4 : i32
              %add3A_699 = arith.addi %mul3A_697, %add3A_698 : i32
              %get3A_700 = arith.index_cast %add3A_699 : i32 to index
              %get3A_701 = arith.constant 32 : index
              %get3A_702 = tpu.vector_load %arg16[%get3A_700, %get3A_701] {strides = array<i32>} : memref<16x64xf32, #tpu.memory_space<vmem>>, vector<16xf32>,
              %mul3A_703 = arith.mulf %get3A_695, %get3A_702 : vector<16xf32>
              %mul3A_704 = arith.constant 8 : i32
              %mul3A_705 = arith.muli %scan3A_294, %mul3A_704 : i32
              %add3A_706 = arith.constant 4 : i32
              %add3A_707 = arith.addi %mul3A_705, %add3A_706 : i32
              %swap3A_708 = arith.index_cast %add3A_707 : i32 to index
              %swap3A_709 = arith.constant 32 : index
              %swap3A_710 = tpu.vector_load %arg15[%swap3A_708, %swap3A_709] {strides = array<i32>} : memref<16x64xf32, #tpu.memory_space<vmem>>, vector<16xf32>,
              tpu.vector_store %arg15[%swap3A_708, %swap3A_709], %mul3A_703 {strides = array<i32>} : memref<16x64xf32, #tpu.memory_space<vmem>>, vector<16xf32>,
              %mul3A_711 = arith.constant 8 : i32
              %mul3A_712 = arith.muli %scan3A_294, %mul3A_711 : i32
              %add3A_713 = arith.constant 4 : i32
              %add3A_714 = arith.addi %mul3A_712, %add3A_713 : i32
              %get3A_715 = arith.index_cast %add3A_714 : i32 to index
              %get3A_716 = arith.constant 48 : index
              %get3A_717 = tpu.vector_load %arg15[%get3A_715, %get3A_716] {strides = array<i32>} : memref<16x64xf32, #tpu.memory_space<vmem>>, vector<16xf32>,
              %mul3A_718 = arith.constant 8 : i32
              %mul3A_719 = arith.muli %scan3A_294, %mul3A_718 : i32
              %add3A_720 = arith.constant 4 : i32
              %add3A_721 = arith.addi %mul3A_719, %add3A_720 : i32
              %get3A_722 = arith.index_cast %add3A_721 : i32 to index
              %get3A_723 = arith.constant 48 : index
              %get3A_724 = tpu.vector_load %arg16[%get3A_722, %get3A_723] {strides = array<i32>} : memref<16x64xf32, #tpu.memory_space<vmem>>, vector<16xf32>,
              %mul3A_725 = arith.mulf %get3A_717, %get3A_724 : vector<16xf32>
              %mul3A_726 = arith.constant 8 : i32
              %mul3A_727 = arith.muli %scan3A_294, %mul3A_726 : i32
              %add3A_728 = arith.constant 4 : i32
              %add3A_729 = arith.addi %mul3A_727, %add3A_728 : i32
              %swap3A_730 = arith.index_cast %add3A_729 : i32 to index
              %swap3A_731 = arith.constant 48 : index
              %swap3A_732 = tpu.vector_load %arg15[%swap3A_730, %swap3A_731] {strides = array<i32>} : memref<16x64xf32, #tpu.memory_space<vmem>>, vector<16xf32>,
              tpu.vector_store %arg15[%swap3A_730, %swap3A_731], %mul3A_725 {strides = array<i32>} : memref<16x64xf32, #tpu.memory_space<vmem>>, vector<16xf32>,
              %mul3A_733 = arith.constant 8 : i32
              %mul3A_734 = arith.muli %scan3A_294, %mul3A_733 : i32
              %add3A_735 = arith.constant 5 : i32
              %add3A_736 = arith.addi %mul3A_734, %add3A_735 : i32
              %get3A_737 = arith.index_cast %add3A_736 : i32 to index
              %get3A_738 = arith.constant 0 : index
              %get3A_739 = tpu.vector_load %arg15[%get3A_737, %get3A_738] {strides = array<i32>} : memref<16x64xf32, #tpu.memory_space<vmem>>, vector<16xf32>,
              %mul3A_740 = arith.constant 8 : i32
              %mul3A_741 = arith.muli %scan3A_294, %mul3A_740 : i32
              %add3A_742 = arith.constant 5 : i32
              %add3A_743 = arith.addi %mul3A_741, %add3A_742 : i32
              %get3A_744 = arith.index_cast %add3A_743 : i32 to index
              %get3A_745 = arith.constant 0 : index
              %get3A_746 = tpu.vector_load %arg16[%get3A_744, %get3A_745] {strides = array<i32>} : memref<16x64xf32, #tpu.memory_space<vmem>>, vector<16xf32>,
              %mul3A_747 = arith.mulf %get3A_739, %get3A_746 : vector<16xf32>
              %mul3A_748 = arith.constant 8 : i32
              %mul3A_749 = arith.muli %scan3A_294, %mul3A_748 : i32
              %add3A_750 = arith.constant 5 : i32
              %add3A_751 = arith.addi %mul3A_749, %add3A_750 : i32
              %swap3A_752 = arith.index_cast %add3A_751 : i32 to index
              %swap3A_753 = arith.constant 0 : index
              %swap3A_754 = tpu.vector_load %arg15[%swap3A_752, %swap3A_753] {strides = array<i32>} : memref<16x64xf32, #tpu.memory_space<vmem>>, vector<16xf32>,
              tpu.vector_store %arg15[%swap3A_752, %swap3A_753], %mul3A_747 {strides = array<i32>} : memref<16x64xf32, #tpu.memory_space<vmem>>, vector<16xf32>,
              %mul3A_755 = arith.constant 8 : i32
              %mul3A_756 = arith.muli %scan3A_294, %mul3A_755 : i32
              %add3A_757 = arith.constant 5 : i32
              %add3A_758 = arith.addi %mul3A_756, %add3A_757 : i32
              %get3A_759 = arith.index_cast %add3A_758 : i32 to index
              %get3A_760 = arith.constant 16 : index
              %get3A_761 = tpu.vector_load %arg15[%get3A_759, %get3A_760] {strides = array<i32>} : memref<16x64xf32, #tpu.memory_space<vmem>>, vector<16xf32>,
              %mul3A_762 = arith.constant 8 : i32
              %mul3A_763 = arith.muli %scan3A_294, %mul3A_762 : i32
              %add3A_764 = arith.constant 5 : i32
              %add3A_765 = arith.addi %mul3A_763, %add3A_764 : i32
              %get3A_766 = arith.index_cast %add3A_765 : i32 to index
              %get3A_767 = arith.constant 16 : index
              %get3A_768 = tpu.vector_load %arg16[%get3A_766, %get3A_767] {strides = array<i32>} : memref<16x64xf32, #tpu.memory_space<vmem>>, vector<16xf32>,
              %mul3A_769 = arith.mulf %get3A_761, %get3A_768 : vector<16xf32>
              %mul3A_770 = arith.constant 8 : i32
              %mul3A_771 = arith.muli %scan3A_294, %mul3A_770 : i32
              %add3A_772 = arith.constant 5 : i32
              %add3A_773 = arith.addi %mul3A_771, %add3A_772 : i32
              %swap3A_774 = arith.index_cast %add3A_773 : i32 to index
              %swap3A_775 = arith.constant 16 : index
              %swap3A_776 = tpu.vector_load %arg15[%swap3A_774, %swap3A_775] {strides = array<i32>} : memref<16x64xf32, #tpu.memory_space<vmem>>, vector<16xf32>,
              tpu.vector_store %arg15[%swap3A_774, %swap3A_775], %mul3A_769 {strides = array<i32>} : memref<16x64xf32, #tpu.memory_space<vmem>>, vector<16xf32>,
              %mul3A_777 = arith.constant 8 : i32
              %mul3A_778 = arith.muli %scan3A_294, %mul3A_777 : i32
              %add3A_779 = arith.constant 5 : i32
              %add3A_780 = arith.addi %mul3A_778, %add3A_779 : i32
              %get3A_781 = arith.index_cast %add3A_780 : i32 to index
              %get3A_782 = arith.constant 32 : index
              %get3A_783 = tpu.vector_load %arg15[%get3A_781, %get3A_782] {strides = array<i32>} : memref<16x64xf32, #tpu.memory_space<vmem>>, vector<16xf32>,
              %mul3A_784 = arith.constant 8 : i32
              %mul3A_785 = arith.muli %scan3A_294, %mul3A_784 : i32
              %add3A_786 = arith.constant 5 : i32
              %add3A_787 = arith.addi %mul3A_785, %add3A_786 : i32
              %get3A_788 = arith.index_cast %add3A_787 : i32 to index
              %get3A_789 = arith.constant 32 : index
              %get3A_790 = tpu.vector_load %arg16[%get3A_788, %get3A_789] {strides = array<i32>} : memref<16x64xf32, #tpu.memory_space<vmem>>, vector<16xf32>,
              %mul3A_791 = arith.mulf %get3A_783, %get3A_790 : vector<16xf32>
              %mul3A_792 = arith.constant 8 : i32
              %mul3A_793 = arith.muli %scan3A_294, %mul3A_792 : i32
              %add3A_794 = arith.constant 5 : i32
              %add3A_795 = arith.addi %mul3A_793, %add3A_794 : i32
              %swap3A_796 = arith.index_cast %add3A_795 : i32 to index
              %swap3A_797 = arith.constant 32 : index
              %swap3A_798 = tpu.vector_load %arg15[%swap3A_796, %swap3A_797] {strides = array<i32>} : memref<16x64xf32, #tpu.memory_space<vmem>>, vector<16xf32>,
              tpu.vector_store %arg15[%swap3A_796, %swap3A_797], %mul3A_791 {strides = array<i32>} : memref<16x64xf32, #tpu.memory_space<vmem>>, vector<16xf32>,
              %mul3A_799 = arith.constant 8 : i32
              %mul3A_800 = arith.muli %scan3A_294, %mul3A_799 : i32
              %add3A_801 = arith.constant 5 : i32
              %add3A_802 = arith.addi %mul3A_800, %add3A_801 : i32
              %get3A_803 = arith.index_cast %add3A_802 : i32 to index
              %get3A_804 = arith.constant 48 : index
              %get3A_805 = tpu.vector_load %arg15[%get3A_803, %get3A_804] {strides = array<i32>} : memref<16x64xf32, #tpu.memory_space<vmem>>, vector<16xf32>,
              %mul3A_806 = arith.constant 8 : i32
              %mul3A_807 = arith.muli %scan3A_294, %mul3A_806 : i32
              %add3A_808 = arith.constant 5 : i32
              %add3A_809 = arith.addi %mul3A_807, %add3A_808 : i32
              %get3A_810 = arith.index_cast %add3A_809 : i32 to index
              %get3A_811 = arith.constant 48 : index
              %get3A_812 = tpu.vector_load %arg16[%get3A_810, %get3A_811] {strides = array<i32>} : memref<16x64xf32, #tpu.memory_space<vmem>>, vector<16xf32>,
              %mul3A_813 = arith.mulf %get3A_805, %get3A_812 : vector<16xf32>
              %mul3A_814 = arith.constant 8 : i32
              %mul3A_815 = arith.muli %scan3A_294, %mul3A_814 : i32
              %add3A_816 = arith.constant 5 : i32
              %add3A_817 = arith.addi %mul3A_815, %add3A_816 : i32
              %swap3A_818 = arith.index_cast %add3A_817 : i32 to index
              %swap3A_819 = arith.constant 48 : index
              %swap3A_820 = tpu.vector_load %arg15[%swap3A_818, %swap3A_819] {strides = array<i32>} : memref<16x64xf32, #tpu.memory_space<vmem>>, vector<16xf32>,
              tpu.vector_store %arg15[%swap3A_818, %swap3A_819], %mul3A_813 {strides = array<i32>} : memref<16x64xf32, #tpu.memory_space<vmem>>, vector<16xf32>,
              %mul3A_821 = arith.constant 8 : i32
              %mul3A_822 = arith.muli %scan3A_294, %mul3A_821 : i32
              %add3A_823 = arith.constant 6 : i32
              %add3A_824 = arith.addi %mul3A_822, %add3A_823 : i32
              %get3A_825 = arith.index_cast %add3A_824 : i32 to index
              %get3A_826 = arith.constant 0 : index
              %get3A_827 = tpu.vector_load %arg15[%get3A_825, %get3A_826] {strides = array<i32>} : memref<16x64xf32, #tpu.memory_space<vmem>>, vector<16xf32>,
              %mul3A_828 = arith.constant 8 : i32
              %mul3A_829 = arith.muli %scan3A_294, %mul3A_828 : i32
              %add3A_830 = arith.constant 6 : i32
              %add3A_831 = arith.addi %mul3A_829, %add3A_830 : i32
              %get3A_832 = arith.index_cast %add3A_831 : i32 to index
              %get3A_833 = arith.constant 0 : index
              %get3A_834 = tpu.vector_load %arg16[%get3A_832, %get3A_833] {strides = array<i32>} : memref<16x64xf32, #tpu.memory_space<vmem>>, vector<16xf32>,
              %mul3A_835 = arith.mulf %get3A_827, %get3A_834 : vector<16xf32>
              %mul3A_836 = arith.constant 8 : i32
              %mul3A_837 = arith.muli %scan3A_294, %mul3A_836 : i32
              %add3A_838 = arith.constant 6 : i32
              %add3A_839 = arith.addi %mul3A_837, %add3A_838 : i32
              %swap3A_840 = arith.index_cast %add3A_839 : i32 to index
              %swap3A_841 = arith.constant 0 : index
              %swap3A_842 = tpu.vector_load %arg15[%swap3A_840, %swap3A_841] {strides = array<i32>} : memref<16x64xf32, #tpu.memory_space<vmem>>, vector<16xf32>,
              tpu.vector_store %arg15[%swap3A_840, %swap3A_841], %mul3A_835 {strides = array<i32>} : memref<16x64xf32, #tpu.memory_space<vmem>>, vector<16xf32>,
              %mul3A_843 = arith.constant 8 : i32
              %mul3A_844 = arith.muli %scan3A_294, %mul3A_843 : i32
              %add3A_845 = arith.constant 6 : i32
              %add3A_846 = arith.addi %mul3A_844, %add3A_845 : i32
              %get3A_847 = arith.index_cast %add3A_846 : i32 to index
              %get3A_848 = arith.constant 16 : index
              %get3A_849 = tpu.vector_load %arg15[%get3A_847, %get3A_848] {strides = array<i32>} : memref<16x64xf32, #tpu.memory_space<vmem>>, vector<16xf32>,
              %mul3A_850 = arith.constant 8 : i32
              %mul3A_851 = arith.muli %scan3A_294, %mul3A_850 : i32
              %add3A_852 = arith.constant 6 : i32
              %add3A_853 = arith.addi %mul3A_851, %add3A_852 : i32
              %get3A_854 = arith.index_cast %add3A_853 : i32 to index
              %get3A_855 = arith.constant 16 : index
              %get3A_856 = tpu.vector_load %arg16[%get3A_854, %get3A_855] {strides = array<i32>} : memref<16x64xf32, #tpu.memory_space<vmem>>, vector<16xf32>,
              %mul3A_857 = arith.mulf %get3A_849, %get3A_856 : vector<16xf32>
              %mul3A_858 = arith.constant 8 : i32
              %mul3A_859 = arith.muli %scan3A_294, %mul3A_858 : i32
              %add3A_860 = arith.constant 6 : i32
              %add3A_861 = arith.addi %mul3A_859, %add3A_860 : i32
              %swap3A_862 = arith.index_cast %add3A_861 : i32 to index
              %swap3A_863 = arith.constant 16 : index
              %swap3A_864 = tpu.vector_load %arg15[%swap3A_862, %swap3A_863] {strides = array<i32>} : memref<16x64xf32, #tpu.memory_space<vmem>>, vector<16xf32>,
              tpu.vector_store %arg15[%swap3A_862, %swap3A_863], %mul3A_857 {strides = array<i32>} : memref<16x64xf32, #tpu.memory_space<vmem>>, vector<16xf32>,
              %mul3A_865 = arith.constant 8 : i32
              %mul3A_866 = arith.muli %scan3A_294, %mul3A_865 : i32
              %add3A_867 = arith.constant 6 : i32
              %add3A_868 = arith.addi %mul3A_866, %add3A_867 : i32
              %get3A_869 = arith.index_cast %add3A_868 : i32 to index
              %get3A_870 = arith.constant 32 : index
              %get3A_871 = tpu.vector_load %arg15[%get3A_869, %get3A_870] {strides = array<i32>} : memref<16x64xf32, #tpu.memory_space<vmem>>, vector<16xf32>,
              %mul3A_872 = arith.constant 8 : i32
              %mul3A_873 = arith.muli %scan3A_294, %mul3A_872 : i32
              %add3A_874 = arith.constant 6 : i32
              %add3A_875 = arith.addi %mul3A_873, %add3A_874 : i32
              %get3A_876 = arith.index_cast %add3A_875 : i32 to index
              %get3A_877 = arith.constant 32 : index
              %get3A_878 = tpu.vector_load %arg16[%get3A_876, %get3A_877] {strides = array<i32>} : memref<16x64xf32, #tpu.memory_space<vmem>>, vector<16xf32>,
              %mul3A_879 = arith.mulf %get3A_871, %get3A_878 : vector<16xf32>
              %mul3A_880 = arith.constant 8 : i32
              %mul3A_881 = arith.muli %scan3A_294, %mul3A_880 : i32
              %add3A_882 = arith.constant 6 : i32
              %add3A_883 = arith.addi %mul3A_881, %add3A_882 : i32
              %swap3A_884 = arith.index_cast %add3A_883 : i32 to index
              %swap3A_885 = arith.constant 32 : index
              %swap3A_886 = tpu.vector_load %arg15[%swap3A_884, %swap3A_885] {strides = array<i32>} : memref<16x64xf32, #tpu.memory_space<vmem>>, vector<16xf32>,
              tpu.vector_store %arg15[%swap3A_884, %swap3A_885], %mul3A_879 {strides = array<i32>} : memref<16x64xf32, #tpu.memory_space<vmem>>, vector<16xf32>,
              %mul3A_887 = arith.constant 8 : i32
              %mul3A_888 = arith.muli %scan3A_294, %mul3A_887 : i32
              %add3A_889 = arith.constant 6 : i32
              %add3A_890 = arith.addi %mul3A_888, %add3A_889 : i32
              %get3A_891 = arith.index_cast %add3A_890 : i32 to index
              %get3A_892 = arith.constant 48 : index
              %get3A_893 = tpu.vector_load %arg15[%get3A_891, %get3A_892] {strides = array<i32>} : memref<16x64xf32, #tpu.memory_space<vmem>>, vector<16xf32>,
              %mul3A_894 = arith.constant 8 : i32
              %mul3A_895 = arith.muli %scan3A_294, %mul3A_894 : i32
              %add3A_896 = arith.constant 6 : i32
              %add3A_897 = arith.addi %mul3A_895, %add3A_896 : i32
              %get3A_898 = arith.index_cast %add3A_897 : i32 to index
              %get3A_899 = arith.constant 48 : index
              %get3A_900 = tpu.vector_load %arg16[%get3A_898, %get3A_899] {strides = array<i32>} : memref<16x64xf32, #tpu.memory_space<vmem>>, vector<16xf32>,
              %mul3A_901 = arith.mulf %get3A_893, %get3A_900 : vector<16xf32>
              %mul3A_902 = arith.constant 8 : i32
              %mul3A_903 = arith.muli %scan3A_294, %mul3A_902 : i32
              %add3A_904 = arith.constant 6 : i32
              %add3A_905 = arith.addi %mul3A_903, %add3A_904 : i32
              %swap3A_906 = arith.index_cast %add3A_905 : i32 to index
              %swap3A_907 = arith.constant 48 : index
              %swap3A_908 = tpu.vector_load %arg15[%swap3A_906, %swap3A_907] {strides = array<i32>} : memref<16x64xf32, #tpu.memory_space<vmem>>, vector<16xf32>,
              tpu.vector_store %arg15[%swap3A_906, %swap3A_907], %mul3A_901 {strides = array<i32>} : memref<16x64xf32, #tpu.memory_space<vmem>>, vector<16xf32>,
              %mul3A_909 = arith.constant 8 : i32
              %mul3A_910 = arith.muli %scan3A_294, %mul3A_909 : i32
              %add3A_911 = arith.constant 7 : i32
              %add3A_912 = arith.addi %mul3A_910, %add3A_911 : i32
              %get3A_913 = arith.index_cast %add3A_912 : i32 to index
              %get3A_914 = arith.constant 0 : index
              %get3A_915 = tpu.vector_load %arg15[%get3A_913, %get3A_914] {strides = array<i32>} : memref<16x64xf32, #tpu.memory_space<vmem>>, vector<16xf32>,
              %mul3A_916 = arith.constant 8 : i32
              %mul3A_917 = arith.muli %scan3A_294, %mul3A_916 : i32
              %add3A_918 = arith.constant 7 : i32
              %add3A_919 = arith.addi %mul3A_917, %add3A_918 : i32
              %get3A_920 = arith.index_cast %add3A_919 : i32 to index
              %get3A_921 = arith.constant 0 : index
              %get3A_922 = tpu.vector_load %arg16[%get3A_920, %get3A_921] {strides = array<i32>} : memref<16x64xf32, #tpu.memory_space<vmem>>, vector<16xf32>,
              %mul3A_923 = arith.mulf %get3A_915, %get3A_922 : vector<16xf32>
              %mul3A_924 = arith.constant 8 : i32
              %mul3A_925 = arith.muli %scan3A_294, %mul3A_924 : i32
              %add3A_926 = arith.constant 7 : i32
              %add3A_927 = arith.addi %mul3A_925, %add3A_926 : i32
              %swap3A_928 = arith.index_cast %add3A_927 : i32 to index
              %swap3A_929 = arith.constant 0 : index
              %swap3A_930 = tpu.vector_load %arg15[%swap3A_928, %swap3A_929] {strides = array<i32>} : memref<16x64xf32, #tpu.memory_space<vmem>>, vector<16xf32>,
              tpu.vector_store %arg15[%swap3A_928, %swap3A_929], %mul3A_923 {strides = array<i32>} : memref<16x64xf32, #tpu.memory_space<vmem>>, vector<16xf32>,
              %mul3A_931 = arith.constant 8 : i32
              %mul3A_932 = arith.muli %scan3A_294, %mul3A_931 : i32
              %add3A_933 = arith.constant 7 : i32
              %add3A_934 = arith.addi %mul3A_932, %add3A_933 : i32
              %get3A_935 = arith.index_cast %add3A_934 : i32 to index
              %get3A_936 = arith.constant 16 : index
              %get3A_937 = tpu.vector_load %arg15[%get3A_935, %get3A_936] {strides = array<i32>} : memref<16x64xf32, #tpu.memory_space<vmem>>, vector<16xf32>,
              %mul3A_938 = arith.constant 8 : i32
              %mul3A_939 = arith.muli %scan3A_294, %mul3A_938 : i32
              %add3A_940 = arith.constant 7 : i32
              %add3A_941 = arith.addi %mul3A_939, %add3A_940 : i32
              %get3A_942 = arith.index_cast %add3A_941 : i32 to index
              %get3A_943 = arith.constant 16 : index
              %get3A_944 = tpu.vector_load %arg16[%get3A_942, %get3A_943] {strides = array<i32>} : memref<16x64xf32, #tpu.memory_space<vmem>>, vector<16xf32>,
              %mul3A_945 = arith.mulf %get3A_937, %get3A_944 : vector<16xf32>
              %mul3A_946 = arith.constant 8 : i32
              %mul3A_947 = arith.muli %scan3A_294, %mul3A_946 : i32
              %add3A_948 = arith.constant 7 : i32
              %add3A_949 = arith.addi %mul3A_947, %add3A_948 : i32
              %swap3A_950 = arith.index_cast %add3A_949 : i32 to index
              %swap3A_951 = arith.constant 16 : index
              %swap3A_952 = tpu.vector_load %arg15[%swap3A_950, %swap3A_951] {strides = array<i32>} : memref<16x64xf32, #tpu.memory_space<vmem>>, vector<16xf32>,
              tpu.vector_store %arg15[%swap3A_950, %swap3A_951], %mul3A_945 {strides = array<i32>} : memref<16x64xf32, #tpu.memory_space<vmem>>, vector<16xf32>,
              %mul3A_953 = arith.constant 8 : i32
              %mul3A_954 = arith.muli %scan3A_294, %mul3A_953 : i32
              %add3A_955 = arith.constant 7 : i32
              %add3A_956 = arith.addi %mul3A_954, %add3A_955 : i32
              %get3A_957 = arith.index_cast %add3A_956 : i32 to index
              %get3A_958 = arith.constant 32 : index
              %get3A_959 = tpu.vector_load %arg15[%get3A_957, %get3A_958] {strides = array<i32>} : memref<16x64xf32, #tpu.memory_space<vmem>>, vector<16xf32>,
              %mul3A_960 = arith.constant 8 : i32
              %mul3A_961 = arith.muli %scan3A_294, %mul3A_960 : i32
              %add3A_962 = arith.constant 7 : i32
              %add3A_963 = arith.addi %mul3A_961, %add3A_962 : i32
              %get3A_964 = arith.index_cast %add3A_963 : i32 to index
              %get3A_965 = arith.constant 32 : index
              %get3A_966 = tpu.vector_load %arg16[%get3A_964, %get3A_965] {strides = array<i32>} : memref<16x64xf32, #tpu.memory_space<vmem>>, vector<16xf32>,
              %mul3A_967 = arith.mulf %get3A_959, %get3A_966 : vector<16xf32>
              %mul3A_968 = arith.constant 8 : i32
              %mul3A_969 = arith.muli %scan3A_294, %mul3A_968 : i32
              %add3A_970 = arith.constant 7 : i32
              %add3A_971 = arith.addi %mul3A_969, %add3A_970 : i32
              %swap3A_972 = arith.index_cast %add3A_971 : i32 to index
              %swap3A_973 = arith.constant 32 : index
              %swap3A_974 = tpu.vector_load %arg15[%swap3A_972, %swap3A_973] {strides = array<i32>} : memref<16x64xf32, #tpu.memory_space<vmem>>, vector<16xf32>,
              tpu.vector_store %arg15[%swap3A_972, %swap3A_973], %mul3A_967 {strides = array<i32>} : memref<16x64xf32, #tpu.memory_space<vmem>>, vector<16xf32>,
              %mul3A_975 = arith.constant 8 : i32
              %mul3A_976 = arith.muli %scan3A_294, %mul3A_975 : i32
              %add3A_977 = arith.constant 7 : i32
              %add3A_978 = arith.addi %mul3A_976, %add3A_977 : i32
              %get3A_979 = arith.index_cast %add3A_978 : i32 to index
              %get3A_980 = arith.constant 48 : index
              %get3A_981 = tpu.vector_load %arg15[%get3A_979, %get3A_980] {strides = array<i32>} : memref<16x64xf32, #tpu.memory_space<vmem>>, vector<16xf32>,
              %mul3A_982 = arith.constant 8 : i32
              %mul3A_983 = arith.muli %scan3A_294, %mul3A_982 : i32
              %add3A_984 = arith.constant 7 : i32
              %add3A_985 = arith.addi %mul3A_983, %add3A_984 : i32
              %get3A_986 = arith.index_cast %add3A_985 : i32 to index
              %get3A_987 = arith.constant 48 : index
              %get3A_988 = tpu.vector_load %arg16[%get3A_986, %get3A_987] {strides = array<i32>} : memref<16x64xf32, #tpu.memory_space<vmem>>, vector<16xf32>,
              %mul3A_989 = arith.mulf %get3A_981, %get3A_988 : vector<16xf32>
              %mul3A_990 = arith.constant 8 : i32
              %mul3A_991 = arith.muli %scan3A_294, %mul3A_990 : i32
              %add3A_992 = arith.constant 7 : i32
              %add3A_993 = arith.addi %mul3A_991, %add3A_992 : i32
              %swap3A_994 = arith.index_cast %add3A_993 : i32 to index
              %swap3A_995 = arith.constant 48 : index
              %swap3A_996 = tpu.vector_load %arg15[%swap3A_994, %swap3A_995] {strides = array<i32>} : memref<16x64xf32, #tpu.memory_space<vmem>>, vector<16xf32>,
              tpu.vector_store %arg15[%swap3A_994, %swap3A_995], %mul3A_989 {strides = array<i32>} : memref<16x64xf32, #tpu.memory_space<vmem>>, vector<16xf32>,
            }
            %scan3A_293 = arith.constant 2 : i32
            "tpu.region"() ({
              %run_scoped3A = tpu.sem_alloc : memref<!tpu.dma_semaphore, #tpu.memory_space<semaphore_mem>>
              %dma_start3A_294 = tpu.memref_slice %arg12[%add3A_245] : memref<2032xi32, #tpu.memory_space<vmem>> -> memref<16xi32, #tpu.memory_space<vmem>>
              %dma_start3A_295 = arith.constant 0 : i32
              %dma_start3A_296 = arith.constant 0 : i32
              %dma_start3A_297 = tpu.memref_slice %arg7[%dma_start3A_295, %dma_start3A_296] : memref<20008x64xf32, #tpu.memory_space<vmem_shared>> -> memref<20008x64xf32, #tpu.memory_space<vmem_shared>>
              tpu.enqueue_indirect_dma source(%arg15 : memref<16x64xf32, #tpu.memory_space<vmem>>) target(%dma_start3A_297 : memref<20008x64xf32, #tpu.memory_space<vmem_shared>>) offsets(%dma_start3A_294 : memref<16xi32, #tpu.memory_space<vmem>>) semaphore(%run_scoped3A : memref<!tpu.dma_semaphore, #tpu.memory_space<semaphore_mem>>) {add = true}
              %dma_wait3A_298 = tpu.memref_slice %arg12[%add3A_245] : memref<2032xi32, #tpu.memory_space<vmem>> -> memref<16xi32, #tpu.memory_space<vmem>>
              %dma_wait3A_299 = arith.constant 0 : i32
              %dma_wait3A_300 = arith.constant 0 : i32
              %dma_wait3A_301 = tpu.memref_slice %arg7[%dma_wait3A_299, %dma_wait3A_300] : memref<20008x64xf32, #tpu.memory_space<vmem_shared>> -> memref<20008x64xf32, #tpu.memory_space<vmem_shared>>
              tpu.wait_indirect_dma semaphore(%run_scoped3A : memref<!tpu.dma_semaphore, #tpu.memory_space<semaphore_mem>>) src(%arg15 : memref<16x64xf32, #tpu.memory_space<vmem>>) dst(%dma_wait3A_301 : memref<20008x64xf32, #tpu.memory_space<vmem_shared>>)
              tpu.yield
            }) : () -> ()
          } else {
          }
          %ge3A = arith.cmpi sge, %add3A_245, %reduce_max3A_174 : i32
          %convert_element_type3A_255 = arith.extui %ge3A : i1 to i32
          %cond3A_256 = arith.constant 0 : i32
          %cond3A_257 = arith.cmpi ne, %convert_element_type3A_255, %cond3A_256 : i32
          scf.if %cond3A_257 {
            %dma_wait3A_258 = tpu.memref_slice %arg11[%mul3A_243] : memref<2032xi32, #tpu.memory_space<vmem>> -> memref<16xi32, #tpu.memory_space<vmem>>
            %dma_wait3A_259 = arith.constant 0 : i32
            %dma_wait3A_260 = arith.constant 0 : i32
            %dma_wait3A_261 = tpu.memref_slice %arg4[%dma_wait3A_259, %dma_wait3A_260] : memref<160000x64xf32, #tpu.memory_space<hbm>> -> memref<160000x64xf32, #tpu.memory_space<hbm>>
            tpu.wait_indirect_dma semaphore(%arg18 : memref<!tpu.dma_semaphore, #tpu.memory_space<semaphore_mem>>) src(%dma_wait3A_261 : memref<160000x64xf32, #tpu.memory_space<hbm>>) dst(%arg13 : memref<16x64xf32, #tpu.memory_space<vmem>>)
            %dma_wait3A_262 = tpu.memref_slice %arg10[%mul3A_243] : memref<2032xi32, #tpu.memory_space<vmem>> -> memref<16xi32, #tpu.memory_space<vmem>>
            %dma_wait3A_263 = arith.constant 0 : i32
            %dma_wait3A_264 = arith.constant 0 : i32
            %dma_wait3A_265 = tpu.memref_slice %arg5[%dma_wait3A_263, %dma_wait3A_264] : memref<480000x64xf32, #tpu.memory_space<hbm>> -> memref<480000x64xf32, #tpu.memory_space<hbm>>
            tpu.wait_indirect_dma semaphore(%arg19 : memref<!tpu.dma_semaphore, #tpu.memory_space<semaphore_mem>>) src(%dma_wait3A_265 : memref<480000x64xf32, #tpu.memory_space<hbm>>) dst(%arg14 : memref<16x64xf32, #tpu.memory_space<vmem>>)
            %scan3A_266 = arith.constant 0 : i32
            %scan3A_267 = arith.constant 0 : i32
            %scan3A_268 = arith.constant 2 : i32
            %scan3A_269 = arith.addi %scan3A_267, %scan3A_268 : i32
            %scan3A_270 = arith.constant 1 : i32
            scf.for %scan3A_272 = %scan3A_267 to %scan3A_269 step %scan3A_270  : i32 {
              %mul3A_273 = arith.constant 8 : i32
              %mul3A_274 = arith.muli %scan3A_272, %mul3A_273 : i32
              %add3A_275 = arith.constant 0 : i32
              %add3A_276 = arith.addi %mul3A_274, %add3A_275 : i32
              %get3A = arith.index_cast %add3A_276 : i32 to index
              %get3A_277 = arith.constant 0 : index
              %get3A_278 = tpu.vector_load %arg13[%get3A, %get3A_277] {strides = array<i32>} : memref<16x64xf32, #tpu.memory_space<vmem>>, vector<16xf32>,
              %mul3A_279 = arith.constant 8 : i32
              %mul3A_280 = arith.muli %scan3A_272, %mul3A_279 : i32
              %add3A_281 = arith.constant 0 : i32
              %add3A_282 = arith.addi %mul3A_280, %add3A_281 : i32
              %get3A_283 = arith.index_cast %add3A_282 : i32 to index
              %get3A_284 = arith.constant 0 : index
              %get3A_285 = tpu.vector_load %arg14[%get3A_283, %get3A_284] {strides = array<i32>} : memref<16x64xf32, #tpu.memory_space<vmem>>, vector<16xf32>,
              %mul3A_286 = arith.mulf %get3A_278, %get3A_285 : vector<16xf32>
              %mul3A_287 = arith.constant 8 : i32
              %mul3A_288 = arith.muli %scan3A_272, %mul3A_287 : i32
              %add3A_289 = arith.constant 0 : i32
              %add3A_290 = arith.addi %mul3A_288, %add3A_289 : i32
              %swap3A = arith.index_cast %add3A_290 : i32 to index
              %swap3A_291 = arith.constant 0 : index
              %swap3A_292 = tpu.vector_load %arg13[%swap3A, %swap3A_291] {strides = array<i32>} : memref<16x64xf32, #tpu.memory_space<vmem>>, vector<16xf32>,
              tpu.vector_store %arg13[%swap3A, %swap3A_291], %mul3A_286 {strides = array<i32>} : memref<16x64xf32, #tpu.memory_space<vmem>>, vector<16xf32>,
              %mul3A_293 = arith.constant 8 : i32
              %mul3A_294 = arith.muli %scan3A_272, %mul3A_293 : i32
              %add3A_295 = arith.constant 0 : i32
              %add3A_296 = arith.addi %mul3A_294, %add3A_295 : i32
              %get3A_297 = arith.index_cast %add3A_296 : i32 to index
              %get3A_298 = arith.constant 16 : index
              %get3A_299 = tpu.vector_load %arg13[%get3A_297, %get3A_298] {strides = array<i32>} : memref<16x64xf32, #tpu.memory_space<vmem>>, vector<16xf32>,
              %mul3A_300 = arith.constant 8 : i32
              %mul3A_301 = arith.muli %scan3A_272, %mul3A_300 : i32
              %add3A_302 = arith.constant 0 : i32
              %add3A_303 = arith.addi %mul3A_301, %add3A_302 : i32
              %get3A_304 = arith.index_cast %add3A_303 : i32 to index
              %get3A_305 = arith.constant 16 : index
              %get3A_306 = tpu.vector_load %arg14[%get3A_304, %get3A_305] {strides = array<i32>} : memref<16x64xf32, #tpu.memory_space<vmem>>, vector<16xf32>,
              %mul3A_307 = arith.mulf %get3A_299, %get3A_306 : vector<16xf32>
              %mul3A_308 = arith.constant 8 : i32
              %mul3A_309 = arith.muli %scan3A_272, %mul3A_308 : i32
              %add3A_310 = arith.constant 0 : i32
              %add3A_311 = arith.addi %mul3A_309, %add3A_310 : i32
              %swap3A_312 = arith.index_cast %add3A_311 : i32 to index
              %swap3A_313 = arith.constant 16 : index
              %swap3A_314 = tpu.vector_load %arg13[%swap3A_312, %swap3A_313] {strides = array<i32>} : memref<16x64xf32, #tpu.memory_space<vmem>>, vector<16xf32>,
              tpu.vector_store %arg13[%swap3A_312, %swap3A_313], %mul3A_307 {strides = array<i32>} : memref<16x64xf32, #tpu.memory_space<vmem>>, vector<16xf32>,
              %mul3A_315 = arith.constant 8 : i32
              %mul3A_316 = arith.muli %scan3A_272, %mul3A_315 : i32
              %add3A_317 = arith.constant 0 : i32
              %add3A_318 = arith.addi %mul3A_316, %add3A_317 : i32
              %get3A_319 = arith.index_cast %add3A_318 : i32 to index
              %get3A_320 = arith.constant 32 : index
              %get3A_321 = tpu.vector_load %arg13[%get3A_319, %get3A_320] {strides = array<i32>} : memref<16x64xf32, #tpu.memory_space<vmem>>, vector<16xf32>,
              %mul3A_322 = arith.constant 8 : i32
              %mul3A_323 = arith.muli %scan3A_272, %mul3A_322 : i32
              %add3A_324 = arith.constant 0 : i32
              %add3A_325 = arith.addi %mul3A_323, %add3A_324 : i32
              %get3A_326 = arith.index_cast %add3A_325 : i32 to index
              %get3A_327 = arith.constant 32 : index
              %get3A_328 = tpu.vector_load %arg14[%get3A_326, %get3A_327] {strides = array<i32>} : memref<16x64xf32, #tpu.memory_space<vmem>>, vector<16xf32>,
              %mul3A_329 = arith.mulf %get3A_321, %get3A_328 : vector<16xf32>
              %mul3A_330 = arith.constant 8 : i32
              %mul3A_331 = arith.muli %scan3A_272, %mul3A_330 : i32
              %add3A_332 = arith.constant 0 : i32
              %add3A_333 = arith.addi %mul3A_331, %add3A_332 : i32
              %swap3A_334 = arith.index_cast %add3A_333 : i32 to index
              %swap3A_335 = arith.constant 32 : index
              %swap3A_336 = tpu.vector_load %arg13[%swap3A_334, %swap3A_335] {strides = array<i32>} : memref<16x64xf32, #tpu.memory_space<vmem>>, vector<16xf32>,
              tpu.vector_store %arg13[%swap3A_334, %swap3A_335], %mul3A_329 {strides = array<i32>} : memref<16x64xf32, #tpu.memory_space<vmem>>, vector<16xf32>,
              %mul3A_337 = arith.constant 8 : i32
              %mul3A_338 = arith.muli %scan3A_272, %mul3A_337 : i32
              %add3A_339 = arith.constant 0 : i32
              %add3A_340 = arith.addi %mul3A_338, %add3A_339 : i32
              %get3A_341 = arith.index_cast %add3A_340 : i32 to index
              %get3A_342 = arith.constant 48 : index
              %get3A_343 = tpu.vector_load %arg13[%get3A_341, %get3A_342] {strides = array<i32>} : memref<16x64xf32, #tpu.memory_space<vmem>>, vector<16xf32>,
              %mul3A_344 = arith.constant 8 : i32
              %mul3A_345 = arith.muli %scan3A_272, %mul3A_344 : i32
              %add3A_346 = arith.constant 0 : i32
              %add3A_347 = arith.addi %mul3A_345, %add3A_346 : i32
              %get3A_348 = arith.index_cast %add3A_347 : i32 to index
              %get3A_349 = arith.constant 48 : index
              %get3A_350 = tpu.vector_load %arg14[%get3A_348, %get3A_349] {strides = array<i32>} : memref<16x64xf32, #tpu.memory_space<vmem>>, vector<16xf32>,
              %mul3A_351 = arith.mulf %get3A_343, %get3A_350 : vector<16xf32>
              %mul3A_352 = arith.constant 8 : i32
              %mul3A_353 = arith.muli %scan3A_272, %mul3A_352 : i32
              %add3A_354 = arith.constant 0 : i32
              %add3A_355 = arith.addi %mul3A_353, %add3A_354 : i32
              %swap3A_356 = arith.index_cast %add3A_355 : i32 to index
              %swap3A_357 = arith.constant 48 : index
              %swap3A_358 = tpu.vector_load %arg13[%swap3A_356, %swap3A_357] {strides = array<i32>} : memref<16x64xf32, #tpu.memory_space<vmem>>, vector<16xf32>,
              tpu.vector_store %arg13[%swap3A_356, %swap3A_357], %mul3A_351 {strides = array<i32>} : memref<16x64xf32, #tpu.memory_space<vmem>>, vector<16xf32>,
              %mul3A_359 = arith.constant 8 : i32
              %mul3A_360 = arith.muli %scan3A_272, %mul3A_359 : i32
              %add3A_361 = arith.constant 1 : i32
              %add3A_362 = arith.addi %mul3A_360, %add3A_361 : i32
              %get3A_363 = arith.index_cast %add3A_362 : i32 to index
              %get3A_364 = arith.constant 0 : index
              %get3A_365 = tpu.vector_load %arg13[%get3A_363, %get3A_364] {strides = array<i32>} : memref<16x64xf32, #tpu.memory_space<vmem>>, vector<16xf32>,
              %mul3A_366 = arith.constant 8 : i32
              %mul3A_367 = arith.muli %scan3A_272, %mul3A_366 : i32
              %add3A_368 = arith.constant 1 : i32
              %add3A_369 = arith.addi %mul3A_367, %add3A_368 : i32
              %get3A_370 = arith.index_cast %add3A_369 : i32 to index
              %get3A_371 = arith.constant 0 : index
              %get3A_372 = tpu.vector_load %arg14[%get3A_370, %get3A_371] {strides = array<i32>} : memref<16x64xf32, #tpu.memory_space<vmem>>, vector<16xf32>,
              %mul3A_373 = arith.mulf %get3A_365, %get3A_372 : vector<16xf32>
              %mul3A_374 = arith.constant 8 : i32
              %mul3A_375 = arith.muli %scan3A_272, %mul3A_374 : i32
              %add3A_376 = arith.constant 1 : i32
              %add3A_377 = arith.addi %mul3A_375, %add3A_376 : i32
              %swap3A_378 = arith.index_cast %add3A_377 : i32 to index
              %swap3A_379 = arith.constant 0 : index
              %swap3A_380 = tpu.vector_load %arg13[%swap3A_378, %swap3A_379] {strides = array<i32>} : memref<16x64xf32, #tpu.memory_space<vmem>>, vector<16xf32>,
              tpu.vector_store %arg13[%swap3A_378, %swap3A_379], %mul3A_373 {strides = array<i32>} : memref<16x64xf32, #tpu.memory_space<vmem>>, vector<16xf32>,
              %mul3A_381 = arith.constant 8 : i32
              %mul3A_382 = arith.muli %scan3A_272, %mul3A_381 : i32
              %add3A_383 = arith.constant 1 : i32
              %add3A_384 = arith.addi %mul3A_382, %add3A_383 : i32
              %get3A_385 = arith.index_cast %add3A_384 : i32 to index
              %get3A_386 = arith.constant 16 : index
              %get3A_387 = tpu.vector_load %arg13[%get3A_385, %get3A_386] {strides = array<i32>} : memref<16x64xf32, #tpu.memory_space<vmem>>, vector<16xf32>,
              %mul3A_388 = arith.constant 8 : i32
              %mul3A_389 = arith.muli %scan3A_272, %mul3A_388 : i32
              %add3A_390 = arith.constant 1 : i32
              %add3A_391 = arith.addi %mul3A_389, %add3A_390 : i32
              %get3A_392 = arith.index_cast %add3A_391 : i32 to index
              %get3A_393 = arith.constant 16 : index
              %get3A_394 = tpu.vector_load %arg14[%get3A_392, %get3A_393] {strides = array<i32>} : memref<16x64xf32, #tpu.memory_space<vmem>>, vector<16xf32>,
              %mul3A_395 = arith.mulf %get3A_387, %get3A_394 : vector<16xf32>
              %mul3A_396 = arith.constant 8 : i32
              %mul3A_397 = arith.muli %scan3A_272, %mul3A_396 : i32
              %add3A_398 = arith.constant 1 : i32
              %add3A_399 = arith.addi %mul3A_397, %add3A_398 : i32
              %swap3A_400 = arith.index_cast %add3A_399 : i32 to index
              %swap3A_401 = arith.constant 16 : index
              %swap3A_402 = tpu.vector_load %arg13[%swap3A_400, %swap3A_401] {strides = array<i32>} : memref<16x64xf32, #tpu.memory_space<vmem>>, vector<16xf32>,
              tpu.vector_store %arg13[%swap3A_400, %swap3A_401], %mul3A_395 {strides = array<i32>} : memref<16x64xf32, #tpu.memory_space<vmem>>, vector<16xf32>,
              %mul3A_403 = arith.constant 8 : i32
              %mul3A_404 = arith.muli %scan3A_272, %mul3A_403 : i32
              %add3A_405 = arith.constant 1 : i32
              %add3A_406 = arith.addi %mul3A_404, %add3A_405 : i32
              %get3A_407 = arith.index_cast %add3A_406 : i32 to index
              %get3A_408 = arith.constant 32 : index
              %get3A_409 = tpu.vector_load %arg13[%get3A_407, %get3A_408] {strides = array<i32>} : memref<16x64xf32, #tpu.memory_space<vmem>>, vector<16xf32>,
              %mul3A_410 = arith.constant 8 : i32
              %mul3A_411 = arith.muli %scan3A_272, %mul3A_410 : i32
              %add3A_412 = arith.constant 1 : i32
              %add3A_413 = arith.addi %mul3A_411, %add3A_412 : i32
              %get3A_414 = arith.index_cast %add3A_413 : i32 to index
              %get3A_415 = arith.constant 32 : index
              %get3A_416 = tpu.vector_load %arg14[%get3A_414, %get3A_415] {strides = array<i32>} : memref<16x64xf32, #tpu.memory_space<vmem>>, vector<16xf32>,
              %mul3A_417 = arith.mulf %get3A_409, %get3A_416 : vector<16xf32>
              %mul3A_418 = arith.constant 8 : i32
              %mul3A_419 = arith.muli %scan3A_272, %mul3A_418 : i32
              %add3A_420 = arith.constant 1 : i32
              %add3A_421 = arith.addi %mul3A_419, %add3A_420 : i32
              %swap3A_422 = arith.index_cast %add3A_421 : i32 to index
              %swap3A_423 = arith.constant 32 : index
              %swap3A_424 = tpu.vector_load %arg13[%swap3A_422, %swap3A_423] {strides = array<i32>} : memref<16x64xf32, #tpu.memory_space<vmem>>, vector<16xf32>,
              tpu.vector_store %arg13[%swap3A_422, %swap3A_423], %mul3A_417 {strides = array<i32>} : memref<16x64xf32, #tpu.memory_space<vmem>>, vector<16xf32>,
              %mul3A_425 = arith.constant 8 : i32
              %mul3A_426 = arith.muli %scan3A_272, %mul3A_425 : i32
              %add3A_427 = arith.constant 1 : i32
              %add3A_428 = arith.addi %mul3A_426, %add3A_427 : i32
              %get3A_429 = arith.index_cast %add3A_428 : i32 to index
              %get3A_430 = arith.constant 48 : index
              %get3A_431 = tpu.vector_load %arg13[%get3A_429, %get3A_430] {strides = array<i32>} : memref<16x64xf32, #tpu.memory_space<vmem>>, vector<16xf32>,
              %mul3A_432 = arith.constant 8 : i32
              %mul3A_433 = arith.muli %scan3A_272, %mul3A_432 : i32
              %add3A_434 = arith.constant 1 : i32
              %add3A_435 = arith.addi %mul3A_433, %add3A_434 : i32
              %get3A_436 = arith.index_cast %add3A_435 : i32 to index
              %get3A_437 = arith.constant 48 : index
              %get3A_438 = tpu.vector_load %arg14[%get3A_436, %get3A_437] {strides = array<i32>} : memref<16x64xf32, #tpu.memory_space<vmem>>, vector<16xf32>,
              %mul3A_439 = arith.mulf %get3A_431, %get3A_438 : vector<16xf32>
              %mul3A_440 = arith.constant 8 : i32
              %mul3A_441 = arith.muli %scan3A_272, %mul3A_440 : i32
              %add3A_442 = arith.constant 1 : i32
              %add3A_443 = arith.addi %mul3A_441, %add3A_442 : i32
              %swap3A_444 = arith.index_cast %add3A_443 : i32 to index
              %swap3A_445 = arith.constant 48 : index
              %swap3A_446 = tpu.vector_load %arg13[%swap3A_444, %swap3A_445] {strides = array<i32>} : memref<16x64xf32, #tpu.memory_space<vmem>>, vector<16xf32>,
              tpu.vector_store %arg13[%swap3A_444, %swap3A_445], %mul3A_439 {strides = array<i32>} : memref<16x64xf32, #tpu.memory_space<vmem>>, vector<16xf32>,
              %mul3A_447 = arith.constant 8 : i32
              %mul3A_448 = arith.muli %scan3A_272, %mul3A_447 : i32
              %add3A_449 = arith.constant 2 : i32
              %add3A_450 = arith.addi %mul3A_448, %add3A_449 : i32
              %get3A_451 = arith.index_cast %add3A_450 : i32 to index
              %get3A_452 = arith.constant 0 : index
              %get3A_453 = tpu.vector_load %arg13[%get3A_451, %get3A_452] {strides = array<i32>} : memref<16x64xf32, #tpu.memory_space<vmem>>, vector<16xf32>,
              %mul3A_454 = arith.constant 8 : i32
              %mul3A_455 = arith.muli %scan3A_272, %mul3A_454 : i32
              %add3A_456 = arith.constant 2 : i32
              %add3A_457 = arith.addi %mul3A_455, %add3A_456 : i32
              %get3A_458 = arith.index_cast %add3A_457 : i32 to index
              %get3A_459 = arith.constant 0 : index
              %get3A_460 = tpu.vector_load %arg14[%get3A_458, %get3A_459] {strides = array<i32>} : memref<16x64xf32, #tpu.memory_space<vmem>>, vector<16xf32>,
              %mul3A_461 = arith.mulf %get3A_453, %get3A_460 : vector<16xf32>
              %mul3A_462 = arith.constant 8 : i32
              %mul3A_463 = arith.muli %scan3A_272, %mul3A_462 : i32
              %add3A_464 = arith.constant 2 : i32
              %add3A_465 = arith.addi %mul3A_463, %add3A_464 : i32
              %swap3A_466 = arith.index_cast %add3A_465 : i32 to index
              %swap3A_467 = arith.constant 0 : index
              %swap3A_468 = tpu.vector_load %arg13[%swap3A_466, %swap3A_467] {strides = array<i32>} : memref<16x64xf32, #tpu.memory_space<vmem>>, vector<16xf32>,
              tpu.vector_store %arg13[%swap3A_466, %swap3A_467], %mul3A_461 {strides = array<i32>} : memref<16x64xf32, #tpu.memory_space<vmem>>, vector<16xf32>,
              %mul3A_469 = arith.constant 8 : i32
              %mul3A_470 = arith.muli %scan3A_272, %mul3A_469 : i32
              %add3A_471 = arith.constant 2 : i32
              %add3A_472 = arith.addi %mul3A_470, %add3A_471 : i32
              %get3A_473 = arith.index_cast %add3A_472 : i32 to index
              %get3A_474 = arith.constant 16 : index
              %get3A_475 = tpu.vector_load %arg13[%get3A_473, %get3A_474] {strides = array<i32>} : memref<16x64xf32, #tpu.memory_space<vmem>>, vector<16xf32>,
              %mul3A_476 = arith.constant 8 : i32
              %mul3A_477 = arith.muli %scan3A_272, %mul3A_476 : i32
              %add3A_478 = arith.constant 2 : i32
              %add3A_479 = arith.addi %mul3A_477, %add3A_478 : i32
              %get3A_480 = arith.index_cast %add3A_479 : i32 to index
              %get3A_481 = arith.constant 16 : index
              %get3A_482 = tpu.vector_load %arg14[%get3A_480, %get3A_481] {strides = array<i32>} : memref<16x64xf32, #tpu.memory_space<vmem>>, vector<16xf32>,
              %mul3A_483 = arith.mulf %get3A_475, %get3A_482 : vector<16xf32>
              %mul3A_484 = arith.constant 8 : i32
              %mul3A_485 = arith.muli %scan3A_272, %mul3A_484 : i32
              %add3A_486 = arith.constant 2 : i32
              %add3A_487 = arith.addi %mul3A_485, %add3A_486 : i32
              %swap3A_488 = arith.index_cast %add3A_487 : i32 to index
              %swap3A_489 = arith.constant 16 : index
              %swap3A_490 = tpu.vector_load %arg13[%swap3A_488, %swap3A_489] {strides = array<i32>} : memref<16x64xf32, #tpu.memory_space<vmem>>, vector<16xf32>,
              tpu.vector_store %arg13[%swap3A_488, %swap3A_489], %mul3A_483 {strides = array<i32>} : memref<16x64xf32, #tpu.memory_space<vmem>>, vector<16xf32>,
              %mul3A_491 = arith.constant 8 : i32
              %mul3A_492 = arith.muli %scan3A_272, %mul3A_491 : i32
              %add3A_493 = arith.constant 2 : i32
              %add3A_494 = arith.addi %mul3A_492, %add3A_493 : i32
              %get3A_495 = arith.index_cast %add3A_494 : i32 to index
              %get3A_496 = arith.constant 32 : index
              %get3A_497 = tpu.vector_load %arg13[%get3A_495, %get3A_496] {strides = array<i32>} : memref<16x64xf32, #tpu.memory_space<vmem>>, vector<16xf32>,
              %mul3A_498 = arith.constant 8 : i32
              %mul3A_499 = arith.muli %scan3A_272, %mul3A_498 : i32
              %add3A_500 = arith.constant 2 : i32
              %add3A_501 = arith.addi %mul3A_499, %add3A_500 : i32
              %get3A_502 = arith.index_cast %add3A_501 : i32 to index
              %get3A_503 = arith.constant 32 : index
              %get3A_504 = tpu.vector_load %arg14[%get3A_502, %get3A_503] {strides = array<i32>} : memref<16x64xf32, #tpu.memory_space<vmem>>, vector<16xf32>,
              %mul3A_505 = arith.mulf %get3A_497, %get3A_504 : vector<16xf32>
              %mul3A_506 = arith.constant 8 : i32
              %mul3A_507 = arith.muli %scan3A_272, %mul3A_506 : i32
              %add3A_508 = arith.constant 2 : i32
              %add3A_509 = arith.addi %mul3A_507, %add3A_508 : i32
              %swap3A_510 = arith.index_cast %add3A_509 : i32 to index
              %swap3A_511 = arith.constant 32 : index
              %swap3A_512 = tpu.vector_load %arg13[%swap3A_510, %swap3A_511] {strides = array<i32>} : memref<16x64xf32, #tpu.memory_space<vmem>>, vector<16xf32>,
              tpu.vector_store %arg13[%swap3A_510, %swap3A_511], %mul3A_505 {strides = array<i32>} : memref<16x64xf32, #tpu.memory_space<vmem>>, vector<16xf32>,
              %mul3A_513 = arith.constant 8 : i32
              %mul3A_514 = arith.muli %scan3A_272, %mul3A_513 : i32
              %add3A_515 = arith.constant 2 : i32
              %add3A_516 = arith.addi %mul3A_514, %add3A_515 : i32
              %get3A_517 = arith.index_cast %add3A_516 : i32 to index
              %get3A_518 = arith.constant 48 : index
              %get3A_519 = tpu.vector_load %arg13[%get3A_517, %get3A_518] {strides = array<i32>} : memref<16x64xf32, #tpu.memory_space<vmem>>, vector<16xf32>,
              %mul3A_520 = arith.constant 8 : i32
              %mul3A_521 = arith.muli %scan3A_272, %mul3A_520 : i32
              %add3A_522 = arith.constant 2 : i32
              %add3A_523 = arith.addi %mul3A_521, %add3A_522 : i32
              %get3A_524 = arith.index_cast %add3A_523 : i32 to index
              %get3A_525 = arith.constant 48 : index
              %get3A_526 = tpu.vector_load %arg14[%get3A_524, %get3A_525] {strides = array<i32>} : memref<16x64xf32, #tpu.memory_space<vmem>>, vector<16xf32>,
              %mul3A_527 = arith.mulf %get3A_519, %get3A_526 : vector<16xf32>
              %mul3A_528 = arith.constant 8 : i32
              %mul3A_529 = arith.muli %scan3A_272, %mul3A_528 : i32
              %add3A_530 = arith.constant 2 : i32
              %add3A_531 = arith.addi %mul3A_529, %add3A_530 : i32
              %swap3A_532 = arith.index_cast %add3A_531 : i32 to index
              %swap3A_533 = arith.constant 48 : index
              %swap3A_534 = tpu.vector_load %arg13[%swap3A_532, %swap3A_533] {strides = array<i32>} : memref<16x64xf32, #tpu.memory_space<vmem>>, vector<16xf32>,
              tpu.vector_store %arg13[%swap3A_532, %swap3A_533], %mul3A_527 {strides = array<i32>} : memref<16x64xf32, #tpu.memory_space<vmem>>, vector<16xf32>,
              %mul3A_535 = arith.constant 8 : i32
              %mul3A_536 = arith.muli %scan3A_272, %mul3A_535 : i32
              %add3A_537 = arith.constant 3 : i32
              %add3A_538 = arith.addi %mul3A_536, %add3A_537 : i32
              %get3A_539 = arith.index_cast %add3A_538 : i32 to index
              %get3A_540 = arith.constant 0 : index
              %get3A_541 = tpu.vector_load %arg13[%get3A_539, %get3A_540] {strides = array<i32>} : memref<16x64xf32, #tpu.memory_space<vmem>>, vector<16xf32>,
              %mul3A_542 = arith.constant 8 : i32
              %mul3A_543 = arith.muli %scan3A_272, %mul3A_542 : i32
              %add3A_544 = arith.constant 3 : i32
              %add3A_545 = arith.addi %mul3A_543, %add3A_544 : i32
              %get3A_546 = arith.index_cast %add3A_545 : i32 to index
              %get3A_547 = arith.constant 0 : index
              %get3A_548 = tpu.vector_load %arg14[%get3A_546, %get3A_547] {strides = array<i32>} : memref<16x64xf32, #tpu.memory_space<vmem>>, vector<16xf32>,
              %mul3A_549 = arith.mulf %get3A_541, %get3A_548 : vector<16xf32>
              %mul3A_550 = arith.constant 8 : i32
              %mul3A_551 = arith.muli %scan3A_272, %mul3A_550 : i32
              %add3A_552 = arith.constant 3 : i32
              %add3A_553 = arith.addi %mul3A_551, %add3A_552 : i32
              %swap3A_554 = arith.index_cast %add3A_553 : i32 to index
              %swap3A_555 = arith.constant 0 : index
              %swap3A_556 = tpu.vector_load %arg13[%swap3A_554, %swap3A_555] {strides = array<i32>} : memref<16x64xf32, #tpu.memory_space<vmem>>, vector<16xf32>,
              tpu.vector_store %arg13[%swap3A_554, %swap3A_555], %mul3A_549 {strides = array<i32>} : memref<16x64xf32, #tpu.memory_space<vmem>>, vector<16xf32>,
              %mul3A_557 = arith.constant 8 : i32
              %mul3A_558 = arith.muli %scan3A_272, %mul3A_557 : i32
              %add3A_559 = arith.constant 3 : i32
              %add3A_560 = arith.addi %mul3A_558, %add3A_559 : i32
              %get3A_561 = arith.index_cast %add3A_560 : i32 to index
              %get3A_562 = arith.constant 16 : index
              %get3A_563 = tpu.vector_load %arg13[%get3A_561, %get3A_562] {strides = array<i32>} : memref<16x64xf32, #tpu.memory_space<vmem>>, vector<16xf32>,
              %mul3A_564 = arith.constant 8 : i32
              %mul3A_565 = arith.muli %scan3A_272, %mul3A_564 : i32
              %add3A_566 = arith.constant 3 : i32
              %add3A_567 = arith.addi %mul3A_565, %add3A_566 : i32
              %get3A_568 = arith.index_cast %add3A_567 : i32 to index
              %get3A_569 = arith.constant 16 : index
              %get3A_570 = tpu.vector_load %arg14[%get3A_568, %get3A_569] {strides = array<i32>} : memref<16x64xf32, #tpu.memory_space<vmem>>, vector<16xf32>,
              %mul3A_571 = arith.mulf %get3A_563, %get3A_570 : vector<16xf32>
              %mul3A_572 = arith.constant 8 : i32
              %mul3A_573 = arith.muli %scan3A_272, %mul3A_572 : i32
              %add3A_574 = arith.constant 3 : i32
              %add3A_575 = arith.addi %mul3A_573, %add3A_574 : i32
              %swap3A_576 = arith.index_cast %add3A_575 : i32 to index
              %swap3A_577 = arith.constant 16 : index
              %swap3A_578 = tpu.vector_load %arg13[%swap3A_576, %swap3A_577] {strides = array<i32>} : memref<16x64xf32, #tpu.memory_space<vmem>>, vector<16xf32>,
              tpu.vector_store %arg13[%swap3A_576, %swap3A_577], %mul3A_571 {strides = array<i32>} : memref<16x64xf32, #tpu.memory_space<vmem>>, vector<16xf32>,
              %mul3A_579 = arith.constant 8 : i32
              %mul3A_580 = arith.muli %scan3A_272, %mul3A_579 : i32
              %add3A_581 = arith.constant 3 : i32
              %add3A_582 = arith.addi %mul3A_580, %add3A_581 : i32
              %get3A_583 = arith.index_cast %add3A_582 : i32 to index
              %get3A_584 = arith.constant 32 : index
              %get3A_585 = tpu.vector_load %arg13[%get3A_583, %get3A_584] {strides = array<i32>} : memref<16x64xf32, #tpu.memory_space<vmem>>, vector<16xf32>,
              %mul3A_586 = arith.constant 8 : i32
              %mul3A_587 = arith.muli %scan3A_272, %mul3A_586 : i32
              %add3A_588 = arith.constant 3 : i32
              %add3A_589 = arith.addi %mul3A_587, %add3A_588 : i32
              %get3A_590 = arith.index_cast %add3A_589 : i32 to index
              %get3A_591 = arith.constant 32 : index
              %get3A_592 = tpu.vector_load %arg14[%get3A_590, %get3A_591] {strides = array<i32>} : memref<16x64xf32, #tpu.memory_space<vmem>>, vector<16xf32>,
              %mul3A_593 = arith.mulf %get3A_585, %get3A_592 : vector<16xf32>
              %mul3A_594 = arith.constant 8 : i32
              %mul3A_595 = arith.muli %scan3A_272, %mul3A_594 : i32
              %add3A_596 = arith.constant 3 : i32
              %add3A_597 = arith.addi %mul3A_595, %add3A_596 : i32
              %swap3A_598 = arith.index_cast %add3A_597 : i32 to index
              %swap3A_599 = arith.constant 32 : index
              %swap3A_600 = tpu.vector_load %arg13[%swap3A_598, %swap3A_599] {strides = array<i32>} : memref<16x64xf32, #tpu.memory_space<vmem>>, vector<16xf32>,
              tpu.vector_store %arg13[%swap3A_598, %swap3A_599], %mul3A_593 {strides = array<i32>} : memref<16x64xf32, #tpu.memory_space<vmem>>, vector<16xf32>,
              %mul3A_601 = arith.constant 8 : i32
              %mul3A_602 = arith.muli %scan3A_272, %mul3A_601 : i32
              %add3A_603 = arith.constant 3 : i32
              %add3A_604 = arith.addi %mul3A_602, %add3A_603 : i32
              %get3A_605 = arith.index_cast %add3A_604 : i32 to index
              %get3A_606 = arith.constant 48 : index
              %get3A_607 = tpu.vector_load %arg13[%get3A_605, %get3A_606] {strides = array<i32>} : memref<16x64xf32, #tpu.memory_space<vmem>>, vector<16xf32>,
              %mul3A_608 = arith.constant 8 : i32
              %mul3A_609 = arith.muli %scan3A_272, %mul3A_608 : i32
              %add3A_610 = arith.constant 3 : i32
              %add3A_611 = arith.addi %mul3A_609, %add3A_610 : i32
              %get3A_612 = arith.index_cast %add3A_611 : i32 to index
              %get3A_613 = arith.constant 48 : index
              %get3A_614 = tpu.vector_load %arg14[%get3A_612, %get3A_613] {strides = array<i32>} : memref<16x64xf32, #tpu.memory_space<vmem>>, vector<16xf32>,
              %mul3A_615 = arith.mulf %get3A_607, %get3A_614 : vector<16xf32>
              %mul3A_616 = arith.constant 8 : i32
              %mul3A_617 = arith.muli %scan3A_272, %mul3A_616 : i32
              %add3A_618 = arith.constant 3 : i32
              %add3A_619 = arith.addi %mul3A_617, %add3A_618 : i32
              %swap3A_620 = arith.index_cast %add3A_619 : i32 to index
              %swap3A_621 = arith.constant 48 : index
              %swap3A_622 = tpu.vector_load %arg13[%swap3A_620, %swap3A_621] {strides = array<i32>} : memref<16x64xf32, #tpu.memory_space<vmem>>, vector<16xf32>,
              tpu.vector_store %arg13[%swap3A_620, %swap3A_621], %mul3A_615 {strides = array<i32>} : memref<16x64xf32, #tpu.memory_space<vmem>>, vector<16xf32>,
              %mul3A_623 = arith.constant 8 : i32
              %mul3A_624 = arith.muli %scan3A_272, %mul3A_623 : i32
              %add3A_625 = arith.constant 4 : i32
              %add3A_626 = arith.addi %mul3A_624, %add3A_625 : i32
              %get3A_627 = arith.index_cast %add3A_626 : i32 to index
              %get3A_628 = arith.constant 0 : index
              %get3A_629 = tpu.vector_load %arg13[%get3A_627, %get3A_628] {strides = array<i32>} : memref<16x64xf32, #tpu.memory_space<vmem>>, vector<16xf32>,
              %mul3A_630 = arith.constant 8 : i32
              %mul3A_631 = arith.muli %scan3A_272, %mul3A_630 : i32
              %add3A_632 = arith.constant 4 : i32
              %add3A_633 = arith.addi %mul3A_631, %add3A_632 : i32
              %get3A_634 = arith.index_cast %add3A_633 : i32 to index
              %get3A_635 = arith.constant 0 : index
              %get3A_636 = tpu.vector_load %arg14[%get3A_634, %get3A_635] {strides = array<i32>} : memref<16x64xf32, #tpu.memory_space<vmem>>, vector<16xf32>,
              %mul3A_637 = arith.mulf %get3A_629, %get3A_636 : vector<16xf32>
              %mul3A_638 = arith.constant 8 : i32
              %mul3A_639 = arith.muli %scan3A_272, %mul3A_638 : i32
              %add3A_640 = arith.constant 4 : i32
              %add3A_641 = arith.addi %mul3A_639, %add3A_640 : i32
              %swap3A_642 = arith.index_cast %add3A_641 : i32 to index
              %swap3A_643 = arith.constant 0 : index
              %swap3A_644 = tpu.vector_load %arg13[%swap3A_642, %swap3A_643] {strides = array<i32>} : memref<16x64xf32, #tpu.memory_space<vmem>>, vector<16xf32>,
              tpu.vector_store %arg13[%swap3A_642, %swap3A_643], %mul3A_637 {strides = array<i32>} : memref<16x64xf32, #tpu.memory_space<vmem>>, vector<16xf32>,
              %mul3A_645 = arith.constant 8 : i32
              %mul3A_646 = arith.muli %scan3A_272, %mul3A_645 : i32
              %add3A_647 = arith.constant 4 : i32
              %add3A_648 = arith.addi %mul3A_646, %add3A_647 : i32
              %get3A_649 = arith.index_cast %add3A_648 : i32 to index
              %get3A_650 = arith.constant 16 : index
              %get3A_651 = tpu.vector_load %arg13[%get3A_649, %get3A_650] {strides = array<i32>} : memref<16x64xf32, #tpu.memory_space<vmem>>, vector<16xf32>,
              %mul3A_652 = arith.constant 8 : i32
              %mul3A_653 = arith.muli %scan3A_272, %mul3A_652 : i32
              %add3A_654 = arith.constant 4 : i32
              %add3A_655 = arith.addi %mul3A_653, %add3A_654 : i32
              %get3A_656 = arith.index_cast %add3A_655 : i32 to index
              %get3A_657 = arith.constant 16 : index
              %get3A_658 = tpu.vector_load %arg14[%get3A_656, %get3A_657] {strides = array<i32>} : memref<16x64xf32, #tpu.memory_space<vmem>>, vector<16xf32>,
              %mul3A_659 = arith.mulf %get3A_651, %get3A_658 : vector<16xf32>
              %mul3A_660 = arith.constant 8 : i32
              %mul3A_661 = arith.muli %scan3A_272, %mul3A_660 : i32
              %add3A_662 = arith.constant 4 : i32
              %add3A_663 = arith.addi %mul3A_661, %add3A_662 : i32
              %swap3A_664 = arith.index_cast %add3A_663 : i32 to index
              %swap3A_665 = arith.constant 16 : index
              %swap3A_666 = tpu.vector_load %arg13[%swap3A_664, %swap3A_665] {strides = array<i32>} : memref<16x64xf32, #tpu.memory_space<vmem>>, vector<16xf32>,
              tpu.vector_store %arg13[%swap3A_664, %swap3A_665], %mul3A_659 {strides = array<i32>} : memref<16x64xf32, #tpu.memory_space<vmem>>, vector<16xf32>,
              %mul3A_667 = arith.constant 8 : i32
              %mul3A_668 = arith.muli %scan3A_272, %mul3A_667 : i32
              %add3A_669 = arith.constant 4 : i32
              %add3A_670 = arith.addi %mul3A_668, %add3A_669 : i32
              %get3A_671 = arith.index_cast %add3A_670 : i32 to index
              %get3A_672 = arith.constant 32 : index
              %get3A_673 = tpu.vector_load %arg13[%get3A_671, %get3A_672] {strides = array<i32>} : memref<16x64xf32, #tpu.memory_space<vmem>>, vector<16xf32>,
              %mul3A_674 = arith.constant 8 : i32
              %mul3A_675 = arith.muli %scan3A_272, %mul3A_674 : i32
              %add3A_676 = arith.constant 4 : i32
              %add3A_677 = arith.addi %mul3A_675, %add3A_676 : i32
              %get3A_678 = arith.index_cast %add3A_677 : i32 to index
              %get3A_679 = arith.constant 32 : index
              %get3A_680 = tpu.vector_load %arg14[%get3A_678, %get3A_679] {strides = array<i32>} : memref<16x64xf32, #tpu.memory_space<vmem>>, vector<16xf32>,
              %mul3A_681 = arith.mulf %get3A_673, %get3A_680 : vector<16xf32>
              %mul3A_682 = arith.constant 8 : i32
              %mul3A_683 = arith.muli %scan3A_272, %mul3A_682 : i32
              %add3A_684 = arith.constant 4 : i32
              %add3A_685 = arith.addi %mul3A_683, %add3A_684 : i32
              %swap3A_686 = arith.index_cast %add3A_685 : i32 to index
              %swap3A_687 = arith.constant 32 : index
              %swap3A_688 = tpu.vector_load %arg13[%swap3A_686, %swap3A_687] {strides = array<i32>} : memref<16x64xf32, #tpu.memory_space<vmem>>, vector<16xf32>,
              tpu.vector_store %arg13[%swap3A_686, %swap3A_687], %mul3A_681 {strides = array<i32>} : memref<16x64xf32, #tpu.memory_space<vmem>>, vector<16xf32>,
              %mul3A_689 = arith.constant 8 : i32
              %mul3A_690 = arith.muli %scan3A_272, %mul3A_689 : i32
              %add3A_691 = arith.constant 4 : i32
              %add3A_692 = arith.addi %mul3A_690, %add3A_691 : i32
              %get3A_693 = arith.index_cast %add3A_692 : i32 to index
              %get3A_694 = arith.constant 48 : index
              %get3A_695 = tpu.vector_load %arg13[%get3A_693, %get3A_694] {strides = array<i32>} : memref<16x64xf32, #tpu.memory_space<vmem>>, vector<16xf32>,
              %mul3A_696 = arith.constant 8 : i32
              %mul3A_697 = arith.muli %scan3A_272, %mul3A_696 : i32
              %add3A_698 = arith.constant 4 : i32
              %add3A_699 = arith.addi %mul3A_697, %add3A_698 : i32
              %get3A_700 = arith.index_cast %add3A_699 : i32 to index
              %get3A_701 = arith.constant 48 : index
              %get3A_702 = tpu.vector_load %arg14[%get3A_700, %get3A_701] {strides = array<i32>} : memref<16x64xf32, #tpu.memory_space<vmem>>, vector<16xf32>,
              %mul3A_703 = arith.mulf %get3A_695, %get3A_702 : vector<16xf32>
              %mul3A_704 = arith.constant 8 : i32
              %mul3A_705 = arith.muli %scan3A_272, %mul3A_704 : i32
              %add3A_706 = arith.constant 4 : i32
              %add3A_707 = arith.addi %mul3A_705, %add3A_706 : i32
              %swap3A_708 = arith.index_cast %add3A_707 : i32 to index
              %swap3A_709 = arith.constant 48 : index
              %swap3A_710 = tpu.vector_load %arg13[%swap3A_708, %swap3A_709] {strides = array<i32>} : memref<16x64xf32, #tpu.memory_space<vmem>>, vector<16xf32>,
              tpu.vector_store %arg13[%swap3A_708, %swap3A_709], %mul3A_703 {strides = array<i32>} : memref<16x64xf32, #tpu.memory_space<vmem>>, vector<16xf32>,
              %mul3A_711 = arith.constant 8 : i32
              %mul3A_712 = arith.muli %scan3A_272, %mul3A_711 : i32
              %add3A_713 = arith.constant 5 : i32
              %add3A_714 = arith.addi %mul3A_712, %add3A_713 : i32
              %get3A_715 = arith.index_cast %add3A_714 : i32 to index
              %get3A_716 = arith.constant 0 : index
              %get3A_717 = tpu.vector_load %arg13[%get3A_715, %get3A_716] {strides = array<i32>} : memref<16x64xf32, #tpu.memory_space<vmem>>, vector<16xf32>,
              %mul3A_718 = arith.constant 8 : i32
              %mul3A_719 = arith.muli %scan3A_272, %mul3A_718 : i32
              %add3A_720 = arith.constant 5 : i32
              %add3A_721 = arith.addi %mul3A_719, %add3A_720 : i32
              %get3A_722 = arith.index_cast %add3A_721 : i32 to index
              %get3A_723 = arith.constant 0 : index
              %get3A_724 = tpu.vector_load %arg14[%get3A_722, %get3A_723] {strides = array<i32>} : memref<16x64xf32, #tpu.memory_space<vmem>>, vector<16xf32>,
              %mul3A_725 = arith.mulf %get3A_717, %get3A_724 : vector<16xf32>
              %mul3A_726 = arith.constant 8 : i32
              %mul3A_727 = arith.muli %scan3A_272, %mul3A_726 : i32
              %add3A_728 = arith.constant 5 : i32
              %add3A_729 = arith.addi %mul3A_727, %add3A_728 : i32
              %swap3A_730 = arith.index_cast %add3A_729 : i32 to index
              %swap3A_731 = arith.constant 0 : index
              %swap3A_732 = tpu.vector_load %arg13[%swap3A_730, %swap3A_731] {strides = array<i32>} : memref<16x64xf32, #tpu.memory_space<vmem>>, vector<16xf32>,
              tpu.vector_store %arg13[%swap3A_730, %swap3A_731], %mul3A_725 {strides = array<i32>} : memref<16x64xf32, #tpu.memory_space<vmem>>, vector<16xf32>,
              %mul3A_733 = arith.constant 8 : i32
              %mul3A_734 = arith.muli %scan3A_272, %mul3A_733 : i32
              %add3A_735 = arith.constant 5 : i32
              %add3A_736 = arith.addi %mul3A_734, %add3A_735 : i32
              %get3A_737 = arith.index_cast %add3A_736 : i32 to index
              %get3A_738 = arith.constant 16 : index
              %get3A_739 = tpu.vector_load %arg13[%get3A_737, %get3A_738] {strides = array<i32>} : memref<16x64xf32, #tpu.memory_space<vmem>>, vector<16xf32>,
              %mul3A_740 = arith.constant 8 : i32
              %mul3A_741 = arith.muli %scan3A_272, %mul3A_740 : i32
              %add3A_742 = arith.constant 5 : i32
              %add3A_743 = arith.addi %mul3A_741, %add3A_742 : i32
              %get3A_744 = arith.index_cast %add3A_743 : i32 to index
              %get3A_745 = arith.constant 16 : index
              %get3A_746 = tpu.vector_load %arg14[%get3A_744, %get3A_745] {strides = array<i32>} : memref<16x64xf32, #tpu.memory_space<vmem>>, vector<16xf32>,
              %mul3A_747 = arith.mulf %get3A_739, %get3A_746 : vector<16xf32>
              %mul3A_748 = arith.constant 8 : i32
              %mul3A_749 = arith.muli %scan3A_272, %mul3A_748 : i32
              %add3A_750 = arith.constant 5 : i32
              %add3A_751 = arith.addi %mul3A_749, %add3A_750 : i32
              %swap3A_752 = arith.index_cast %add3A_751 : i32 to index
              %swap3A_753 = arith.constant 16 : index
              %swap3A_754 = tpu.vector_load %arg13[%swap3A_752, %swap3A_753] {strides = array<i32>} : memref<16x64xf32, #tpu.memory_space<vmem>>, vector<16xf32>,
              tpu.vector_store %arg13[%swap3A_752, %swap3A_753], %mul3A_747 {strides = array<i32>} : memref<16x64xf32, #tpu.memory_space<vmem>>, vector<16xf32>,
              %mul3A_755 = arith.constant 8 : i32
              %mul3A_756 = arith.muli %scan3A_272, %mul3A_755 : i32
              %add3A_757 = arith.constant 5 : i32
              %add3A_758 = arith.addi %mul3A_756, %add3A_757 : i32
              %get3A_759 = arith.index_cast %add3A_758 : i32 to index
              %get3A_760 = arith.constant 32 : index
              %get3A_761 = tpu.vector_load %arg13[%get3A_759, %get3A_760] {strides = array<i32>} : memref<16x64xf32, #tpu.memory_space<vmem>>, vector<16xf32>,
              %mul3A_762 = arith.constant 8 : i32
              %mul3A_763 = arith.muli %scan3A_272, %mul3A_762 : i32
              %add3A_764 = arith.constant 5 : i32
              %add3A_765 = arith.addi %mul3A_763, %add3A_764 : i32
              %get3A_766 = arith.index_cast %add3A_765 : i32 to index
              %get3A_767 = arith.constant 32 : index
              %get3A_768 = tpu.vector_load %arg14[%get3A_766, %get3A_767] {strides = array<i32>} : memref<16x64xf32, #tpu.memory_space<vmem>>, vector<16xf32>,
              %mul3A_769 = arith.mulf %get3A_761, %get3A_768 : vector<16xf32>
              %mul3A_770 = arith.constant 8 : i32
              %mul3A_771 = arith.muli %scan3A_272, %mul3A_770 : i32
              %add3A_772 = arith.constant 5 : i32
              %add3A_773 = arith.addi %mul3A_771, %add3A_772 : i32
              %swap3A_774 = arith.index_cast %add3A_773 : i32 to index
              %swap3A_775 = arith.constant 32 : index
              %swap3A_776 = tpu.vector_load %arg13[%swap3A_774, %swap3A_775] {strides = array<i32>} : memref<16x64xf32, #tpu.memory_space<vmem>>, vector<16xf32>,
              tpu.vector_store %arg13[%swap3A_774, %swap3A_775], %mul3A_769 {strides = array<i32>} : memref<16x64xf32, #tpu.memory_space<vmem>>, vector<16xf32>,
              %mul3A_777 = arith.constant 8 : i32
              %mul3A_778 = arith.muli %scan3A_272, %mul3A_777 : i32
              %add3A_779 = arith.constant 5 : i32
              %add3A_780 = arith.addi %mul3A_778, %add3A_779 : i32
              %get3A_781 = arith.index_cast %add3A_780 : i32 to index
              %get3A_782 = arith.constant 48 : index
              %get3A_783 = tpu.vector_load %arg13[%get3A_781, %get3A_782] {strides = array<i32>} : memref<16x64xf32, #tpu.memory_space<vmem>>, vector<16xf32>,
              %mul3A_784 = arith.constant 8 : i32
              %mul3A_785 = arith.muli %scan3A_272, %mul3A_784 : i32
              %add3A_786 = arith.constant 5 : i32
              %add3A_787 = arith.addi %mul3A_785, %add3A_786 : i32
              %get3A_788 = arith.index_cast %add3A_787 : i32 to index
              %get3A_789 = arith.constant 48 : index
              %get3A_790 = tpu.vector_load %arg14[%get3A_788, %get3A_789] {strides = array<i32>} : memref<16x64xf32, #tpu.memory_space<vmem>>, vector<16xf32>,
              %mul3A_791 = arith.mulf %get3A_783, %get3A_790 : vector<16xf32>
              %mul3A_792 = arith.constant 8 : i32
              %mul3A_793 = arith.muli %scan3A_272, %mul3A_792 : i32
              %add3A_794 = arith.constant 5 : i32
              %add3A_795 = arith.addi %mul3A_793, %add3A_794 : i32
              %swap3A_796 = arith.index_cast %add3A_795 : i32 to index
              %swap3A_797 = arith.constant 48 : index
              %swap3A_798 = tpu.vector_load %arg13[%swap3A_796, %swap3A_797] {strides = array<i32>} : memref<16x64xf32, #tpu.memory_space<vmem>>, vector<16xf32>,
              tpu.vector_store %arg13[%swap3A_796, %swap3A_797], %mul3A_791 {strides = array<i32>} : memref<16x64xf32, #tpu.memory_space<vmem>>, vector<16xf32>,
              %mul3A_799 = arith.constant 8 : i32
              %mul3A_800 = arith.muli %scan3A_272, %mul3A_799 : i32
              %add3A_801 = arith.constant 6 : i32
              %add3A_802 = arith.addi %mul3A_800, %add3A_801 : i32
              %get3A_803 = arith.index_cast %add3A_802 : i32 to index
              %get3A_804 = arith.constant 0 : index
              %get3A_805 = tpu.vector_load %arg13[%get3A_803, %get3A_804] {strides = array<i32>} : memref<16x64xf32, #tpu.memory_space<vmem>>, vector<16xf32>,
              %mul3A_806 = arith.constant 8 : i32
              %mul3A_807 = arith.muli %scan3A_272, %mul3A_806 : i32
              %add3A_808 = arith.constant 6 : i32
              %add3A_809 = arith.addi %mul3A_807, %add3A_808 : i32
              %get3A_810 = arith.index_cast %add3A_809 : i32 to index
              %get3A_811 = arith.constant 0 : index
              %get3A_812 = tpu.vector_load %arg14[%get3A_810, %get3A_811] {strides = array<i32>} : memref<16x64xf32, #tpu.memory_space<vmem>>, vector<16xf32>,
              %mul3A_813 = arith.mulf %get3A_805, %get3A_812 : vector<16xf32>
              %mul3A_814 = arith.constant 8 : i32
              %mul3A_815 = arith.muli %scan3A_272, %mul3A_814 : i32
              %add3A_816 = arith.constant 6 : i32
              %add3A_817 = arith.addi %mul3A_815, %add3A_816 : i32
              %swap3A_818 = arith.index_cast %add3A_817 : i32 to index
              %swap3A_819 = arith.constant 0 : index
              %swap3A_820 = tpu.vector_load %arg13[%swap3A_818, %swap3A_819] {strides = array<i32>} : memref<16x64xf32, #tpu.memory_space<vmem>>, vector<16xf32>,
              tpu.vector_store %arg13[%swap3A_818, %swap3A_819], %mul3A_813 {strides = array<i32>} : memref<16x64xf32, #tpu.memory_space<vmem>>, vector<16xf32>,
              %mul3A_821 = arith.constant 8 : i32
              %mul3A_822 = arith.muli %scan3A_272, %mul3A_821 : i32
              %add3A_823 = arith.constant 6 : i32
              %add3A_824 = arith.addi %mul3A_822, %add3A_823 : i32
              %get3A_825 = arith.index_cast %add3A_824 : i32 to index
              %get3A_826 = arith.constant 16 : index
              %get3A_827 = tpu.vector_load %arg13[%get3A_825, %get3A_826] {strides = array<i32>} : memref<16x64xf32, #tpu.memory_space<vmem>>, vector<16xf32>,
              %mul3A_828 = arith.constant 8 : i32
              %mul3A_829 = arith.muli %scan3A_272, %mul3A_828 : i32
              %add3A_830 = arith.constant 6 : i32
              %add3A_831 = arith.addi %mul3A_829, %add3A_830 : i32
              %get3A_832 = arith.index_cast %add3A_831 : i32 to index
              %get3A_833 = arith.constant 16 : index
              %get3A_834 = tpu.vector_load %arg14[%get3A_832, %get3A_833] {strides = array<i32>} : memref<16x64xf32, #tpu.memory_space<vmem>>, vector<16xf32>,
              %mul3A_835 = arith.mulf %get3A_827, %get3A_834 : vector<16xf32>
              %mul3A_836 = arith.constant 8 : i32
              %mul3A_837 = arith.muli %scan3A_272, %mul3A_836 : i32
              %add3A_838 = arith.constant 6 : i32
              %add3A_839 = arith.addi %mul3A_837, %add3A_838 : i32
              %swap3A_840 = arith.index_cast %add3A_839 : i32 to index
              %swap3A_841 = arith.constant 16 : index
              %swap3A_842 = tpu.vector_load %arg13[%swap3A_840, %swap3A_841] {strides = array<i32>} : memref<16x64xf32, #tpu.memory_space<vmem>>, vector<16xf32>,
              tpu.vector_store %arg13[%swap3A_840, %swap3A_841], %mul3A_835 {strides = array<i32>} : memref<16x64xf32, #tpu.memory_space<vmem>>, vector<16xf32>,
              %mul3A_843 = arith.constant 8 : i32
              %mul3A_844 = arith.muli %scan3A_272, %mul3A_843 : i32
              %add3A_845 = arith.constant 6 : i32
              %add3A_846 = arith.addi %mul3A_844, %add3A_845 : i32
              %get3A_847 = arith.index_cast %add3A_846 : i32 to index
              %get3A_848 = arith.constant 32 : index
              %get3A_849 = tpu.vector_load %arg13[%get3A_847, %get3A_848] {strides = array<i32>} : memref<16x64xf32, #tpu.memory_space<vmem>>, vector<16xf32>,
              %mul3A_850 = arith.constant 8 : i32
              %mul3A_851 = arith.muli %scan3A_272, %mul3A_850 : i32
              %add3A_852 = arith.constant 6 : i32
              %add3A_853 = arith.addi %mul3A_851, %add3A_852 : i32
              %get3A_854 = arith.index_cast %add3A_853 : i32 to index
              %get3A_855 = arith.constant 32 : index
              %get3A_856 = tpu.vector_load %arg14[%get3A_854, %get3A_855] {strides = array<i32>} : memref<16x64xf32, #tpu.memory_space<vmem>>, vector<16xf32>,
              %mul3A_857 = arith.mulf %get3A_849, %get3A_856 : vector<16xf32>
              %mul3A_858 = arith.constant 8 : i32
              %mul3A_859 = arith.muli %scan3A_272, %mul3A_858 : i32
              %add3A_860 = arith.constant 6 : i32
              %add3A_861 = arith.addi %mul3A_859, %add3A_860 : i32
              %swap3A_862 = arith.index_cast %add3A_861 : i32 to index
              %swap3A_863 = arith.constant 32 : index
              %swap3A_864 = tpu.vector_load %arg13[%swap3A_862, %swap3A_863] {strides = array<i32>} : memref<16x64xf32, #tpu.memory_space<vmem>>, vector<16xf32>,
              tpu.vector_store %arg13[%swap3A_862, %swap3A_863], %mul3A_857 {strides = array<i32>} : memref<16x64xf32, #tpu.memory_space<vmem>>, vector<16xf32>,
              %mul3A_865 = arith.constant 8 : i32
              %mul3A_866 = arith.muli %scan3A_272, %mul3A_865 : i32
              %add3A_867 = arith.constant 6 : i32
              %add3A_868 = arith.addi %mul3A_866, %add3A_867 : i32
              %get3A_869 = arith.index_cast %add3A_868 : i32 to index
              %get3A_870 = arith.constant 48 : index
              %get3A_871 = tpu.vector_load %arg13[%get3A_869, %get3A_870] {strides = array<i32>} : memref<16x64xf32, #tpu.memory_space<vmem>>, vector<16xf32>,
              %mul3A_872 = arith.constant 8 : i32
              %mul3A_873 = arith.muli %scan3A_272, %mul3A_872 : i32
              %add3A_874 = arith.constant 6 : i32
              %add3A_875 = arith.addi %mul3A_873, %add3A_874 : i32
              %get3A_876 = arith.index_cast %add3A_875 : i32 to index
              %get3A_877 = arith.constant 48 : index
              %get3A_878 = tpu.vector_load %arg14[%get3A_876, %get3A_877] {strides = array<i32>} : memref<16x64xf32, #tpu.memory_space<vmem>>, vector<16xf32>,
              %mul3A_879 = arith.mulf %get3A_871, %get3A_878 : vector<16xf32>
              %mul3A_880 = arith.constant 8 : i32
              %mul3A_881 = arith.muli %scan3A_272, %mul3A_880 : i32
              %add3A_882 = arith.constant 6 : i32
              %add3A_883 = arith.addi %mul3A_881, %add3A_882 : i32
              %swap3A_884 = arith.index_cast %add3A_883 : i32 to index
              %swap3A_885 = arith.constant 48 : index
              %swap3A_886 = tpu.vector_load %arg13[%swap3A_884, %swap3A_885] {strides = array<i32>} : memref<16x64xf32, #tpu.memory_space<vmem>>, vector<16xf32>,
              tpu.vector_store %arg13[%swap3A_884, %swap3A_885], %mul3A_879 {strides = array<i32>} : memref<16x64xf32, #tpu.memory_space<vmem>>, vector<16xf32>,
              %mul3A_887 = arith.constant 8 : i32
              %mul3A_888 = arith.muli %scan3A_272, %mul3A_887 : i32
              %add3A_889 = arith.constant 7 : i32
              %add3A_890 = arith.addi %mul3A_888, %add3A_889 : i32
              %get3A_891 = arith.index_cast %add3A_890 : i32 to index
              %get3A_892 = arith.constant 0 : index
              %get3A_893 = tpu.vector_load %arg13[%get3A_891, %get3A_892] {strides = array<i32>} : memref<16x64xf32, #tpu.memory_space<vmem>>, vector<16xf32>,
              %mul3A_894 = arith.constant 8 : i32
              %mul3A_895 = arith.muli %scan3A_272, %mul3A_894 : i32
              %add3A_896 = arith.constant 7 : i32
              %add3A_897 = arith.addi %mul3A_895, %add3A_896 : i32
              %get3A_898 = arith.index_cast %add3A_897 : i32 to index
              %get3A_899 = arith.constant 0 : index
              %get3A_900 = tpu.vector_load %arg14[%get3A_898, %get3A_899] {strides = array<i32>} : memref<16x64xf32, #tpu.memory_space<vmem>>, vector<16xf32>,
              %mul3A_901 = arith.mulf %get3A_893, %get3A_900 : vector<16xf32>
              %mul3A_902 = arith.constant 8 : i32
              %mul3A_903 = arith.muli %scan3A_272, %mul3A_902 : i32
              %add3A_904 = arith.constant 7 : i32
              %add3A_905 = arith.addi %mul3A_903, %add3A_904 : i32
              %swap3A_906 = arith.index_cast %add3A_905 : i32 to index
              %swap3A_907 = arith.constant 0 : index
              %swap3A_908 = tpu.vector_load %arg13[%swap3A_906, %swap3A_907] {strides = array<i32>} : memref<16x64xf32, #tpu.memory_space<vmem>>, vector<16xf32>,
              tpu.vector_store %arg13[%swap3A_906, %swap3A_907], %mul3A_901 {strides = array<i32>} : memref<16x64xf32, #tpu.memory_space<vmem>>, vector<16xf32>,
              %mul3A_909 = arith.constant 8 : i32
              %mul3A_910 = arith.muli %scan3A_272, %mul3A_909 : i32
              %add3A_911 = arith.constant 7 : i32
              %add3A_912 = arith.addi %mul3A_910, %add3A_911 : i32
              %get3A_913 = arith.index_cast %add3A_912 : i32 to index
              %get3A_914 = arith.constant 16 : index
              %get3A_915 = tpu.vector_load %arg13[%get3A_913, %get3A_914] {strides = array<i32>} : memref<16x64xf32, #tpu.memory_space<vmem>>, vector<16xf32>,
              %mul3A_916 = arith.constant 8 : i32
              %mul3A_917 = arith.muli %scan3A_272, %mul3A_916 : i32
              %add3A_918 = arith.constant 7 : i32
              %add3A_919 = arith.addi %mul3A_917, %add3A_918 : i32
              %get3A_920 = arith.index_cast %add3A_919 : i32 to index
              %get3A_921 = arith.constant 16 : index
              %get3A_922 = tpu.vector_load %arg14[%get3A_920, %get3A_921] {strides = array<i32>} : memref<16x64xf32, #tpu.memory_space<vmem>>, vector<16xf32>,
              %mul3A_923 = arith.mulf %get3A_915, %get3A_922 : vector<16xf32>
              %mul3A_924 = arith.constant 8 : i32
              %mul3A_925 = arith.muli %scan3A_272, %mul3A_924 : i32
              %add3A_926 = arith.constant 7 : i32
              %add3A_927 = arith.addi %mul3A_925, %add3A_926 : i32
              %swap3A_928 = arith.index_cast %add3A_927 : i32 to index
              %swap3A_929 = arith.constant 16 : index
              %swap3A_930 = tpu.vector_load %arg13[%swap3A_928, %swap3A_929] {strides = array<i32>} : memref<16x64xf32, #tpu.memory_space<vmem>>, vector<16xf32>,
              tpu.vector_store %arg13[%swap3A_928, %swap3A_929], %mul3A_923 {strides = array<i32>} : memref<16x64xf32, #tpu.memory_space<vmem>>, vector<16xf32>,
              %mul3A_931 = arith.constant 8 : i32
              %mul3A_932 = arith.muli %scan3A_272, %mul3A_931 : i32
              %add3A_933 = arith.constant 7 : i32
              %add3A_934 = arith.addi %mul3A_932, %add3A_933 : i32
              %get3A_935 = arith.index_cast %add3A_934 : i32 to index
              %get3A_936 = arith.constant 32 : index
              %get3A_937 = tpu.vector_load %arg13[%get3A_935, %get3A_936] {strides = array<i32>} : memref<16x64xf32, #tpu.memory_space<vmem>>, vector<16xf32>,
              %mul3A_938 = arith.constant 8 : i32
              %mul3A_939 = arith.muli %scan3A_272, %mul3A_938 : i32
              %add3A_940 = arith.constant 7 : i32
              %add3A_941 = arith.addi %mul3A_939, %add3A_940 : i32
              %get3A_942 = arith.index_cast %add3A_941 : i32 to index
              %get3A_943 = arith.constant 32 : index
              %get3A_944 = tpu.vector_load %arg14[%get3A_942, %get3A_943] {strides = array<i32>} : memref<16x64xf32, #tpu.memory_space<vmem>>, vector<16xf32>,
              %mul3A_945 = arith.mulf %get3A_937, %get3A_944 : vector<16xf32>
              %mul3A_946 = arith.constant 8 : i32
              %mul3A_947 = arith.muli %scan3A_272, %mul3A_946 : i32
              %add3A_948 = arith.constant 7 : i32
              %add3A_949 = arith.addi %mul3A_947, %add3A_948 : i32
              %swap3A_950 = arith.index_cast %add3A_949 : i32 to index
              %swap3A_951 = arith.constant 32 : index
              %swap3A_952 = tpu.vector_load %arg13[%swap3A_950, %swap3A_951] {strides = array<i32>} : memref<16x64xf32, #tpu.memory_space<vmem>>, vector<16xf32>,
              tpu.vector_store %arg13[%swap3A_950, %swap3A_951], %mul3A_945 {strides = array<i32>} : memref<16x64xf32, #tpu.memory_space<vmem>>, vector<16xf32>,
              %mul3A_953 = arith.constant 8 : i32
              %mul3A_954 = arith.muli %scan3A_272, %mul3A_953 : i32
              %add3A_955 = arith.constant 7 : i32
              %add3A_956 = arith.addi %mul3A_954, %add3A_955 : i32
              %get3A_957 = arith.index_cast %add3A_956 : i32 to index
              %get3A_958 = arith.constant 48 : index
              %get3A_959 = tpu.vector_load %arg13[%get3A_957, %get3A_958] {strides = array<i32>} : memref<16x64xf32, #tpu.memory_space<vmem>>, vector<16xf32>,
              %mul3A_960 = arith.constant 8 : i32
              %mul3A_961 = arith.muli %scan3A_272, %mul3A_960 : i32
              %add3A_962 = arith.constant 7 : i32
              %add3A_963 = arith.addi %mul3A_961, %add3A_962 : i32
              %get3A_964 = arith.index_cast %add3A_963 : i32 to index
              %get3A_965 = arith.constant 48 : index
              %get3A_966 = tpu.vector_load %arg14[%get3A_964, %get3A_965] {strides = array<i32>} : memref<16x64xf32, #tpu.memory_space<vmem>>, vector<16xf32>,
              %mul3A_967 = arith.mulf %get3A_959, %get3A_966 : vector<16xf32>
              %mul3A_968 = arith.constant 8 : i32
              %mul3A_969 = arith.muli %scan3A_272, %mul3A_968 : i32
              %add3A_970 = arith.constant 7 : i32
              %add3A_971 = arith.addi %mul3A_969, %add3A_970 : i32
              %swap3A_972 = arith.index_cast %add3A_971 : i32 to index
              %swap3A_973 = arith.constant 48 : index
              %swap3A_974 = tpu.vector_load %arg13[%swap3A_972, %swap3A_973] {strides = array<i32>} : memref<16x64xf32, #tpu.memory_space<vmem>>, vector<16xf32>,
              tpu.vector_store %arg13[%swap3A_972, %swap3A_973], %mul3A_967 {strides = array<i32>} : memref<16x64xf32, #tpu.memory_space<vmem>>, vector<16xf32>,
            }
            %scan3A_271 = arith.constant 2 : i32
            "tpu.region"() ({
              %run_scoped3A = tpu.sem_alloc : memref<!tpu.dma_semaphore, #tpu.memory_space<semaphore_mem>>
              %dma_start3A_272 = tpu.memref_slice %arg12[%mul3A_243] : memref<2032xi32, #tpu.memory_space<vmem>> -> memref<16xi32, #tpu.memory_space<vmem>>
              %dma_start3A_273 = arith.constant 0 : i32
              %dma_start3A_274 = arith.constant 0 : i32
              %dma_start3A_275 = tpu.memref_slice %arg7[%dma_start3A_273, %dma_start3A_274] : memref<20008x64xf32, #tpu.memory_space<vmem_shared>> -> memref<20008x64xf32, #tpu.memory_space<vmem_shared>>
              tpu.enqueue_indirect_dma source(%arg13 : memref<16x64xf32, #tpu.memory_space<vmem>>) target(%dma_start3A_275 : memref<20008x64xf32, #tpu.memory_space<vmem_shared>>) offsets(%dma_start3A_272 : memref<16xi32, #tpu.memory_space<vmem>>) semaphore(%run_scoped3A : memref<!tpu.dma_semaphore, #tpu.memory_space<semaphore_mem>>) {add = true}
              %dma_wait3A_276 = tpu.memref_slice %arg12[%mul3A_243] : memref<2032xi32, #tpu.memory_space<vmem>> -> memref<16xi32, #tpu.memory_space<vmem>>
              %dma_wait3A_277 = arith.constant 0 : i32
              %dma_wait3A_278 = arith.constant 0 : i32
              %dma_wait3A_279 = tpu.memref_slice %arg7[%dma_wait3A_277, %dma_wait3A_278] : memref<20008x64xf32, #tpu.memory_space<vmem_shared>> -> memref<20008x64xf32, #tpu.memory_space<vmem_shared>>
              tpu.wait_indirect_dma semaphore(%run_scoped3A : memref<!tpu.dma_semaphore, #tpu.memory_space<semaphore_mem>>) src(%arg13 : memref<16x64xf32, #tpu.memory_space<vmem>>) dst(%dma_wait3A_279 : memref<20008x64xf32, #tpu.memory_space<vmem_shared>>)
              tpu.yield
            }) : () -> ()
          } else {
          }
        }
      }
      %scan3A_148 = arith.constant 15 : i32
      %barrier3A_149 = arith.constant 0 : index
      tpu.barrier barrier_id(%barrier3A_149)
      %mul3A_150 = arith.constant 1250 : i32
      %mul3A_151 = arith.muli %arg1, %mul3A_150 : i32
      %mul3A_152 = arith.constant 1250 : i32
      %mul3A_153 = arith.muli %arg1, %mul3A_152 : i32
      %add3A_154 = arith.addi %mul3A_24, %mul3A_153 : i32
      "tpu.region"() ({
        %run_scoped3A = tpu.sem_alloc : memref<!tpu.dma_semaphore, #tpu.memory_space<semaphore_mem>>
        %dma_start3A_156 = arith.constant 0 : i32
        %dma_start3A_157 = tpu.memref_slice %arg6[%add3A_154, %dma_start3A_156] : memref<160000x64xf32, #tpu.memory_space<hbm>> -> memref<1250x64xf32, #tpu.memory_space<hbm>>
        %dma_start3A_158 = arith.constant 0 : i32
        %dma_start3A_159 = tpu.memref_slice %arg7[%mul3A_151, %dma_start3A_158] : memref<20008x64xf32, #tpu.memory_space<vmem_shared>> -> memref<1250x64xf32, #tpu.memory_space<vmem_shared>>
        tpu.enqueue_dma source(%dma_start3A_159 : memref<1250x64xf32, #tpu.memory_space<vmem_shared>>) target(%dma_start3A_157 : memref<1250x64xf32, #tpu.memory_space<hbm>>) target_semaphore(%run_scoped3A : memref<!tpu.dma_semaphore, #tpu.memory_space<semaphore_mem>>)
        %dma_wait3A_160 = arith.constant 0 : i32
        %dma_wait3A_161 = tpu.memref_slice %arg6[%add3A_154, %dma_wait3A_160] : memref<160000x64xf32, #tpu.memory_space<hbm>> -> memref<1250x64xf32, #tpu.memory_space<hbm>>
        %dma_wait3A_162 = arith.constant 0 : i32
        %dma_wait3A_163 = tpu.memref_slice %arg7[%mul3A_151, %dma_wait3A_162] : memref<20008x64xf32, #tpu.memory_space<vmem_shared>> -> memref<1250x64xf32, #tpu.memory_space<vmem_shared>>
        tpu.wait_dma2 semaphore(%run_scoped3A : memref<!tpu.dma_semaphore, #tpu.memory_space<semaphore_mem>>) src(%dma_wait3A_163 : memref<1250x64xf32, #tpu.memory_space<vmem_shared>>) dst(%dma_wait3A_161 : memref<1250x64xf32, #tpu.memory_space<hbm>>)
        tpu.yield
      }) : () -> ()
      %barrier3A_155 = arith.constant 0 : index
      tpu.barrier barrier_id(%barrier3A_155)
    }
    %scan3A_18 = arith.constant 4 : i32
    return
  }
}

module attributes {stable_mosaic.version = 14 : i64} {
  func.func @_stage_a_body(%arg0: i32, %arg1: memref<2000x128xf32, #tpu.memory_space<vmem>>, %arg2: memref<2000x6xf32, #tpu.memory_space<vmem>>, %arg3: memref<128x128xf32, #tpu.memory_space<vmem>>, %arg4: memref<1x128xf32, #tpu.memory_space<vmem>>, %arg5: memref<128x128xf32, #tpu.memory_space<vmem>>, %arg6: memref<1x128xf32, #tpu.memory_space<vmem>>, %arg7: memref<6x8xf32, #tpu.memory_space<vmem>>, %arg8: memref<8x128xf32, #tpu.memory_space<vmem>>, %arg9: memref<128x64xf32, #tpu.memory_space<vmem>>, %arg10: memref<2000x128xf32, #tpu.memory_space<vmem>>, %arg11: memref<2000x64xf32, #tpu.memory_space<vmem>>) attributes {dimension_semantics = [#tpu.dimension_semantics<arbitrary>], iteration_bounds = array<i64: 80>, scalar_prefetch = 0 : i64, scratch_operands = 0 : i64, tpu.core_type = #tpu.core_type<tc>, window_params = [{transform_indices = @transform_0, window_bounds = array<i64: 2000, 128>}, {transform_indices = @transform_1, window_bounds = array<i64: 2000, 6>}, {pipeline_mode = #tpu.pipeline_mode<synchronous>, transform_indices = @transform_2, window_bounds = array<i64: 128, 128>}, {pipeline_mode = #tpu.pipeline_mode<synchronous>, transform_indices = @transform_3, window_bounds = array<i64: 1, 128>}, {pipeline_mode = #tpu.pipeline_mode<synchronous>, transform_indices = @transform_4, window_bounds = array<i64: 128, 128>}, {pipeline_mode = #tpu.pipeline_mode<synchronous>, transform_indices = @transform_5, window_bounds = array<i64: 1, 128>}, {pipeline_mode = #tpu.pipeline_mode<synchronous>, transform_indices = @transform_6, window_bounds = array<i64: 6, 8>}, {pipeline_mode = #tpu.pipeline_mode<synchronous>, transform_indices = @transform_7, window_bounds = array<i64: 8, 128>}, {pipeline_mode = #tpu.pipeline_mode<synchronous>, transform_indices = @transform_8, window_bounds = array<i64: 128, 64>}, {transform_indices = @transform_9, window_bounds = array<i64: 2000, 128>}, {transform_indices = @transform_10, window_bounds = array<i64: 2000, 64>}]} {
    %get3A = arith.constant 0 : index
    %get3A_0 = arith.constant 0 : index
    %get3A_1 = vector.load %arg1[%get3A, %get3A_0] : memref<2000x128xf32, #tpu.memory_space<vmem>>, vector<2000x128xf32>
    %get3A_2 = arith.constant 0 : index
    %get3A_3 = arith.constant 0 : index
    %get3A_4 = vector.load %arg3[%get3A_2, %get3A_3] : memref<128x128xf32, #tpu.memory_space<vmem>>, vector<128x128xf32>
    %dot_general3A = arith.constant dense<0.000000e+00> : vector<2000x128xf32>
    %dot_general3A_5 = tpu.matmul %get3A_1, %get3A_4, %dot_general3A {dimension_numbers = #tpu.dot_dimension_numbers<[1], [0], [0], [1], [0, 0, 1, 1], [], []>, transpose_lhs_hint = false} : vector<2000x128xf32>, vector<128x128xf32>, vector<2000x128xf32> -> vector<2000x128xf32>
    %get3A_6 = arith.constant 0 : index
    %get3A_7 = arith.constant 0 : index
    %get3A_8 = vector.load %arg4[%get3A_6, %get3A_7] : memref<1x128xf32, #tpu.memory_space<vmem>>, vector<1x128xf32>
    %add3A = vector.broadcast %get3A_8 : vector<1x128xf32> to vector<2000x128xf32>
    %add3A_9 = arith.addf %dot_general3A_5, %add3A : vector<2000x128xf32>
    %logistic3A = arith.negf %add3A_9 : vector<2000x128xf32>
    %logistic3A_10 = math.exp %logistic3A : vector<2000x128xf32>
    %logistic3A_11 = arith.constant 1.000000e+00 : f32
    %logistic3A_12 = vector.broadcast %logistic3A_11 : f32 to vector<2000x128xf32>
    %logistic3A_13 = arith.addf %logistic3A_12, %logistic3A_10 : vector<2000x128xf32>
    %logistic3A_14 = arith.divf %logistic3A_12, %logistic3A_13 : vector<2000x128xf32>
    %mul3A = arith.mulf %add3A_9, %logistic3A_14 : vector<2000x128xf32>
    %get3A_15 = arith.constant 0 : index
    %get3A_16 = arith.constant 0 : index
    %get3A_17 = vector.load %arg5[%get3A_15, %get3A_16] : memref<128x128xf32, #tpu.memory_space<vmem>>, vector<128x128xf32>
    %dot_general3A_18 = arith.constant dense<0.000000e+00> : vector<2000x128xf32>
    %dot_general3A_19 = tpu.matmul %get3A_1, %get3A_17, %dot_general3A_18 {dimension_numbers = #tpu.dot_dimension_numbers<[1], [0], [0], [1], [0, 0, 1, 1], [], []>, transpose_lhs_hint = false} : vector<2000x128xf32>, vector<128x128xf32>, vector<2000x128xf32> -> vector<2000x128xf32>
    %get3A_20 = arith.constant 0 : index
    %get3A_21 = arith.constant 0 : index
    %get3A_22 = vector.load %arg6[%get3A_20, %get3A_21] : memref<1x128xf32, #tpu.memory_space<vmem>>, vector<1x128xf32>
    %add3A_23 = vector.broadcast %get3A_22 : vector<1x128xf32> to vector<2000x128xf32>
    %add3A_24 = arith.addf %dot_general3A_19, %add3A_23 : vector<2000x128xf32>
    %logistic3A_25 = arith.negf %add3A_24 : vector<2000x128xf32>
    %logistic3A_26 = math.exp %logistic3A_25 : vector<2000x128xf32>
    %logistic3A_27 = arith.constant 1.000000e+00 : f32
    %logistic3A_28 = vector.broadcast %logistic3A_27 : f32 to vector<2000x128xf32>
    %logistic3A_29 = arith.addf %logistic3A_28, %logistic3A_26 : vector<2000x128xf32>
    %logistic3A_30 = arith.divf %logistic3A_28, %logistic3A_29 : vector<2000x128xf32>
    %mul3A_31 = arith.mulf %add3A_24, %logistic3A_30 : vector<2000x128xf32>
    %get3A_32 = arith.constant 0 : index
    %get3A_33 = arith.constant 0 : index
    %get3A_34 = vector.load %arg2[%get3A_32, %get3A_33] : memref<2000x6xf32, #tpu.memory_space<vmem>>, vector<2000x6xf32>
    %get3A_35 = arith.constant 0 : index
    %get3A_36 = arith.constant 0 : index
    %get3A_37 = vector.load %arg7[%get3A_35, %get3A_36] : memref<6x8xf32, #tpu.memory_space<vmem>>, vector<6x8xf32>
    %dot_general3A_38 = arith.constant dense<0.000000e+00> : vector<2000x8xf32>
    %dot_general3A_39 = tpu.matmul %get3A_34, %get3A_37, %dot_general3A_38 {dimension_numbers = #tpu.dot_dimension_numbers<[1], [0], [0], [1], [0, 0, 1, 1], [], []>, transpose_lhs_hint = false} : vector<2000x6xf32>, vector<6x8xf32>, vector<2000x8xf32> -> vector<2000x8xf32>
    %get3A_40 = arith.constant 0 : index
    %get3A_41 = arith.constant 0 : index
    %get3A_42 = vector.load %arg8[%get3A_40, %get3A_41] : memref<8x128xf32, #tpu.memory_space<vmem>>, vector<8x128xf32>
    %dot_general3A_43 = arith.constant dense<0.000000e+00> : vector<2000x128xf32>
    %dot_general3A_44 = tpu.matmul %dot_general3A_39, %get3A_42, %dot_general3A_43 {dimension_numbers = #tpu.dot_dimension_numbers<[1], [0], [0], [1], [0, 0, 1, 1], [], []>, transpose_lhs_hint = false} : vector<2000x8xf32>, vector<8x128xf32>, vector<2000x128xf32> -> vector<2000x128xf32>
    %swap3A = arith.constant 0 : index
    %swap3A_45 = arith.constant 0 : index
    %swap3A_46 = vector.load %arg10[%swap3A, %swap3A_45] : memref<2000x128xf32, #tpu.memory_space<vmem>>, vector<2000x128xf32>
    tpu.vector_store %arg10[%swap3A, %swap3A_45], %mul3A {strides = array<i32>} : memref<2000x128xf32, #tpu.memory_space<vmem>>, vector<2000x128xf32>,
    %mul3A_47 = arith.mulf %mul3A_31, %dot_general3A_44 : vector<2000x128xf32>
    %get3A_48 = arith.constant 0 : index
    %get3A_49 = arith.constant 0 : index
    %get3A_50 = vector.load %arg9[%get3A_48, %get3A_49] : memref<128x64xf32, #tpu.memory_space<vmem>>, vector<128x64xf32>
    %dot_general3A_51 = arith.constant dense<0.000000e+00> : vector<2000x64xf32>
    %dot_general3A_52 = tpu.matmul %mul3A_47, %get3A_50, %dot_general3A_51 {dimension_numbers = #tpu.dot_dimension_numbers<[1], [0], [0], [1], [0, 0, 1, 1], [], []>, transpose_lhs_hint = false} : vector<2000x128xf32>, vector<128x64xf32>, vector<2000x64xf32> -> vector<2000x64xf32>
    %logistic3A_53 = arith.negf %dot_general3A_52 : vector<2000x64xf32>
    %logistic3A_54 = math.exp %logistic3A_53 : vector<2000x64xf32>
    %logistic3A_55 = arith.constant 1.000000e+00 : f32
    %logistic3A_56 = vector.broadcast %logistic3A_55 : f32 to vector<2000x64xf32>
    %logistic3A_57 = arith.addf %logistic3A_56, %logistic3A_54 : vector<2000x64xf32>
    %logistic3A_58 = arith.divf %logistic3A_56, %logistic3A_57 : vector<2000x64xf32>
    %mul3A_59 = arith.mulf %dot_general3A_52, %logistic3A_58 : vector<2000x64xf32>
    %swap3A_60 = arith.constant 0 : index
    %swap3A_61 = arith.constant 0 : index
    %swap3A_62 = vector.load %arg11[%swap3A_60, %swap3A_61] : memref<2000x64xf32, #tpu.memory_space<vmem>>, vector<2000x64xf32>
    tpu.vector_store %arg11[%swap3A_60, %swap3A_61], %mul3A_59 {strides = array<i32>} : memref<2000x64xf32, #tpu.memory_space<vmem>>, vector<2000x64xf32>,
    return
  }
  func.func @transform_0(%arg0: i32) -> (i32, i32) {
    %c0_i32 = arith.constant 0 : i32
    %c0_i32_0 = arith.constant 0 : i32
    return %arg0, %c0_i32 : i32, i32
  }
  func.func @transform_1(%arg0: i32) -> (i32, i32) {
    %c0_i32 = arith.constant 0 : i32
    %c0_i32_0 = arith.constant 0 : i32
    return %arg0, %c0_i32 : i32, i32
  }
  func.func @transform_2(%arg0: i32) -> (i32, i32) {
    %c0_i32 = arith.constant 0 : i32
    %c0_i32_0 = arith.constant 0 : i32
    %c0_i32_1 = arith.constant 0 : i32
    return %c0_i32, %c0_i32_0 : i32, i32
  }
  func.func @transform_3(%arg0: i32) -> (i32, i32) {
    %c0_i32 = arith.constant 0 : i32
    %c0_i32_0 = arith.constant 0 : i32
    %c0_i32_1 = arith.constant 0 : i32
    return %c0_i32, %c0_i32_0 : i32, i32
  }
  func.func @transform_4(%arg0: i32) -> (i32, i32) {
    %c0_i32 = arith.constant 0 : i32
    %c0_i32_0 = arith.constant 0 : i32
    %c0_i32_1 = arith.constant 0 : i32
    return %c0_i32, %c0_i32_0 : i32, i32
  }
  func.func @transform_5(%arg0: i32) -> (i32, i32) {
    %c0_i32 = arith.constant 0 : i32
    %c0_i32_0 = arith.constant 0 : i32
    %c0_i32_1 = arith.constant 0 : i32
    return %c0_i32, %c0_i32_0 : i32, i32
  }
  func.func @transform_6(%arg0: i32) -> (i32, i32) {
    %c0_i32 = arith.constant 0 : i32
    %c0_i32_0 = arith.constant 0 : i32
    %c0_i32_1 = arith.constant 0 : i32
    return %c0_i32, %c0_i32_0 : i32, i32
  }
  func.func @transform_7(%arg0: i32) -> (i32, i32) {
    %c0_i32 = arith.constant 0 : i32
    %c0_i32_0 = arith.constant 0 : i32
    %c0_i32_1 = arith.constant 0 : i32
    return %c0_i32, %c0_i32_0 : i32, i32
  }
  func.func @transform_8(%arg0: i32) -> (i32, i32) {
    %c0_i32 = arith.constant 0 : i32
    %c0_i32_0 = arith.constant 0 : i32
    %c0_i32_1 = arith.constant 0 : i32
    return %c0_i32, %c0_i32_0 : i32, i32
  }
  func.func @transform_9(%arg0: i32) -> (i32, i32) {
    %c0_i32 = arith.constant 0 : i32
    %c0_i32_0 = arith.constant 0 : i32
    return %arg0, %c0_i32 : i32, i32
  }
  func.func @transform_10(%arg0: i32) -> (i32, i32) {
    %c0_i32 = arith.constant 0 : i32
    %c0_i32_0 = arith.constant 0 : i32
    return %arg0, %c0_i32 : i32, i32
  }
}

module attributes {stable_mosaic.version = 14 : i64} {
  func.func @_stage_b_body(%arg0: i32, %arg1: memref<8000x42xf32, #tpu.memory_space<vmem>>, %arg2: memref<42x8xf32, #tpu.memory_space<vmem>>, %arg3: memref<8x64xf32, #tpu.memory_space<vmem>>, %arg4: memref<8000x64xf32, #tpu.memory_space<vmem>>) attributes {dimension_semantics = [#tpu.dimension_semantics<arbitrary>], iteration_bounds = array<i64: 60>, scalar_prefetch = 0 : i64, scratch_operands = 0 : i64, tpu.core_type = #tpu.core_type<tc>, window_params = [{transform_indices = @transform_0, window_bounds = array<i64: 8000, 42>}, {pipeline_mode = #tpu.pipeline_mode<synchronous>, transform_indices = @transform_1, window_bounds = array<i64: 42, 8>}, {pipeline_mode = #tpu.pipeline_mode<synchronous>, transform_indices = @transform_2, window_bounds = array<i64: 8, 64>}, {transform_indices = @transform_3, window_bounds = array<i64: 8000, 64>}]} {
    %get3A = arith.constant 0 : index
    %get3A_0 = arith.constant 0 : index
    %get3A_1 = vector.load %arg1[%get3A, %get3A_0] : memref<8000x42xf32, #tpu.memory_space<vmem>>, vector<8000x42xf32>
    %get3A_2 = arith.constant 0 : index
    %get3A_3 = arith.constant 0 : index
    %get3A_4 = vector.load %arg2[%get3A_2, %get3A_3] : memref<42x8xf32, #tpu.memory_space<vmem>>, vector<42x8xf32>
    %dot_general3A = arith.constant dense<0.000000e+00> : vector<8000x8xf32>
    %dot_general3A_5 = tpu.matmul %get3A_1, %get3A_4, %dot_general3A {dimension_numbers = #tpu.dot_dimension_numbers<[1], [0], [0], [1], [0, 0, 1, 1], [], []>, transpose_lhs_hint = false} : vector<8000x42xf32>, vector<42x8xf32>, vector<8000x8xf32> -> vector<8000x8xf32>
    %get3A_6 = arith.constant 0 : index
    %get3A_7 = arith.constant 0 : index
    %get3A_8 = vector.load %arg3[%get3A_6, %get3A_7] : memref<8x64xf32, #tpu.memory_space<vmem>>, vector<8x64xf32>
    %dot_general3A_9 = arith.constant dense<0.000000e+00> : vector<8000x64xf32>
    %dot_general3A_10 = tpu.matmul %dot_general3A_5, %get3A_8, %dot_general3A_9 {dimension_numbers = #tpu.dot_dimension_numbers<[1], [0], [0], [1], [0, 0, 1, 1], [], []>, transpose_lhs_hint = false} : vector<8000x8xf32>, vector<8x64xf32>, vector<8000x64xf32> -> vector<8000x64xf32>
    %swap3A = arith.constant 0 : index
    %swap3A_11 = arith.constant 0 : index
    %swap3A_12 = vector.load %arg4[%swap3A, %swap3A_11] : memref<8000x64xf32, #tpu.memory_space<vmem>>, vector<8000x64xf32>
    tpu.vector_store %arg4[%swap3A, %swap3A_11], %dot_general3A_10 {strides = array<i32>} : memref<8000x64xf32, #tpu.memory_space<vmem>>, vector<8000x64xf32>,
    return
  }
  func.func @transform_0(%arg0: i32) -> (i32, i32) {
    %c0_i32 = arith.constant 0 : i32
    %c0_i32_0 = arith.constant 0 : i32
    return %arg0, %c0_i32 : i32, i32
  }
  func.func @transform_1(%arg0: i32) -> (i32, i32) {
    %c0_i32 = arith.constant 0 : i32
    %c0_i32_0 = arith.constant 0 : i32
    %c0_i32_1 = arith.constant 0 : i32
    return %c0_i32, %c0_i32_0 : i32, i32
  }
  func.func @transform_2(%arg0: i32) -> (i32, i32) {
    %c0_i32 = arith.constant 0 : i32
    %c0_i32_0 = arith.constant 0 : i32
    %c0_i32_1 = arith.constant 0 : i32
    return %c0_i32, %c0_i32_0 : i32, i32
  }
  func.func @transform_3(%arg0: i32) -> (i32, i32) {
    %c0_i32 = arith.constant 0 : i32
    %c0_i32_0 = arith.constant 0 : i32
    return %arg0, %c0_i32 : i32, i32
  }
}

module attributes {stable_mosaic.version = 14 : i64} {
  func.func @_stage_d_body(%arg0: i32, %arg1: memref<2000x64xf32, #tpu.memory_space<vmem>>, %arg2: memref<2000x128xf32, #tpu.memory_space<vmem>>, %arg3: memref<2000x128xf32, #tpu.memory_space<vmem>>, %arg4: memref<2000x6xf32, #tpu.memory_space<vmem>>, %arg5: memref<64x128xf32, #tpu.memory_space<vmem>>, %arg6: memref<128x128xf32, #tpu.memory_space<vmem>>, %arg7: memref<1x128xf32, #tpu.memory_space<vmem>>, %arg8: memref<128x128xf32, #tpu.memory_space<vmem>>, %arg9: memref<1x128xf32, #tpu.memory_space<vmem>>, %arg10: memref<128x128xf32, #tpu.memory_space<vmem>>, %arg11: memref<1x128xf32, #tpu.memory_space<vmem>>, %arg12: memref<128x128xf32, #tpu.memory_space<vmem>>, %arg13: memref<1x128xf32, #tpu.memory_space<vmem>>, %arg14: memref<128x128xf32, #tpu.memory_space<vmem>>, %arg15: memref<1x128xf32, #tpu.memory_space<vmem>>, %arg16: memref<128x128xf32, #tpu.memory_space<vmem>>, %arg17: memref<1x128xf32, #tpu.memory_space<vmem>>, %arg18: memref<128x128xf32, #tpu.memory_space<vmem>>, %arg19: memref<1x128xf32, #tpu.memory_space<vmem>>, %arg20: memref<6x128xf32, #tpu.memory_space<vmem>>, %arg21: memref<2000x128xf32, #tpu.memory_space<vmem>>, %arg22: memref<2000x128xf32, #tpu.memory_space<vmem>>) attributes {dimension_semantics = [#tpu.dimension_semantics<arbitrary>], iteration_bounds = array<i64: 80>, scalar_prefetch = 0 : i64, scratch_operands = 0 : i64, tpu.core_type = #tpu.core_type<tc>, window_params = [{transform_indices = @transform_0, window_bounds = array<i64: 2000, 64>}, {transform_indices = @transform_1, window_bounds = array<i64: 2000, 128>}, {transform_indices = @transform_2, window_bounds = array<i64: 2000, 128>}, {transform_indices = @transform_3, window_bounds = array<i64: 2000, 6>}, {pipeline_mode = #tpu.pipeline_mode<synchronous>, transform_indices = @transform_4, window_bounds = array<i64: 64, 128>}, {pipeline_mode = #tpu.pipeline_mode<synchronous>, transform_indices = @transform_5, window_bounds = array<i64: 128, 128>}, {pipeline_mode = #tpu.pipeline_mode<synchronous>, transform_indices = @transform_6, window_bounds = array<i64: 1, 128>}, {pipeline_mode = #tpu.pipeline_mode<synchronous>, transform_indices = @transform_7, window_bounds = array<i64: 128, 128>}, {pipeline_mode = #tpu.pipeline_mode<synchronous>, transform_indices = @transform_8, window_bounds = array<i64: 1, 128>}, {pipeline_mode = #tpu.pipeline_mode<synchronous>, transform_indices = @transform_9, window_bounds = array<i64: 128, 128>}, {pipeline_mode = #tpu.pipeline_mode<synchronous>, transform_indices = @transform_10, window_bounds = array<i64: 1, 128>}, {pipeline_mode = #tpu.pipeline_mode<synchronous>, transform_indices = @transform_11, window_bounds = array<i64: 128, 128>}, {pipeline_mode = #tpu.pipeline_mode<synchronous>, transform_indices = @transform_12, window_bounds = array<i64: 1, 128>}, {pipeline_mode = #tpu.pipeline_mode<synchronous>, transform_indices = @transform_13, window_bounds = array<i64: 128, 128>}, {pipeline_mode = #tpu.pipeline_mode<synchronous>, transform_indices = @transform_14, window_bounds = array<i64: 1, 128>}, {pipeline_mode = #tpu.pipeline_mode<synchronous>, transform_indices = @transform_15, window_bounds = array<i64: 128, 128>}, {pipeline_mode = #tpu.pipeline_mode<synchronous>, transform_indices = @transform_16, window_bounds = array<i64: 1, 128>}, {pipeline_mode = #tpu.pipeline_mode<synchronous>, transform_indices = @transform_17, window_bounds = array<i64: 128, 128>}, {pipeline_mode = #tpu.pipeline_mode<synchronous>, transform_indices = @transform_18, window_bounds = array<i64: 1, 128>}, {pipeline_mode = #tpu.pipeline_mode<synchronous>, transform_indices = @transform_19, window_bounds = array<i64: 6, 128>}, {transform_indices = @transform_20, window_bounds = array<i64: 2000, 128>}, {transform_indices = @transform_21, window_bounds = array<i64: 2000, 128>}]} {
    %get3A = arith.constant 0 : index
    %get3A_0 = arith.constant 0 : index
    %get3A_1 = vector.load %arg1[%get3A, %get3A_0] : memref<2000x64xf32, #tpu.memory_space<vmem>>, vector<2000x64xf32>
    %get3A_2 = arith.constant 0 : index
    %get3A_3 = arith.constant 0 : index
    %get3A_4 = vector.load %arg5[%get3A_2, %get3A_3] : memref<64x128xf32, #tpu.memory_space<vmem>>, vector<64x128xf32>
    %dot_general3A = arith.constant dense<0.000000e+00> : vector<2000x128xf32>
    %dot_general3A_5 = tpu.matmul %get3A_1, %get3A_4, %dot_general3A {dimension_numbers = #tpu.dot_dimension_numbers<[1], [0], [0], [1], [0, 0, 1, 1], [], []>, transpose_lhs_hint = false} : vector<2000x64xf32>, vector<64x128xf32>, vector<2000x128xf32> -> vector<2000x128xf32>
    %logistic3A = arith.negf %dot_general3A_5 : vector<2000x128xf32>
    %logistic3A_6 = math.exp %logistic3A : vector<2000x128xf32>
    %logistic3A_7 = arith.constant 1.000000e+00 : f32
    %logistic3A_8 = vector.broadcast %logistic3A_7 : f32 to vector<2000x128xf32>
    %logistic3A_9 = arith.addf %logistic3A_8, %logistic3A_6 : vector<2000x128xf32>
    %logistic3A_10 = arith.divf %logistic3A_8, %logistic3A_9 : vector<2000x128xf32>
    %mul3A = arith.mulf %dot_general3A_5, %logistic3A_10 : vector<2000x128xf32>
    %get3A_11 = arith.constant 0 : index
    %get3A_12 = arith.constant 0 : index
    %get3A_13 = vector.load %arg2[%get3A_11, %get3A_12] : memref<2000x128xf32, #tpu.memory_space<vmem>>, vector<2000x128xf32>
    %add3A = arith.addf %get3A_13, %mul3A : vector<2000x128xf32>
    %get3A_14 = arith.constant 0 : index
    %get3A_15 = arith.constant 0 : index
    %get3A_16 = vector.load %arg6[%get3A_14, %get3A_15] : memref<128x128xf32, #tpu.memory_space<vmem>>, vector<128x128xf32>
    %dot_general3A_17 = arith.constant dense<0.000000e+00> : vector<2000x128xf32>
    %dot_general3A_18 = tpu.matmul %add3A, %get3A_16, %dot_general3A_17 {dimension_numbers = #tpu.dot_dimension_numbers<[1], [0], [0], [1], [0, 0, 1, 1], [], []>, transpose_lhs_hint = false} : vector<2000x128xf32>, vector<128x128xf32>, vector<2000x128xf32> -> vector<2000x128xf32>
    %get3A_19 = arith.constant 0 : index
    %get3A_20 = arith.constant 0 : index
    %get3A_21 = vector.load %arg7[%get3A_19, %get3A_20] : memref<1x128xf32, #tpu.memory_space<vmem>>, vector<1x128xf32>
    %add3A_22 = vector.broadcast %get3A_21 : vector<1x128xf32> to vector<2000x128xf32>
    %add3A_23 = arith.addf %dot_general3A_18, %add3A_22 : vector<2000x128xf32>
    %logistic3A_24 = arith.negf %add3A_23 : vector<2000x128xf32>
    %logistic3A_25 = math.exp %logistic3A_24 : vector<2000x128xf32>
    %logistic3A_26 = arith.constant 1.000000e+00 : f32
    %logistic3A_27 = vector.broadcast %logistic3A_26 : f32 to vector<2000x128xf32>
    %logistic3A_28 = arith.addf %logistic3A_27, %logistic3A_25 : vector<2000x128xf32>
    %logistic3A_29 = arith.divf %logistic3A_27, %logistic3A_28 : vector<2000x128xf32>
    %mul3A_30 = arith.mulf %add3A_23, %logistic3A_29 : vector<2000x128xf32>
    %get3A_31 = arith.constant 0 : index
    %get3A_32 = arith.constant 0 : index
    %get3A_33 = vector.load %arg8[%get3A_31, %get3A_32] : memref<128x128xf32, #tpu.memory_space<vmem>>, vector<128x128xf32>
    %dot_general3A_34 = arith.constant dense<0.000000e+00> : vector<2000x128xf32>
    %dot_general3A_35 = tpu.matmul %mul3A_30, %get3A_33, %dot_general3A_34 {dimension_numbers = #tpu.dot_dimension_numbers<[1], [0], [0], [1], [0, 0, 1, 1], [], []>, transpose_lhs_hint = false} : vector<2000x128xf32>, vector<128x128xf32>, vector<2000x128xf32> -> vector<2000x128xf32>
    %get3A_36 = arith.constant 0 : index
    %get3A_37 = arith.constant 0 : index
    %get3A_38 = vector.load %arg9[%get3A_36, %get3A_37] : memref<1x128xf32, #tpu.memory_space<vmem>>, vector<1x128xf32>
    %add3A_39 = vector.broadcast %get3A_38 : vector<1x128xf32> to vector<2000x128xf32>
    %add3A_40 = arith.addf %dot_general3A_35, %add3A_39 : vector<2000x128xf32>
    %logistic3A_41 = arith.negf %add3A_40 : vector<2000x128xf32>
    %logistic3A_42 = math.exp %logistic3A_41 : vector<2000x128xf32>
    %logistic3A_43 = arith.constant 1.000000e+00 : f32
    %logistic3A_44 = vector.broadcast %logistic3A_43 : f32 to vector<2000x128xf32>
    %logistic3A_45 = arith.addf %logistic3A_44, %logistic3A_42 : vector<2000x128xf32>
    %logistic3A_46 = arith.divf %logistic3A_44, %logistic3A_45 : vector<2000x128xf32>
    %mul3A_47 = arith.mulf %add3A_40, %logistic3A_46 : vector<2000x128xf32>
    %add3A_48 = arith.addf %add3A, %mul3A_47 : vector<2000x128xf32>
    %get3A_49 = arith.constant 0 : index
    %get3A_50 = arith.constant 0 : index
    %get3A_51 = vector.load %arg10[%get3A_49, %get3A_50] : memref<128x128xf32, #tpu.memory_space<vmem>>, vector<128x128xf32>
    %dot_general3A_52 = arith.constant dense<0.000000e+00> : vector<2000x128xf32>
    %dot_general3A_53 = tpu.matmul %add3A_48, %get3A_51, %dot_general3A_52 {dimension_numbers = #tpu.dot_dimension_numbers<[1], [0], [0], [1], [0, 0, 1, 1], [], []>, transpose_lhs_hint = false} : vector<2000x128xf32>, vector<128x128xf32>, vector<2000x128xf32> -> vector<2000x128xf32>
    %get3A_54 = arith.constant 0 : index
    %get3A_55 = arith.constant 0 : index
    %get3A_56 = vector.load %arg11[%get3A_54, %get3A_55] : memref<1x128xf32, #tpu.memory_space<vmem>>, vector<1x128xf32>
    %add3A_57 = vector.broadcast %get3A_56 : vector<1x128xf32> to vector<2000x128xf32>
    %add3A_58 = arith.addf %dot_general3A_53, %add3A_57 : vector<2000x128xf32>
    %logistic3A_59 = arith.negf %add3A_58 : vector<2000x128xf32>
    %logistic3A_60 = math.exp %logistic3A_59 : vector<2000x128xf32>
    %logistic3A_61 = arith.constant 1.000000e+00 : f32
    %logistic3A_62 = vector.broadcast %logistic3A_61 : f32 to vector<2000x128xf32>
    %logistic3A_63 = arith.addf %logistic3A_62, %logistic3A_60 : vector<2000x128xf32>
    %logistic3A_64 = arith.divf %logistic3A_62, %logistic3A_63 : vector<2000x128xf32>
    %mul3A_65 = arith.mulf %add3A_58, %logistic3A_64 : vector<2000x128xf32>
    %get3A_66 = arith.constant 0 : index
    %get3A_67 = arith.constant 0 : index
    %get3A_68 = vector.load %arg3[%get3A_66, %get3A_67] : memref<2000x128xf32, #tpu.memory_space<vmem>>, vector<2000x128xf32>
    %add3A_69 = arith.addf %mul3A_65, %get3A_68 : vector<2000x128xf32>
    %get3A_70 = arith.constant 0 : index
    %get3A_71 = arith.constant 0 : index
    %get3A_72 = vector.load %arg12[%get3A_70, %get3A_71] : memref<128x128xf32, #tpu.memory_space<vmem>>, vector<128x128xf32>
    %dot_general3A_73 = arith.constant dense<0.000000e+00> : vector<2000x128xf32>
    %dot_general3A_74 = tpu.matmul %add3A_69, %get3A_72, %dot_general3A_73 {dimension_numbers = #tpu.dot_dimension_numbers<[1], [0], [0], [1], [0, 0, 1, 1], [], []>, transpose_lhs_hint = false} : vector<2000x128xf32>, vector<128x128xf32>, vector<2000x128xf32> -> vector<2000x128xf32>
    %get3A_75 = arith.constant 0 : index
    %get3A_76 = arith.constant 0 : index
    %get3A_77 = vector.load %arg13[%get3A_75, %get3A_76] : memref<1x128xf32, #tpu.memory_space<vmem>>, vector<1x128xf32>
    %add3A_78 = vector.broadcast %get3A_77 : vector<1x128xf32> to vector<2000x128xf32>
    %add3A_79 = arith.addf %dot_general3A_74, %add3A_78 : vector<2000x128xf32>
    %logistic3A_80 = arith.negf %add3A_79 : vector<2000x128xf32>
    %logistic3A_81 = math.exp %logistic3A_80 : vector<2000x128xf32>
    %logistic3A_82 = arith.constant 1.000000e+00 : f32
    %logistic3A_83 = vector.broadcast %logistic3A_82 : f32 to vector<2000x128xf32>
    %logistic3A_84 = arith.addf %logistic3A_83, %logistic3A_81 : vector<2000x128xf32>
    %logistic3A_85 = arith.divf %logistic3A_83, %logistic3A_84 : vector<2000x128xf32>
    %mul3A_86 = arith.mulf %add3A_79, %logistic3A_85 : vector<2000x128xf32>
    %get3A_87 = arith.constant 0 : index
    %get3A_88 = arith.constant 0 : index
    %get3A_89 = vector.load %arg14[%get3A_87, %get3A_88] : memref<128x128xf32, #tpu.memory_space<vmem>>, vector<128x128xf32>
    %dot_general3A_90 = arith.constant dense<0.000000e+00> : vector<2000x128xf32>
    %dot_general3A_91 = tpu.matmul %mul3A_86, %get3A_89, %dot_general3A_90 {dimension_numbers = #tpu.dot_dimension_numbers<[1], [0], [0], [1], [0, 0, 1, 1], [], []>, transpose_lhs_hint = false} : vector<2000x128xf32>, vector<128x128xf32>, vector<2000x128xf32> -> vector<2000x128xf32>
    %get3A_92 = arith.constant 0 : index
    %get3A_93 = arith.constant 0 : index
    %get3A_94 = vector.load %arg15[%get3A_92, %get3A_93] : memref<1x128xf32, #tpu.memory_space<vmem>>, vector<1x128xf32>
    %add3A_95 = vector.broadcast %get3A_94 : vector<1x128xf32> to vector<2000x128xf32>
    %add3A_96 = arith.addf %dot_general3A_91, %add3A_95 : vector<2000x128xf32>
    %logistic3A_97 = arith.negf %add3A_96 : vector<2000x128xf32>
    %logistic3A_98 = math.exp %logistic3A_97 : vector<2000x128xf32>
    %logistic3A_99 = arith.constant 1.000000e+00 : f32
    %logistic3A_100 = vector.broadcast %logistic3A_99 : f32 to vector<2000x128xf32>
    %logistic3A_101 = arith.addf %logistic3A_100, %logistic3A_98 : vector<2000x128xf32>
    %logistic3A_102 = arith.divf %logistic3A_100, %logistic3A_101 : vector<2000x128xf32>
    %mul3A_103 = arith.mulf %add3A_96, %logistic3A_102 : vector<2000x128xf32>
    %add3A_104 = arith.addf %add3A_69, %mul3A_103 : vector<2000x128xf32>
    %get3A_105 = arith.constant 0 : index
    %get3A_106 = arith.constant 0 : index
    %get3A_107 = vector.load %arg16[%get3A_105, %get3A_106] : memref<128x128xf32, #tpu.memory_space<vmem>>, vector<128x128xf32>
    %dot_general3A_108 = arith.constant dense<0.000000e+00> : vector<2000x128xf32>
    %dot_general3A_109 = tpu.matmul %add3A_104, %get3A_107, %dot_general3A_108 {dimension_numbers = #tpu.dot_dimension_numbers<[1], [0], [0], [1], [0, 0, 1, 1], [], []>, transpose_lhs_hint = false} : vector<2000x128xf32>, vector<128x128xf32>, vector<2000x128xf32> -> vector<2000x128xf32>
    %get3A_110 = arith.constant 0 : index
    %get3A_111 = arith.constant 0 : index
    %get3A_112 = vector.load %arg17[%get3A_110, %get3A_111] : memref<1x128xf32, #tpu.memory_space<vmem>>, vector<1x128xf32>
    %add3A_113 = vector.broadcast %get3A_112 : vector<1x128xf32> to vector<2000x128xf32>
    %add3A_114 = arith.addf %dot_general3A_109, %add3A_113 : vector<2000x128xf32>
    %logistic3A_115 = arith.negf %add3A_114 : vector<2000x128xf32>
    %logistic3A_116 = math.exp %logistic3A_115 : vector<2000x128xf32>
    %logistic3A_117 = arith.constant 1.000000e+00 : f32
    %logistic3A_118 = vector.broadcast %logistic3A_117 : f32 to vector<2000x128xf32>
    %logistic3A_119 = arith.addf %logistic3A_118, %logistic3A_116 : vector<2000x128xf32>
    %logistic3A_120 = arith.divf %logistic3A_118, %logistic3A_119 : vector<2000x128xf32>
    %mul3A_121 = arith.mulf %add3A_114, %logistic3A_120 : vector<2000x128xf32>
    %get3A_122 = arith.constant 0 : index
    %get3A_123 = arith.constant 0 : index
    %get3A_124 = vector.load %arg18[%get3A_122, %get3A_123] : memref<128x128xf32, #tpu.memory_space<vmem>>, vector<128x128xf32>
    %dot_general3A_125 = arith.constant dense<0.000000e+00> : vector<2000x128xf32>
    %dot_general3A_126 = tpu.matmul %mul3A_121, %get3A_124, %dot_general3A_125 {dimension_numbers = #tpu.dot_dimension_numbers<[1], [0], [0], [1], [0, 0, 1, 1], [], []>, transpose_lhs_hint = false} : vector<2000x128xf32>, vector<128x128xf32>, vector<2000x128xf32> -> vector<2000x128xf32>
    %get3A_127 = arith.constant 0 : index
    %get3A_128 = arith.constant 0 : index
    %get3A_129 = vector.load %arg19[%get3A_127, %get3A_128] : memref<1x128xf32, #tpu.memory_space<vmem>>, vector<1x128xf32>
    %add3A_130 = vector.broadcast %get3A_129 : vector<1x128xf32> to vector<2000x128xf32>
    %add3A_131 = arith.addf %dot_general3A_126, %add3A_130 : vector<2000x128xf32>
    %logistic3A_132 = arith.negf %add3A_131 : vector<2000x128xf32>
    %logistic3A_133 = math.exp %logistic3A_132 : vector<2000x128xf32>
    %logistic3A_134 = arith.constant 1.000000e+00 : f32
    %logistic3A_135 = vector.broadcast %logistic3A_134 : f32 to vector<2000x128xf32>
    %logistic3A_136 = arith.addf %logistic3A_135, %logistic3A_133 : vector<2000x128xf32>
    %logistic3A_137 = arith.divf %logistic3A_135, %logistic3A_136 : vector<2000x128xf32>
    %mul3A_138 = arith.mulf %add3A_131, %logistic3A_137 : vector<2000x128xf32>
    %add3A_139 = arith.addf %add3A_104, %mul3A_138 : vector<2000x128xf32>
    %swap3A = arith.constant 0 : index
    %swap3A_140 = arith.constant 0 : index
    %swap3A_141 = vector.load %arg21[%swap3A, %swap3A_140] : memref<2000x128xf32, #tpu.memory_space<vmem>>, vector<2000x128xf32>
    tpu.vector_store %arg21[%swap3A, %swap3A_140], %add3A_139 {strides = array<i32>} : memref<2000x128xf32, #tpu.memory_space<vmem>>, vector<2000x128xf32>,
    %get3A_142 = arith.constant 0 : index
    %get3A_143 = arith.constant 0 : index
    %get3A_144 = vector.load %arg4[%get3A_142, %get3A_143] : memref<2000x6xf32, #tpu.memory_space<vmem>>, vector<2000x6xf32>
    %get3A_145 = arith.constant 0 : index
    %get3A_146 = arith.constant 0 : index
    %get3A_147 = vector.load %arg20[%get3A_145, %get3A_146] : memref<6x128xf32, #tpu.memory_space<vmem>>, vector<6x128xf32>
    %dot_general3A_148 = arith.constant dense<0.000000e+00> : vector<2000x128xf32>
    %dot_general3A_149 = tpu.matmul %get3A_144, %get3A_147, %dot_general3A_148 {dimension_numbers = #tpu.dot_dimension_numbers<[1], [0], [0], [1], [0, 0, 1, 1], [], []>, transpose_lhs_hint = false} : vector<2000x6xf32>, vector<6x128xf32>, vector<2000x128xf32> -> vector<2000x128xf32>
    %mul3A_150 = arith.mulf %dot_general3A_149, %add3A_139 : vector<2000x128xf32>
    %swap3A_151 = arith.constant 0 : index
    %swap3A_152 = arith.constant 0 : index
    %swap3A_153 = vector.load %arg22[%swap3A_151, %swap3A_152] : memref<2000x128xf32, #tpu.memory_space<vmem>>, vector<2000x128xf32>
    tpu.vector_store %arg22[%swap3A_151, %swap3A_152], %mul3A_150 {strides = array<i32>} : memref<2000x128xf32, #tpu.memory_space<vmem>>, vector<2000x128xf32>,
    return
  }
  func.func @transform_0(%arg0: i32) -> (i32, i32) {
    %c0_i32 = arith.constant 0 : i32
    %c0_i32_0 = arith.constant 0 : i32
    return %arg0, %c0_i32 : i32, i32
  }
  func.func @transform_1(%arg0: i32) -> (i32, i32) {
    %c0_i32 = arith.constant 0 : i32
    %c0_i32_0 = arith.constant 0 : i32
    return %arg0, %c0_i32 : i32, i32
  }
  func.func @transform_2(%arg0: i32) -> (i32, i32) {
    %c0_i32 = arith.constant 0 : i32
    %c0_i32_0 = arith.constant 0 : i32
    return %arg0, %c0_i32 : i32, i32
  }
  func.func @transform_3(%arg0: i32) -> (i32, i32) {
    %c0_i32 = arith.constant 0 : i32
    %c0_i32_0 = arith.constant 0 : i32
    return %arg0, %c0_i32 : i32, i32
  }
  func.func @transform_4(%arg0: i32) -> (i32, i32) {
    %c0_i32 = arith.constant 0 : i32
    %c0_i32_0 = arith.constant 0 : i32
    %c0_i32_1 = arith.constant 0 : i32
    return %c0_i32, %c0_i32_0 : i32, i32
  }
  func.func @transform_5(%arg0: i32) -> (i32, i32) {
    %c0_i32 = arith.constant 0 : i32
    %c0_i32_0 = arith.constant 0 : i32
    %c0_i32_1 = arith.constant 0 : i32
    return %c0_i32, %c0_i32_0 : i32, i32
  }
  func.func @transform_6(%arg0: i32) -> (i32, i32) {
    %c0_i32 = arith.constant 0 : i32
    %c0_i32_0 = arith.constant 0 : i32
    %c0_i32_1 = arith.constant 0 : i32
    return %c0_i32, %c0_i32_0 : i32, i32
  }
  func.func @transform_7(%arg0: i32) -> (i32, i32) {
    %c0_i32 = arith.constant 0 : i32
    %c0_i32_0 = arith.constant 0 : i32
    %c0_i32_1 = arith.constant 0 : i32
    return %c0_i32, %c0_i32_0 : i32, i32
  }
  func.func @transform_8(%arg0: i32) -> (i32, i32) {
    %c0_i32 = arith.constant 0 : i32
    %c0_i32_0 = arith.constant 0 : i32
    %c0_i32_1 = arith.constant 0 : i32
    return %c0_i32, %c0_i32_0 : i32, i32
  }
  func.func @transform_9(%arg0: i32) -> (i32, i32) {
    %c0_i32 = arith.constant 0 : i32
    %c0_i32_0 = arith.constant 0 : i32
    %c0_i32_1 = arith.constant 0 : i32
    return %c0_i32, %c0_i32_0 : i32, i32
  }
  func.func @transform_10(%arg0: i32) -> (i32, i32) {
    %c0_i32 = arith.constant 0 : i32
    %c0_i32_0 = arith.constant 0 : i32
    %c0_i32_1 = arith.constant 0 : i32
    return %c0_i32, %c0_i32_0 : i32, i32
  }
  func.func @transform_11(%arg0: i32) -> (i32, i32) {
    %c0_i32 = arith.constant 0 : i32
    %c0_i32_0 = arith.constant 0 : i32
    %c0_i32_1 = arith.constant 0 : i32
    return %c0_i32, %c0_i32_0 : i32, i32
  }
  func.func @transform_12(%arg0: i32) -> (i32, i32) {
    %c0_i32 = arith.constant 0 : i32
    %c0_i32_0 = arith.constant 0 : i32
    %c0_i32_1 = arith.constant 0 : i32
    return %c0_i32, %c0_i32_0 : i32, i32
  }
  func.func @transform_13(%arg0: i32) -> (i32, i32) {
    %c0_i32 = arith.constant 0 : i32
    %c0_i32_0 = arith.constant 0 : i32
    %c0_i32_1 = arith.constant 0 : i32
    return %c0_i32, %c0_i32_0 : i32, i32
  }
  func.func @transform_14(%arg0: i32) -> (i32, i32) {
    %c0_i32 = arith.constant 0 : i32
    %c0_i32_0 = arith.constant 0 : i32
    %c0_i32_1 = arith.constant 0 : i32
    return %c0_i32, %c0_i32_0 : i32, i32
  }
  func.func @transform_15(%arg0: i32) -> (i32, i32) {
    %c0_i32 = arith.constant 0 : i32
    %c0_i32_0 = arith.constant 0 : i32
    %c0_i32_1 = arith.constant 0 : i32
    return %c0_i32, %c0_i32_0 : i32, i32
  }
  func.func @transform_16(%arg0: i32) -> (i32, i32) {
    %c0_i32 = arith.constant 0 : i32
    %c0_i32_0 = arith.constant 0 : i32
    %c0_i32_1 = arith.constant 0 : i32
    return %c0_i32, %c0_i32_0 : i32, i32
  }
  func.func @transform_17(%arg0: i32) -> (i32, i32) {
    %c0_i32 = arith.constant 0 : i32
    %c0_i32_0 = arith.constant 0 : i32
    %c0_i32_1 = arith.constant 0 : i32
    return %c0_i32, %c0_i32_0 : i32, i32
  }
  func.func @transform_18(%arg0: i32) -> (i32, i32) {
    %c0_i32 = arith.constant 0 : i32
    %c0_i32_0 = arith.constant 0 : i32
    %c0_i32_1 = arith.constant 0 : i32
    return %c0_i32, %c0_i32_0 : i32, i32
  }
  func.func @transform_19(%arg0: i32) -> (i32, i32) {
    %c0_i32 = arith.constant 0 : i32
    %c0_i32_0 = arith.constant 0 : i32
    %c0_i32_1 = arith.constant 0 : i32
    return %c0_i32, %c0_i32_0 : i32, i32
  }
  func.func @transform_20(%arg0: i32) -> (i32, i32) {
    %c0_i32 = arith.constant 0 : i32
    %c0_i32_0 = arith.constant 0 : i32
    return %arg0, %c0_i32 : i32, i32
  }
  func.func @transform_21(%arg0: i32) -> (i32, i32) {
    %c0_i32 = arith.constant 0 : i32
    %c0_i32_0 = arith.constant 0 : i32
    return %arg0, %c0_i32 : i32, i32
  }
}

</mosaic_0001>

<sc_bundles>
// kernel: kernel.6.cloned.1.call-start
scs
__scs_entry_jumppad:
0x0: {  	(pc) =	sbr.rel $0x88, $3  }
0x1: {  	(tag) =	ssettag $0x0;
	lr =	simm.s32 $0x1  }
0x2: {  	[smem:$0x3F83] =	sst lr;
	_ =	strace $0xD0000000  }
0x3: {  	_ = 	snop  }
0x4: {  	_ = 	snop  }
0x5: {  	_ = 	snop  }
0x6: {  	_ = 	snop  }
0x7: {  	_ = 	snop  }
__scs_overlays_trampoline_lowered:
0x8: {  	[smem:$0x3F92] =	sst s0  }
0x9: {  	[smem:$0x3F93] =	sst s1  }
0xa: {  	[smem:$0x3F94] =	sst s2  }
0xb: {  	[smem:$0x3F95] =	sst s3  }
0xc: {  	[smem:$0x3F96] =	sst s4  }
0xd: {  	[smem:$0x3F97] =	sst s5  }
0xe: {  	[smem:$0x3F98] =	sst s6  }
0xf: {  	[smem:$0x3F99] =	sst s7  }
0x10: {  	[smem:$0x3F9A] =	sst s8  }
0x11: {  	[smem:$0x3F9B] =	sst s9;
	s0 =	simm.s32 @!p0 $0x0  }
0x12: {  	s1 =	sld [smem:$0x3F81];
	s0 =	simm.s32 @p0 $0x1  }
0x13: {  	[smem:$0x3F9C] =	sst s0;
	s0 =	simm.s32 @!p1 $0x0  }
0x14: {  	s2 =	sld [smem:$0x3F80];
	s0 =	simm.s32 @p1 $0x1  }
0x15: {  	[smem:$0x3F9D] =	sst s0;
	s0 =	simm.s32 @!p2 $0x0  }
0x16: {  	s3 =	sld [smem:$0x3FDB];
	s0 =	simm.s32 @p2 $0x1  }
0x17: {  	s4 =	simm.s32 $0x1BF5;
	[smem:$0x3F9F] =	sst s0  }
0x18: {  	s0 =	sld [smem:$0x3F82];
	_ =	swait.ge [sflag:s4], $0x0  }
0x19: {  	s7 =	sld [smem:$0x3F83]  }
0x1a: {  	s8 =	sadd.s32 $0xFFFFE003, lr  }
0x1b: {  	s9 =	sadd.s32 $0xFFFFFEF7, lr;
	s5 =	simm.s32 $0xFFFFFFFF;
	p2 =	slt.u32 s8, $0xFFFFF086  }
0x1c: {  	p1 =	slt.u32 s9, $0xF7A;
	s5 =	simm.s32 @!p2 $0x0  }
0x1d: {  	s5 =	simm.s32 @p1 $0x1;
	p0 =	seq.s32 s7, s2  }
0x1e: {  	s7 =	smul.u32 @!p0 $0xF7A, s2;
	p2 =	seq.s32 @!p0 s5, $0x0  }
0x1f: {  	s9 =	smul.u32 $0xF7A, s1;
	s8 =	simm.s32 @!p0 $0x1BF5;
	p2 =	por !p2, p0  }
0x20: {  	[sflag:s8] =	ssyncset.s32 @!p0 $0xFFFFF086;
	s6 =	sadd.s32 @!p0 s3, s7;
	s7 =	simm.s32 @!p0 $0x108  }
0x21: {  	s3 =	sadd.s32 s3, s9;
	s6 =	sadd.s32 @!p0 $0x88, s6;
	s7 =	simm.s32 @p2 $0x1082  }
0x22: {  	[simem:s7], [sflag:s8] =	dma.local @!p0 [hbm:s6], $0xF7A  }
0x23: {  	s9 =	sor.u32 $0xD0000000, s2;
	s6 =	simm.s32 $0x108;
	_ =	swait.ge @!p0 [sflag:s8], $0x0  }
0x24: {  	s3 =	sadd.s32 $0x88, s3;
	s6 =	simm.s32 @!p1 $0x1082;
	[sflag:s4] =	ssyncset.s32 $0xFFFFF086  }
0x25: {  	[simem:s6], [sflag:s4] =	dma.local [hbm:s3], $0xF7A  }
0x26: {  	[smem:$0x3F83] =	sst s1;
	(tag) =	ssettag s2;
	_ =	strace s9  }
0x27: {  	s1 =	sld [smem:$0x3F93]  }
0x28: {  	s2 =	sld [smem:$0x3F94]  }
0x29: {  	s4 =	sld [smem:$0x3F96]  }
0x2a: {  	p0 =	seq.s32 s5, $0x0;
	s5 =	sld [smem:$0x3F97]  }
0x2b: {  	s6 =	sld [smem:$0x3F98]  }
0x2c: {  	s7 =	sld [smem:$0x3F99]  }
0x2d: {  	s3 =	simm.s32 $0x108;
	s8 =	sld [smem:$0x3F9A]  }
0x2e: {  	s3 =	simm.s32 @!p0 $0x1082;
	s9 =	sld [smem:$0x3F9B]  }
0x2f: {  	lr =	sadd.s32 s0, s3;
	s0 =	sld [smem:$0x3F92]  }
0x30: {  	s3 =	sld [smem:$0x3F95]  }
0x31: {  	[smem:$0x3F9E] =	sst s10  }
0x32: {  	s10 =	sld [smem:$0x3F9C];
	_ =	sdelay $0x3  }
0x33: {  	p0 =	seq.s32 s10, $0x1;
	s10 =	sld [smem:$0x3F9E];
	_ =	sdelay $0x3  }
0x34: {  	[smem:$0x3F9E] =	sst s10  }
0x35: {  	s10 =	sld [smem:$0x3F9D];
	_ =	sdelay $0x3  }
0x36: {  	p1 =	seq.s32 s10, $0x1;
	s10 =	sld [smem:$0x3F9E];
	_ =	sdelay $0x3  }
0x37: {  	[smem:$0x3F9E] =	sst s10  }
0x38: {  	s10 =	sld [smem:$0x3F9F]  }
0x39: {  	_ = 	snop;
	(pc) =	sbr.ind lr, $3  }
0x3a: {  	_ = 	snop  }
0x3b: {  	_ = 	snop  }
0x3c: {  	p2 =	seq.s32 s10, $0x1;
	s10 =	sld [smem:$0x3F9E]  }
0x3d: {  	_ =	shalt  }
0x3e: {  	_ =	shalt  }
0x3f: {  	_ =	shalt  }
0x40: {  	_ =	shalt  }
0x41: {  	_ =	shalt  }
0x42: {  	_ =	shalt  }
0x43: {  	_ =	shalt  }
0x44: {  	_ =	shalt  }
0x45: {  	_ =	shalt  }
0x46: {  	_ =	shalt  }
0x47: {  	_ =	shalt  }
0x48: {  	_ =	shalt  }
0x49: {  	_ =	shalt  }
0x4a: {  	_ =	shalt  }
0x4b: {  	_ =	shalt  }
0x4c: {  	_ =	shalt  }
0x4d: {  	_ =	shalt  }
0x4e: {  	_ =	shalt  }
0x4f: {  	_ =	shalt  }
0x50: {  	_ =	shalt  }
0x51: {  	_ =	shalt  }
0x52: {  	_ =	shalt  }
0x53: {  	_ =	shalt  }
0x54: {  	_ =	shalt  }
0x55: {  	_ =	shalt  }
0x56: {  	_ =	shalt  }
0x57: {  	_ =	shalt  }
0x58: {  	_ =	shalt  }
0x59: {  	_ =	shalt  }
0x5a: {  	_ =	shalt  }
0x5b: {  	_ =	shalt  }
0x5c: {  	_ =	shalt  }
0x5d: {  	_ =	shalt  }
0x5e: {  	_ =	shalt  }
0x5f: {  	_ =	shalt  }
0x60: {  	_ =	shalt  }
0x61: {  	_ =	shalt  }
0x62: {  	_ =	shalt  }
0x63: {  	_ =	shalt  }
0x64: {  	_ =	shalt  }
0x65: {  	_ =	shalt  }
0x66: {  	_ =	shalt  }
0x67: {  	_ =	shalt  }
0x68: {  	_ =	shalt  }
0x69: {  	_ =	shalt  }
0x6a: {  	_ =	shalt  }
0x6b: {  	_ =	shalt  }
0x6c: {  	_ =	shalt  }
0x6d: {  	_ =	shalt  }
0x6e: {  	_ =	shalt  }
0x6f: {  	_ =	shalt  }
0x70: {  	_ =	shalt  }
0x71: {  	_ =	shalt  }
0x72: {  	_ =	shalt  }
0x73: {  	_ =	shalt  }
0x74: {  	_ =	shalt  }
0x75: {  	_ =	shalt  }
0x76: {  	_ =	shalt  }
0x77: {  	_ =	shalt  }
0x78: {  	_ =	shalt  }
0x79: {  	_ =	shalt  }
0x7a: {  	_ =	shalt  }
0x7b: {  	_ =	shalt  }
0x7c: {  	_ =	shalt  }
0x7d: {  	_ =	shalt  }
0x7e: {  	_ =	shalt  }
0x7f: {  	_ =	shalt  }
0x80: {  	_ =	shalt  }
0x81: {  	_ =	shalt  }
0x82: {  	_ =	shalt  }
0x83: {  	_ =	shalt  }
0x84: {  	_ =	shalt  }
0x85: {  	_ =	shalt  }
0x86: {  	_ =	shalt  }
0x87: {  	_ =	shalt  }
.Lfunc_end0:
.L_simem_size_0:
called_computation_lowered:
.L_overlay_start_0:
0x88: {  	s2 =	sld [smem:$0x3FD9]  }
0x89: {  	s3 =	sld [smem:$0x3FFE];
	_ =	sdelay $0x1  }
0x8a: {  	s1 =	srdreg.scid  }
0x8b: {  	s0 =	sand.u32 $0x1, s1  }
0x8c: {  	s14 =	sshll.u32 s0, $0xA;
	s2 =	sadd.s32 s3, s2  }
0x8d: {  	s2 =	sadd.s32 s2, s14  }
0x8e: {  	[smem:$0x3FAA] =	sst s2  }
0x8f: {  	_ = 	snop  }
0x90: {  	s2 =	sld [smem:$0x3FD0];
	_ =	sdelay $0x1  }
0x91: {  	s15 =	sld [smem:$0x3FC6]  }
0x92: {  	s5 =	simm.s32 $0xA;
	s6 =	simm.s32 $0x10;
	s4 =	sld [smem:$0x3FC5]  }
0x93: {  	[smem:s6], [sflag:s5] =	dma.local [hbm:s2], $0x1  }
0x94: {  	_ =	swait.eq [sflag:s5], $0x1  }
0x95: {  	[sflag:s5] =	ssyncset.done $0x0  }
0x96: {  	s16 =	sld [smem:$0x10];
	[sflag:s5] =	ssyncadd.s32 $0xFFFFFFFF  }
0x97: {  	s17 =	sld [smem:$0x11];
	(tm) =	ssettm $0x1  }
0x98: {  	s18 =	sld [smem:$0x3FFB];
	_ =	sdelay $0x3  }
0x99: {  	_ =	strace s18  }
0x9a: {  	s6 =	sld [smem:$0x3FFC];
	_ =	sdelay $0x3  }
0x9b: {  	_ =	strace s6  }
0x9c: {  	s6 =	sld [smem:$0x3FFD];
	_ =	sdelay $0x3  }
0x9d: {  	_ =	strace s6  }
0x9e: {  	_ =	strace $0x8FFFFFFF  }
0x9f: {  	s19 =	sld [smem:$0x3FDB];
	_ =	sdelay $0x1  }
0xa0: {  	s7 =	simm.s32 $_scs_section_size  }
0xa1: {  	s8 =	simm.s32 $_size__tile_overlayer_lowered;
	s9 =	simm.s32 $_tile_overlayer_lowered  }
0xa2: {  	s22 =	simm.s32 $0x1BFF;
	s21 =	sshll.u32 s9, $0x1;
	s6 =	sadd.s32 s7, s19  }
0xa3: {  	s10 =	simm.s32 $0x0;
	s20 =	sshll.u32 s8, $0x1;
	s8 =	sadd.s32 s21, s6  }
0xa4: {  	[timem:s10], [sflag:s22] =	dma.local [hbm:s8], s20  }
0xa5: {  	_ =	swait.ge [sflag:s22], s20  }
0xa6: {  	s7 =	ssub.s32 $0x0, s20;
	[sflag:s22] =	ssyncset.done $0x0  }
0xa7: {  	[sflag:s22] =	ssyncadd.s32 s7;
	_ =	sdelay $0x1  }
0xa8: {  	s23 =	simm.s32 $0x1B8B  }
0xa9: {  	_ =	swait.ge [sflag:s23], $0x1  }
0xaa: {  	[sflag:s23] =	ssyncset.done $0x0  }
0xab: {  	s25 =	simm.s32 $0x1B8E;
	s24 =	sld [smem:$0x3FFE];
	[sflag:s23] =	ssyncadd.s32 $0xFFFFFFFF  }
0xac: {  	s26 =	simm.s32 $execute0_lowered;
	[smem:$0x3FD2] =	sst s25  }
0xad: {  	s8 =	sshll.u32 s26, $0x1;
	_ =	strace $0x80000046;
	[dreg:$0x1] =	wrdreg $0xFFFFFFFF  }
0xae: {  	s28 =	simm.s32 $_size_execute0_lowered;
	s6 =	sadd.s32 s6, s8;
	[dreg:$0x0] =	wrdreg $0x0  }
0xaf: {  	s8 =	sshll.u32 s28, $0x1;
	[dreg:$0x2] =	wrdreg s6  }
0xb0: {  	[dreg:$0x3] =	wrdreg s8  }
0xb1: {  	[dreg:$0x4] =	wrdreg $0xC0  }
0xb2: {  	_ =	task [dreg:s10], $0x5FFFF  }
0xb3: {  	[dreg:$0x1] =	wrdreg $0xFFFFFFFF  }
0xb4: {  	[dreg:$0x0] =	wrdreg $0x60  }
0xb5: {  	[dreg:$0x2] =	wrdreg s4  }
0xb6: {  	[dreg:$0x3] =	wrdreg s15  }
0xb7: {  	[dreg:$0x4] =	wrdreg s16  }
0xb8: {  	[dreg:$0x5] =	wrdreg s24  }
0xb9: {  	[dreg:$0x6] =	wrdreg s17  }
0xba: {  	[dreg:$0x7] =	wrdreg $0x0  }
0xbb: {  	[dreg:$0x8] =	wrdreg $0x9  }
0xbc: {  	_ =	task.clear_ibuf [dreg:s10], $0x9FFFF;
	_ =	strace $0x90000046  }
0xbd: {  	s29 =	simm.s32 $0x9;
	_ =	strace $0x80000049  }
0xbe: {  	_ =	swait.ge [sflag:s29], $0x1  }
0xbf: {  	[sflag:s29] =	ssyncadd.s32 $0xFFFFFFFF  }
0xc0: {  	_ =	strace $0x90000049  }
0xc1: {  	_ =	sfence  }
0xc2: {  	s30 =	sld [smem:$0x0];
	_ =	sdelay $0x2  }
0xc3: {  	s31 =	sshll.u32 s1, $0xD;
	s1 =	sshrl.u32 s1, $0x2  }
0xc4: {  	s3 =	sand.u32 $0x4000, s31;
	s1 =	sadd.s32 s1, s30  }
0xc5: {  	s0 =	sor.u32 s3, s0;
	s1 =	sshll.u32 s1, $0x11  }
0xc6: {  	s0 =	sor.u32 s1, s0  }
0xc7: {  	s0 =	sadd.s32 $0x8F2B, s0  }
0xc8: {  	[sflag:s0] =	ssyncadd.remote.s32 $0x1  }
0xc9: {  	_ =	sfence.sel $0xFFFF  }
0xca: {  	[dreg:$0x0] =	wrdreg $0xFFFFFFFF;
	(pc) =	sbr.abs _section_cstart, $3  }
0xcb: {  	[dreg:$0x1] =	wrdreg $0xFFFFFFFF  }
0xcc: {  	_ =	task.clear_ibuf [dreg:s10], $0x2FFFF;
	_ =	strace $0x9FFFFFFF  }
0xcd: {  	(tm) =	ssettm $0x7FFFFFFF  }
tec
execute0_lowered:
.L_overlay_start_1:
0x0: {  	(tag) =	ssettag $0x1  }
0x1: {  	s1 =	rddreg [dreg:$0x0]  }
0x2: {  	s2 =	rddreg [dreg:$0x1]  }
0x3: {  	s3 =	rddreg [dreg:$0x2]  }
0x4: {  	s0 =	rddreg [dreg:$0x3]  }
0x5: {  	s6 =	rddreg [dreg:$0x5]  }
0x6: {  	s10 =	simm.s32 $0x0;
	s4 =	srdreg.scid;
	s7 =	stileid.u32  }
0x7: {  	s28 =	simm.s32 $0x14070;
	s29 =	simm.s32 $0x15820;
	s30 =	simm.s32 $0x15030  }
0x8: {  	s31 =	simm.s32 $0x14840;
	s8 =	simm.s32 $0x2;
	s15 =	smul.u32 $0x4E200, s7  }
0x9: {  	[smem:$0x7FF] =	sst s10;
	s5 =	sand.u32 $0x1, s4;
	s17 =	smul.u32 $0x4E2, s7  }
0xa: {  	_ =	strace $0x80000047;
	[dreg:$0x8] =	wrdreg s5;
	s4 =	sshrl.u32 s15, $0x2  }
0xb: {  	s12 =	simm.s32 $0x3;
	[dreg:$0xa] =	wrdreg s17;
	s15 =	sadd.s32 s4, s6  }
0xc: {  	s13 =	simm.s32 $0x4;
	s18 =	sadd.s32 $0x1F40, s15;
	[dreg:$0x9] =	wrdreg s15  }
0xd: {  	s9 =	sadd.s32 $0x4E5A00, s0;
	s19 =	sadd.s32 $0x3E80, s15;
	[dreg:$0xb] =	wrdreg s18  }
0xe: {  	s5 =	ssub.s32 $0x2, s5;
	s20 =	sadd.s32 $0x5DC0, s15;
	[dreg:$0xc] =	wrdreg s19  }
0xf: {  	s16 =	sshrl.u32 s5, $0x1;
	s21 =	sadd.s32 $0x7D00, s15;
	[dreg:$0xd] =	wrdreg s20  }
0x10: {  	s0 =	ssub.s32 s5, s16;
	s22 =	sadd.s32 $0x9C40, s15;
	[dreg:$0xe] =	wrdreg s21  }
0x11: {  	s16 =	smul.u32 $0x7530, s7;
	s23 =	sadd.s32 $0xBB80, s15;
	[dreg:$0xf] =	wrdreg s22  }
0x12: {  	s7 =	simm.s32 $0x16410;
	s24 =	sadd.s32 $0xDAC0, s15;
	[dreg:$0x10] =	wrdreg s23  }
.Ltmp0:
0x13: {  	v0 =	vlaneseq.u32;
	s25 =	sadd.s32 $0xFA00, s15;
	[dreg:$0x11] =	wrdreg s24;
	(pc) =	sbr.rel .LBB2_1-.Ltmp0, $4  }
0x14: {  	v3 =	vand.u32 $0x7, v0;
	s4 =	simm.s32 $0x16810;
	s26 =	sadd.s32 $0x11940, s15;
	[dreg:$0x12] =	wrdreg s25  }
0x15: {  	v3 =	vor.u32 $0x4E20, v3;
	s5 =	simm.s32 $0x16C10;
	s0 =	smax.u32 s0, $0x1;
	[dreg:$0x13] =	wrdreg s26  }
0x16: {  	[tilespmem:$0x1FFE0] =	vst v3;
	v3 =	vor.u32 $0x10, v0;
	[dreg:$0x14] =	wrdreg s0;
	s24 =	simm.s32 $0x1;
	s25 =	simm.s32 $0x138A0  }
0x17: {  	v1 =	vimm.f32 $0.0e+00;
	v2 =	vimm.s32 $0x0;
	[tilespmem:$0x1FFF0] =	vst v3;
	s26 =	simm.s32 $0x5;
	s0 =	simm.s32 $0x10;
	s22 =	simm.s32 $0x16010  }
.LBB2_15:
0x18: {  	s10 =	rddreg [dreg:$0x7]  }
0x19: {  	s11 =	rddreg [dreg:$0x14];
	s10 =	sadd.s32 $0x1, s10  }
0x1a: {  	p0 =	sne.s32 s10, s11  }
.Ltmp1:
0x1b: {  	_ = 	snop;
	(pc) =	sbr.rel @!p0 .LBB2_16-.Ltmp1, $2  }
0x1c: {  	_ =	sdelay $0x2  }
0x1d: {  	v1 =	vimm.f32 $0.0e+00  }
.LBB2_1:
0x1e: {  	[dreg:$0x7] =	wrdreg s10;
	s11 =	simm.s32 $0x100;
	s10 =	simm.s32 $0x0  }
.LBB2_2:
0x1f: {  	p0 =	sne.s32 s11, $0x7C00;
	[tilespmem:s10+$0x17040] =	vst v1;
	s14 =	smov.u32 s11;
	s11 =	sadd.s32 $0x100, s11  }
.Ltmp2:
0x20: {  	[tilespmem:s10+$0x17030] =	vst v1;
	(pc) =	sbr.rel @p0 .LBB2_2-.Ltmp2, $3  }
0x21: {  	[tilespmem:s10+$0x17010] =	vst v1  }
0x22: {  	[tilespmem:s10+$0x17020] =	vst v1;
	_ =	sdelay $0x1  }
0x23: {  	s10 =	sshra.s32 s14, $0x2  }
.Ltmp3:
0x24: {  	(pc) =	sbr.rel .LBB2_4-.Ltmp3, $4  }
0x25: {  	[tilespmem:s10+$0x17040] =	vst v1  }
0x26: {  	[tilespmem:s10+$0x17030] =	vst v1  }
0x27: {  	[tilespmem:s10+$0x17010] =	vst v1  }
0x28: {  	s14 =	simm.s32 $0x0;
	[tilespmem:s10+$0x17020] =	vst v1  }
.LBB2_14:
0x29: {  	s10 =	rddreg [dreg:$0xa]  }
0x2a: {  	s11 =	rddreg [dreg:$0x16];
	[bflag:$0x0] =	sbarrier.arrive $0xFFFF  }
0x2b: {  	s20 =	stileid.u32;
	s10 =	sadd.s32 s10, s11;
	s14 =	rddreg [dreg:$0x4]  }
0x2c: {  	s11 =	sshll.u32 s20, $0x6;
	s15 =	rddreg [dreg:$0x9];
	s10 =	sshll.u32 s10, $0x3  }
0x2d: {  	s11 =	sor.u32 $0x1C05, s11;
	s21 =	sshrl.u32 s15, $0x3;
	s10 =	sadd.s32 s14, s10  }
0x2e: {  	[hbm:s10], [sflag:s11] =	dma.local [spmem:s21], $0x2710  }
0x2f: {  	_ =	swait.ge [sflag:s26], $0x2710  }
0x30: {  	s23 =	rddreg [dreg:$0x15]  }
0x31: {  	s14 =	sadd.s32 $0x1, s23  }
0x32: {  	p0 =	sne.s32 s14, $0x4  }
.Ltmp4:
0x33: {  	_ = 	snop;
	(pc) =	sbr.rel @!p0 .LBB2_15-.Ltmp4, $3  }
0x34: {  	[sflag:s26] =	ssyncset.done $0x0  }
0x35: {  	[sflag:s26] =	ssyncadd.s32 $0xFFFFD8F0  }
0x36: {  	[bflag:$0x0] =	sbarrier.arrive $0xFFFF;
	_ =	sdelay $0x1  }
.LBB2_4:
0x37: {  	s11 =	simm.s32 $0x17010  }
0x38: {  	[spmem:s15] =	stream.linear.scatter [tilespmem:s11], [sflag:$0x1], $0x1F40, $0x38;
	[tilespmem:$0x18F50] =	vst v63  }
0x39: {  	s10 =	rddreg [dreg:$0xb]  }
0x3a: {  	[spmem:s10] =	stream.linear.scatter [tilespmem:s11], [sflag:$0x1], $0x1F40, $0x38;
	[tilespmem:$0x18F50] =	vst v63  }
0x3b: {  	s20 =	rddreg [dreg:$0xc]  }
0x3c: {  	[spmem:s20] =	stream.linear.scatter [tilespmem:s11], [sflag:$0x1], $0x1F40, $0x38;
	[tilespmem:$0x18F50] =	vst v63  }
0x3d: {  	s21 =	rddreg [dreg:$0xd]  }
0x3e: {  	[spmem:s21] =	stream.linear.scatter [tilespmem:s11], [sflag:$0x1], $0x1F40, $0x38;
	[tilespmem:$0x18F50] =	vst v63  }
0x3f: {  	s23 =	rddreg [dreg:$0xe]  }
0x40: {  	[spmem:s23] =	stream.linear.scatter [tilespmem:s11], [sflag:$0x1], $0x1F40, $0x38;
	[tilespmem:$0x18F50] =	vst v63  }
0x41: {  	s15 =	rddreg [dreg:$0xf]  }
0x42: {  	[spmem:s15] =	stream.linear.scatter [tilespmem:s11], [sflag:$0x1], $0x1F40, $0x38;
	[tilespmem:$0x18F50] =	vst v63  }
0x43: {  	s17 =	rddreg [dreg:$0x10]  }
0x44: {  	[spmem:s17] =	stream.linear.scatter [tilespmem:s11], [sflag:$0x1], $0x1F40, $0x38;
	[tilespmem:$0x18F50] =	vst v63  }
0x45: {  	s18 =	rddreg [dreg:$0x11]  }
0x46: {  	[spmem:s18] =	stream.linear.scatter [tilespmem:s11], [sflag:$0x1], $0x1F40, $0x38;
	[tilespmem:$0x18F50] =	vst v63  }
0x47: {  	s19 =	rddreg [dreg:$0x12]  }
0x48: {  	[spmem:s19] =	stream.linear.scatter [tilespmem:s11], [sflag:$0x1], $0x1F40, $0x38;
	[tilespmem:$0x18F50] =	vst v63  }
0x49: {  	s20 =	rddreg [dreg:$0x13]  }
0x4a: {  	[spmem:s20] =	stream.linear.scatter [tilespmem:s11], [sflag:$0x1], $0x1F40, $0x38;
	[tilespmem:$0x18F50] =	vst v63  }
0x4b: {  	_ =	swait.ge [sflag:s24], $0x1F40  }
0x4c: {  	[sflag:s24] =	ssyncset.done $0x0  }
0x4d: {  	[sflag:s24] =	ssyncadd.s32 $0xFFFFE0C0  }
0x4e: {  	_ =	swait.ge [sflag:s24], $0x1F40  }
0x4f: {  	[sflag:s24] =	ssyncset.done $0x0  }
0x50: {  	[sflag:s24] =	ssyncadd.s32 $0xFFFFE0C0  }
0x51: {  	_ =	swait.ge [sflag:s24], $0x1F40  }
0x52: {  	[sflag:s24] =	ssyncset.done $0x0  }
0x53: {  	[sflag:s24] =	ssyncadd.s32 $0xFFFFE0C0  }
0x54: {  	_ =	swait.ge [sflag:s24], $0x1F40  }
0x55: {  	[sflag:s24] =	ssyncset.done $0x0  }
0x56: {  	[sflag:s24] =	ssyncadd.s32 $0xFFFFE0C0  }
0x57: {  	_ =	swait.ge [sflag:s24], $0x1F40  }
0x58: {  	[sflag:s24] =	ssyncset.done $0x0  }
0x59: {  	[sflag:s24] =	ssyncadd.s32 $0xFFFFE0C0  }
0x5a: {  	_ =	swait.ge [sflag:s24], $0x1F40  }
0x5b: {  	[sflag:s24] =	ssyncset.done $0x0  }
0x5c: {  	[sflag:s24] =	ssyncadd.s32 $0xFFFFE0C0  }
0x5d: {  	_ =	swait.ge [sflag:s24], $0x1F40  }
0x5e: {  	[sflag:s24] =	ssyncset.done $0x0  }
0x5f: {  	[sflag:s24] =	ssyncadd.s32 $0xFFFFE0C0  }
0x60: {  	_ =	swait.ge [sflag:s24], $0x1F40  }
0x61: {  	[sflag:s24] =	ssyncset.done $0x0  }
0x62: {  	[sflag:s24] =	ssyncadd.s32 $0xFFFFE0C0  }
0x63: {  	_ =	swait.ge [sflag:s24], $0x1F40  }
0x64: {  	[sflag:s24] =	ssyncset.done $0x0  }
0x65: {  	s21 =	sshll.u32 s14, $0x1;
	[dreg:$0x15] =	wrdreg s14;
	[sflag:s24] =	ssyncadd.s32 $0xFFFFE0C0  }
.Ltmp5:
0x66: {  	s23 =	rddreg [dreg:$0x8];
	_ =	swait.ge [sflag:s24], $0x1F40;
	(pc) =	sbr.rel .LBB2_5-.Ltmp5, $4  }
0x67: {  	s10 =	sor.u32 s23, s21;
	[sflag:s24] =	ssyncset.done $0x0  }
0x68: {  	s10 =	smul.u32 $0x4E20, s10;
	[sflag:s24] =	ssyncadd.s32 $0xFFFFE0C0  }
0x69: {  	[bflag:$0x0] =	sbarrier.arrive $0xFFFF  }
0x6a: {  	s17 =	simm.s32 $0x0;
	v5 =	vmov s10;
	[dreg:$0x16] =	wrdreg s10;
	s10 =	smov.u32 s16  }
.LBB2_13:
0x6b: {  	s17 =	sadd.s32 $0x1, s17  }
0x6c: {  	p0 =	sne.s32 s17, $0xF  }
.Ltmp6:
0x6d: {  	_ = 	snop;
	(pc) =	sbr.rel @!p0 .LBB2_14-.Ltmp6, $2  }
0x6e: {  	_ =	sdelay $0x2  }
0x6f: {  	s10 =	sadd.s32 $0x7D0, s10  }
.LBB2_5:
0x70: {  	s11 =	smul.u32 $0x7D0, s17;
	_ =	sdelay $0x1  }
0x71: {  	s11 =	sadd.s32 s16, s11  }
0x72: {  	s11 =	sshrl.u32 s11, $0x3  }
0x73: {  	_ =	strace $0x80000048;
	s18 =	simm.s32 $0x0;
	s15 =	sadd.s32 s1, s11  }
0x74: {  	[tilespmem:s25], [sflag:$0x5] =	stream.linear.gather [hbm4b:s15+s18], $0x7D0, $0x200038;
	[tilespmem:$0x18F50] =	vst v63  }
0x75: {  	_ =	swait.ge [sflag:s26], $0x7D0  }
0x76: {  	[sflag:s26] =	ssyncset.done $0x0  }
0x77: {  	s11 =	sadd.s32 s2, s11;
	[sflag:s26] =	ssyncadd.s32 $0xFFFFF830  }
0x78: {  	[tilespmem:s28], [sflag:$0x5] =	stream.linear.gather [hbm4b:s11+s18], $0x7D0, $0x200038;
	[tilespmem:$0x18F50] =	vst v63  }
0x79: {  	_ =	swait.ge [sflag:s26], $0x7D0  }
0x7a: {  	[sflag:s26] =	ssyncset.done $0x0  }
0x7b: {  	[sflag:s26] =	ssyncadd.s32 $0xFFFFF830  }
0x7c: {  	s23 =	simm.s32 $0x0;
	_ =	strace $0x90000048  }
0x7d: {  	v6 =	vld [tilespmem:s23+$0x138A0];
	_ =	sdelay $0x4  }
0x7e: {  	v6 =	vsub.s32 v6, v5  }
0x7f: {  	vm0 =	vlt.u32 v6, $0x4E20  }
0x80: {  	v7 =	vsel vm0, $0x1, v2  }
0x81: {  	(xrf0) =	vadd.scan.msk.s32 $0xffff, v7;
	_ =	sdelay $0x5  }
0x82: {  	v7 =	vimm.s32 $0x0;
	v8, _, _ =	vpop (xrf0)  }
0x83: {  	v8 =	vadd.s32 v8, v7  }
0x84: {  	v8 =	vadd.s32 $0xFFFFFFFF, v8  }
0x85: {  	v10 =	vld [tilespmem:s23+$0x14070];
	_ =	sdelay $0x1  }
0x86: {  	v9 =	vmpcnt.ones.xlane vm0;
	_ =	sdelay $0x1  }
0x87: {  	v7 =	vadd.s32 v7, v9;
	[tilespmem:v8+s29+$0x0] =	vst.idx.msk vm0, v6  }
0x88: {  	s15 =	simm.s32 $0x40;
	s18 =	simm.s32 $0x80;
	s11 =	smov.u32 s10;
	v9 =	vor.u32 s10, v0;
	v6 =	vmov v7;
	[tilespmem:v8+s30+$0x0] =	vst.idx.msk vm0, v10  }
.LBB2_6:
0x89: {  	s19 =	sshra.s32 s15, $0x2  }
0x8a: {  	[tilespmem:v8+s31+$0x0] =	vst.idx.msk vm0, v9;
	s11 =	sadd.s32 $0x10, s11;
	s15 =	smov.u32 s18;
	s20 =	sadd.s32 $0x40, s18  }
0x8b: {  	p0 =	sne.s32 s18, $0x1F00;
	v8 =	vld [tilespmem:s19+$0x138A0];
	_ =	sdelay $0x4  }
0x8c: {  	v9 =	vsub.s32 v8, v5  }
0x8d: {  	vm0 =	vlt.u32 v9, $0x4E20  }
0x8e: {  	v8 =	vsel vm0, $0x1, v2;
	v10 =	vmpcnt.ones.xlane vm0  }
0x8f: {  	(xrf0) =	vadd.scan.msk.s32 $0xffff, v8  }
0x90: {  	v7 =	vadd.s32 v7, v10;
	_ =	sdelay $0x4  }
0x91: {  	v8, _, _ =	vpop (xrf0)  }
0x92: {  	v8 =	vadd.s32 v8, v6;
	v6 =	vmov v7  }
0x93: {  	v8 =	vadd.s32 $0xFFFFFFFF, v8  }
0x94: {  	v10 =	vld [tilespmem:s19+$0x14070]  }
.Ltmp7:
0x95: {  	(pc) =	sbr.rel @p0 .LBB2_6-.Ltmp7, $3  }
0x96: {  	_ =	sdelay $0x1  }
0x97: {  	[tilespmem:v8+s29+$0x0] =	vst.idx.msk vm0, v9  }
0x98: {  	s18 =	smov.u32 s20;
	v9 =	vor.u32 s11, v0;
	[tilespmem:v8+s30+$0x0] =	vst.idx.msk vm0, v10  }
0x99: {  	_ =	sdelay $0x4  }
0x9a: {  	s18 =	sshra.s32 s15, $0x2;
	[tilespmem:v8+s31+$0x0] =	vst.idx.msk vm0, v9  }
0x9b: {  	v8 =	vld [tilespmem:s18+$0x138A0];
	_ =	sdelay $0x4  }
0x9c: {  	v8 =	vsub.s32 v8, v5  }
0x9d: {  	vm15 =	vlt.u32 v8, $0x4E20  }
0x9e: {  	v58 =	vmpcnt.ones.xlane vm15;
	_ =	sdelay $0x1  }
0x9f: {  	v10 =	vsel vm15, $0x1, v2;
	v7 =	vadd.s32 v7, v58  }
0xa0: {  	(xrf0) =	vadd.scan.msk.s32 $0xffff, v10;
	v9 =	vxor.u32 $0x80000000, v7  }
0xa1: {  	(xrf0) =	vmax.scan.msk.u32 $0xffff, v9;
	_ =	sdelay $0x4  }
0xa2: {  	v59, _, _ =	vpop (xrf0)  }
0xa3: {  	v60, _, _ =	vpop (xrf0)  }
0xa4: {  	(v2sf) =	vpush v60, $0xF;
	_ =	sdelay $0xe  }
0xa5: {  	s15 =	spop (v2sf)  }
0xa6: {  	s19 =	sadd.s32 $0x8000000F, s15  }
0xa7: {  	s20 =	sand.u32 $0xF, s19  }
0xa8: {  	s21 =	sshra.s32 s19, $0x1F;
	p0 =	slt.s32 s19, $0x1;
	p1 =	sne.s32 s20, $0x0  }
0xa9: {  	v1 =	vld [tilespmem:$0x1FFF0];
	s21 =	sshrl.u32 s21, $0x1C;
	p0 =	por !p0, !p1  }
0xaa: {  	v61 =	vld [tilespmem:s18+$0x14070];
	s18 =	sadd.s32 s21, s19;
	s19 =	simm.s32 $0x1;
	p0 =	por !p0, !p0  }
0xab: {  	v6 =	vadd.s32 v59, v6;
	s18 =	sshra.s32 s18, $0x4;
	s19 =	simm.s32 @!p0 $0x0  }
0xac: {  	v6 =	vadd.s32 $0xFFFFFFFF, v6;
	s23 =	ssub.s32 s18, s19  }
0xad: {  	s21 =	sadd.s32 $0x1, s23  }
0xae: {  	s14 =	sand.u32 $0x1, s21  }
0xaf: {  	v62 =	vadd.s32 v0, v7;
	v7 =	vadd.s32 v1, v7;
	v1 =	vld [tilespmem:$0x1FFE0];
	p5 =	slt.s32 s23, $0x0;
	p6 =	seq.s32 s14, $0x1  }
0xb0: {  	s11 =	sadd.s32 $0x10, s11;
	s23 =	sshrl.u32 s21, $0x1F;
	p0 =	por !p5, !p6  }
0xb1: {  	v63 =	vor.u32 s11, v0;
	[tilespmem:v6+s29+$0x0] =	vst.idx.msk vm15, v8;
	s11 =	sadd.s32 s23, s21;
	s21 =	simm.s32 $0x1;
	p0 =	por !p0, !p0  }
0xb2: {  	[tilespmem:v6+s30+$0x0] =	vst.idx.msk vm15, v61;
	s11 =	sshra.s32 s11, $0x1;
	s21 =	simm.s32 @!p0 $0x0  }
0xb3: {  	[tilespmem:v6+s31+$0x0] =	vst.idx.msk vm15, v63;
	s18 =	simm.s32 $0x15820;
	s21 =	ssub.s32 s11, s21  }
0xb4: {  	s19 =	simm.s32 $0x15030;
	[tilespmem:v62+s18+$0x0] =	vst.idx.msk $0xffff, v1;
	p0 =	slt.s32 s21, $0x1  }
.Ltmp8:
0xb5: {  	s20 =	simm.s32 $0x14840;
	[tilespmem:v62+s19+$0x0] =	vst.idx.msk $0xffff, v2;
	(pc) =	sbr.rel @p0 .LBB2_13-.Ltmp8, $4  }
0xb6: {  	[tilespmem:v62+s20+$0x0] =	vst.idx.msk $0xffff, v2  }
0xb7: {  	[tilespmem:v7+s18+$0x0] =	vst.idx.msk $0xffff, v1  }
0xb8: {  	[tilespmem:v7+s19+$0x0] =	vst.idx.msk $0xffff, v2  }
0xb9: {  	[tilespmem:v7+s20+$0x0] =	vst.idx.msk $0xffff, v2  }
.Ltmp9:
0xba: {  	(pc) =	sbr.rel .LBB2_9-.Ltmp9, $2  }
0xbb: {  	_ =	sdelay $0x2  }
0xbc: {  	s11 =	sxor.u32 $0x80000000, s15;
	s15 =	simm.s32 $0x10  }
.LBB2_11:
0xbd: {  	_ =	swait.ge [sflag:s24], $0x400  }
0xbe: {  	[sflag:s24] =	ssyncset.done $0x0  }
0xbf: {  	[sflag:s24] =	ssyncadd.s32 $0xFFFFFC00  }
0xc0: {  	_ =	swait.ge [sflag:s8], $0x400  }
0xc1: {  	[sflag:s8] =	ssyncset.done $0x0  }
0xc2: {  	[sflag:s8] =	ssyncadd.s32 $0xFFFFFC00  }
0xc3: {  	v1 =	vld [tilespmem:$0x16010]  }
0xc4: {  	v3 =	vld [tilespmem:$0x16410]  }
0xc5: {  	v4 =	vld [tilespmem:$0x16020]  }
0xc6: {  	v6 =	vld [tilespmem:$0x16420]  }
0xc7: {  	v7 =	vld [tilespmem:$0x16030]  }
0xc8: {  	v8 =	vld [tilespmem:$0x16430]  }
0xc9: {  	v9 =	vld [tilespmem:$0x16040]  }
0xca: {  	v10 =	vld [tilespmem:$0x16440]  }
0xcb: {  	v11 =	vld [tilespmem:$0x16050]  }
0xcc: {  	v12 =	vld [tilespmem:$0x16450]  }
0xcd: {  	v13 =	vld [tilespmem:$0x16060]  }
0xce: {  	v14 =	vld [tilespmem:$0x16460]  }
0xcf: {  	v15 =	vld [tilespmem:$0x16070]  }
0xd0: {  	v16 =	vld [tilespmem:$0x16470]  }
0xd1: {  	v17 =	vld [tilespmem:$0x16080]  }
0xd2: {  	v18 =	vld [tilespmem:$0x16480]  }
0xd3: {  	v19 =	vld [tilespmem:$0x16090]  }
0xd4: {  	v20 =	vld [tilespmem:$0x16490]  }
0xd5: {  	v21 =	vld [tilespmem:$0x160A0]  }
0xd6: {  	v22 =	vld [tilespmem:$0x164A0]  }
0xd7: {  	v23 =	vld [tilespmem:$0x160B0]  }
0xd8: {  	v24 =	vld [tilespmem:$0x164B0]  }
0xd9: {  	v25 =	vld [tilespmem:$0x160C0]  }
0xda: {  	v26 =	vld [tilespmem:$0x164C0]  }
0xdb: {  	v27 =	vld [tilespmem:$0x160D0]  }
0xdc: {  	v28 =	vld [tilespmem:$0x164D0]  }
0xdd: {  	v29 =	vld [tilespmem:$0x160E0]  }
0xde: {  	v30 =	vld [tilespmem:$0x164E0]  }
0xdf: {  	v31 =	vld [tilespmem:$0x160F0]  }
0xe0: {  	v32 =	vld [tilespmem:$0x164F0]  }
0xe1: {  	v33 =	vld [tilespmem:$0x16100]  }
0xe2: {  	v34 =	vld [tilespmem:$0x16500]  }
0xe3: {  	v35 =	vld [tilespmem:$0x16110]  }
0xe4: {  	v36 =	vld [tilespmem:$0x16510]  }
0xe5: {  	v37 =	vld [tilespmem:$0x16120]  }
0xe6: {  	v38 =	vld [tilespmem:$0x16520]  }
0xe7: {  	v39 =	vld [tilespmem:$0x16130]  }
0xe8: {  	v40 =	vld [tilespmem:$0x16530]  }
0xe9: {  	v41 =	vld [tilespmem:$0x16140]  }
0xea: {  	v42 =	vld [tilespmem:$0x16540]  }
0xeb: {  	v43 =	vld [tilespmem:$0x16150]  }
0xec: {  	v44 =	vld [tilespmem:$0x16550]  }
0xed: {  	v45 =	vld [tilespmem:$0x16160]  }
0xee: {  	v46 =	vld [tilespmem:$0x16560]  }
0xef: {  	v47 =	vld [tilespmem:$0x16170]  }
0xf0: {  	v48 =	vld [tilespmem:$0x16570]  }
0xf1: {  	v49 =	vld [tilespmem:$0x16180]  }
0xf2: {  	v50 =	vld [tilespmem:$0x16580]  }
0xf3: {  	v51 =	vld [tilespmem:$0x16190]  }
0xf4: {  	v52 =	vld [tilespmem:$0x16590]  }
0xf5: {  	v53 =	vld [tilespmem:$0x161A0]  }
0xf6: {  	v54 =	vld [tilespmem:$0x165A0]  }
0xf7: {  	v55 =	vld [tilespmem:$0x161B0]  }
0xf8: {  	v61 =	vld [tilespmem:$0x161E0]  }
0xf9: {  	v56 =	vld [tilespmem:$0x165B0]  }
0xfa: {  	v57 =	vld [tilespmem:$0x161C0]  }
0xfb: {  	v58 =	vld [tilespmem:$0x165C0]  }
0xfc: {  	v59 =	vld [tilespmem:$0x161D0];
	v1 =	vmul.f32 v3, v1  }
0xfd: {  	[tilespmem:$0x1FE30] =	vst v61;
	v61 =	vld [tilespmem:$0x161F0];
	v4 =	vmul.f32 v6, v4  }
0xfe: {  	v60 =	vld [tilespmem:$0x165D0];
	[tilespmem:$0x16010] =	vst v1;
	v1 =	vmul.f32 v8, v7  }
0xff: {  	v62 =	vld [tilespmem:$0x165E0];
	[tilespmem:$0x16020] =	vst v4;
	v4 =	vmul.f32 v10, v9  }
0x100: {  	v63 =	vld [tilespmem:$0x165F0];
	[tilespmem:$0x16030] =	vst v1  }
0x101: {  	v3 =	vld [tilespmem:$0x16630];
	v1 =	vmul.f32 v12, v11;
	[tilespmem:$0x16040] =	vst v4  }
0x102: {  	v4 =	vmul.f32 v14, v13;
	[tilespmem:$0x1FE40] =	vst v61;
	v61 =	vld [tilespmem:$0x16200]  }
0x103: {  	v6 =	vld [tilespmem:$0x16240];
	[tilespmem:$0x16050] =	vst v1;
	v1 =	vmul.f32 v16, v15  }
0x104: {  	v7 =	vld [tilespmem:$0x16640];
	[tilespmem:$0x16060] =	vst v4;
	v4 =	vmul.f32 v18, v17  }
0x105: {  	v8 =	vld [tilespmem:$0x16250];
	[tilespmem:$0x16070] =	vst v1  }
0x106: {  	v9 =	vld [tilespmem:$0x16650];
	v1 =	vmul.f32 v20, v19;
	[tilespmem:$0x16080] =	vst v4  }
0x107: {  	v10 =	vld [tilespmem:$0x16260];
	v4 =	vmul.f32 v22, v21;
	[tilespmem:$0x1FE50] =	vst v61  }
0x108: {  	v11 =	vld [tilespmem:$0x16660];
	[tilespmem:$0x16090] =	vst v1;
	v1 =	vmul.f32 v24, v23  }
0x109: {  	v61 =	vld [tilespmem:$0x16600];
	[tilespmem:$0x160A0] =	vst v4;
	v4 =	vmul.f32 v26, v25  }
0x10a: {  	v12 =	vld [tilespmem:$0x16270];
	[tilespmem:$0x160B0] =	vst v1;
	v1 =	vmul.f32 v28, v27  }
0x10b: {  	v13 =	vld [tilespmem:$0x16670];
	[tilespmem:$0x160C0] =	vst v4;
	v4 =	vmul.f32 v30, v29  }
0x10c: {  	v14 =	vld [tilespmem:$0x16280];
	[tilespmem:$0x160D0] =	vst v1  }
0x10d: {  	v15 =	vld [tilespmem:$0x16680];
	v1 =	vmul.f32 v32, v31;
	[tilespmem:$0x160E0] =	vst v4  }
0x10e: {  	v4 =	vmul.f32 v34, v33;
	[tilespmem:$0x1FE60] =	vst v61;
	v61 =	vld [tilespmem:$0x16210]  }
0x10f: {  	v16 =	vld [tilespmem:$0x16290];
	[tilespmem:$0x160F0] =	vst v1;
	v1 =	vmul.f32 v36, v35  }
0x110: {  	v17 =	vld [tilespmem:$0x16690];
	[tilespmem:$0x16100] =	vst v4;
	v4 =	vmul.f32 v38, v37  }
0x111: {  	v18 =	vld [tilespmem:$0x162A0];
	[tilespmem:$0x16110] =	vst v1  }
0x112: {  	v19 =	vld [tilespmem:$0x166A0];
	v1 =	vmul.f32 v40, v39;
	[tilespmem:$0x16120] =	vst v4  }
0x113: {  	v20 =	vld [tilespmem:$0x162B0];
	v4 =	vmul.f32 v42, v41;
	[tilespmem:$0x1FE70] =	vst v61  }
0x114: {  	v21 =	vld [tilespmem:$0x166B0];
	[tilespmem:$0x16130] =	vst v1;
	v1 =	vmul.f32 v44, v43  }
0x115: {  	v61 =	vld [tilespmem:$0x16610];
	[tilespmem:$0x16140] =	vst v4;
	v4 =	vmul.f32 v46, v45  }
0x116: {  	v22 =	vld [tilespmem:$0x162C0];
	[tilespmem:$0x16150] =	vst v1;
	v1 =	vmul.f32 v48, v47  }
0x117: {  	v23 =	vld [tilespmem:$0x166C0];
	[tilespmem:$0x16160] =	vst v4;
	v4 =	vmul.f32 v50, v49  }
0x118: {  	v24 =	vld [tilespmem:$0x162D0];
	[tilespmem:$0x16170] =	vst v1  }
0x119: {  	v25 =	vld [tilespmem:$0x166D0];
	v1 =	vmul.f32 v52, v51;
	[tilespmem:$0x16180] =	vst v4  }
0x11a: {  	v4 =	vmul.f32 v54, v53;
	[tilespmem:$0x1FE80] =	vst v61;
	v61 =	vld [tilespmem:$0x16220]  }
0x11b: {  	v26 =	vld [tilespmem:$0x162E0];
	[tilespmem:$0x16190] =	vst v1;
	v1 =	vmul.f32 v56, v55  }
0x11c: {  	v27 =	vld [tilespmem:$0x166E0];
	[tilespmem:$0x161A0] =	vst v4;
	v4 =	vmul.f32 v58, v57  }
0x11d: {  	v28 =	vld [tilespmem:$0x162F0];
	[tilespmem:$0x161B0] =	vst v1  }
0x11e: {  	v1 =	vmul.f32 v60, v59;
	[tilespmem:$0x161C0] =	vst v4;
	v4 =	vld [tilespmem:$0x1FE30]  }
0x11f: {  	[tilespmem:$0x1FE90] =	vst v61;
	v61 =	vld [tilespmem:$0x16620]  }
0x120: {  	[tilespmem:$0x161D0] =	vst v1;
	v1 =	vld [tilespmem:$0x1FE40]  }
0x121: {  	v29 =	vld [tilespmem:$0x166F0]  }
0x122: {  	v30 =	vld [tilespmem:$0x16300]  }
0x123: {  	v41 =	vld [tilespmem:$0x1FE80];
	v4 =	vmul.f32 v62, v4  }
0x124: {  	[tilespmem:$0x1FEA0] =	vst v61;
	v61 =	vld [tilespmem:$0x16230]  }
0x125: {  	v1 =	vmul.f32 v63, v1;
	[tilespmem:$0x161E0] =	vst v4;
	v4 =	vld [tilespmem:$0x1FE50]  }
0x126: {  	v63 =	vld [tilespmem:$0x1FE60]  }
0x127: {  	[tilespmem:$0x161F0] =	vst v1;
	v1 =	vld [tilespmem:$0x1FE70]  }
0x128: {  	v40 =	vld [tilespmem:$0x16330]  }
0x129: {  	v42 =	vld [tilespmem:$0x16730]  }
0x12a: {  	v44 =	vld [tilespmem:$0x16340]  }
0x12b: {  	v45 =	vld [tilespmem:$0x16360];
	v4 =	vmul.f32 v63, v4  }
0x12c: {  	v43 =	vld [tilespmem:$0x1FEA0];
	[tilespmem:$0x1FEB0] =	vst v61;
	v1 =	vmul.f32 v41, v1  }
0x12d: {  	[tilespmem:$0x16200] =	vst v4;
	v4 =	vld [tilespmem:$0x1FE90]  }
0x12e: {  	[tilespmem:$0x16210] =	vst v1;
	v1 =	vld [tilespmem:$0x1FEB0]  }
0x12f: {  	v46 =	vld [tilespmem:$0x16760]  }
0x130: {  	v47 =	vld [tilespmem:$0x16370]  }
0x131: {  	v48 =	vld [tilespmem:$0x16770]  }
0x132: {  	v49 =	vld [tilespmem:$0x16380];
	v4 =	vmul.f32 v43, v4  }
0x133: {  	v50 =	vld [tilespmem:$0x16780];
	v1 =	vmul.f32 v3, v1  }
0x134: {  	v3 =	vld [tilespmem:$0x16740];
	[tilespmem:$0x16220] =	vst v4;
	v4 =	vmul.f32 v7, v6  }
0x135: {  	v51 =	vld [tilespmem:$0x16390];
	[tilespmem:$0x16230] =	vst v1;
	v1 =	vmul.f32 v9, v8  }
0x136: {  	v52 =	vld [tilespmem:$0x16790];
	[tilespmem:$0x16240] =	vst v4;
	v4 =	vmul.f32 v11, v10  }
0x137: {  	v53 =	vld [tilespmem:$0x163A0];
	[tilespmem:$0x16250] =	vst v1;
	v1 =	vmul.f32 v13, v12  }
0x138: {  	v54 =	vld [tilespmem:$0x167A0];
	[tilespmem:$0x16260] =	vst v4;
	v4 =	vmul.f32 v15, v14  }
0x139: {  	v56 =	vld [tilespmem:$0x16700];
	v3 =	vmul.f32 v3, v44;
	[tilespmem:$0x16270] =	vst v1  }
0x13a: {  	v58 =	vld [tilespmem:$0x16310];
	v1 =	vmul.f32 v17, v16;
	[tilespmem:$0x16280] =	vst v4  }
0x13b: {  	v55 =	vld [tilespmem:$0x163B0];
	v4 =	vmul.f32 v19, v18;
	[tilespmem:$0x16340] =	vst v3  }
0x13c: {  	v57 =	vld [tilespmem:$0x163C0];
	[tilespmem:$0x16290] =	vst v1;
	v1 =	vmul.f32 v21, v20  }
0x13d: {  	v60 =	vld [tilespmem:$0x16710];
	v3 =	vmul.f32 v46, v45;
	[tilespmem:$0x162A0] =	vst v4  }
0x13e: {  	v62 =	vld [tilespmem:$0x16720];
	[tilespmem:$0x162B0] =	vst v1;
	v1 =	vmul.f32 v25, v24  }
0x13f: {  	v61 =	vld [tilespmem:$0x16320];
	v4 =	vmul.f32 v23, v22;
	[tilespmem:$0x16360] =	vst v3  }
0x140: {  	v6 =	vld [tilespmem:$0x16350];
	[tilespmem:$0x162D0] =	vst v1;
	v1 =	vmul.f32 v29, v28  }
0x141: {  	v7 =	vld [tilespmem:$0x16750];
	[tilespmem:$0x162C0] =	vst v4;
	v4 =	vmul.f32 v27, v26  }
0x142: {  	v59 =	vld [tilespmem:$0x167E0];
	[tilespmem:$0x162F0] =	vst v1;
	v1 =	vmul.f32 v60, v58  }
0x143: {  	v63 =	vld [tilespmem:$0x16800];
	[tilespmem:$0x162E0] =	vst v4;
	v4 =	vmul.f32 v56, v30  }
0x144: {  	v56 =	vld [tilespmem:$0x167B0];
	[tilespmem:$0x16310] =	vst v1;
	v1 =	vmul.f32 v42, v40  }
0x145: {  	[tilespmem:$0x16300] =	vst v4;
	v4 =	vmul.f32 v62, v61;
	v58 =	vld [tilespmem:$0x167C0]  }
0x146: {  	v60 =	vld [tilespmem:$0x163F0];
	[tilespmem:$0x16330] =	vst v1;
	v1 =	vmul.f32 v7, v6  }
0x147: {  	v3 =	vmul.f32 v50, v49;
	[tilespmem:$0x16320] =	vst v4;
	v4 =	vld [tilespmem:$0x163D0]  }
0x148: {  	v7 =	vld [tilespmem:$0x163E0];
	[tilespmem:$0x16350] =	vst v1;
	v1 =	vmul.f32 v48, v47  }
0x149: {  	[tilespmem:$0x16380] =	vst v3;
	v3 =	vmul.f32 v54, v53;
	v6 =	vld [tilespmem:$0x167D0]  }
0x14a: {  	v62 =	vld [tilespmem:$0x16400];
	[tilespmem:$0x16370] =	vst v1;
	v1 =	vmul.f32 v52, v51  }
0x14b: {  	[tilespmem:$0x163A0] =	vst v3;
	v61 =	vld [tilespmem:$0x167F0];
	v3 =	vmul.f32 v58, v57  }
0x14c: {  	[tilespmem:$0x16390] =	vst v1;
	v1 =	vmul.f32 v56, v55  }
0x14d: {  	[tilespmem:$0x163C0] =	vst v3;
	v3 =	vmul.f32 v59, v7  }
0x14e: {  	[tilespmem:$0x163B0] =	vst v1;
	v1 =	vmul.f32 v6, v4  }
0x14f: {  	[tilespmem:$0x163E0] =	vst v3;
	v3 =	vmul.f32 v63, v62  }
0x150: {  	[tilespmem:$0x163D0] =	vst v1;
	v1 =	vmul.f32 v61, v60  }
0x151: {  	[tilespmem:$0x16400] =	vst v3  }
0x152: {  	s23 =	simm.s32 $0x5;
	[tilespmem:$0x163F0] =	vst v1  }
0x153: {  	[spmem:s6] =	stream.indirect.scatter.add.f32 [tilespmem:s22], [sflag:$0x5], $0x40, s18, s0, $0xb8;
	[tilespmem:$0x18F50] =	vst v63  }
.LBB2_12:
0x154: {  	s21 =	sadd.s32 $0xFFFFFFFF, s21  }
0x155: {  	p0 =	sne.s32 s21, $0x0  }
.Ltmp10:
0x156: {  	_ = 	snop;
	(pc) =	sbr.rel @!p0 .LBB2_13-.Ltmp10, $4  }
0x157: {  	_ = 	snop  }
0x158: {  	_ =	swait.ge [sflag:s23], $0x400  }
0x159: {  	s19 =	sadd.s32 $0x20, s19;
	s20 =	sadd.s32 $0x20, s20;
	[sflag:s23] =	ssyncset.done $0x0  }
0x15a: {  	s18 =	sadd.s32 $0x20, s18;
	s15 =	sadd.s32 $0x20, s15;
	[sflag:s23] =	ssyncadd.s32 $0xFFFFFC00  }
.LBB2_9:
0x15b: {  	p0 =	sge.s32 s15, s11  }
.Ltmp11:
0x15c: {  	_ = 	snop;
	(pc) =	sbr.rel @p0 .LBB2_11-.Ltmp11, $4  }
0x15d: {  	_ = 	snop  }
0x15e: {  	[tilespmem:s22], [sflag:$0x1] =	stream.indirect.gather [hbm4b:s3+s0], $0x40, s19, s0, $0xb8;
	[tilespmem:$0x18F50] =	vst v63  }
0x15f: {  	_ = 	snop  }
0x160: {  	[tilespmem:s7], [sflag:$0x2] =	stream.indirect.gather [hbm4b:s9+s0], $0x40, s20, s0, $0xb8;
	[tilespmem:$0x18F50] =	vst v63  }
0x161: {  	s23 =	sadd.s32 $0x10, s19  }
0x162: {  	[tilespmem:s4], [sflag:$0x3] =	stream.indirect.gather [hbm4b:s3+s0], $0x40, s23, s0, $0xb8;
	[tilespmem:$0x18F50] =	vst v63  }
0x163: {  	s14 =	sadd.s32 $0x10, s20  }
0x164: {  	[tilespmem:s5], [sflag:$0x4] =	stream.indirect.gather [hbm4b:s9+s0], $0x40, s14, s0, $0xb8;
	[tilespmem:$0x18F50] =	vst v63  }
0x165: {  	_ =	swait.ge [sflag:s24], $0x400  }
0x166: {  	[sflag:s24] =	ssyncset.done $0x0  }
0x167: {  	[sflag:s24] =	ssyncadd.s32 $0xFFFFFC00  }
0x168: {  	_ =	swait.ge [sflag:s8], $0x400  }
0x169: {  	[sflag:s8] =	ssyncset.done $0x0  }
0x16a: {  	[sflag:s8] =	ssyncadd.s32 $0xFFFFFC00  }
0x16b: {  	v6 =	vld [tilespmem:$0x16010]  }
0x16c: {  	v7 =	vld [tilespmem:$0x16410]  }
0x16d: {  	v8 =	vld [tilespmem:$0x16020]  }
0x16e: {  	v9 =	vld [tilespmem:$0x16420]  }
0x16f: {  	v10 =	vld [tilespmem:$0x16030]  }
0x170: {  	v11 =	vld [tilespmem:$0x16430]  }
0x171: {  	v12 =	vld [tilespmem:$0x16040]  }
0x172: {  	v13 =	vld [tilespmem:$0x16440]  }
0x173: {  	v14 =	vld [tilespmem:$0x16050]  }
0x174: {  	v15 =	vld [tilespmem:$0x16450]  }
0x175: {  	v16 =	vld [tilespmem:$0x16060]  }
0x176: {  	v17 =	vld [tilespmem:$0x16460]  }
0x177: {  	v18 =	vld [tilespmem:$0x16070]  }
0x178: {  	v19 =	vld [tilespmem:$0x16470]  }
0x179: {  	v20 =	vld [tilespmem:$0x16080]  }
0x17a: {  	v21 =	vld [tilespmem:$0x16480]  }
0x17b: {  	v22 =	vld [tilespmem:$0x16090]  }
0x17c: {  	v23 =	vld [tilespmem:$0x16490]  }
0x17d: {  	v24 =	vld [tilespmem:$0x160A0]  }
0x17e: {  	v25 =	vld [tilespmem:$0x164A0]  }
0x17f: {  	v26 =	vld [tilespmem:$0x160B0]  }
0x180: {  	v27 =	vld [tilespmem:$0x164B0]  }
0x181: {  	v28 =	vld [tilespmem:$0x160C0]  }
0x182: {  	v29 =	vld [tilespmem:$0x164C0]  }
0x183: {  	v30 =	vld [tilespmem:$0x160D0]  }
0x184: {  	v31 =	vld [tilespmem:$0x164D0]  }
0x185: {  	v32 =	vld [tilespmem:$0x160E0]  }
0x186: {  	v33 =	vld [tilespmem:$0x164E0]  }
0x187: {  	v34 =	vld [tilespmem:$0x160F0]  }
0x188: {  	v35 =	vld [tilespmem:$0x164F0]  }
0x189: {  	v36 =	vld [tilespmem:$0x16100]  }
0x18a: {  	v37 =	vld [tilespmem:$0x16500]  }
0x18b: {  	v38 =	vld [tilespmem:$0x16110]  }
0x18c: {  	v39 =	vld [tilespmem:$0x16510]  }
0x18d: {  	v40 =	vld [tilespmem:$0x16120]  }
0x18e: {  	v41 =	vld [tilespmem:$0x16520]  }
0x18f: {  	v42 =	vld [tilespmem:$0x16130]  }
0x190: {  	v43 =	vld [tilespmem:$0x16530]  }
0x191: {  	v44 =	vld [tilespmem:$0x16140]  }
0x192: {  	v45 =	vld [tilespmem:$0x16540]  }
0x193: {  	v46 =	vld [tilespmem:$0x16150]  }
0x194: {  	v47 =	vld [tilespmem:$0x16550]  }
0x195: {  	v48 =	vld [tilespmem:$0x16160]  }
0x196: {  	v49 =	vld [tilespmem:$0x16560]  }
0x197: {  	v50 =	vld [tilespmem:$0x16170]  }
0x198: {  	v51 =	vld [tilespmem:$0x16570]  }
0x199: {  	v52 =	vld [tilespmem:$0x16180]  }
0x19a: {  	v53 =	vld [tilespmem:$0x16580]  }
0x19b: {  	v54 =	vld [tilespmem:$0x16190]  }
0x19c: {  	v3 =	vld [tilespmem:$0x161F0]  }
0x19d: {  	v55 =	vld [tilespmem:$0x16590]  }
0x19e: {  	v56 =	vld [tilespmem:$0x161A0]  }
0x19f: {  	v57 =	vld [tilespmem:$0x165A0]  }
0x1a0: {  	v58 =	vld [tilespmem:$0x161B0]  }
0x1a1: {  	[tilespmem:$0x1FEC0] =	vst v3;
	v3 =	vld [tilespmem:$0x165F0]  }
0x1a2: {  	v59 =	vld [tilespmem:$0x165B0]  }
0x1a3: {  	v60 =	vld [tilespmem:$0x161C0];
	v6 =	vmul.f32 v7, v6  }
0x1a4: {  	v61 =	vld [tilespmem:$0x165C0]  }
0x1a5: {  	v62 =	vld [tilespmem:$0x161D0];
	[tilespmem:$0x16010] =	vst v6  }
0x1a6: {  	v6 =	vmul.f32 v11, v10;
	[tilespmem:$0x1FED0] =	vst v3;
	v3 =	vld [tilespmem:$0x16200]  }
0x1a7: {  	v63 =	vld [tilespmem:$0x165D0]  }
0x1a8: {  	v4 =	vld [tilespmem:$0x161E0];
	[tilespmem:$0x16030] =	vst v6;
	v6 =	vmul.f32 v15, v14  }
0x1a9: {  	v1 =	vld [tilespmem:$0x165E0]  }
0x1aa: {  	v7 =	vld [tilespmem:$0x16630];
	[tilespmem:$0x16050] =	vst v6  }
0x1ab: {  	v6 =	vmul.f32 v19, v18;
	[tilespmem:$0x1FEE0] =	vst v3;
	v3 =	vld [tilespmem:$0x16600]  }
0x1ac: {  	v8 =	vmul.f32 v9, v8;
	v9 =	vld [tilespmem:$0x16240]  }
0x1ad: {  	v17 =	vmul.f32 v17, v16;
	v16 =	vld [tilespmem:$0x16670];
	[tilespmem:$0x16070] =	vst v6;
	v6 =	vmul.f32 v23, v22  }
0x1ae: {  	v21 =	vmul.f32 v21, v20;
	v20 =	vld [tilespmem:$0x16690]  }
0x1af: {  	v25 =	vmul.f32 v25, v24;
	v24 =	vld [tilespmem:$0x166B0];
	[tilespmem:$0x16090] =	vst v6  }
0x1b0: {  	v6 =	vmul.f32 v27, v26;
	[tilespmem:$0x1FEF0] =	vst v3;
	v3 =	vld [tilespmem:$0x16210]  }
0x1b1: {  	v29 =	vmul.f32 v29, v28;
	v28 =	vld [tilespmem:$0x166D0];
	[tilespmem:$0x16020] =	vst v8  }
0x1b2: {  	v1 =	vmul.f32 v1, v4;
	v4 =	vld [tilespmem:$0x16320];
	[tilespmem:$0x160B0] =	vst v6;
	v6 =	vmul.f32 v31, v30  }
0x1b3: {  	v41 =	vmul.f32 v41, v40;
	v40 =	vld [tilespmem:$0x16770];
	[tilespmem:$0x16060] =	vst v17  }
0x1b4: {  	v10 =	vld [tilespmem:$0x16640];
	[tilespmem:$0x160D0] =	vst v6  }
0x1b5: {  	v6 =	vmul.f32 v35, v34;
	[tilespmem:$0x1FF00] =	vst v3;
	v3 =	vld [tilespmem:$0x16610]  }
0x1b6: {  	v11 =	vld [tilespmem:$0x16250];
	[tilespmem:$0x16080] =	vst v21  }
0x1b7: {  	v8 =	vmul.f32 v13, v12;
	v12 =	vld [tilespmem:$0x16650];
	[tilespmem:$0x160F0] =	vst v6;
	v6 =	vmul.f32 v39, v38  }
0x1b8: {  	v13 =	vld [tilespmem:$0x16260];
	[tilespmem:$0x160A0] =	vst v25  }
0x1b9: {  	v17 =	vld [tilespmem:$0x16280];
	[tilespmem:$0x16110] =	vst v6  }
0x1ba: {  	v6 =	vmul.f32 v43, v42;
	[tilespmem:$0x1FF10] =	vst v3;
	v3 =	vld [tilespmem:$0x16220]  }
0x1bb: {  	[tilespmem:$0x160C0] =	vst v29;
	v21 =	vld [tilespmem:$0x162A0]  }
0x1bc: {  	v25 =	vld [tilespmem:$0x162C0];
	[tilespmem:$0x16130] =	vst v6;
	v6 =	vmul.f32 v47, v46  }
0x1bd: {  	[tilespmem:$0x16120] =	vst v41;
	v29 =	vld [tilespmem:$0x162E0]  }
0x1be: {  	v41 =	vld [tilespmem:$0x16380];
	[tilespmem:$0x16150] =	vst v6  }
0x1bf: {  	v6 =	vmul.f32 v51, v50;
	[tilespmem:$0x1FF20] =	vst v3;
	v3 =	vld [tilespmem:$0x16620]  }
0x1c0: {  	v14 =	vld [tilespmem:$0x16660]  }
0x1c1: {  	v15 =	vld [tilespmem:$0x16270];
	[tilespmem:$0x16170] =	vst v6;
	v6 =	vmul.f32 v55, v54  }
0x1c2: {  	v18 =	vld [tilespmem:$0x16680]  }
0x1c3: {  	v19 =	vld [tilespmem:$0x16290];
	[tilespmem:$0x16190] =	vst v6  }
0x1c4: {  	v6 =	vmul.f32 v59, v58;
	[tilespmem:$0x1FF30] =	vst v3;
	v3 =	vld [tilespmem:$0x16230]  }
0x1c5: {  	v22 =	vld [tilespmem:$0x166A0]  }
0x1c6: {  	v23 =	vld [tilespmem:$0x162B0];
	[tilespmem:$0x161B0] =	vst v6;
	v6 =	vmul.f32 v63, v62  }
0x1c7: {  	v26 =	vld [tilespmem:$0x166C0]  }
0x1c8: {  	[tilespmem:$0x161D0] =	vst v6;
	v6 =	vld [tilespmem:$0x1FED0]  }
0x1c9: {  	[tilespmem:$0x1FF40] =	vst v3;
	v3 =	vld [tilespmem:$0x1FEC0]  }
0x1ca: {  	v27 =	vld [tilespmem:$0x162D0]  }
0x1cb: {  	[tilespmem:$0x161E0] =	vst v1;
	v1 =	vld [tilespmem:$0x1FEE0]  }
0x1cc: {  	v54 =	vld [tilespmem:$0x1FEF0]  }
0x1cd: {  	v30 =	vld [tilespmem:$0x166E0]  }
0x1ce: {  	v39 =	vld [tilespmem:$0x16370];
	v43 =	vmul.f32 v45, v44;
	v3 =	vmul.f32 v6, v3  }
0x1cf: {  	v44 =	vmul.f32 v49, v48;
	v48 =	vmul.f32 v57, v56;
	v56 =	vld [tilespmem:$0x1FF10]  }
0x1d0: {  	v33 =	vmul.f32 v33, v32;
	[tilespmem:$0x161F0] =	vst v3;
	v3 =	vld [tilespmem:$0x1FF00]  }
0x1d1: {  	v49 =	vld [tilespmem:$0x16300];
	v1 =	vmul.f32 v54, v1  }
0x1d2: {  	v37 =	vmul.f32 v37, v36;
	[tilespmem:$0x160E0] =	vst v33;
	v45 =	vmul.f32 v53, v52;
	v52 =	vld [tilespmem:$0x16310]  }
0x1d3: {  	[tilespmem:$0x16200] =	vst v1;
	v1 =	vld [tilespmem:$0x1FF20]  }
0x1d4: {  	[tilespmem:$0x16100] =	vst v37;
	v58 =	vld [tilespmem:$0x1FF30]  }
0x1d5: {  	[tilespmem:$0x16040] =	vst v8;
	v53 =	vld [tilespmem:$0x16710];
	v3 =	vmul.f32 v56, v3  }
0x1d6: {  	v57 =	vld [tilespmem:$0x16730];
	[tilespmem:$0x16140] =	vst v43  }
0x1d7: {  	[tilespmem:$0x16210] =	vst v3;
	v3 =	vld [tilespmem:$0x1FF40]  }
0x1d8: {  	v42 =	vld [tilespmem:$0x16780];
	[tilespmem:$0x16160] =	vst v44  }
0x1d9: {  	v46 =	vld [tilespmem:$0x162F0];
	[tilespmem:$0x16180] =	vst v45;
	v1 =	vmul.f32 v58, v1  }
0x1da: {  	v47 =	vld [tilespmem:$0x166F0];
	[tilespmem:$0x161A0] =	vst v48;
	v51 =	vmul.f32 v61, v60  }
0x1db: {  	v43 =	vld [tilespmem:$0x16390];
	[tilespmem:$0x16220] =	vst v1;
	v1 =	vmul.f32 v10, v9  }
0x1dc: {  	v44 =	vld [tilespmem:$0x16790];
	[tilespmem:$0x161C0] =	vst v51;
	v3 =	vmul.f32 v7, v3  }
0x1dd: {  	v45 =	vld [tilespmem:$0x163A0];
	[tilespmem:$0x16240] =	vst v1;
	v1 =	vmul.f32 v14, v13  }
0x1de: {  	v48 =	vld [tilespmem:$0x167B0];
	[tilespmem:$0x16230] =	vst v3;
	v3 =	vmul.f32 v12, v11  }
0x1df: {  	v50 =	vld [tilespmem:$0x16700];
	[tilespmem:$0x16260] =	vst v1;
	v1 =	vmul.f32 v18, v17  }
0x1e0: {  	v60 =	vld [tilespmem:$0x16350];
	[tilespmem:$0x16250] =	vst v3;
	v3 =	vmul.f32 v16, v15  }
0x1e1: {  	v61 =	vld [tilespmem:$0x16750];
	[tilespmem:$0x16280] =	vst v1;
	v1 =	vmul.f32 v22, v21  }
0x1e2: {  	v55 =	vld [tilespmem:$0x16330];
	[tilespmem:$0x16270] =	vst v3;
	v3 =	vmul.f32 v20, v19  }
0x1e3: {  	v51 =	vld [tilespmem:$0x167E0];
	[tilespmem:$0x162A0] =	vst v1;
	v1 =	vmul.f32 v26, v25  }
0x1e4: {  	v6 =	vld [tilespmem:$0x16720];
	[tilespmem:$0x16290] =	vst v3;
	v3 =	vmul.f32 v24, v23  }
0x1e5: {  	v59 =	vld [tilespmem:$0x16340];
	[tilespmem:$0x162C0] =	vst v1;
	v1 =	vmul.f32 v30, v29  }
0x1e6: {  	v7 =	vld [tilespmem:$0x16740];
	[tilespmem:$0x162B0] =	vst v3;
	v3 =	vmul.f32 v28, v27  }
0x1e7: {  	v62 =	vld [tilespmem:$0x16360];
	[tilespmem:$0x162E0] =	vst v1;
	v1 =	vmul.f32 v50, v49  }
0x1e8: {  	v63 =	vld [tilespmem:$0x16760];
	[tilespmem:$0x162D0] =	vst v3;
	v3 =	vmul.f32 v47, v46  }
0x1e9: {  	v54 =	vld [tilespmem:$0x16400];
	[tilespmem:$0x16300] =	vst v1;
	v1 =	vmul.f32 v6, v4  }
0x1ea: {  	v49 =	vld [tilespmem:$0x167D0];
	[tilespmem:$0x162F0] =	vst v3;
	v3 =	vmul.f32 v53, v52  }
0x1eb: {  	v50 =	vld [tilespmem:$0x163E0];
	[tilespmem:$0x16320] =	vst v1;
	v1 =	vmul.f32 v7, v59  }
0x1ec: {  	v46 =	vld [tilespmem:$0x167A0];
	[tilespmem:$0x16310] =	vst v3;
	v3 =	vmul.f32 v57, v55  }
0x1ed: {  	v4 =	vld [tilespmem:$0x163C0];
	[tilespmem:$0x16340] =	vst v1;
	v1 =	vmul.f32 v63, v62  }
0x1ee: {  	v6 =	vld [tilespmem:$0x167C0];
	[tilespmem:$0x16330] =	vst v3;
	v3 =	vmul.f32 v61, v60  }
0x1ef: {  	[tilespmem:$0x16360] =	vst v1;
	v1 =	vmul.f32 v42, v41;
	v47 =	vld [tilespmem:$0x163B0]  }
0x1f0: {  	v7 =	vld [tilespmem:$0x163D0];
	[tilespmem:$0x16350] =	vst v3;
	v3 =	vmul.f32 v40, v39  }
0x1f1: {  	[tilespmem:$0x16380] =	vst v1;
	v52 =	vld [tilespmem:$0x163F0];
	v1 =	vmul.f32 v46, v45  }
0x1f2: {  	v55 =	vld [tilespmem:$0x16800];
	[tilespmem:$0x16370] =	vst v3;
	v3 =	vmul.f32 v44, v43  }
0x1f3: {  	v53 =	vld [tilespmem:$0x167F0];
	[tilespmem:$0x163A0] =	vst v1;
	v1 =	vmul.f32 v6, v4  }
0x1f4: {  	[tilespmem:$0x16390] =	vst v3;
	v3 =	vmul.f32 v48, v47  }
0x1f5: {  	[tilespmem:$0x163C0] =	vst v1;
	v1 =	vmul.f32 v51, v50  }
0x1f6: {  	[tilespmem:$0x163B0] =	vst v3;
	v3 =	vmul.f32 v49, v7  }
0x1f7: {  	[tilespmem:$0x163E0] =	vst v1;
	v1 =	vmul.f32 v55, v54  }
0x1f8: {  	[tilespmem:$0x163D0] =	vst v3;
	v3 =	vmul.f32 v53, v52  }
0x1f9: {  	[tilespmem:$0x16400] =	vst v1  }
0x1fa: {  	s23 =	simm.s32 $0x6;
	[tilespmem:$0x163F0] =	vst v3  }
0x1fb: {  	[spmem:s6] =	stream.indirect.scatter.add.f32 [tilespmem:s22], [sflag:$0x6], $0x40, s18, s0, $0xb8;
	[tilespmem:$0x18F50] =	vst v63  }
0x1fc: {  	_ =	swait.ge [sflag:s23], $0x400  }
0x1fd: {  	[sflag:s23] =	ssyncset.done $0x0  }
0x1fe: {  	[sflag:s23] =	ssyncadd.s32 $0xFFFFFC00  }
0x1ff: {  	_ =	swait.ge [sflag:s12], $0x400  }
0x200: {  	[sflag:s12] =	ssyncset.done $0x0  }
0x201: {  	[sflag:s12] =	ssyncadd.s32 $0xFFFFFC00  }
0x202: {  	_ =	swait.ge [sflag:s13], $0x400  }
0x203: {  	[sflag:s13] =	ssyncset.done $0x0  }
0x204: {  	[sflag:s13] =	ssyncadd.s32 $0xFFFFFC00  }
0x205: {  	v1 =	vld [tilespmem:$0x16810]  }
0x206: {  	v3 =	vld [tilespmem:$0x16C10]  }
0x207: {  	v4 =	vld [tilespmem:$0x16820]  }
0x208: {  	v6 =	vld [tilespmem:$0x16C20]  }
0x209: {  	v7 =	vld [tilespmem:$0x16830]  }
0x20a: {  	v8 =	vld [tilespmem:$0x16C30]  }
0x20b: {  	v9 =	vld [tilespmem:$0x16840]  }
0x20c: {  	v10 =	vld [tilespmem:$0x16C40]  }
0x20d: {  	v11 =	vld [tilespmem:$0x16850]  }
0x20e: {  	v12 =	vld [tilespmem:$0x16C50]  }
0x20f: {  	v13 =	vld [tilespmem:$0x16860]  }
0x210: {  	v14 =	vld [tilespmem:$0x16C60]  }
0x211: {  	v15 =	vld [tilespmem:$0x16870]  }
0x212: {  	v16 =	vld [tilespmem:$0x16C70]  }
0x213: {  	v17 =	vld [tilespmem:$0x16880]  }
0x214: {  	v18 =	vld [tilespmem:$0x16C80]  }
0x215: {  	v19 =	vld [tilespmem:$0x16890]  }
0x216: {  	v20 =	vld [tilespmem:$0x16C90]  }
0x217: {  	v21 =	vld [tilespmem:$0x168A0]  }
0x218: {  	v22 =	vld [tilespmem:$0x16CA0]  }
0x219: {  	v23 =	vld [tilespmem:$0x168B0]  }
0x21a: {  	v24 =	vld [tilespmem:$0x16CB0]  }
0x21b: {  	v25 =	vld [tilespmem:$0x168C0]  }
0x21c: {  	v26 =	vld [tilespmem:$0x16CC0]  }
0x21d: {  	v27 =	vld [tilespmem:$0x168D0]  }
0x21e: {  	v28 =	vld [tilespmem:$0x16CD0]  }
0x21f: {  	v29 =	vld [tilespmem:$0x168E0]  }
0x220: {  	v30 =	vld [tilespmem:$0x16CE0]  }
0x221: {  	v31 =	vld [tilespmem:$0x168F0]  }
0x222: {  	v32 =	vld [tilespmem:$0x16CF0]  }
0x223: {  	v33 =	vld [tilespmem:$0x16900]  }
0x224: {  	v34 =	vld [tilespmem:$0x16D00]  }
0x225: {  	v35 =	vld [tilespmem:$0x16910]  }
0x226: {  	v36 =	vld [tilespmem:$0x16D10]  }
0x227: {  	v37 =	vld [tilespmem:$0x16920]  }
0x228: {  	v38 =	vld [tilespmem:$0x16D20]  }
0x229: {  	v39 =	vld [tilespmem:$0x16930]  }
0x22a: {  	v40 =	vld [tilespmem:$0x16D30]  }
0x22b: {  	v41 =	vld [tilespmem:$0x16940]  }
0x22c: {  	v42 =	vld [tilespmem:$0x16D40]  }
0x22d: {  	v43 =	vld [tilespmem:$0x16950]  }
0x22e: {  	v44 =	vld [tilespmem:$0x16D50]  }
0x22f: {  	v45 =	vld [tilespmem:$0x16960]  }
0x230: {  	v46 =	vld [tilespmem:$0x16D60]  }
0x231: {  	v47 =	vld [tilespmem:$0x16970]  }
0x232: {  	v48 =	vld [tilespmem:$0x16D70]  }
0x233: {  	v49 =	vld [tilespmem:$0x16980]  }
0x234: {  	v50 =	vld [tilespmem:$0x16D80]  }
0x235: {  	v51 =	vld [tilespmem:$0x16990]  }
0x236: {  	v52 =	vld [tilespmem:$0x16D90]  }
0x237: {  	v53 =	vld [tilespmem:$0x169A0]  }
0x238: {  	v54 =	vld [tilespmem:$0x16DA0]  }
0x239: {  	v55 =	vld [tilespmem:$0x169B0]  }
0x23a: {  	v61 =	vld [tilespmem:$0x169E0]  }
0x23b: {  	v56 =	vld [tilespmem:$0x16DB0]  }
0x23c: {  	v57 =	vld [tilespmem:$0x169C0]  }
0x23d: {  	v58 =	vld [tilespmem:$0x16DC0]  }
0x23e: {  	v59 =	vld [tilespmem:$0x169D0];
	v1 =	vmul.f32 v3, v1  }
0x23f: {  	[tilespmem:$0x1FF50] =	vst v61;
	v61 =	vld [tilespmem:$0x169F0];
	v4 =	vmul.f32 v6, v4  }
0x240: {  	v60 =	vld [tilespmem:$0x16DD0];
	[tilespmem:$0x16810] =	vst v1;
	v1 =	vmul.f32 v8, v7  }
0x241: {  	v62 =	vld [tilespmem:$0x16DE0];
	[tilespmem:$0x16820] =	vst v4;
	v4 =	vmul.f32 v10, v9  }
0x242: {  	v63 =	vld [tilespmem:$0x16DF0];
	[tilespmem:$0x16830] =	vst v1  }
0x243: {  	v3 =	vld [tilespmem:$0x16E30];
	v1 =	vmul.f32 v12, v11;
	[tilespmem:$0x16840] =	vst v4  }
0x244: {  	v4 =	vmul.f32 v14, v13;
	[tilespmem:$0x1FF60] =	vst v61;
	v61 =	vld [tilespmem:$0x16A00]  }
0x245: {  	v6 =	vld [tilespmem:$0x16A40];
	[tilespmem:$0x16850] =	vst v1;
	v1 =	vmul.f32 v16, v15  }
0x246: {  	v7 =	vld [tilespmem:$0x16E40];
	[tilespmem:$0x16860] =	vst v4;
	v4 =	vmul.f32 v18, v17  }
0x247: {  	v8 =	vld [tilespmem:$0x16A50];
	[tilespmem:$0x16870] =	vst v1  }
0x248: {  	v9 =	vld [tilespmem:$0x16E50];
	v1 =	vmul.f32 v20, v19;
	[tilespmem:$0x16880] =	vst v4  }
0x249: {  	v10 =	vld [tilespmem:$0x16A60];
	v4 =	vmul.f32 v22, v21;
	[tilespmem:$0x1FF70] =	vst v61  }
0x24a: {  	v11 =	vld [tilespmem:$0x16E60];
	[tilespmem:$0x16890] =	vst v1;
	v1 =	vmul.f32 v24, v23  }
0x24b: {  	v61 =	vld [tilespmem:$0x16E00];
	[tilespmem:$0x168A0] =	vst v4;
	v4 =	vmul.f32 v26, v25  }
0x24c: {  	v12 =	vld [tilespmem:$0x16A70];
	[tilespmem:$0x168B0] =	vst v1;
	v1 =	vmul.f32 v28, v27  }
0x24d: {  	v13 =	vld [tilespmem:$0x16E70];
	[tilespmem:$0x168C0] =	vst v4;
	v4 =	vmul.f32 v30, v29  }
0x24e: {  	v14 =	vld [tilespmem:$0x16A80];
	[tilespmem:$0x168D0] =	vst v1  }
0x24f: {  	v15 =	vld [tilespmem:$0x16E80];
	v1 =	vmul.f32 v32, v31;
	[tilespmem:$0x168E0] =	vst v4  }
0x250: {  	v4 =	vmul.f32 v34, v33;
	[tilespmem:$0x1FF80] =	vst v61;
	v61 =	vld [tilespmem:$0x16A10]  }
0x251: {  	v16 =	vld [tilespmem:$0x16A90];
	[tilespmem:$0x168F0] =	vst v1;
	v1 =	vmul.f32 v36, v35  }
0x252: {  	v17 =	vld [tilespmem:$0x16E90];
	[tilespmem:$0x16900] =	vst v4;
	v4 =	vmul.f32 v38, v37  }
0x253: {  	v18 =	vld [tilespmem:$0x16AA0];
	[tilespmem:$0x16910] =	vst v1  }
0x254: {  	v19 =	vld [tilespmem:$0x16EA0];
	v1 =	vmul.f32 v40, v39;
	[tilespmem:$0x16920] =	vst v4  }
0x255: {  	v20 =	vld [tilespmem:$0x16AB0];
	v4 =	vmul.f32 v42, v41;
	[tilespmem:$0x1FF90] =	vst v61  }
0x256: {  	v21 =	vld [tilespmem:$0x16EB0];
	[tilespmem:$0x16930] =	vst v1;
	v1 =	vmul.f32 v44, v43  }
0x257: {  	v61 =	vld [tilespmem:$0x16E10];
	[tilespmem:$0x16940] =	vst v4;
	v4 =	vmul.f32 v46, v45  }
0x258: {  	v22 =	vld [tilespmem:$0x16AC0];
	[tilespmem:$0x16950] =	vst v1;
	v1 =	vmul.f32 v48, v47  }
0x259: {  	v23 =	vld [tilespmem:$0x16EC0];
	[tilespmem:$0x16960] =	vst v4;
	v4 =	vmul.f32 v50, v49  }
0x25a: {  	v24 =	vld [tilespmem:$0x16AD0];
	[tilespmem:$0x16970] =	vst v1  }
0x25b: {  	v25 =	vld [tilespmem:$0x16ED0];
	v1 =	vmul.f32 v52, v51;
	[tilespmem:$0x16980] =	vst v4  }
0x25c: {  	v4 =	vmul.f32 v54, v53;
	[tilespmem:$0x1FFA0] =	vst v61;
	v61 =	vld [tilespmem:$0x16A20]  }
0x25d: {  	v26 =	vld [tilespmem:$0x16AE0];
	[tilespmem:$0x16990] =	vst v1;
	v1 =	vmul.f32 v56, v55  }
0x25e: {  	v27 =	vld [tilespmem:$0x16EE0];
	[tilespmem:$0x169A0] =	vst v4;
	v4 =	vmul.f32 v58, v57  }
0x25f: {  	v28 =	vld [tilespmem:$0x16AF0];
	[tilespmem:$0x169B0] =	vst v1  }
0x260: {  	v1 =	vmul.f32 v60, v59;
	[tilespmem:$0x169C0] =	vst v4;
	v4 =	vld [tilespmem:$0x1FF50]  }
0x261: {  	[tilespmem:$0x1FFB0] =	vst v61;
	v61 =	vld [tilespmem:$0x16E20]  }
0x262: {  	[tilespmem:$0x169D0] =	vst v1;
	v1 =	vld [tilespmem:$0x1FF60]  }
0x263: {  	v29 =	vld [tilespmem:$0x16EF0]  }
0x264: {  	v30 =	vld [tilespmem:$0x16B00]  }
0x265: {  	v41 =	vld [tilespmem:$0x1FFA0];
	v4 =	vmul.f32 v62, v4  }
0x266: {  	[tilespmem:$0x1FFC0] =	vst v61;
	v61 =	vld [tilespmem:$0x16A30]  }
0x267: {  	v1 =	vmul.f32 v63, v1;
	[tilespmem:$0x169E0] =	vst v4;
	v4 =	vld [tilespmem:$0x1FF70]  }
0x268: {  	v63 =	vld [tilespmem:$0x1FF80]  }
0x269: {  	[tilespmem:$0x169F0] =	vst v1;
	v1 =	vld [tilespmem:$0x1FF90]  }
0x26a: {  	v40 =	vld [tilespmem:$0x16B30]  }
0x26b: {  	v42 =	vld [tilespmem:$0x16F30]  }
0x26c: {  	v44 =	vld [tilespmem:$0x16B40]  }
0x26d: {  	v45 =	vld [tilespmem:$0x16B60];
	v4 =	vmul.f32 v63, v4  }
0x26e: {  	v43 =	vld [tilespmem:$0x1FFC0];
	[tilespmem:$0x1FFD0] =	vst v61;
	v1 =	vmul.f32 v41, v1  }
0x26f: {  	[tilespmem:$0x16A00] =	vst v4;
	v4 =	vld [tilespmem:$0x1FFB0]  }
0x270: {  	[tilespmem:$0x16A10] =	vst v1;
	v1 =	vld [tilespmem:$0x1FFD0]  }
0x271: {  	v46 =	vld [tilespmem:$0x16F60]  }
0x272: {  	v47 =	vld [tilespmem:$0x16B70]  }
0x273: {  	v48 =	vld [tilespmem:$0x16F70]  }
0x274: {  	v49 =	vld [tilespmem:$0x16B80];
	v4 =	vmul.f32 v43, v4  }
0x275: {  	v50 =	vld [tilespmem:$0x16F80];
	v1 =	vmul.f32 v3, v1  }
0x276: {  	v3 =	vld [tilespmem:$0x16F40];
	[tilespmem:$0x16A20] =	vst v4;
	v4 =	vmul.f32 v7, v6  }
0x277: {  	v51 =	vld [tilespmem:$0x16B90];
	[tilespmem:$0x16A30] =	vst v1;
	v1 =	vmul.f32 v9, v8  }
0x278: {  	v52 =	vld [tilespmem:$0x16F90];
	[tilespmem:$0x16A40] =	vst v4;
	v4 =	vmul.f32 v11, v10  }
0x279: {  	v53 =	vld [tilespmem:$0x16BA0];
	[tilespmem:$0x16A50] =	vst v1;
	v1 =	vmul.f32 v13, v12  }
0x27a: {  	v54 =	vld [tilespmem:$0x16FA0];
	[tilespmem:$0x16A60] =	vst v4;
	v4 =	vmul.f32 v15, v14  }
0x27b: {  	v56 =	vld [tilespmem:$0x16F00];
	v3 =	vmul.f32 v3, v44;
	[tilespmem:$0x16A70] =	vst v1  }
0x27c: {  	v58 =	vld [tilespmem:$0x16B10];
	v1 =	vmul.f32 v17, v16;
	[tilespmem:$0x16A80] =	vst v4  }
0x27d: {  	v55 =	vld [tilespmem:$0x16BB0];
	v4 =	vmul.f32 v19, v18;
	[tilespmem:$0x16B40] =	vst v3  }
0x27e: {  	v57 =	vld [tilespmem:$0x16BC0];
	[tilespmem:$0x16A90] =	vst v1;
	v1 =	vmul.f32 v21, v20  }
0x27f: {  	v60 =	vld [tilespmem:$0x16F10];
	v3 =	vmul.f32 v46, v45;
	[tilespmem:$0x16AA0] =	vst v4  }
0x280: {  	v62 =	vld [tilespmem:$0x16F20];
	[tilespmem:$0x16AB0] =	vst v1;
	v1 =	vmul.f32 v25, v24  }
0x281: {  	v61 =	vld [tilespmem:$0x16B20];
	v4 =	vmul.f32 v23, v22;
	[tilespmem:$0x16B60] =	vst v3  }
0x282: {  	v6 =	vld [tilespmem:$0x16B50];
	[tilespmem:$0x16AD0] =	vst v1;
	v1 =	vmul.f32 v29, v28  }
0x283: {  	v7 =	vld [tilespmem:$0x16F50];
	[tilespmem:$0x16AC0] =	vst v4;
	v4 =	vmul.f32 v27, v26  }
0x284: {  	v59 =	vld [tilespmem:$0x16FE0];
	[tilespmem:$0x16AF0] =	vst v1;
	v1 =	vmul.f32 v60, v58  }
0x285: {  	v63 =	vld [tilespmem:$0x17000];
	[tilespmem:$0x16AE0] =	vst v4;
	v4 =	vmul.f32 v56, v30  }
0x286: {  	v56 =	vld [tilespmem:$0x16FB0];
	[tilespmem:$0x16B10] =	vst v1;
	v1 =	vmul.f32 v42, v40  }
0x287: {  	[tilespmem:$0x16B00] =	vst v4;
	v4 =	vmul.f32 v62, v61;
	v58 =	vld [tilespmem:$0x16FC0]  }
0x288: {  	v60 =	vld [tilespmem:$0x16BF0];
	[tilespmem:$0x16B30] =	vst v1;
	v1 =	vmul.f32 v7, v6  }
0x289: {  	v3 =	vmul.f32 v50, v49;
	[tilespmem:$0x16B20] =	vst v4;
	v4 =	vld [tilespmem:$0x16BD0]  }
0x28a: {  	v7 =	vld [tilespmem:$0x16BE0];
	[tilespmem:$0x16B50] =	vst v1;
	v1 =	vmul.f32 v48, v47  }
0x28b: {  	[tilespmem:$0x16B80] =	vst v3;
	v3 =	vmul.f32 v54, v53;
	v6 =	vld [tilespmem:$0x16FD0]  }
0x28c: {  	v62 =	vld [tilespmem:$0x16C00];
	[tilespmem:$0x16B70] =	vst v1;
	v1 =	vmul.f32 v52, v51  }
0x28d: {  	[tilespmem:$0x16BA0] =	vst v3;
	v61 =	vld [tilespmem:$0x16FF0];
	v3 =	vmul.f32 v58, v57  }
0x28e: {  	[tilespmem:$0x16B90] =	vst v1;
	v1 =	vmul.f32 v56, v55  }
0x28f: {  	[tilespmem:$0x16BC0] =	vst v3;
	v3 =	vmul.f32 v59, v7  }
0x290: {  	[tilespmem:$0x16BB0] =	vst v1;
	v1 =	vmul.f32 v6, v4  }
.Ltmp12:
0x291: {  	[tilespmem:$0x16BE0] =	vst v3;
	v3 =	vmul.f32 v63, v62;
	(pc) =	sbr.rel .LBB2_12-.Ltmp12, $4  }
0x292: {  	[tilespmem:$0x16BD0] =	vst v1;
	v1 =	vmul.f32 v61, v60  }
0x293: {  	[tilespmem:$0x16C00] =	vst v3  }
0x294: {  	s14 =	sadd.s32 $0x10, s18;
	[tilespmem:$0x16BF0] =	vst v1  }
0x295: {  	[spmem:s6] =	stream.indirect.scatter.add.f32 [tilespmem:s4], [sflag:$0x6], $0x40, s14, s0, $0xb8;
	[tilespmem:$0x18F50] =	vst v63  }
.LBB2_16:
0x296: {  	_ =	sfence.sel $0x180000  }
0x297: {  	[bflag:$0x0] =	sbarrier.arrive $0xFFFF  }
0x298: {  	_ =	strace $0x90000047  }
0x299: {  	s0 =	stileid.u32;
	[bflag:$0x2] =	sbarrier.arrive $0xFFFF  }
0x29a: {  	p0 =	sne.s32 s0, $0x0;
	s0 =	rddreg [dreg:$0x6]  }
0x29b: {  	s0 =	sadd.s32 @!p0 $0x100000, s0  }
0x29c: {  	[sflag:s0] =	ssyncadd.tile.s32 @!p0 $0x1;
	_ =	shalt  }
.Lfunc_end2:
_tile_overlayer_lowered:
.L_overlay_start_2:
0x29d: {  	(tag) =	ssettag $0x2  }
0x29e: {  	s0 =	rddreg [dreg:$0x0];
	s2 =	stileid.u32  }
0x29f: {  	s1 =	rddreg [dreg:$0x1];
	p0 =	sne.s32 s2, $0x0  }
0x2a0: {  	s3 =	rddreg [dreg:$0x2];
	[bflag:$0x3] =	sbarrier.arrive $0xFFFF;
	s2 =	simm.s32 @!p0 $0x1C05  }
0x2a1: {  	[timem:s3], [sflag:s2] =	dma.local @!p0 [hbm:s0], s1  }
0x2a2: {  	s0 =	simm.s32 @!p0 $0x5  }
0x2a3: {  	_ =	swait.ge @!p0 [sflag:s0], s1  }
0x2a4: {  	s1 =	ssub.s32 @!p0 $0x0, s1;
	[sflag:s0] =	ssyncset.done @!p0 $0x0  }
0x2a5: {  	[sflag:s0] =	ssyncadd.s32 @!p0 s1  }
0x2a6: {  	[bflag:$0x3] =	sbarrier.arrive $0xFFFF  }
0x2a7: {  	_ =	shalt  }

</sc_bundles>
